<compile_context>
chip_gen: v7x
topology: tpu7x:2x2x1
jax: 0.10.2.dev20260603
libtpu: 0.0.44.dev20260713+nightly
codegen_flags: <defaults>
</compile_context>

<pallas_src>
import functools

import jax
import jax.numpy as jnp
from jax import lax
from jax.experimental import pallas as pl
from jax.experimental.pallas import tpu as pltpu
from jax.experimental.pallas import tpu_sc as plsc

B = 4096
F = 26
V = 1000000
D = 16
NUM = 13
H1 = 256
H2 = 128
EPS = 1e-5

NC = 2
NS = 16
NW = NC * NS
R = B * F
RPW = R // NW
CH = 128
NCH = RPW // CH
SROWS = F * V * D // 128

_mesh = plsc.VectorSubcoreMesh(core_axis_name="c", subcore_axis_name="s")


BV = 7936
NJ = 126
NSTEPS = F * NJ
VTAIL = V - NJ * BV


def _tr_body(x_hbm, o_ref, buf, sem):
    f = pl.program_id(0)
    j = pl.program_id(1)
    k = f * NJ + j

    @pl.when(k == 0)
    def _():
        pltpu.make_async_copy(
            x_hbm.at[pl.ds(0, D), pl.ds(0, BV)], buf.at[0], sem).start()

    @pl.when(k + 1 < NSTEPS)
    def _():
        k1 = k + 1
        nf = k1 // NJ
        nj = k1 % NJ
        pltpu.make_async_copy(
            x_hbm.at[pl.ds(pl.multiple_of(nf * D, 8), D),
                     pl.ds(pl.multiple_of(nj * BV, 128), BV)],
            buf.at[lax.rem(k1, 2)], sem).start()

    pltpu.make_async_copy(
        x_hbm.at[pl.ds(0, D), pl.ds(0, BV)], buf.at[lax.rem(k, 2)], sem).wait()
    x = buf[lax.rem(k, 2)]
    eye = (lax.broadcasted_iota(jnp.int32, (D, D), 0)
           == lax.broadcasted_iota(jnp.int32, (D, D), 1)).astype(jnp.float32)
    y = lax.dot_general(x, eye, (((0,), (0,)), ((), ())),
                        preferred_element_type=jnp.float32)
    y8 = y.reshape(BV // 8, 8, D)
    lc = lax.broadcasted_iota(jnp.int32, (D, 128), 1)
    ld = lax.broadcasted_iota(jnp.int32, (D, 128), 0)
    o = None
    for m in range(8):
        em = (lc == ld + m * D).astype(jnp.float32)
        part = jnp.dot(y8[:, m, :], em, preferred_element_type=jnp.float32)
        o = part if o is None else o + part
    o_ref[...] = o.reshape(1, BV // 8, 128)


def _tc_transpose(table2):
    grid = (F, NJ)
    return pl.pallas_call(
        _tr_body,
        grid=grid,
        in_specs=[pl.BlockSpec(memory_space=pl.ANY)],
        out_specs=pl.BlockSpec((1, BV // 8, 128), lambda f, j: (f, j, 0)),
        out_shape=jax.ShapeDtypeStruct((F, V * D // 128, 128), jnp.float32),
        scratch_shapes=[
            pltpu.VMEM((2, D, BV), jnp.float32),
            pltpu.SemaphoreType.DMA,
        ],
    )(table2)


@functools.partial(
    pl.kernel,
    mesh=_mesh,
    out_type=jax.ShapeDtypeStruct((R * D,), jnp.float32),
    scratch_types=[
        pltpu.VMEM((RPW,), jnp.int32),
        pltpu.VMEM((2, CH), jnp.int32),
        pltpu.VMEM((2, CH, 128), jnp.float32),
        pltpu.VMEM((RPW * D,), jnp.float32),
        pltpu.SemaphoreType.DMA,
    ],
    compiler_params=pltpu.CompilerParams(
        use_tc_tiling_on_sc=False, needs_layout_passes=False),
)
def _sc_gather(table_hbm, e_hbm, out_hbm, e_v, q_v, ring_v, rows_v, sem):
    wid = lax.axis_index("s") * NC + lax.axis_index("c")
    base = wid * RPW
    pltpu.sync_copy(e_hbm.at[pl.ds(base, RPW)], e_v)
    iota = lax.iota(jnp.int32, 16)

    def fire(g):
        slot = lax.rem(g, 2)
        for j in range(CH // 16):
            q16 = e_v[pl.ds(g * CH + j * 16, 16)] >> 3
            q_v[slot, pl.ds(j * 16, 16)] = q16
        pltpu.make_async_copy(
            table_hbm.at[q_v.at[slot]], ring_v.at[slot], sem).start()

    def drain(g):
        slot = lax.rem(g, 2)
        pltpu.make_async_copy(
            table_hbm.at[q_v.at[slot]], ring_v.at[slot], sem).wait()
        for j in range(CH // 16):
            m16 = (e_v[pl.ds(g * CH + j * 16, 16)] & 7) * 16
            for t in range(16):
                jj = j * 16 + t
                vals = plsc.load_gather(
                    ring_v, [jnp.broadcast_to(slot, (16,)),
                             jnp.broadcast_to(jj, (16,)),
                             m16[t] + iota])
                plsc.store_scatter(rows_v, [(g * CH + jj) * D + iota], vals)

    fire(0)

    def body(g, _):
        fire(g)
        drain(g - 1)
        return 0

    lax.fori_loop(1, NCH, body, 0)
    drain(NCH - 1)
    pltpu.sync_copy(rows_v, out_hbm.at[pl.ds(base * D, RPW * D)])


def _mlp_body(xc_ref, xn_ref,
              bg_ref, bb_ref, bm_ref, bv_ref,
              w0c_ref, w0n_ref, b0_ref, g0_ref, be0_ref, m0_ref, v0_ref,
              w1_ref, b1_ref, g1_ref, be1_ref, m1_ref, v1_ref,
              w2_ref, b2_ref, out_ref):
    xn = xn_ref[...]
    xnb = (xn - bm_ref[...]) * lax.rsqrt(bv_ref[...] + EPS) * bg_ref[...] + bb_ref[...]
    h = jnp.dot(xc_ref[...], w0c_ref[...], preferred_element_type=jnp.float32)
    h = h + jnp.dot(xnb, w0n_ref[...], preferred_element_type=jnp.float32)
    h = jnp.maximum(h + b0_ref[...], 0.0)
    h = (h - m0_ref[...]) * lax.rsqrt(v0_ref[...] + EPS) * g0_ref[...] + be0_ref[...]
    h = jnp.dot(h, w1_ref[...], preferred_element_type=jnp.float32)
    h = jnp.maximum(h + b1_ref[...], 0.0)
    h = (h - m1_ref[...]) * lax.rsqrt(v1_ref[...] + EPS) * g1_ref[...] + be1_ref[...]
    out_ref[...] = jnp.dot(h, w2_ref[...], preferred_element_type=jnp.float32) + b2_ref[...]


def _tc_mlp(xc, xn, bg, bb, bm, bv, w0c, w0n, b0, g0, be0, m0, v0,
            w1, b1, g1, be1, m1, v1, w2, b2):
    TB = 512
    grid = (B // TB,)
    row = lambda i: (i, 0)
    rep = lambda i: (0, 0)
    full = lambda a: pl.BlockSpec(a.shape, rep)
    return pl.pallas_call(
        _mlp_body,
        grid=grid,
        in_specs=[
            pl.BlockSpec((TB, F * D), row),
            pl.BlockSpec((TB, NUM), row),
            full(bg), full(bb), full(bm), full(bv),
            full(w0c), full(w0n), full(b0), full(g0), full(be0), full(m0), full(v0),
            full(w1), full(b1), full(g1), full(be1), full(m1), full(v1),
            full(w2), full(b2),
        ],
        out_specs=pl.BlockSpec((TB, 1), row),
        out_shape=jax.ShapeDtypeStruct((B, 1), jnp.float32),
    )(xc, xn, bg, bb, bm, bv, w0c, w0n, b0, g0, be0, m0, v0,
      w1, b1, g1, be1, m1, v1, w2, b2)


def kernel(x_categorical, x_numerical, emb_tables, bn_num_gamma, bn_num_beta,
           bn_num_mean, bn_num_var, w0, b0, g0, be0, m0, v0,
           w1, b1, g1, be1, m1, v1, w2, b2):
    v = x_categorical.astype(jnp.int32)
    e = ((jnp.arange(F, dtype=jnp.int32) * V)[None, :] + v).reshape(-1)
    table2 = jnp.swapaxes(emb_tables, 1, 2).reshape(F * D, V)
    staged = _tc_transpose(table2)
    tail = lax.slice(table2, (0, NJ * BV), (F * D, V))
    tail_t = jnp.swapaxes(tail.reshape(F, D, VTAIL), 1, 2).reshape(F, VTAIL * D // 128, 128)
    staged = lax.dynamic_update_slice(staged, tail_t, (0, NJ * BV * D // 128, 0))
    s128 = staged.reshape(SROWS, 128)
    rows = _sc_gather(s128, e)
    xc = rows.reshape(B, F * D)

    r2 = lambda a: a.reshape(1, -1)
    return _tc_mlp(
        xc, x_numerical,
        r2(bn_num_gamma), r2(bn_num_beta), r2(bn_num_mean), r2(bn_num_var),
        w0[:, :F * D].T, w0[:, F * D:].T, r2(b0), r2(g0), r2(be0), r2(m0), r2(v0),
        w1.T, r2(b1), r2(g1), r2(be1), r2(m1), r2(v1),
        w2.T, r2(b2),
    )

# --- scband reference (transcript-rebuilt; emitter-appended) ---
"""Pipeline reference for scband-nnmodel-11553462026862 (READ-ONLY COPY).

The authoritative reference and input builder live on the scoring server;
editing this copy changes nothing except your own understanding.
"""

import jax, jax.numpy as jnp
import numpy as np

B = 4096
F = 26
V = 1000000
D = 16
NUM = 13
H1 = 256
H2 = 128
OUT = 1
EPS = 1e-5

def setup_inputs(seed: int = 0):
    key = jax.random.key(seed)
    ks = jax.random.split(key, 12)
    d = {}
    d["x_categorical"] = jax.random.randint(ks[0], (B, F), 0, V)
    d["x_numerical"] = jax.random.normal(ks[1], (B, NUM), dtype=jnp.float32)
    d["emb_tables"] = jax.random.normal(ks[2], (F, V, D), dtype=jnp.float32) * 0.05
    d["bn_num_gamma"] = jnp.ones((NUM,), jnp.float32)
    d["bn_num_beta"] = jnp.zeros((NUM,), jnp.float32)
    d["bn_num_mean"] = jnp.zeros((NUM,), jnp.float32)
    d["bn_num_var"] = jnp.ones((NUM,), jnp.float32)
    IN = F * D + NUM
    d["w0"] = jax.random.normal(ks[3], (H1, IN), dtype=jnp.float32) * 0.02
    d["b0"] = jnp.zeros((H1,), jnp.float32)
    d["g0"] = jnp.ones((H1,), jnp.float32)
    d["be0"] = jnp.zeros((H1,), jnp.float32)
    d["m0"] = jnp.zeros((H1,), jnp.float32)
    d["v0"] = jnp.ones((H1,), jnp.float32)
    d["w1"] = jax.random.normal(ks[4], (H2, H1), dtype=jnp.float32) * 0.02
    d["b1"] = jnp.zeros((H2,), jnp.float32)
    d["g1"] = jnp.ones((H2,), jnp.float32)
    d["be1"] = jnp.zeros((H2,), jnp.float32)
    d["m1"] = jnp.zeros((H2,), jnp.float32)
    d["v1"] = jnp.ones((H2,), jnp.float32)
    d["w2"] = jax.random.normal(ks[5], (OUT, H2), dtype=jnp.float32) * 0.02
    d["b2"] = jnp.zeros((OUT,), jnp.float32)
    return d

def reference(x_categorical, x_numerical, emb_tables, bn_num_gamma, bn_num_beta, bn_num_mean, bn_num_var, w0, b0, g0, be0, m0, v0, w1, b1, g1, be1, m1, v1, w2, b2):
    # per-field embedding lookup: gather from 26 tables, concat along feature dim
    emb = emb_tables[jnp.arange(F)[None, :], x_categorical, :]
    x_cat = emb.reshape(emb.shape[0], F * D)
    # embedding dropout: identity (eval mode)
    # BatchNorm1d on numerical cols (eval mode, running stats)
    xn = (x_numerical - bn_num_mean) / jnp.sqrt(bn_num_var + EPS) * bn_num_gamma + bn_num_beta
    x = jnp.concatenate([x_cat, xn], axis=1)
    # Linear -> ReLU -> BatchNorm1d -> Dropout(identity), twice
    h = jnp.maximum(x @ w0.T + b0, 0.0)
    h = (h - m0) / jnp.sqrt(v0 + EPS) * g0 + be0
    h = jnp.maximum(h @ w1.T + b1, 0.0)
    h = (h - m1) / jnp.sqrt(v1 + EPS) * g1 + be1
    # final Linear
    return h @ w2.T + b2

if __name__ == "__main__":
    import jax
    _d = setup_inputs()
    print(jax.jit(kernel)(*tuple(_d.values())))

</pallas_src>

<mosaic_0001>
#map = affine_map<(d0, d1) -> (0, 0)>
#map1 = affine_map<(d0, d1) -> (0)>
module attributes {stable_mosaic.version = 14 : i64} {
  func.func @_sc_gather(%arg0: i32, %arg1: i32, %arg2: memref<3250000x128xf32, #tpu.memory_space<hbm>>, %arg3: memref<106496xi32, #tpu.memory_space<hbm>>, %arg4: memref<1703936xf32, #tpu.memory_space<hbm>>, %arg5: memref<3328xi32, #tpu.memory_space<vmem>>, %arg6: memref<2x128xi32, #tpu.memory_space<vmem>>, %arg7: memref<2x128x128xf32, #tpu.memory_space<vmem>>, %arg8: memref<53248xf32, #tpu.memory_space<vmem>>, %arg9: memref<!tpu.dma_semaphore, #tpu.memory_space<semaphore_mem>>) attributes {dimension_semantics = [#tpu.dimension_semantics<core_parallel>, #tpu.dimension_semantics<subcore_parallel>], iteration_bounds = array<i64: 2, 16>, scalar_prefetch = 0 : i64, scratch_operands = 5 : i64, tpu.core_type = #tpu.core_type<sc_vector_subcore>, window_params = [{transform_indices = #map}, {transform_indices = #map1}, {transform_indices = #map1}]} {
    %mul3A = arith.constant 2 : i32
    %mul3A_0 = arith.muli %arg1, %mul3A : i32
    %add3A = arith.addi %mul3A_0, %arg0 : i32
    %mul3A_1 = arith.constant 3328 : i32
    %mul3A_2 = arith.muli %add3A, %mul3A_1 : i32
    "tpu.region"() ({
      %run_scoped3A = tpu.sem_alloc : memref<!tpu.dma_semaphore, #tpu.memory_space<semaphore_mem>>
      %dma_start3A_1562 = tpu.memref_slice %arg3[%mul3A_2] : memref<106496xi32, #tpu.memory_space<hbm>> -> memref<3328xi32, #tpu.memory_space<hbm>>
      %dma_start3A_1563 = tpu.memref_slice %arg3[%mul3A_2] : memref<106496xi32, #tpu.memory_space<hbm>> -> memref<3328xi32, #tpu.memory_space<hbm>>
      tpu.enqueue_dma source(%dma_start3A_1563 : memref<3328xi32, #tpu.memory_space<hbm>>) target(%arg5 : memref<3328xi32, #tpu.memory_space<vmem>>) target_semaphore(%run_scoped3A : memref<!tpu.dma_semaphore, #tpu.memory_space<semaphore_mem>>)
      %dma_wait3A_1564 = tpu.memref_slice %arg3[%mul3A_2] : memref<106496xi32, #tpu.memory_space<hbm>> -> memref<3328xi32, #tpu.memory_space<hbm>>
      %dma_wait3A_1565 = tpu.memref_slice %arg3[%mul3A_2] : memref<106496xi32, #tpu.memory_space<hbm>> -> memref<3328xi32, #tpu.memory_space<hbm>>
      tpu.wait_dma2 semaphore(%run_scoped3A : memref<!tpu.dma_semaphore, #tpu.memory_space<semaphore_mem>>) src(%dma_wait3A_1565 : memref<3328xi32, #tpu.memory_space<hbm>>) dst(%arg5 : memref<3328xi32, #tpu.memory_space<vmem>>)
      tpu.yield
    }) : () -> ()
    %iota3A = tpu.iota {dimensions = array<i32: 0>} : vector<16xi32>
    %rem3A = arith.constant 0 : i32
    %rem3A_3 = arith.constant 2 : i32
    %rem3A_4 = arith.remsi %rem3A, %rem3A_3 : i32
    %get3A = arith.constant 0 : index
    %get3A_5 = tpu.vector_load %arg5[%get3A] {strides = array<i32>} : memref<3328xi32, #tpu.memory_space<vmem>>, vector<16xi32>,
    %shift_right_arithmetic3A = arith.constant 3 : i32
    %shift_right_arithmetic3A_6 = vector.broadcast %shift_right_arithmetic3A : i32 to vector<16xi32>
    %shift_right_arithmetic3A_7 = arith.shrsi %get3A_5, %shift_right_arithmetic3A_6 : vector<16xi32>
    %swap3A = arith.index_cast %rem3A_4 : i32 to index
    %swap3A_8 = arith.constant 0 : index
    %swap3A_9 = tpu.vector_load %arg6[%swap3A, %swap3A_8] {strides = array<i32>} : memref<2x128xi32, #tpu.memory_space<vmem>>, vector<16xi32>,
    tpu.vector_store %arg6[%swap3A, %swap3A_8], %shift_right_arithmetic3A_7 {strides = array<i32>} : memref<2x128xi32, #tpu.memory_space<vmem>>, vector<16xi32>,
    %get3A_10 = arith.constant 16 : index
    %get3A_11 = tpu.vector_load %arg5[%get3A_10] {strides = array<i32>} : memref<3328xi32, #tpu.memory_space<vmem>>, vector<16xi32>,
    %shift_right_arithmetic3A_12 = arith.constant 3 : i32
    %shift_right_arithmetic3A_13 = vector.broadcast %shift_right_arithmetic3A_12 : i32 to vector<16xi32>
    %shift_right_arithmetic3A_14 = arith.shrsi %get3A_11, %shift_right_arithmetic3A_13 : vector<16xi32>
    %swap3A_15 = arith.index_cast %rem3A_4 : i32 to index
    %swap3A_16 = arith.constant 16 : index
    %swap3A_17 = tpu.vector_load %arg6[%swap3A_15, %swap3A_16] {strides = array<i32>} : memref<2x128xi32, #tpu.memory_space<vmem>>, vector<16xi32>,
    tpu.vector_store %arg6[%swap3A_15, %swap3A_16], %shift_right_arithmetic3A_14 {strides = array<i32>} : memref<2x128xi32, #tpu.memory_space<vmem>>, vector<16xi32>,
    %get3A_18 = arith.constant 32 : index
    %get3A_19 = tpu.vector_load %arg5[%get3A_18] {strides = array<i32>} : memref<3328xi32, #tpu.memory_space<vmem>>, vector<16xi32>,
    %shift_right_arithmetic3A_20 = arith.constant 3 : i32
    %shift_right_arithmetic3A_21 = vector.broadcast %shift_right_arithmetic3A_20 : i32 to vector<16xi32>
    %shift_right_arithmetic3A_22 = arith.shrsi %get3A_19, %shift_right_arithmetic3A_21 : vector<16xi32>
    %swap3A_23 = arith.index_cast %rem3A_4 : i32 to index
    %swap3A_24 = arith.constant 32 : index
    %swap3A_25 = tpu.vector_load %arg6[%swap3A_23, %swap3A_24] {strides = array<i32>} : memref<2x128xi32, #tpu.memory_space<vmem>>, vector<16xi32>,
    tpu.vector_store %arg6[%swap3A_23, %swap3A_24], %shift_right_arithmetic3A_22 {strides = array<i32>} : memref<2x128xi32, #tpu.memory_space<vmem>>, vector<16xi32>,
    %get3A_26 = arith.constant 48 : index
    %get3A_27 = tpu.vector_load %arg5[%get3A_26] {strides = array<i32>} : memref<3328xi32, #tpu.memory_space<vmem>>, vector<16xi32>,
    %shift_right_arithmetic3A_28 = arith.constant 3 : i32
    %shift_right_arithmetic3A_29 = vector.broadcast %shift_right_arithmetic3A_28 : i32 to vector<16xi32>
    %shift_right_arithmetic3A_30 = arith.shrsi %get3A_27, %shift_right_arithmetic3A_29 : vector<16xi32>
    %swap3A_31 = arith.index_cast %rem3A_4 : i32 to index
    %swap3A_32 = arith.constant 48 : index
    %swap3A_33 = tpu.vector_load %arg6[%swap3A_31, %swap3A_32] {strides = array<i32>} : memref<2x128xi32, #tpu.memory_space<vmem>>, vector<16xi32>,
    tpu.vector_store %arg6[%swap3A_31, %swap3A_32], %shift_right_arithmetic3A_30 {strides = array<i32>} : memref<2x128xi32, #tpu.memory_space<vmem>>, vector<16xi32>,
    %get3A_34 = arith.constant 64 : index
    %get3A_35 = tpu.vector_load %arg5[%get3A_34] {strides = array<i32>} : memref<3328xi32, #tpu.memory_space<vmem>>, vector<16xi32>,
    %shift_right_arithmetic3A_36 = arith.constant 3 : i32
    %shift_right_arithmetic3A_37 = vector.broadcast %shift_right_arithmetic3A_36 : i32 to vector<16xi32>
    %shift_right_arithmetic3A_38 = arith.shrsi %get3A_35, %shift_right_arithmetic3A_37 : vector<16xi32>
    %swap3A_39 = arith.index_cast %rem3A_4 : i32 to index
    %swap3A_40 = arith.constant 64 : index
    %swap3A_41 = tpu.vector_load %arg6[%swap3A_39, %swap3A_40] {strides = array<i32>} : memref<2x128xi32, #tpu.memory_space<vmem>>, vector<16xi32>,
    tpu.vector_store %arg6[%swap3A_39, %swap3A_40], %shift_right_arithmetic3A_38 {strides = array<i32>} : memref<2x128xi32, #tpu.memory_space<vmem>>, vector<16xi32>,
    %get3A_42 = arith.constant 80 : index
    %get3A_43 = tpu.vector_load %arg5[%get3A_42] {strides = array<i32>} : memref<3328xi32, #tpu.memory_space<vmem>>, vector<16xi32>,
    %shift_right_arithmetic3A_44 = arith.constant 3 : i32
    %shift_right_arithmetic3A_45 = vector.broadcast %shift_right_arithmetic3A_44 : i32 to vector<16xi32>
    %shift_right_arithmetic3A_46 = arith.shrsi %get3A_43, %shift_right_arithmetic3A_45 : vector<16xi32>
    %swap3A_47 = arith.index_cast %rem3A_4 : i32 to index
    %swap3A_48 = arith.constant 80 : index
    %swap3A_49 = tpu.vector_load %arg6[%swap3A_47, %swap3A_48] {strides = array<i32>} : memref<2x128xi32, #tpu.memory_space<vmem>>, vector<16xi32>,
    tpu.vector_store %arg6[%swap3A_47, %swap3A_48], %shift_right_arithmetic3A_46 {strides = array<i32>} : memref<2x128xi32, #tpu.memory_space<vmem>>, vector<16xi32>,
    %get3A_50 = arith.constant 96 : index
    %get3A_51 = tpu.vector_load %arg5[%get3A_50] {strides = array<i32>} : memref<3328xi32, #tpu.memory_space<vmem>>, vector<16xi32>,
    %shift_right_arithmetic3A_52 = arith.constant 3 : i32
    %shift_right_arithmetic3A_53 = vector.broadcast %shift_right_arithmetic3A_52 : i32 to vector<16xi32>
    %shift_right_arithmetic3A_54 = arith.shrsi %get3A_51, %shift_right_arithmetic3A_53 : vector<16xi32>
    %swap3A_55 = arith.index_cast %rem3A_4 : i32 to index
    %swap3A_56 = arith.constant 96 : index
    %swap3A_57 = tpu.vector_load %arg6[%swap3A_55, %swap3A_56] {strides = array<i32>} : memref<2x128xi32, #tpu.memory_space<vmem>>, vector<16xi32>,
    tpu.vector_store %arg6[%swap3A_55, %swap3A_56], %shift_right_arithmetic3A_54 {strides = array<i32>} : memref<2x128xi32, #tpu.memory_space<vmem>>, vector<16xi32>,
    %get3A_58 = arith.constant 112 : index
    %get3A_59 = tpu.vector_load %arg5[%get3A_58] {strides = array<i32>} : memref<3328xi32, #tpu.memory_space<vmem>>, vector<16xi32>,
    %shift_right_arithmetic3A_60 = arith.constant 3 : i32
    %shift_right_arithmetic3A_61 = vector.broadcast %shift_right_arithmetic3A_60 : i32 to vector<16xi32>
    %shift_right_arithmetic3A_62 = arith.shrsi %get3A_59, %shift_right_arithmetic3A_61 : vector<16xi32>
    %swap3A_63 = arith.index_cast %rem3A_4 : i32 to index
    %swap3A_64 = arith.constant 112 : index
    %swap3A_65 = tpu.vector_load %arg6[%swap3A_63, %swap3A_64] {strides = array<i32>} : memref<2x128xi32, #tpu.memory_space<vmem>>, vector<16xi32>,
    tpu.vector_store %arg6[%swap3A_63, %swap3A_64], %shift_right_arithmetic3A_62 {strides = array<i32>} : memref<2x128xi32, #tpu.memory_space<vmem>>, vector<16xi32>,
    %dma_start3A = arith.constant 0 : i32
    %dma_start3A_66 = arith.constant 0 : i32
    %dma_start3A_67 = tpu.memref_slice %arg7[%rem3A_4, %dma_start3A, %dma_start3A_66] : memref<2x128x128xf32, #tpu.memory_space<vmem>> -> memref<1x128x128xf32, #tpu.memory_space<vmem>>
    %dma_start3A_68 = tpu.memref_squeeze %dma_start3A_67 : memref<1x128x128xf32, #tpu.memory_space<vmem>> -> memref<128x128xf32, #tpu.memory_space<vmem>>
    %dma_start3A_69 = arith.constant 0 : i32
    %dma_start3A_70 = tpu.memref_slice %arg6[%rem3A_4, %dma_start3A_69] : memref<2x128xi32, #tpu.memory_space<vmem>> -> memref<1x128xi32, #tpu.memory_space<vmem>>
    %dma_start3A_71 = tpu.memref_squeeze %dma_start3A_70 : memref<1x128xi32, #tpu.memory_space<vmem>> -> memref<128xi32, #tpu.memory_space<vmem>>
    %dma_start3A_72 = arith.constant 0 : i32
    %dma_start3A_73 = arith.constant 0 : i32
    %dma_start3A_74 = tpu.memref_slice %arg2[%dma_start3A_72, %dma_start3A_73] : memref<3250000x128xf32, #tpu.memory_space<hbm>> -> memref<3250000x128xf32, #tpu.memory_space<hbm>>
    tpu.enqueue_indirect_dma source(%dma_start3A_74 : memref<3250000x128xf32, #tpu.memory_space<hbm>>) target(%dma_start3A_68 : memref<128x128xf32, #tpu.memory_space<vmem>>) offsets(%dma_start3A_71 : memref<128xi32, #tpu.memory_space<vmem>>) semaphore(%arg9 : memref<!tpu.dma_semaphore, #tpu.memory_space<semaphore_mem>>)
    %scan3A = arith.constant 0 : i32
    %scan3A_75 = arith.constant 1 : i32
    %scan3A_76 = arith.constant 25 : i32
    %scan3A_77 = arith.addi %scan3A_75, %scan3A_76 : i32
    %scan3A_78 = arith.constant 1 : i32
    %scan3A_79 = scf.for %scan3A_1562 = %scan3A_75 to %scan3A_77 step %scan3A_78 iter_args(%scan3A_1563 = %scan3A) -> (i32)  : i32 {
      %rem3A_1564 = arith.constant 2 : i32
      %rem3A_1565 = arith.remsi %scan3A_1562, %rem3A_1564 : i32
      %mul3A_1566 = arith.constant 128 : i32
      %mul3A_1567 = arith.muli %scan3A_1562, %mul3A_1566 : i32
      %add3A_1568 = arith.constant 0 : i32
      %add3A_1569 = arith.addi %mul3A_1567, %add3A_1568 : i32
      %get3A_1570 = arith.index_cast %add3A_1569 : i32 to index
      %get3A_1571 = tpu.vector_load %arg5[%get3A_1570] {strides = array<i32>} : memref<3328xi32, #tpu.memory_space<vmem>>, vector<16xi32>,
      %shift_right_arithmetic3A_1572 = arith.constant 3 : i32
      %shift_right_arithmetic3A_1573 = vector.broadcast %shift_right_arithmetic3A_1572 : i32 to vector<16xi32>
      %shift_right_arithmetic3A_1574 = arith.shrsi %get3A_1571, %shift_right_arithmetic3A_1573 : vector<16xi32>
      %swap3A_1575 = arith.index_cast %rem3A_1565 : i32 to index
      %swap3A_1576 = arith.constant 0 : index
      %swap3A_1577 = tpu.vector_load %arg6[%swap3A_1575, %swap3A_1576] {strides = array<i32>} : memref<2x128xi32, #tpu.memory_space<vmem>>, vector<16xi32>,
      tpu.vector_store %arg6[%swap3A_1575, %swap3A_1576], %shift_right_arithmetic3A_1574 {strides = array<i32>} : memref<2x128xi32, #tpu.memory_space<vmem>>, vector<16xi32>,
      %mul3A_1578 = arith.constant 128 : i32
      %mul3A_1579 = arith.muli %scan3A_1562, %mul3A_1578 : i32
      %add3A_1580 = arith.constant 16 : i32
      %add3A_1581 = arith.addi %mul3A_1579, %add3A_1580 : i32
      %get3A_1582 = arith.index_cast %add3A_1581 : i32 to index
      %get3A_1583 = tpu.vector_load %arg5[%get3A_1582] {strides = array<i32>} : memref<3328xi32, #tpu.memory_space<vmem>>, vector<16xi32>,
      %shift_right_arithmetic3A_1584 = arith.constant 3 : i32
      %shift_right_arithmetic3A_1585 = vector.broadcast %shift_right_arithmetic3A_1584 : i32 to vector<16xi32>
      %shift_right_arithmetic3A_1586 = arith.shrsi %get3A_1583, %shift_right_arithmetic3A_1585 : vector<16xi32>
      %swap3A_1587 = arith.index_cast %rem3A_1565 : i32 to index
      %swap3A_1588 = arith.constant 16 : index
      %swap3A_1589 = tpu.vector_load %arg6[%swap3A_1587, %swap3A_1588] {strides = array<i32>} : memref<2x128xi32, #tpu.memory_space<vmem>>, vector<16xi32>,
      tpu.vector_store %arg6[%swap3A_1587, %swap3A_1588], %shift_right_arithmetic3A_1586 {strides = array<i32>} : memref<2x128xi32, #tpu.memory_space<vmem>>, vector<16xi32>,
      %mul3A_1590 = arith.constant 128 : i32
      %mul3A_1591 = arith.muli %scan3A_1562, %mul3A_1590 : i32
      %add3A_1592 = arith.constant 32 : i32
      %add3A_1593 = arith.addi %mul3A_1591, %add3A_1592 : i32
      %get3A_1594 = arith.index_cast %add3A_1593 : i32 to index
      %get3A_1595 = tpu.vector_load %arg5[%get3A_1594] {strides = array<i32>} : memref<3328xi32, #tpu.memory_space<vmem>>, vector<16xi32>,
      %shift_right_arithmetic3A_1596 = arith.constant 3 : i32
      %shift_right_arithmetic3A_1597 = vector.broadcast %shift_right_arithmetic3A_1596 : i32 to vector<16xi32>
      %shift_right_arithmetic3A_1598 = arith.shrsi %get3A_1595, %shift_right_arithmetic3A_1597 : vector<16xi32>
      %swap3A_1599 = arith.index_cast %rem3A_1565 : i32 to index
      %swap3A_1600 = arith.constant 32 : index
      %swap3A_1601 = tpu.vector_load %arg6[%swap3A_1599, %swap3A_1600] {strides = array<i32>} : memref<2x128xi32, #tpu.memory_space<vmem>>, vector<16xi32>,
      tpu.vector_store %arg6[%swap3A_1599, %swap3A_1600], %shift_right_arithmetic3A_1598 {strides = array<i32>} : memref<2x128xi32, #tpu.memory_space<vmem>>, vector<16xi32>,
      %mul3A_1602 = arith.constant 128 : i32
      %mul3A_1603 = arith.muli %scan3A_1562, %mul3A_1602 : i32
      %add3A_1604 = arith.constant 48 : i32
      %add3A_1605 = arith.addi %mul3A_1603, %add3A_1604 : i32
      %get3A_1606 = arith.index_cast %add3A_1605 : i32 to index
      %get3A_1607 = tpu.vector_load %arg5[%get3A_1606] {strides = array<i32>} : memref<3328xi32, #tpu.memory_space<vmem>>, vector<16xi32>,
      %shift_right_arithmetic3A_1608 = arith.constant 3 : i32
      %shift_right_arithmetic3A_1609 = vector.broadcast %shift_right_arithmetic3A_1608 : i32 to vector<16xi32>
      %shift_right_arithmetic3A_1610 = arith.shrsi %get3A_1607, %shift_right_arithmetic3A_1609 : vector<16xi32>
      %swap3A_1611 = arith.index_cast %rem3A_1565 : i32 to index
      %swap3A_1612 = arith.constant 48 : index
      %swap3A_1613 = tpu.vector_load %arg6[%swap3A_1611, %swap3A_1612] {strides = array<i32>} : memref<2x128xi32, #tpu.memory_space<vmem>>, vector<16xi32>,
      tpu.vector_store %arg6[%swap3A_1611, %swap3A_1612], %shift_right_arithmetic3A_1610 {strides = array<i32>} : memref<2x128xi32, #tpu.memory_space<vmem>>, vector<16xi32>,
      %mul3A_1614 = arith.constant 128 : i32
      %mul3A_1615 = arith.muli %scan3A_1562, %mul3A_1614 : i32
      %add3A_1616 = arith.constant 64 : i32
      %add3A_1617 = arith.addi %mul3A_1615, %add3A_1616 : i32
      %get3A_1618 = arith.index_cast %add3A_1617 : i32 to index
      %get3A_1619 = tpu.vector_load %arg5[%get3A_1618] {strides = array<i32>} : memref<3328xi32, #tpu.memory_space<vmem>>, vector<16xi32>,
      %shift_right_arithmetic3A_1620 = arith.constant 3 : i32
      %shift_right_arithmetic3A_1621 = vector.broadcast %shift_right_arithmetic3A_1620 : i32 to vector<16xi32>
      %shift_right_arithmetic3A_1622 = arith.shrsi %get3A_1619, %shift_right_arithmetic3A_1621 : vector<16xi32>
      %swap3A_1623 = arith.index_cast %rem3A_1565 : i32 to index
      %swap3A_1624 = arith.constant 64 : index
      %swap3A_1625 = tpu.vector_load %arg6[%swap3A_1623, %swap3A_1624] {strides = array<i32>} : memref<2x128xi32, #tpu.memory_space<vmem>>, vector<16xi32>,
      tpu.vector_store %arg6[%swap3A_1623, %swap3A_1624], %shift_right_arithmetic3A_1622 {strides = array<i32>} : memref<2x128xi32, #tpu.memory_space<vmem>>, vector<16xi32>,
      %mul3A_1626 = arith.constant 128 : i32
      %mul3A_1627 = arith.muli %scan3A_1562, %mul3A_1626 : i32
      %add3A_1628 = arith.constant 80 : i32
      %add3A_1629 = arith.addi %mul3A_1627, %add3A_1628 : i32
      %get3A_1630 = arith.index_cast %add3A_1629 : i32 to index
      %get3A_1631 = tpu.vector_load %arg5[%get3A_1630] {strides = array<i32>} : memref<3328xi32, #tpu.memory_space<vmem>>, vector<16xi32>,
      %shift_right_arithmetic3A_1632 = arith.constant 3 : i32
      %shift_right_arithmetic3A_1633 = vector.broadcast %shift_right_arithmetic3A_1632 : i32 to vector<16xi32>
      %shift_right_arithmetic3A_1634 = arith.shrsi %get3A_1631, %shift_right_arithmetic3A_1633 : vector<16xi32>
      %swap3A_1635 = arith.index_cast %rem3A_1565 : i32 to index
      %swap3A_1636 = arith.constant 80 : index
      %swap3A_1637 = tpu.vector_load %arg6[%swap3A_1635, %swap3A_1636] {strides = array<i32>} : memref<2x128xi32, #tpu.memory_space<vmem>>, vector<16xi32>,
      tpu.vector_store %arg6[%swap3A_1635, %swap3A_1636], %shift_right_arithmetic3A_1634 {strides = array<i32>} : memref<2x128xi32, #tpu.memory_space<vmem>>, vector<16xi32>,
      %mul3A_1638 = arith.constant 128 : i32
      %mul3A_1639 = arith.muli %scan3A_1562, %mul3A_1638 : i32
      %add3A_1640 = arith.constant 96 : i32
      %add3A_1641 = arith.addi %mul3A_1639, %add3A_1640 : i32
      %get3A_1642 = arith.index_cast %add3A_1641 : i32 to index
      %get3A_1643 = tpu.vector_load %arg5[%get3A_1642] {strides = array<i32>} : memref<3328xi32, #tpu.memory_space<vmem>>, vector<16xi32>,
      %shift_right_arithmetic3A_1644 = arith.constant 3 : i32
      %shift_right_arithmetic3A_1645 = vector.broadcast %shift_right_arithmetic3A_1644 : i32 to vector<16xi32>
      %shift_right_arithmetic3A_1646 = arith.shrsi %get3A_1643, %shift_right_arithmetic3A_1645 : vector<16xi32>
      %swap3A_1647 = arith.index_cast %rem3A_1565 : i32 to index
      %swap3A_1648 = arith.constant 96 : index
      %swap3A_1649 = tpu.vector_load %arg6[%swap3A_1647, %swap3A_1648] {strides = array<i32>} : memref<2x128xi32, #tpu.memory_space<vmem>>, vector<16xi32>,
      tpu.vector_store %arg6[%swap3A_1647, %swap3A_1648], %shift_right_arithmetic3A_1646 {strides = array<i32>} : memref<2x128xi32, #tpu.memory_space<vmem>>, vector<16xi32>,
      %mul3A_1650 = arith.constant 128 : i32
      %mul3A_1651 = arith.muli %scan3A_1562, %mul3A_1650 : i32
      %add3A_1652 = arith.constant 112 : i32
      %add3A_1653 = arith.addi %mul3A_1651, %add3A_1652 : i32
      %get3A_1654 = arith.index_cast %add3A_1653 : i32 to index
      %get3A_1655 = tpu.vector_load %arg5[%get3A_1654] {strides = array<i32>} : memref<3328xi32, #tpu.memory_space<vmem>>, vector<16xi32>,
      %shift_right_arithmetic3A_1656 = arith.constant 3 : i32
      %shift_right_arithmetic3A_1657 = vector.broadcast %shift_right_arithmetic3A_1656 : i32 to vector<16xi32>
      %shift_right_arithmetic3A_1658 = arith.shrsi %get3A_1655, %shift_right_arithmetic3A_1657 : vector<16xi32>
      %swap3A_1659 = arith.index_cast %rem3A_1565 : i32 to index
      %swap3A_1660 = arith.constant 112 : index
      %swap3A_1661 = tpu.vector_load %arg6[%swap3A_1659, %swap3A_1660] {strides = array<i32>} : memref<2x128xi32, #tpu.memory_space<vmem>>, vector<16xi32>,
      tpu.vector_store %arg6[%swap3A_1659, %swap3A_1660], %shift_right_arithmetic3A_1658 {strides = array<i32>} : memref<2x128xi32, #tpu.memory_space<vmem>>, vector<16xi32>,
      %dma_start3A_1662 = arith.constant 0 : i32
      %dma_start3A_1663 = arith.constant 0 : i32
      %dma_start3A_1664 = tpu.memref_slice %arg7[%rem3A_1565, %dma_start3A_1662, %dma_start3A_1663] : memref<2x128x128xf32, #tpu.memory_space<vmem>> -> memref<1x128x128xf32, #tpu.memory_space<vmem>>
      %dma_start3A_1665 = tpu.memref_squeeze %dma_start3A_1664 : memref<1x128x128xf32, #tpu.memory_space<vmem>> -> memref<128x128xf32, #tpu.memory_space<vmem>>
      %dma_start3A_1666 = arith.constant 0 : i32
      %dma_start3A_1667 = tpu.memref_slice %arg6[%rem3A_1565, %dma_start3A_1666] : memref<2x128xi32, #tpu.memory_space<vmem>> -> memref<1x128xi32, #tpu.memory_space<vmem>>
      %dma_start3A_1668 = tpu.memref_squeeze %dma_start3A_1667 : memref<1x128xi32, #tpu.memory_space<vmem>> -> memref<128xi32, #tpu.memory_space<vmem>>
      %dma_start3A_1669 = arith.constant 0 : i32
      %dma_start3A_1670 = arith.constant 0 : i32
      %dma_start3A_1671 = tpu.memref_slice %arg2[%dma_start3A_1669, %dma_start3A_1670] : memref<3250000x128xf32, #tpu.memory_space<hbm>> -> memref<3250000x128xf32, #tpu.memory_space<hbm>>
      tpu.enqueue_indirect_dma source(%dma_start3A_1671 : memref<3250000x128xf32, #tpu.memory_space<hbm>>) target(%dma_start3A_1665 : memref<128x128xf32, #tpu.memory_space<vmem>>) offsets(%dma_start3A_1668 : memref<128xi32, #tpu.memory_space<vmem>>) semaphore(%arg9 : memref<!tpu.dma_semaphore, #tpu.memory_space<semaphore_mem>>)
      %sub3A = arith.constant 1 : i32
      %sub3A_1672 = arith.subi %scan3A_1562, %sub3A : i32
      %rem3A_1673 = arith.constant 2 : i32
      %rem3A_1674 = arith.remsi %sub3A_1672, %rem3A_1673 : i32
      %dma_wait3A_1675 = arith.constant 0 : i32
      %dma_wait3A_1676 = arith.constant 0 : i32
      %dma_wait3A_1677 = tpu.memref_slice %arg7[%rem3A_1674, %dma_wait3A_1675, %dma_wait3A_1676] : memref<2x128x128xf32, #tpu.memory_space<vmem>> -> memref<1x128x128xf32, #tpu.memory_space<vmem>>
      %dma_wait3A_1678 = tpu.memref_squeeze %dma_wait3A_1677 : memref<1x128x128xf32, #tpu.memory_space<vmem>> -> memref<128x128xf32, #tpu.memory_space<vmem>>
      %dma_wait3A_1679 = arith.constant 0 : i32
      %dma_wait3A_1680 = tpu.memref_slice %arg6[%rem3A_1674, %dma_wait3A_1679] : memref<2x128xi32, #tpu.memory_space<vmem>> -> memref<1x128xi32, #tpu.memory_space<vmem>>
      %dma_wait3A_1681 = tpu.memref_squeeze %dma_wait3A_1680 : memref<1x128xi32, #tpu.memory_space<vmem>> -> memref<128xi32, #tpu.memory_space<vmem>>
      %dma_wait3A_1682 = arith.constant 0 : i32
      %dma_wait3A_1683 = arith.constant 0 : i32
      %dma_wait3A_1684 = tpu.memref_slice %arg2[%dma_wait3A_1682, %dma_wait3A_1683] : memref<3250000x128xf32, #tpu.memory_space<hbm>> -> memref<3250000x128xf32, #tpu.memory_space<hbm>>
      tpu.wait_indirect_dma semaphore(%arg9 : memref<!tpu.dma_semaphore, #tpu.memory_space<semaphore_mem>>) src(%dma_wait3A_1684 : memref<3250000x128xf32, #tpu.memory_space<hbm>>) dst(%dma_wait3A_1678 : memref<128x128xf32, #tpu.memory_space<vmem>>)
      %mul3A_1685 = arith.constant 128 : i32
      %mul3A_1686 = arith.muli %sub3A_1672, %mul3A_1685 : i32
      %add3A_1687 = arith.constant 0 : i32
      %add3A_1688 = arith.addi %mul3A_1686, %add3A_1687 : i32
      %get3A_1689 = arith.index_cast %add3A_1688 : i32 to index
      %get3A_1690 = tpu.vector_load %arg5[%get3A_1689] {strides = array<i32>} : memref<3328xi32, #tpu.memory_space<vmem>>, vector<16xi32>,
      %and3A_1691 = arith.constant 7 : i32
      %and3A_1692 = vector.broadcast %and3A_1691 : i32 to vector<16xi32>
      %and3A_1693 = arith.andi %get3A_1690, %and3A_1692 : vector<16xi32>
      %mul3A_1694 = arith.constant 16 : i32
      %mul3A_1695 = vector.broadcast %mul3A_1694 : i32 to vector<16xi32>
      %mul3A_1696 = arith.muli %and3A_1693, %mul3A_1695 : vector<16xi32>
      %broadcast_in_dim3A_1697 = vector.broadcast %rem3A_1674 : i32 to vector<16xi32>
      %broadcast_in_dim3A_1698 = arith.constant 0 : i32
      %broadcast_in_dim3A_1699 = vector.broadcast %broadcast_in_dim3A_1698 : i32 to vector<16xi32>
      %slice3A_1700 = vector.extract_strided_slice %mul3A_1696 {offsets = [0], sizes = [1], strides = [1]} : vector<16xi32> to vector<1xi32>
      %squeeze3A_1701 = vector.extract %slice3A_1700[0] : i32 from vector<1xi32>
      %add3A_1702 = vector.broadcast %squeeze3A_1701 : i32 to vector<16xi32>
      %add3A_1703 = arith.addi %add3A_1702, %iota3A : vector<16xi32>
      %gather3A_1704 = tpu.vector_load_idx %arg7[%broadcast_in_dim3A_1697, %broadcast_in_dim3A_1699, %add3A_1703] : memref<2x128x128xf32, #tpu.memory_space<vmem>>[vector<16xi32>, vector<16xi32>, vector<16xi32>], vector<16xf32>,
      %mul3A_1705 = arith.constant 128 : i32
      %mul3A_1706 = arith.muli %sub3A_1672, %mul3A_1705 : i32
      %add3A_1707 = arith.constant 0 : i32
      %add3A_1708 = arith.addi %mul3A_1706, %add3A_1707 : i32
      %mul3A_1709 = arith.constant 16 : i32
      %mul3A_1710 = arith.muli %add3A_1708, %mul3A_1709 : i32
      %add3A_1711 = vector.broadcast %mul3A_1710 : i32 to vector<16xi32>
      %add3A_1712 = arith.addi %add3A_1711, %iota3A : vector<16xi32>
      tpu.vector_store_idx %arg8[%add3A_1712], %gather3A_1704 : memref<53248xf32, #tpu.memory_space<vmem>>[vector<16xi32>], vector<16xf32>,
      %broadcast_in_dim3A_1713 = vector.broadcast %rem3A_1674 : i32 to vector<16xi32>
      %broadcast_in_dim3A_1714 = arith.constant 1 : i32
      %broadcast_in_dim3A_1715 = vector.broadcast %broadcast_in_dim3A_1714 : i32 to vector<16xi32>
      %slice3A_1716 = vector.extract_strided_slice %mul3A_1696 {offsets = [1], sizes = [1], strides = [1]} : vector<16xi32> to vector<1xi32>
      %squeeze3A_1717 = vector.extract %slice3A_1716[0] : i32 from vector<1xi32>
      %add3A_1718 = vector.broadcast %squeeze3A_1717 : i32 to vector<16xi32>
      %add3A_1719 = arith.addi %add3A_1718, %iota3A : vector<16xi32>
      %gather3A_1720 = tpu.vector_load_idx %arg7[%broadcast_in_dim3A_1713, %broadcast_in_dim3A_1715, %add3A_1719] : memref<2x128x128xf32, #tpu.memory_space<vmem>>[vector<16xi32>, vector<16xi32>, vector<16xi32>], vector<16xf32>,
      %mul3A_1721 = arith.constant 128 : i32
      %mul3A_1722 = arith.muli %sub3A_1672, %mul3A_1721 : i32
      %add3A_1723 = arith.constant 1 : i32
      %add3A_1724 = arith.addi %mul3A_1722, %add3A_1723 : i32
      %mul3A_1725 = arith.constant 16 : i32
      %mul3A_1726 = arith.muli %add3A_1724, %mul3A_1725 : i32
      %add3A_1727 = vector.broadcast %mul3A_1726 : i32 to vector<16xi32>
      %add3A_1728 = arith.addi %add3A_1727, %iota3A : vector<16xi32>
      tpu.vector_store_idx %arg8[%add3A_1728], %gather3A_1720 : memref<53248xf32, #tpu.memory_space<vmem>>[vector<16xi32>], vector<16xf32>,
      %broadcast_in_dim3A_1729 = vector.broadcast %rem3A_1674 : i32 to vector<16xi32>
      %broadcast_in_dim3A_1730 = arith.constant 2 : i32
      %broadcast_in_dim3A_1731 = vector.broadcast %broadcast_in_dim3A_1730 : i32 to vector<16xi32>
      %slice3A_1732 = vector.extract_strided_slice %mul3A_1696 {offsets = [2], sizes = [1], strides = [1]} : vector<16xi32> to vector<1xi32>
      %squeeze3A_1733 = vector.extract %slice3A_1732[0] : i32 from vector<1xi32>
      %add3A_1734 = vector.broadcast %squeeze3A_1733 : i32 to vector<16xi32>
      %add3A_1735 = arith.addi %add3A_1734, %iota3A : vector<16xi32>
      %gather3A_1736 = tpu.vector_load_idx %arg7[%broadcast_in_dim3A_1729, %broadcast_in_dim3A_1731, %add3A_1735] : memref<2x128x128xf32, #tpu.memory_space<vmem>>[vector<16xi32>, vector<16xi32>, vector<16xi32>], vector<16xf32>,
      %mul3A_1737 = arith.constant 128 : i32
      %mul3A_1738 = arith.muli %sub3A_1672, %mul3A_1737 : i32
      %add3A_1739 = arith.constant 2 : i32
      %add3A_1740 = arith.addi %mul3A_1738, %add3A_1739 : i32
      %mul3A_1741 = arith.constant 16 : i32
      %mul3A_1742 = arith.muli %add3A_1740, %mul3A_1741 : i32
      %add3A_1743 = vector.broadcast %mul3A_1742 : i32 to vector<16xi32>
      %add3A_1744 = arith.addi %add3A_1743, %iota3A : vector<16xi32>
      tpu.vector_store_idx %arg8[%add3A_1744], %gather3A_1736 : memref<53248xf32, #tpu.memory_space<vmem>>[vector<16xi32>], vector<16xf32>,
      %broadcast_in_dim3A_1745 = vector.broadcast %rem3A_1674 : i32 to vector<16xi32>
      %broadcast_in_dim3A_1746 = arith.constant 3 : i32
      %broadcast_in_dim3A_1747 = vector.broadcast %broadcast_in_dim3A_1746 : i32 to vector<16xi32>
      %slice3A_1748 = vector.extract_strided_slice %mul3A_1696 {offsets = [3], sizes = [1], strides = [1]} : vector<16xi32> to vector<1xi32>
      %squeeze3A_1749 = vector.extract %slice3A_1748[0] : i32 from vector<1xi32>
      %add3A_1750 = vector.broadcast %squeeze3A_1749 : i32 to vector<16xi32>
      %add3A_1751 = arith.addi %add3A_1750, %iota3A : vector<16xi32>
      %gather3A_1752 = tpu.vector_load_idx %arg7[%broadcast_in_dim3A_1745, %broadcast_in_dim3A_1747, %add3A_1751] : memref<2x128x128xf32, #tpu.memory_space<vmem>>[vector<16xi32>, vector<16xi32>, vector<16xi32>], vector<16xf32>,
      %mul3A_1753 = arith.constant 128 : i32
      %mul3A_1754 = arith.muli %sub3A_1672, %mul3A_1753 : i32
      %add3A_1755 = arith.constant 3 : i32
      %add3A_1756 = arith.addi %mul3A_1754, %add3A_1755 : i32
      %mul3A_1757 = arith.constant 16 : i32
      %mul3A_1758 = arith.muli %add3A_1756, %mul3A_1757 : i32
      %add3A_1759 = vector.broadcast %mul3A_1758 : i32 to vector<16xi32>
      %add3A_1760 = arith.addi %add3A_1759, %iota3A : vector<16xi32>
      tpu.vector_store_idx %arg8[%add3A_1760], %gather3A_1752 : memref<53248xf32, #tpu.memory_space<vmem>>[vector<16xi32>], vector<16xf32>,
      %broadcast_in_dim3A_1761 = vector.broadcast %rem3A_1674 : i32 to vector<16xi32>
      %broadcast_in_dim3A_1762 = arith.constant 4 : i32
      %broadcast_in_dim3A_1763 = vector.broadcast %broadcast_in_dim3A_1762 : i32 to vector<16xi32>
      %slice3A_1764 = vector.extract_strided_slice %mul3A_1696 {offsets = [4], sizes = [1], strides = [1]} : vector<16xi32> to vector<1xi32>
      %squeeze3A_1765 = vector.extract %slice3A_1764[0] : i32 from vector<1xi32>
      %add3A_1766 = vector.broadcast %squeeze3A_1765 : i32 to vector<16xi32>
      %add3A_1767 = arith.addi %add3A_1766, %iota3A : vector<16xi32>
      %gather3A_1768 = tpu.vector_load_idx %arg7[%broadcast_in_dim3A_1761, %broadcast_in_dim3A_1763, %add3A_1767] : memref<2x128x128xf32, #tpu.memory_space<vmem>>[vector<16xi32>, vector<16xi32>, vector<16xi32>], vector<16xf32>,
      %mul3A_1769 = arith.constant 128 : i32
      %mul3A_1770 = arith.muli %sub3A_1672, %mul3A_1769 : i32
      %add3A_1771 = arith.constant 4 : i32
      %add3A_1772 = arith.addi %mul3A_1770, %add3A_1771 : i32
      %mul3A_1773 = arith.constant 16 : i32
      %mul3A_1774 = arith.muli %add3A_1772, %mul3A_1773 : i32
      %add3A_1775 = vector.broadcast %mul3A_1774 : i32 to vector<16xi32>
      %add3A_1776 = arith.addi %add3A_1775, %iota3A : vector<16xi32>
      tpu.vector_store_idx %arg8[%add3A_1776], %gather3A_1768 : memref<53248xf32, #tpu.memory_space<vmem>>[vector<16xi32>], vector<16xf32>,
      %broadcast_in_dim3A_1777 = vector.broadcast %rem3A_1674 : i32 to vector<16xi32>
      %broadcast_in_dim3A_1778 = arith.constant 5 : i32
      %broadcast_in_dim3A_1779 = vector.broadcast %broadcast_in_dim3A_1778 : i32 to vector<16xi32>
      %slice3A_1780 = vector.extract_strided_slice %mul3A_1696 {offsets = [5], sizes = [1], strides = [1]} : vector<16xi32> to vector<1xi32>
      %squeeze3A_1781 = vector.extract %slice3A_1780[0] : i32 from vector<1xi32>
      %add3A_1782 = vector.broadcast %squeeze3A_1781 : i32 to vector<16xi32>
      %add3A_1783 = arith.addi %add3A_1782, %iota3A : vector<16xi32>
      %gather3A_1784 = tpu.vector_load_idx %arg7[%broadcast_in_dim3A_1777, %broadcast_in_dim3A_1779, %add3A_1783] : memref<2x128x128xf32, #tpu.memory_space<vmem>>[vector<16xi32>, vector<16xi32>, vector<16xi32>], vector<16xf32>,
      %mul3A_1785 = arith.constant 128 : i32
      %mul3A_1786 = arith.muli %sub3A_1672, %mul3A_1785 : i32
      %add3A_1787 = arith.constant 5 : i32
      %add3A_1788 = arith.addi %mul3A_1786, %add3A_1787 : i32
      %mul3A_1789 = arith.constant 16 : i32
      %mul3A_1790 = arith.muli %add3A_1788, %mul3A_1789 : i32
      %add3A_1791 = vector.broadcast %mul3A_1790 : i32 to vector<16xi32>
      %add3A_1792 = arith.addi %add3A_1791, %iota3A : vector<16xi32>
      tpu.vector_store_idx %arg8[%add3A_1792], %gather3A_1784 : memref<53248xf32, #tpu.memory_space<vmem>>[vector<16xi32>], vector<16xf32>,
      %broadcast_in_dim3A_1793 = vector.broadcast %rem3A_1674 : i32 to vector<16xi32>
      %broadcast_in_dim3A_1794 = arith.constant 6 : i32
      %broadcast_in_dim3A_1795 = vector.broadcast %broadcast_in_dim3A_1794 : i32 to vector<16xi32>
      %slice3A_1796 = vector.extract_strided_slice %mul3A_1696 {offsets = [6], sizes = [1], strides = [1]} : vector<16xi32> to vector<1xi32>
      %squeeze3A_1797 = vector.extract %slice3A_1796[0] : i32 from vector<1xi32>
      %add3A_1798 = vector.broadcast %squeeze3A_1797 : i32 to vector<16xi32>
      %add3A_1799 = arith.addi %add3A_1798, %iota3A : vector<16xi32>
      %gather3A_1800 = tpu.vector_load_idx %arg7[%broadcast_in_dim3A_1793, %broadcast_in_dim3A_1795, %add3A_1799] : memref<2x128x128xf32, #tpu.memory_space<vmem>>[vector<16xi32>, vector<16xi32>, vector<16xi32>], vector<16xf32>,
      %mul3A_1801 = arith.constant 128 : i32
      %mul3A_1802 = arith.muli %sub3A_1672, %mul3A_1801 : i32
      %add3A_1803 = arith.constant 6 : i32
      %add3A_1804 = arith.addi %mul3A_1802, %add3A_1803 : i32
      %mul3A_1805 = arith.constant 16 : i32
      %mul3A_1806 = arith.muli %add3A_1804, %mul3A_1805 : i32
      %add3A_1807 = vector.broadcast %mul3A_1806 : i32 to vector<16xi32>
      %add3A_1808 = arith.addi %add3A_1807, %iota3A : vector<16xi32>
      tpu.vector_store_idx %arg8[%add3A_1808], %gather3A_1800 : memref<53248xf32, #tpu.memory_space<vmem>>[vector<16xi32>], vector<16xf32>,
      %broadcast_in_dim3A_1809 = vector.broadcast %rem3A_1674 : i32 to vector<16xi32>
      %broadcast_in_dim3A_1810 = arith.constant 7 : i32
      %broadcast_in_dim3A_1811 = vector.broadcast %broadcast_in_dim3A_1810 : i32 to vector<16xi32>
      %slice3A_1812 = vector.extract_strided_slice %mul3A_1696 {offsets = [7], sizes = [1], strides = [1]} : vector<16xi32> to vector<1xi32>
      %squeeze3A_1813 = vector.extract %slice3A_1812[0] : i32 from vector<1xi32>
      %add3A_1814 = vector.broadcast %squeeze3A_1813 : i32 to vector<16xi32>
      %add3A_1815 = arith.addi %add3A_1814, %iota3A : vector<16xi32>
      %gather3A_1816 = tpu.vector_load_idx %arg7[%broadcast_in_dim3A_1809, %broadcast_in_dim3A_1811, %add3A_1815] : memref<2x128x128xf32, #tpu.memory_space<vmem>>[vector<16xi32>, vector<16xi32>, vector<16xi32>], vector<16xf32>,
      %mul3A_1817 = arith.constant 128 : i32
      %mul3A_1818 = arith.muli %sub3A_1672, %mul3A_1817 : i32
      %add3A_1819 = arith.constant 7 : i32
      %add3A_1820 = arith.addi %mul3A_1818, %add3A_1819 : i32
      %mul3A_1821 = arith.constant 16 : i32
      %mul3A_1822 = arith.muli %add3A_1820, %mul3A_1821 : i32
      %add3A_1823 = vector.broadcast %mul3A_1822 : i32 to vector<16xi32>
      %add3A_1824 = arith.addi %add3A_1823, %iota3A : vector<16xi32>
      tpu.vector_store_idx %arg8[%add3A_1824], %gather3A_1816 : memref<53248xf32, #tpu.memory_space<vmem>>[vector<16xi32>], vector<16xf32>,
      %broadcast_in_dim3A_1825 = vector.broadcast %rem3A_1674 : i32 to vector<16xi32>
      %broadcast_in_dim3A_1826 = arith.constant 8 : i32
      %broadcast_in_dim3A_1827 = vector.broadcast %broadcast_in_dim3A_1826 : i32 to vector<16xi32>
      %slice3A_1828 = vector.extract_strided_slice %mul3A_1696 {offsets = [8], sizes = [1], strides = [1]} : vector<16xi32> to vector<1xi32>
      %squeeze3A_1829 = vector.extract %slice3A_1828[0] : i32 from vector<1xi32>
      %add3A_1830 = vector.broadcast %squeeze3A_1829 : i32 to vector<16xi32>
      %add3A_1831 = arith.addi %add3A_1830, %iota3A : vector<16xi32>
      %gather3A_1832 = tpu.vector_load_idx %arg7[%broadcast_in_dim3A_1825, %broadcast_in_dim3A_1827, %add3A_1831] : memref<2x128x128xf32, #tpu.memory_space<vmem>>[vector<16xi32>, vector<16xi32>, vector<16xi32>], vector<16xf32>,
      %mul3A_1833 = arith.constant 128 : i32
      %mul3A_1834 = arith.muli %sub3A_1672, %mul3A_1833 : i32
      %add3A_1835 = arith.constant 8 : i32
      %add3A_1836 = arith.addi %mul3A_1834, %add3A_1835 : i32
      %mul3A_1837 = arith.constant 16 : i32
      %mul3A_1838 = arith.muli %add3A_1836, %mul3A_1837 : i32
      %add3A_1839 = vector.broadcast %mul3A_1838 : i32 to vector<16xi32>
      %add3A_1840 = arith.addi %add3A_1839, %iota3A : vector<16xi32>
      tpu.vector_store_idx %arg8[%add3A_1840], %gather3A_1832 : memref<53248xf32, #tpu.memory_space<vmem>>[vector<16xi32>], vector<16xf32>,
      %broadcast_in_dim3A_1841 = vector.broadcast %rem3A_1674 : i32 to vector<16xi32>
      %broadcast_in_dim3A_1842 = arith.constant 9 : i32
      %broadcast_in_dim3A_1843 = vector.broadcast %broadcast_in_dim3A_1842 : i32 to vector<16xi32>
      %slice3A_1844 = vector.extract_strided_slice %mul3A_1696 {offsets = [9], sizes = [1], strides = [1]} : vector<16xi32> to vector<1xi32>
      %squeeze3A_1845 = vector.extract %slice3A_1844[0] : i32 from vector<1xi32>
      %add3A_1846 = vector.broadcast %squeeze3A_1845 : i32 to vector<16xi32>
      %add3A_1847 = arith.addi %add3A_1846, %iota3A : vector<16xi32>
      %gather3A_1848 = tpu.vector_load_idx %arg7[%broadcast_in_dim3A_1841, %broadcast_in_dim3A_1843, %add3A_1847] : memref<2x128x128xf32, #tpu.memory_space<vmem>>[vector<16xi32>, vector<16xi32>, vector<16xi32>], vector<16xf32>,
      %mul3A_1849 = arith.constant 128 : i32
      %mul3A_1850 = arith.muli %sub3A_1672, %mul3A_1849 : i32
      %add3A_1851 = arith.constant 9 : i32
      %add3A_1852 = arith.addi %mul3A_1850, %add3A_1851 : i32
      %mul3A_1853 = arith.constant 16 : i32
      %mul3A_1854 = arith.muli %add3A_1852, %mul3A_1853 : i32
      %add3A_1855 = vector.broadcast %mul3A_1854 : i32 to vector<16xi32>
      %add3A_1856 = arith.addi %add3A_1855, %iota3A : vector<16xi32>
      tpu.vector_store_idx %arg8[%add3A_1856], %gather3A_1848 : memref<53248xf32, #tpu.memory_space<vmem>>[vector<16xi32>], vector<16xf32>,
      %broadcast_in_dim3A_1857 = vector.broadcast %rem3A_1674 : i32 to vector<16xi32>
      %broadcast_in_dim3A_1858 = arith.constant 10 : i32
      %broadcast_in_dim3A_1859 = vector.broadcast %broadcast_in_dim3A_1858 : i32 to vector<16xi32>
      %slice3A_1860 = vector.extract_strided_slice %mul3A_1696 {offsets = [10], sizes = [1], strides = [1]} : vector<16xi32> to vector<1xi32>
      %squeeze3A_1861 = vector.extract %slice3A_1860[0] : i32 from vector<1xi32>
      %add3A_1862 = vector.broadcast %squeeze3A_1861 : i32 to vector<16xi32>
      %add3A_1863 = arith.addi %add3A_1862, %iota3A : vector<16xi32>
      %gather3A_1864 = tpu.vector_load_idx %arg7[%broadcast_in_dim3A_1857, %broadcast_in_dim3A_1859, %add3A_1863] : memref<2x128x128xf32, #tpu.memory_space<vmem>>[vector<16xi32>, vector<16xi32>, vector<16xi32>], vector<16xf32>,
      %mul3A_1865 = arith.constant 128 : i32
      %mul3A_1866 = arith.muli %sub3A_1672, %mul3A_1865 : i32
      %add3A_1867 = arith.constant 10 : i32
      %add3A_1868 = arith.addi %mul3A_1866, %add3A_1867 : i32
      %mul3A_1869 = arith.constant 16 : i32
      %mul3A_1870 = arith.muli %add3A_1868, %mul3A_1869 : i32
      %add3A_1871 = vector.broadcast %mul3A_1870 : i32 to vector<16xi32>
      %add3A_1872 = arith.addi %add3A_1871, %iota3A : vector<16xi32>
      tpu.vector_store_idx %arg8[%add3A_1872], %gather3A_1864 : memref<53248xf32, #tpu.memory_space<vmem>>[vector<16xi32>], vector<16xf32>,
      %broadcast_in_dim3A_1873 = vector.broadcast %rem3A_1674 : i32 to vector<16xi32>
      %broadcast_in_dim3A_1874 = arith.constant 11 : i32
      %broadcast_in_dim3A_1875 = vector.broadcast %broadcast_in_dim3A_1874 : i32 to vector<16xi32>
      %slice3A_1876 = vector.extract_strided_slice %mul3A_1696 {offsets = [11], sizes = [1], strides = [1]} : vector<16xi32> to vector<1xi32>
      %squeeze3A_1877 = vector.extract %slice3A_1876[0] : i32 from vector<1xi32>
      %add3A_1878 = vector.broadcast %squeeze3A_1877 : i32 to vector<16xi32>
      %add3A_1879 = arith.addi %add3A_1878, %iota3A : vector<16xi32>
      %gather3A_1880 = tpu.vector_load_idx %arg7[%broadcast_in_dim3A_1873, %broadcast_in_dim3A_1875, %add3A_1879] : memref<2x128x128xf32, #tpu.memory_space<vmem>>[vector<16xi32>, vector<16xi32>, vector<16xi32>], vector<16xf32>,
      %mul3A_1881 = arith.constant 128 : i32
      %mul3A_1882 = arith.muli %sub3A_1672, %mul3A_1881 : i32
      %add3A_1883 = arith.constant 11 : i32
      %add3A_1884 = arith.addi %mul3A_1882, %add3A_1883 : i32
      %mul3A_1885 = arith.constant 16 : i32
      %mul3A_1886 = arith.muli %add3A_1884, %mul3A_1885 : i32
      %add3A_1887 = vector.broadcast %mul3A_1886 : i32 to vector<16xi32>
      %add3A_1888 = arith.addi %add3A_1887, %iota3A : vector<16xi32>
      tpu.vector_store_idx %arg8[%add3A_1888], %gather3A_1880 : memref<53248xf32, #tpu.memory_space<vmem>>[vector<16xi32>], vector<16xf32>,
      %broadcast_in_dim3A_1889 = vector.broadcast %rem3A_1674 : i32 to vector<16xi32>
      %broadcast_in_dim3A_1890 = arith.constant 12 : i32
      %broadcast_in_dim3A_1891 = vector.broadcast %broadcast_in_dim3A_1890 : i32 to vector<16xi32>
      %slice3A_1892 = vector.extract_strided_slice %mul3A_1696 {offsets = [12], sizes = [1], strides = [1]} : vector<16xi32> to vector<1xi32>
      %squeeze3A_1893 = vector.extract %slice3A_1892[0] : i32 from vector<1xi32>
      %add3A_1894 = vector.broadcast %squeeze3A_1893 : i32 to vector<16xi32>
      %add3A_1895 = arith.addi %add3A_1894, %iota3A : vector<16xi32>
      %gather3A_1896 = tpu.vector_load_idx %arg7[%broadcast_in_dim3A_1889, %broadcast_in_dim3A_1891, %add3A_1895] : memref<2x128x128xf32, #tpu.memory_space<vmem>>[vector<16xi32>, vector<16xi32>, vector<16xi32>], vector<16xf32>,
      %mul3A_1897 = arith.constant 128 : i32
      %mul3A_1898 = arith.muli %sub3A_1672, %mul3A_1897 : i32
      %add3A_1899 = arith.constant 12 : i32
      %add3A_1900 = arith.addi %mul3A_1898, %add3A_1899 : i32
      %mul3A_1901 = arith.constant 16 : i32
      %mul3A_1902 = arith.muli %add3A_1900, %mul3A_1901 : i32
      %add3A_1903 = vector.broadcast %mul3A_1902 : i32 to vector<16xi32>
      %add3A_1904 = arith.addi %add3A_1903, %iota3A : vector<16xi32>
      tpu.vector_store_idx %arg8[%add3A_1904], %gather3A_1896 : memref<53248xf32, #tpu.memory_space<vmem>>[vector<16xi32>], vector<16xf32>,
      %broadcast_in_dim3A_1905 = vector.broadcast %rem3A_1674 : i32 to vector<16xi32>
      %broadcast_in_dim3A_1906 = arith.constant 13 : i32
      %broadcast_in_dim3A_1907 = vector.broadcast %broadcast_in_dim3A_1906 : i32 to vector<16xi32>
      %slice3A_1908 = vector.extract_strided_slice %mul3A_1696 {offsets = [13], sizes = [1], strides = [1]} : vector<16xi32> to vector<1xi32>
      %squeeze3A_1909 = vector.extract %slice3A_1908[0] : i32 from vector<1xi32>
      %add3A_1910 = vector.broadcast %squeeze3A_1909 : i32 to vector<16xi32>
      %add3A_1911 = arith.addi %add3A_1910, %iota3A : vector<16xi32>
      %gather3A_1912 = tpu.vector_load_idx %arg7[%broadcast_in_dim3A_1905, %broadcast_in_dim3A_1907, %add3A_1911] : memref<2x128x128xf32, #tpu.memory_space<vmem>>[vector<16xi32>, vector<16xi32>, vector<16xi32>], vector<16xf32>,
      %mul3A_1913 = arith.constant 128 : i32
      %mul3A_1914 = arith.muli %sub3A_1672, %mul3A_1913 : i32
      %add3A_1915 = arith.constant 13 : i32
      %add3A_1916 = arith.addi %mul3A_1914, %add3A_1915 : i32
      %mul3A_1917 = arith.constant 16 : i32
      %mul3A_1918 = arith.muli %add3A_1916, %mul3A_1917 : i32
      %add3A_1919 = vector.broadcast %mul3A_1918 : i32 to vector<16xi32>
      %add3A_1920 = arith.addi %add3A_1919, %iota3A : vector<16xi32>
      tpu.vector_store_idx %arg8[%add3A_1920], %gather3A_1912 : memref<53248xf32, #tpu.memory_space<vmem>>[vector<16xi32>], vector<16xf32>,
      %broadcast_in_dim3A_1921 = vector.broadcast %rem3A_1674 : i32 to vector<16xi32>
      %broadcast_in_dim3A_1922 = arith.constant 14 : i32
      %broadcast_in_dim3A_1923 = vector.broadcast %broadcast_in_dim3A_1922 : i32 to vector<16xi32>
      %slice3A_1924 = vector.extract_strided_slice %mul3A_1696 {offsets = [14], sizes = [1], strides = [1]} : vector<16xi32> to vector<1xi32>
      %squeeze3A_1925 = vector.extract %slice3A_1924[0] : i32 from vector<1xi32>
      %add3A_1926 = vector.broadcast %squeeze3A_1925 : i32 to vector<16xi32>
      %add3A_1927 = arith.addi %add3A_1926, %iota3A : vector<16xi32>
      %gather3A_1928 = tpu.vector_load_idx %arg7[%broadcast_in_dim3A_1921, %broadcast_in_dim3A_1923, %add3A_1927] : memref<2x128x128xf32, #tpu.memory_space<vmem>>[vector<16xi32>, vector<16xi32>, vector<16xi32>], vector<16xf32>,
      %mul3A_1929 = arith.constant 128 : i32
      %mul3A_1930 = arith.muli %sub3A_1672, %mul3A_1929 : i32
      %add3A_1931 = arith.constant 14 : i32
      %add3A_1932 = arith.addi %mul3A_1930, %add3A_1931 : i32
      %mul3A_1933 = arith.constant 16 : i32
      %mul3A_1934 = arith.muli %add3A_1932, %mul3A_1933 : i32
      %add3A_1935 = vector.broadcast %mul3A_1934 : i32 to vector<16xi32>
      %add3A_1936 = arith.addi %add3A_1935, %iota3A : vector<16xi32>
      tpu.vector_store_idx %arg8[%add3A_1936], %gather3A_1928 : memref<53248xf32, #tpu.memory_space<vmem>>[vector<16xi32>], vector<16xf32>,
      %broadcast_in_dim3A_1937 = vector.broadcast %rem3A_1674 : i32 to vector<16xi32>
      %broadcast_in_dim3A_1938 = arith.constant 15 : i32
      %broadcast_in_dim3A_1939 = vector.broadcast %broadcast_in_dim3A_1938 : i32 to vector<16xi32>
      %slice3A_1940 = vector.extract_strided_slice %mul3A_1696 {offsets = [15], sizes = [1], strides = [1]} : vector<16xi32> to vector<1xi32>
      %squeeze3A_1941 = vector.extract %slice3A_1940[0] : i32 from vector<1xi32>
      %add3A_1942 = vector.broadcast %squeeze3A_1941 : i32 to vector<16xi32>
      %add3A_1943 = arith.addi %add3A_1942, %iota3A : vector<16xi32>
      %gather3A_1944 = tpu.vector_load_idx %arg7[%broadcast_in_dim3A_1937, %broadcast_in_dim3A_1939, %add3A_1943] : memref<2x128x128xf32, #tpu.memory_space<vmem>>[vector<16xi32>, vector<16xi32>, vector<16xi32>], vector<16xf32>,
      %mul3A_1945 = arith.constant 128 : i32
      %mul3A_1946 = arith.muli %sub3A_1672, %mul3A_1945 : i32
      %add3A_1947 = arith.constant 15 : i32
      %add3A_1948 = arith.addi %mul3A_1946, %add3A_1947 : i32
      %mul3A_1949 = arith.constant 16 : i32
      %mul3A_1950 = arith.muli %add3A_1948, %mul3A_1949 : i32
      %add3A_1951 = vector.broadcast %mul3A_1950 : i32 to vector<16xi32>
      %add3A_1952 = arith.addi %add3A_1951, %iota3A : vector<16xi32>
      tpu.vector_store_idx %arg8[%add3A_1952], %gather3A_1944 : memref<53248xf32, #tpu.memory_space<vmem>>[vector<16xi32>], vector<16xf32>,
      %mul3A_1953 = arith.constant 128 : i32
      %mul3A_1954 = arith.muli %sub3A_1672, %mul3A_1953 : i32
      %add3A_1955 = arith.constant 16 : i32
      %add3A_1956 = arith.addi %mul3A_1954, %add3A_1955 : i32
      %get3A_1957 = arith.index_cast %add3A_1956 : i32 to index
      %get3A_1958 = tpu.vector_load %arg5[%get3A_1957] {strides = array<i32>} : memref<3328xi32, #tpu.memory_space<vmem>>, vector<16xi32>,
      %and3A_1959 = arith.constant 7 : i32
      %and3A_1960 = vector.broadcast %and3A_1959 : i32 to vector<16xi32>
      %and3A_1961 = arith.andi %get3A_1958, %and3A_1960 : vector<16xi32>
      %mul3A_1962 = arith.constant 16 : i32
      %mul3A_1963 = vector.broadcast %mul3A_1962 : i32 to vector<16xi32>
      %mul3A_1964 = arith.muli %and3A_1961, %mul3A_1963 : vector<16xi32>
      %broadcast_in_dim3A_1965 = vector.broadcast %rem3A_1674 : i32 to vector<16xi32>
      %broadcast_in_dim3A_1966 = arith.constant 16 : i32
      %broadcast_in_dim3A_1967 = vector.broadcast %broadcast_in_dim3A_1966 : i32 to vector<16xi32>
      %slice3A_1968 = vector.extract_strided_slice %mul3A_1964 {offsets = [0], sizes = [1], strides = [1]} : vector<16xi32> to vector<1xi32>
      %squeeze3A_1969 = vector.extract %slice3A_1968[0] : i32 from vector<1xi32>
      %add3A_1970 = vector.broadcast %squeeze3A_1969 : i32 to vector<16xi32>
      %add3A_1971 = arith.addi %add3A_1970, %iota3A : vector<16xi32>
      %gather3A_1972 = tpu.vector_load_idx %arg7[%broadcast_in_dim3A_1965, %broadcast_in_dim3A_1967, %add3A_1971] : memref<2x128x128xf32, #tpu.memory_space<vmem>>[vector<16xi32>, vector<16xi32>, vector<16xi32>], vector<16xf32>,
      %mul3A_1973 = arith.constant 128 : i32
      %mul3A_1974 = arith.muli %sub3A_1672, %mul3A_1973 : i32
      %add3A_1975 = arith.constant 16 : i32
      %add3A_1976 = arith.addi %mul3A_1974, %add3A_1975 : i32
      %mul3A_1977 = arith.constant 16 : i32
      %mul3A_1978 = arith.muli %add3A_1976, %mul3A_1977 : i32
      %add3A_1979 = vector.broadcast %mul3A_1978 : i32 to vector<16xi32>
      %add3A_1980 = arith.addi %add3A_1979, %iota3A : vector<16xi32>
      tpu.vector_store_idx %arg8[%add3A_1980], %gather3A_1972 : memref<53248xf32, #tpu.memory_space<vmem>>[vector<16xi32>], vector<16xf32>,
      %broadcast_in_dim3A_1981 = vector.broadcast %rem3A_1674 : i32 to vector<16xi32>
      %broadcast_in_dim3A_1982 = arith.constant 17 : i32
      %broadcast_in_dim3A_1983 = vector.broadcast %broadcast_in_dim3A_1982 : i32 to vector<16xi32>
      %slice3A_1984 = vector.extract_strided_slice %mul3A_1964 {offsets = [1], sizes = [1], strides = [1]} : vector<16xi32> to vector<1xi32>
      %squeeze3A_1985 = vector.extract %slice3A_1984[0] : i32 from vector<1xi32>
      %add3A_1986 = vector.broadcast %squeeze3A_1985 : i32 to vector<16xi32>
      %add3A_1987 = arith.addi %add3A_1986, %iota3A : vector<16xi32>
      %gather3A_1988 = tpu.vector_load_idx %arg7[%broadcast_in_dim3A_1981, %broadcast_in_dim3A_1983, %add3A_1987] : memref<2x128x128xf32, #tpu.memory_space<vmem>>[vector<16xi32>, vector<16xi32>, vector<16xi32>], vector<16xf32>,
      %mul3A_1989 = arith.constant 128 : i32
      %mul3A_1990 = arith.muli %sub3A_1672, %mul3A_1989 : i32
      %add3A_1991 = arith.constant 17 : i32
      %add3A_1992 = arith.addi %mul3A_1990, %add3A_1991 : i32
      %mul3A_1993 = arith.constant 16 : i32
      %mul3A_1994 = arith.muli %add3A_1992, %mul3A_1993 : i32
      %add3A_1995 = vector.broadcast %mul3A_1994 : i32 to vector<16xi32>
      %add3A_1996 = arith.addi %add3A_1995, %iota3A : vector<16xi32>
      tpu.vector_store_idx %arg8[%add3A_1996], %gather3A_1988 : memref<53248xf32, #tpu.memory_space<vmem>>[vector<16xi32>], vector<16xf32>,
      %broadcast_in_dim3A_1997 = vector.broadcast %rem3A_1674 : i32 to vector<16xi32>
      %broadcast_in_dim3A_1998 = arith.constant 18 : i32
      %broadcast_in_dim3A_1999 = vector.broadcast %broadcast_in_dim3A_1998 : i32 to vector<16xi32>
      %slice3A_2000 = vector.extract_strided_slice %mul3A_1964 {offsets = [2], sizes = [1], strides = [1]} : vector<16xi32> to vector<1xi32>
      %squeeze3A_2001 = vector.extract %slice3A_2000[0] : i32 from vector<1xi32>
      %add3A_2002 = vector.broadcast %squeeze3A_2001 : i32 to vector<16xi32>
      %add3A_2003 = arith.addi %add3A_2002, %iota3A : vector<16xi32>
      %gather3A_2004 = tpu.vector_load_idx %arg7[%broadcast_in_dim3A_1997, %broadcast_in_dim3A_1999, %add3A_2003] : memref<2x128x128xf32, #tpu.memory_space<vmem>>[vector<16xi32>, vector<16xi32>, vector<16xi32>], vector<16xf32>,
      %mul3A_2005 = arith.constant 128 : i32
      %mul3A_2006 = arith.muli %sub3A_1672, %mul3A_2005 : i32
      %add3A_2007 = arith.constant 18 : i32
      %add3A_2008 = arith.addi %mul3A_2006, %add3A_2007 : i32
      %mul3A_2009 = arith.constant 16 : i32
      %mul3A_2010 = arith.muli %add3A_2008, %mul3A_2009 : i32
      %add3A_2011 = vector.broadcast %mul3A_2010 : i32 to vector<16xi32>
      %add3A_2012 = arith.addi %add3A_2011, %iota3A : vector<16xi32>
      tpu.vector_store_idx %arg8[%add3A_2012], %gather3A_2004 : memref<53248xf32, #tpu.memory_space<vmem>>[vector<16xi32>], vector<16xf32>,
      %broadcast_in_dim3A_2013 = vector.broadcast %rem3A_1674 : i32 to vector<16xi32>
      %broadcast_in_dim3A_2014 = arith.constant 19 : i32
      %broadcast_in_dim3A_2015 = vector.broadcast %broadcast_in_dim3A_2014 : i32 to vector<16xi32>
      %slice3A_2016 = vector.extract_strided_slice %mul3A_1964 {offsets = [3], sizes = [1], strides = [1]} : vector<16xi32> to vector<1xi32>
      %squeeze3A_2017 = vector.extract %slice3A_2016[0] : i32 from vector<1xi32>
      %add3A_2018 = vector.broadcast %squeeze3A_2017 : i32 to vector<16xi32>
      %add3A_2019 = arith.addi %add3A_2018, %iota3A : vector<16xi32>
      %gather3A_2020 = tpu.vector_load_idx %arg7[%broadcast_in_dim3A_2013, %broadcast_in_dim3A_2015, %add3A_2019] : memref<2x128x128xf32, #tpu.memory_space<vmem>>[vector<16xi32>, vector<16xi32>, vector<16xi32>], vector<16xf32>,
      %mul3A_2021 = arith.constant 128 : i32
      %mul3A_2022 = arith.muli %sub3A_1672, %mul3A_2021 : i32
      %add3A_2023 = arith.constant 19 : i32
      %add3A_2024 = arith.addi %mul3A_2022, %add3A_2023 : i32
      %mul3A_2025 = arith.constant 16 : i32
      %mul3A_2026 = arith.muli %add3A_2024, %mul3A_2025 : i32
      %add3A_2027 = vector.broadcast %mul3A_2026 : i32 to vector<16xi32>
      %add3A_2028 = arith.addi %add3A_2027, %iota3A : vector<16xi32>
      tpu.vector_store_idx %arg8[%add3A_2028], %gather3A_2020 : memref<53248xf32, #tpu.memory_space<vmem>>[vector<16xi32>], vector<16xf32>,
      %broadcast_in_dim3A_2029 = vector.broadcast %rem3A_1674 : i32 to vector<16xi32>
      %broadcast_in_dim3A_2030 = arith.constant 20 : i32
      %broadcast_in_dim3A_2031 = vector.broadcast %broadcast_in_dim3A_2030 : i32 to vector<16xi32>
      %slice3A_2032 = vector.extract_strided_slice %mul3A_1964 {offsets = [4], sizes = [1], strides = [1]} : vector<16xi32> to vector<1xi32>
      %squeeze3A_2033 = vector.extract %slice3A_2032[0] : i32 from vector<1xi32>
      %add3A_2034 = vector.broadcast %squeeze3A_2033 : i32 to vector<16xi32>
      %add3A_2035 = arith.addi %add3A_2034, %iota3A : vector<16xi32>
      %gather3A_2036 = tpu.vector_load_idx %arg7[%broadcast_in_dim3A_2029, %broadcast_in_dim3A_2031, %add3A_2035] : memref<2x128x128xf32, #tpu.memory_space<vmem>>[vector<16xi32>, vector<16xi32>, vector<16xi32>], vector<16xf32>,
      %mul3A_2037 = arith.constant 128 : i32
      %mul3A_2038 = arith.muli %sub3A_1672, %mul3A_2037 : i32
      %add3A_2039 = arith.constant 20 : i32
      %add3A_2040 = arith.addi %mul3A_2038, %add3A_2039 : i32
      %mul3A_2041 = arith.constant 16 : i32
      %mul3A_2042 = arith.muli %add3A_2040, %mul3A_2041 : i32
      %add3A_2043 = vector.broadcast %mul3A_2042 : i32 to vector<16xi32>
      %add3A_2044 = arith.addi %add3A_2043, %iota3A : vector<16xi32>
      tpu.vector_store_idx %arg8[%add3A_2044], %gather3A_2036 : memref<53248xf32, #tpu.memory_space<vmem>>[vector<16xi32>], vector<16xf32>,
      %broadcast_in_dim3A_2045 = vector.broadcast %rem3A_1674 : i32 to vector<16xi32>
      %broadcast_in_dim3A_2046 = arith.constant 21 : i32
      %broadcast_in_dim3A_2047 = vector.broadcast %broadcast_in_dim3A_2046 : i32 to vector<16xi32>
      %slice3A_2048 = vector.extract_strided_slice %mul3A_1964 {offsets = [5], sizes = [1], strides = [1]} : vector<16xi32> to vector<1xi32>
      %squeeze3A_2049 = vector.extract %slice3A_2048[0] : i32 from vector<1xi32>
      %add3A_2050 = vector.broadcast %squeeze3A_2049 : i32 to vector<16xi32>
      %add3A_2051 = arith.addi %add3A_2050, %iota3A : vector<16xi32>
      %gather3A_2052 = tpu.vector_load_idx %arg7[%broadcast_in_dim3A_2045, %broadcast_in_dim3A_2047, %add3A_2051] : memref<2x128x128xf32, #tpu.memory_space<vmem>>[vector<16xi32>, vector<16xi32>, vector<16xi32>], vector<16xf32>,
      %mul3A_2053 = arith.constant 128 : i32
      %mul3A_2054 = arith.muli %sub3A_1672, %mul3A_2053 : i32
      %add3A_2055 = arith.constant 21 : i32
      %add3A_2056 = arith.addi %mul3A_2054, %add3A_2055 : i32
      %mul3A_2057 = arith.constant 16 : i32
      %mul3A_2058 = arith.muli %add3A_2056, %mul3A_2057 : i32
      %add3A_2059 = vector.broadcast %mul3A_2058 : i32 to vector<16xi32>
      %add3A_2060 = arith.addi %add3A_2059, %iota3A : vector<16xi32>
      tpu.vector_store_idx %arg8[%add3A_2060], %gather3A_2052 : memref<53248xf32, #tpu.memory_space<vmem>>[vector<16xi32>], vector<16xf32>,
      %broadcast_in_dim3A_2061 = vector.broadcast %rem3A_1674 : i32 to vector<16xi32>
      %broadcast_in_dim3A_2062 = arith.constant 22 : i32
      %broadcast_in_dim3A_2063 = vector.broadcast %broadcast_in_dim3A_2062 : i32 to vector<16xi32>
      %slice3A_2064 = vector.extract_strided_slice %mul3A_1964 {offsets = [6], sizes = [1], strides = [1]} : vector<16xi32> to vector<1xi32>
      %squeeze3A_2065 = vector.extract %slice3A_2064[0] : i32 from vector<1xi32>
      %add3A_2066 = vector.broadcast %squeeze3A_2065 : i32 to vector<16xi32>
      %add3A_2067 = arith.addi %add3A_2066, %iota3A : vector<16xi32>
      %gather3A_2068 = tpu.vector_load_idx %arg7[%broadcast_in_dim3A_2061, %broadcast_in_dim3A_2063, %add3A_2067] : memref<2x128x128xf32, #tpu.memory_space<vmem>>[vector<16xi32>, vector<16xi32>, vector<16xi32>], vector<16xf32>,
      %mul3A_2069 = arith.constant 128 : i32
      %mul3A_2070 = arith.muli %sub3A_1672, %mul3A_2069 : i32
      %add3A_2071 = arith.constant 22 : i32
      %add3A_2072 = arith.addi %mul3A_2070, %add3A_2071 : i32
      %mul3A_2073 = arith.constant 16 : i32
      %mul3A_2074 = arith.muli %add3A_2072, %mul3A_2073 : i32
      %add3A_2075 = vector.broadcast %mul3A_2074 : i32 to vector<16xi32>
      %add3A_2076 = arith.addi %add3A_2075, %iota3A : vector<16xi32>
      tpu.vector_store_idx %arg8[%add3A_2076], %gather3A_2068 : memref<53248xf32, #tpu.memory_space<vmem>>[vector<16xi32>], vector<16xf32>,
      %broadcast_in_dim3A_2077 = vector.broadcast %rem3A_1674 : i32 to vector<16xi32>
      %broadcast_in_dim3A_2078 = arith.constant 23 : i32
      %broadcast_in_dim3A_2079 = vector.broadcast %broadcast_in_dim3A_2078 : i32 to vector<16xi32>
      %slice3A_2080 = vector.extract_strided_slice %mul3A_1964 {offsets = [7], sizes = [1], strides = [1]} : vector<16xi32> to vector<1xi32>
      %squeeze3A_2081 = vector.extract %slice3A_2080[0] : i32 from vector<1xi32>
      %add3A_2082 = vector.broadcast %squeeze3A_2081 : i32 to vector<16xi32>
      %add3A_2083 = arith.addi %add3A_2082, %iota3A : vector<16xi32>
      %gather3A_2084 = tpu.vector_load_idx %arg7[%broadcast_in_dim3A_2077, %broadcast_in_dim3A_2079, %add3A_2083] : memref<2x128x128xf32, #tpu.memory_space<vmem>>[vector<16xi32>, vector<16xi32>, vector<16xi32>], vector<16xf32>,
      %mul3A_2085 = arith.constant 128 : i32
      %mul3A_2086 = arith.muli %sub3A_1672, %mul3A_2085 : i32
      %add3A_2087 = arith.constant 23 : i32
      %add3A_2088 = arith.addi %mul3A_2086, %add3A_2087 : i32
      %mul3A_2089 = arith.constant 16 : i32
      %mul3A_2090 = arith.muli %add3A_2088, %mul3A_2089 : i32
      %add3A_2091 = vector.broadcast %mul3A_2090 : i32 to vector<16xi32>
      %add3A_2092 = arith.addi %add3A_2091, %iota3A : vector<16xi32>
      tpu.vector_store_idx %arg8[%add3A_2092], %gather3A_2084 : memref<53248xf32, #tpu.memory_space<vmem>>[vector<16xi32>], vector<16xf32>,
      %broadcast_in_dim3A_2093 = vector.broadcast %rem3A_1674 : i32 to vector<16xi32>
      %broadcast_in_dim3A_2094 = arith.constant 24 : i32
      %broadcast_in_dim3A_2095 = vector.broadcast %broadcast_in_dim3A_2094 : i32 to vector<16xi32>
      %slice3A_2096 = vector.extract_strided_slice %mul3A_1964 {offsets = [8], sizes = [1], strides = [1]} : vector<16xi32> to vector<1xi32>
      %squeeze3A_2097 = vector.extract %slice3A_2096[0] : i32 from vector<1xi32>
      %add3A_2098 = vector.broadcast %squeeze3A_2097 : i32 to vector<16xi32>
      %add3A_2099 = arith.addi %add3A_2098, %iota3A : vector<16xi32>
      %gather3A_2100 = tpu.vector_load_idx %arg7[%broadcast_in_dim3A_2093, %broadcast_in_dim3A_2095, %add3A_2099] : memref<2x128x128xf32, #tpu.memory_space<vmem>>[vector<16xi32>, vector<16xi32>, vector<16xi32>], vector<16xf32>,
      %mul3A_2101 = arith.constant 128 : i32
      %mul3A_2102 = arith.muli %sub3A_1672, %mul3A_2101 : i32
      %add3A_2103 = arith.constant 24 : i32
      %add3A_2104 = arith.addi %mul3A_2102, %add3A_2103 : i32
      %mul3A_2105 = arith.constant 16 : i32
      %mul3A_2106 = arith.muli %add3A_2104, %mul3A_2105 : i32
      %add3A_2107 = vector.broadcast %mul3A_2106 : i32 to vector<16xi32>
      %add3A_2108 = arith.addi %add3A_2107, %iota3A : vector<16xi32>
      tpu.vector_store_idx %arg8[%add3A_2108], %gather3A_2100 : memref<53248xf32, #tpu.memory_space<vmem>>[vector<16xi32>], vector<16xf32>,
      %broadcast_in_dim3A_2109 = vector.broadcast %rem3A_1674 : i32 to vector<16xi32>
      %broadcast_in_dim3A_2110 = arith.constant 25 : i32
      %broadcast_in_dim3A_2111 = vector.broadcast %broadcast_in_dim3A_2110 : i32 to vector<16xi32>
      %slice3A_2112 = vector.extract_strided_slice %mul3A_1964 {offsets = [9], sizes = [1], strides = [1]} : vector<16xi32> to vector<1xi32>
      %squeeze3A_2113 = vector.extract %slice3A_2112[0] : i32 from vector<1xi32>
      %add3A_2114 = vector.broadcast %squeeze3A_2113 : i32 to vector<16xi32>
      %add3A_2115 = arith.addi %add3A_2114, %iota3A : vector<16xi32>
      %gather3A_2116 = tpu.vector_load_idx %arg7[%broadcast_in_dim3A_2109, %broadcast_in_dim3A_2111, %add3A_2115] : memref<2x128x128xf32, #tpu.memory_space<vmem>>[vector<16xi32>, vector<16xi32>, vector<16xi32>], vector<16xf32>,
      %mul3A_2117 = arith.constant 128 : i32
      %mul3A_2118 = arith.muli %sub3A_1672, %mul3A_2117 : i32
      %add3A_2119 = arith.constant 25 : i32
      %add3A_2120 = arith.addi %mul3A_2118, %add3A_2119 : i32
      %mul3A_2121 = arith.constant 16 : i32
      %mul3A_2122 = arith.muli %add3A_2120, %mul3A_2121 : i32
      %add3A_2123 = vector.broadcast %mul3A_2122 : i32 to vector<16xi32>
      %add3A_2124 = arith.addi %add3A_2123, %iota3A : vector<16xi32>
      tpu.vector_store_idx %arg8[%add3A_2124], %gather3A_2116 : memref<53248xf32, #tpu.memory_space<vmem>>[vector<16xi32>], vector<16xf32>,
      %broadcast_in_dim3A_2125 = vector.broadcast %rem3A_1674 : i32 to vector<16xi32>
      %broadcast_in_dim3A_2126 = arith.constant 26 : i32
      %broadcast_in_dim3A_2127 = vector.broadcast %broadcast_in_dim3A_2126 : i32 to vector<16xi32>
      %slice3A_2128 = vector.extract_strided_slice %mul3A_1964 {offsets = [10], sizes = [1], strides = [1]} : vector<16xi32> to vector<1xi32>
      %squeeze3A_2129 = vector.extract %slice3A_2128[0] : i32 from vector<1xi32>
      %add3A_2130 = vector.broadcast %squeeze3A_2129 : i32 to vector<16xi32>
      %add3A_2131 = arith.addi %add3A_2130, %iota3A : vector<16xi32>
      %gather3A_2132 = tpu.vector_load_idx %arg7[%broadcast_in_dim3A_2125, %broadcast_in_dim3A_2127, %add3A_2131] : memref<2x128x128xf32, #tpu.memory_space<vmem>>[vector<16xi32>, vector<16xi32>, vector<16xi32>], vector<16xf32>,
      %mul3A_2133 = arith.constant 128 : i32
      %mul3A_2134 = arith.muli %sub3A_1672, %mul3A_2133 : i32
      %add3A_2135 = arith.constant 26 : i32
      %add3A_2136 = arith.addi %mul3A_2134, %add3A_2135 : i32
      %mul3A_2137 = arith.constant 16 : i32
      %mul3A_2138 = arith.muli %add3A_2136, %mul3A_2137 : i32
      %add3A_2139 = vector.broadcast %mul3A_2138 : i32 to vector<16xi32>
      %add3A_2140 = arith.addi %add3A_2139, %iota3A : vector<16xi32>
      tpu.vector_store_idx %arg8[%add3A_2140], %gather3A_2132 : memref<53248xf32, #tpu.memory_space<vmem>>[vector<16xi32>], vector<16xf32>,
      %broadcast_in_dim3A_2141 = vector.broadcast %rem3A_1674 : i32 to vector<16xi32>
      %broadcast_in_dim3A_2142 = arith.constant 27 : i32
      %broadcast_in_dim3A_2143 = vector.broadcast %broadcast_in_dim3A_2142 : i32 to vector<16xi32>
      %slice3A_2144 = vector.extract_strided_slice %mul3A_1964 {offsets = [11], sizes = [1], strides = [1]} : vector<16xi32> to vector<1xi32>
      %squeeze3A_2145 = vector.extract %slice3A_2144[0] : i32 from vector<1xi32>
      %add3A_2146 = vector.broadcast %squeeze3A_2145 : i32 to vector<16xi32>
      %add3A_2147 = arith.addi %add3A_2146, %iota3A : vector<16xi32>
      %gather3A_2148 = tpu.vector_load_idx %arg7[%broadcast_in_dim3A_2141, %broadcast_in_dim3A_2143, %add3A_2147] : memref<2x128x128xf32, #tpu.memory_space<vmem>>[vector<16xi32>, vector<16xi32>, vector<16xi32>], vector<16xf32>,
      %mul3A_2149 = arith.constant 128 : i32
      %mul3A_2150 = arith.muli %sub3A_1672, %mul3A_2149 : i32
      %add3A_2151 = arith.constant 27 : i32
      %add3A_2152 = arith.addi %mul3A_2150, %add3A_2151 : i32
      %mul3A_2153 = arith.constant 16 : i32
      %mul3A_2154 = arith.muli %add3A_2152, %mul3A_2153 : i32
      %add3A_2155 = vector.broadcast %mul3A_2154 : i32 to vector<16xi32>
      %add3A_2156 = arith.addi %add3A_2155, %iota3A : vector<16xi32>
      tpu.vector_store_idx %arg8[%add3A_2156], %gather3A_2148 : memref<53248xf32, #tpu.memory_space<vmem>>[vector<16xi32>], vector<16xf32>,
      %broadcast_in_dim3A_2157 = vector.broadcast %rem3A_1674 : i32 to vector<16xi32>
      %broadcast_in_dim3A_2158 = arith.constant 28 : i32
      %broadcast_in_dim3A_2159 = vector.broadcast %broadcast_in_dim3A_2158 : i32 to vector<16xi32>
      %slice3A_2160 = vector.extract_strided_slice %mul3A_1964 {offsets = [12], sizes = [1], strides = [1]} : vector<16xi32> to vector<1xi32>
      %squeeze3A_2161 = vector.extract %slice3A_2160[0] : i32 from vector<1xi32>
      %add3A_2162 = vector.broadcast %squeeze3A_2161 : i32 to vector<16xi32>
      %add3A_2163 = arith.addi %add3A_2162, %iota3A : vector<16xi32>
      %gather3A_2164 = tpu.vector_load_idx %arg7[%broadcast_in_dim3A_2157, %broadcast_in_dim3A_2159, %add3A_2163] : memref<2x128x128xf32, #tpu.memory_space<vmem>>[vector<16xi32>, vector<16xi32>, vector<16xi32>], vector<16xf32>,
      %mul3A_2165 = arith.constant 128 : i32
      %mul3A_2166 = arith.muli %sub3A_1672, %mul3A_2165 : i32
      %add3A_2167 = arith.constant 28 : i32
      %add3A_2168 = arith.addi %mul3A_2166, %add3A_2167 : i32
      %mul3A_2169 = arith.constant 16 : i32
      %mul3A_2170 = arith.muli %add3A_2168, %mul3A_2169 : i32
      %add3A_2171 = vector.broadcast %mul3A_2170 : i32 to vector<16xi32>
      %add3A_2172 = arith.addi %add3A_2171, %iota3A : vector<16xi32>
      tpu.vector_store_idx %arg8[%add3A_2172], %gather3A_2164 : memref<53248xf32, #tpu.memory_space<vmem>>[vector<16xi32>], vector<16xf32>,
      %broadcast_in_dim3A_2173 = vector.broadcast %rem3A_1674 : i32 to vector<16xi32>
      %broadcast_in_dim3A_2174 = arith.constant 29 : i32
      %broadcast_in_dim3A_2175 = vector.broadcast %broadcast_in_dim3A_2174 : i32 to vector<16xi32>
      %slice3A_2176 = vector.extract_strided_slice %mul3A_1964 {offsets = [13], sizes = [1], strides = [1]} : vector<16xi32> to vector<1xi32>
      %squeeze3A_2177 = vector.extract %slice3A_2176[0] : i32 from vector<1xi32>
      %add3A_2178 = vector.broadcast %squeeze3A_2177 : i32 to vector<16xi32>
      %add3A_2179 = arith.addi %add3A_2178, %iota3A : vector<16xi32>
      %gather3A_2180 = tpu.vector_load_idx %arg7[%broadcast_in_dim3A_2173, %broadcast_in_dim3A_2175, %add3A_2179] : memref<2x128x128xf32, #tpu.memory_space<vmem>>[vector<16xi32>, vector<16xi32>, vector<16xi32>], vector<16xf32>,
      %mul3A_2181 = arith.constant 128 : i32
      %mul3A_2182 = arith.muli %sub3A_1672, %mul3A_2181 : i32
      %add3A_2183 = arith.constant 29 : i32
      %add3A_2184 = arith.addi %mul3A_2182, %add3A_2183 : i32
      %mul3A_2185 = arith.constant 16 : i32
      %mul3A_2186 = arith.muli %add3A_2184, %mul3A_2185 : i32
      %add3A_2187 = vector.broadcast %mul3A_2186 : i32 to vector<16xi32>
      %add3A_2188 = arith.addi %add3A_2187, %iota3A : vector<16xi32>
      tpu.vector_store_idx %arg8[%add3A_2188], %gather3A_2180 : memref<53248xf32, #tpu.memory_space<vmem>>[vector<16xi32>], vector<16xf32>,
      %broadcast_in_dim3A_2189 = vector.broadcast %rem3A_1674 : i32 to vector<16xi32>
      %broadcast_in_dim3A_2190 = arith.constant 30 : i32
      %broadcast_in_dim3A_2191 = vector.broadcast %broadcast_in_dim3A_2190 : i32 to vector<16xi32>
      %slice3A_2192 = vector.extract_strided_slice %mul3A_1964 {offsets = [14], sizes = [1], strides = [1]} : vector<16xi32> to vector<1xi32>
      %squeeze3A_2193 = vector.extract %slice3A_2192[0] : i32 from vector<1xi32>
      %add3A_2194 = vector.broadcast %squeeze3A_2193 : i32 to vector<16xi32>
      %add3A_2195 = arith.addi %add3A_2194, %iota3A : vector<16xi32>
      %gather3A_2196 = tpu.vector_load_idx %arg7[%broadcast_in_dim3A_2189, %broadcast_in_dim3A_2191, %add3A_2195] : memref<2x128x128xf32, #tpu.memory_space<vmem>>[vector<16xi32>, vector<16xi32>, vector<16xi32>], vector<16xf32>,
      %mul3A_2197 = arith.constant 128 : i32
      %mul3A_2198 = arith.muli %sub3A_1672, %mul3A_2197 : i32
      %add3A_2199 = arith.constant 30 : i32
      %add3A_2200 = arith.addi %mul3A_2198, %add3A_2199 : i32
      %mul3A_2201 = arith.constant 16 : i32
      %mul3A_2202 = arith.muli %add3A_2200, %mul3A_2201 : i32
      %add3A_2203 = vector.broadcast %mul3A_2202 : i32 to vector<16xi32>
      %add3A_2204 = arith.addi %add3A_2203, %iota3A : vector<16xi32>
      tpu.vector_store_idx %arg8[%add3A_2204], %gather3A_2196 : memref<53248xf32, #tpu.memory_space<vmem>>[vector<16xi32>], vector<16xf32>,
      %broadcast_in_dim3A_2205 = vector.broadcast %rem3A_1674 : i32 to vector<16xi32>
      %broadcast_in_dim3A_2206 = arith.constant 31 : i32
      %broadcast_in_dim3A_2207 = vector.broadcast %broadcast_in_dim3A_2206 : i32 to vector<16xi32>
      %slice3A_2208 = vector.extract_strided_slice %mul3A_1964 {offsets = [15], sizes = [1], strides = [1]} : vector<16xi32> to vector<1xi32>
      %squeeze3A_2209 = vector.extract %slice3A_2208[0] : i32 from vector<1xi32>
      %add3A_2210 = vector.broadcast %squeeze3A_2209 : i32 to vector<16xi32>
      %add3A_2211 = arith.addi %add3A_2210, %iota3A : vector<16xi32>
      %gather3A_2212 = tpu.vector_load_idx %arg7[%broadcast_in_dim3A_2205, %broadcast_in_dim3A_2207, %add3A_2211] : memref<2x128x128xf32, #tpu.memory_space<vmem>>[vector<16xi32>, vector<16xi32>, vector<16xi32>], vector<16xf32>,
      %mul3A_2213 = arith.constant 128 : i32
      %mul3A_2214 = arith.muli %sub3A_1672, %mul3A_2213 : i32
      %add3A_2215 = arith.constant 31 : i32
      %add3A_2216 = arith.addi %mul3A_2214, %add3A_2215 : i32
      %mul3A_2217 = arith.constant 16 : i32
      %mul3A_2218 = arith.muli %add3A_2216, %mul3A_2217 : i32
      %add3A_2219 = vector.broadcast %mul3A_2218 : i32 to vector<16xi32>
      %add3A_2220 = arith.addi %add3A_2219, %iota3A : vector<16xi32>
      tpu.vector_store_idx %arg8[%add3A_2220], %gather3A_2212 : memref<53248xf32, #tpu.memory_space<vmem>>[vector<16xi32>], vector<16xf32>,
      %mul3A_2221 = arith.constant 128 : i32
      %mul3A_2222 = arith.muli %sub3A_1672, %mul3A_2221 : i32
      %add3A_2223 = arith.constant 32 : i32
      %add3A_2224 = arith.addi %mul3A_2222, %add3A_2223 : i32
      %get3A_2225 = arith.index_cast %add3A_2224 : i32 to index
      %get3A_2226 = tpu.vector_load %arg5[%get3A_2225] {strides = array<i32>} : memref<3328xi32, #tpu.memory_space<vmem>>, vector<16xi32>,
      %and3A_2227 = arith.constant 7 : i32
      %and3A_2228 = vector.broadcast %and3A_2227 : i32 to vector<16xi32>
      %and3A_2229 = arith.andi %get3A_2226, %and3A_2228 : vector<16xi32>
      %mul3A_2230 = arith.constant 16 : i32
      %mul3A_2231 = vector.broadcast %mul3A_2230 : i32 to vector<16xi32>
      %mul3A_2232 = arith.muli %and3A_2229, %mul3A_2231 : vector<16xi32>
      %broadcast_in_dim3A_2233 = vector.broadcast %rem3A_1674 : i32 to vector<16xi32>
      %broadcast_in_dim3A_2234 = arith.constant 32 : i32
      %broadcast_in_dim3A_2235 = vector.broadcast %broadcast_in_dim3A_2234 : i32 to vector<16xi32>
      %slice3A_2236 = vector.extract_strided_slice %mul3A_2232 {offsets = [0], sizes = [1], strides = [1]} : vector<16xi32> to vector<1xi32>
      %squeeze3A_2237 = vector.extract %slice3A_2236[0] : i32 from vector<1xi32>
      %add3A_2238 = vector.broadcast %squeeze3A_2237 : i32 to vector<16xi32>
      %add3A_2239 = arith.addi %add3A_2238, %iota3A : vector<16xi32>
      %gather3A_2240 = tpu.vector_load_idx %arg7[%broadcast_in_dim3A_2233, %broadcast_in_dim3A_2235, %add3A_2239] : memref<2x128x128xf32, #tpu.memory_space<vmem>>[vector<16xi32>, vector<16xi32>, vector<16xi32>], vector<16xf32>,
      %mul3A_2241 = arith.constant 128 : i32
      %mul3A_2242 = arith.muli %sub3A_1672, %mul3A_2241 : i32
      %add3A_2243 = arith.constant 32 : i32
      %add3A_2244 = arith.addi %mul3A_2242, %add3A_2243 : i32
      %mul3A_2245 = arith.constant 16 : i32
      %mul3A_2246 = arith.muli %add3A_2244, %mul3A_2245 : i32
      %add3A_2247 = vector.broadcast %mul3A_2246 : i32 to vector<16xi32>
      %add3A_2248 = arith.addi %add3A_2247, %iota3A : vector<16xi32>
      tpu.vector_store_idx %arg8[%add3A_2248], %gather3A_2240 : memref<53248xf32, #tpu.memory_space<vmem>>[vector<16xi32>], vector<16xf32>,
      %broadcast_in_dim3A_2249 = vector.broadcast %rem3A_1674 : i32 to vector<16xi32>
      %broadcast_in_dim3A_2250 = arith.constant 33 : i32
      %broadcast_in_dim3A_2251 = vector.broadcast %broadcast_in_dim3A_2250 : i32 to vector<16xi32>
      %slice3A_2252 = vector.extract_strided_slice %mul3A_2232 {offsets = [1], sizes = [1], strides = [1]} : vector<16xi32> to vector<1xi32>
      %squeeze3A_2253 = vector.extract %slice3A_2252[0] : i32 from vector<1xi32>
      %add3A_2254 = vector.broadcast %squeeze3A_2253 : i32 to vector<16xi32>
      %add3A_2255 = arith.addi %add3A_2254, %iota3A : vector<16xi32>
      %gather3A_2256 = tpu.vector_load_idx %arg7[%broadcast_in_dim3A_2249, %broadcast_in_dim3A_2251, %add3A_2255] : memref<2x128x128xf32, #tpu.memory_space<vmem>>[vector<16xi32>, vector<16xi32>, vector<16xi32>], vector<16xf32>,
      %mul3A_2257 = arith.constant 128 : i32
      %mul3A_2258 = arith.muli %sub3A_1672, %mul3A_2257 : i32
      %add3A_2259 = arith.constant 33 : i32
      %add3A_2260 = arith.addi %mul3A_2258, %add3A_2259 : i32
      %mul3A_2261 = arith.constant 16 : i32
      %mul3A_2262 = arith.muli %add3A_2260, %mul3A_2261 : i32
      %add3A_2263 = vector.broadcast %mul3A_2262 : i32 to vector<16xi32>
      %add3A_2264 = arith.addi %add3A_2263, %iota3A : vector<16xi32>
      tpu.vector_store_idx %arg8[%add3A_2264], %gather3A_2256 : memref<53248xf32, #tpu.memory_space<vmem>>[vector<16xi32>], vector<16xf32>,
      %broadcast_in_dim3A_2265 = vector.broadcast %rem3A_1674 : i32 to vector<16xi32>
      %broadcast_in_dim3A_2266 = arith.constant 34 : i32
      %broadcast_in_dim3A_2267 = vector.broadcast %broadcast_in_dim3A_2266 : i32 to vector<16xi32>
      %slice3A_2268 = vector.extract_strided_slice %mul3A_2232 {offsets = [2], sizes = [1], strides = [1]} : vector<16xi32> to vector<1xi32>
      %squeeze3A_2269 = vector.extract %slice3A_2268[0] : i32 from vector<1xi32>
      %add3A_2270 = vector.broadcast %squeeze3A_2269 : i32 to vector<16xi32>
      %add3A_2271 = arith.addi %add3A_2270, %iota3A : vector<16xi32>
      %gather3A_2272 = tpu.vector_load_idx %arg7[%broadcast_in_dim3A_2265, %broadcast_in_dim3A_2267, %add3A_2271] : memref<2x128x128xf32, #tpu.memory_space<vmem>>[vector<16xi32>, vector<16xi32>, vector<16xi32>], vector<16xf32>,
      %mul3A_2273 = arith.constant 128 : i32
      %mul3A_2274 = arith.muli %sub3A_1672, %mul3A_2273 : i32
      %add3A_2275 = arith.constant 34 : i32
      %add3A_2276 = arith.addi %mul3A_2274, %add3A_2275 : i32
      %mul3A_2277 = arith.constant 16 : i32
      %mul3A_2278 = arith.muli %add3A_2276, %mul3A_2277 : i32
      %add3A_2279 = vector.broadcast %mul3A_2278 : i32 to vector<16xi32>
      %add3A_2280 = arith.addi %add3A_2279, %iota3A : vector<16xi32>
      tpu.vector_store_idx %arg8[%add3A_2280], %gather3A_2272 : memref<53248xf32, #tpu.memory_space<vmem>>[vector<16xi32>], vector<16xf32>,
      %broadcast_in_dim3A_2281 = vector.broadcast %rem3A_1674 : i32 to vector<16xi32>
      %broadcast_in_dim3A_2282 = arith.constant 35 : i32
      %broadcast_in_dim3A_2283 = vector.broadcast %broadcast_in_dim3A_2282 : i32 to vector<16xi32>
      %slice3A_2284 = vector.extract_strided_slice %mul3A_2232 {offsets = [3], sizes = [1], strides = [1]} : vector<16xi32> to vector<1xi32>
      %squeeze3A_2285 = vector.extract %slice3A_2284[0] : i32 from vector<1xi32>
      %add3A_2286 = vector.broadcast %squeeze3A_2285 : i32 to vector<16xi32>
      %add3A_2287 = arith.addi %add3A_2286, %iota3A : vector<16xi32>
      %gather3A_2288 = tpu.vector_load_idx %arg7[%broadcast_in_dim3A_2281, %broadcast_in_dim3A_2283, %add3A_2287] : memref<2x128x128xf32, #tpu.memory_space<vmem>>[vector<16xi32>, vector<16xi32>, vector<16xi32>], vector<16xf32>,
      %mul3A_2289 = arith.constant 128 : i32
      %mul3A_2290 = arith.muli %sub3A_1672, %mul3A_2289 : i32
      %add3A_2291 = arith.constant 35 : i32
      %add3A_2292 = arith.addi %mul3A_2290, %add3A_2291 : i32
      %mul3A_2293 = arith.constant 16 : i32
      %mul3A_2294 = arith.muli %add3A_2292, %mul3A_2293 : i32
      %add3A_2295 = vector.broadcast %mul3A_2294 : i32 to vector<16xi32>
      %add3A_2296 = arith.addi %add3A_2295, %iota3A : vector<16xi32>
      tpu.vector_store_idx %arg8[%add3A_2296], %gather3A_2288 : memref<53248xf32, #tpu.memory_space<vmem>>[vector<16xi32>], vector<16xf32>,
      %broadcast_in_dim3A_2297 = vector.broadcast %rem3A_1674 : i32 to vector<16xi32>
      %broadcast_in_dim3A_2298 = arith.constant 36 : i32
      %broadcast_in_dim3A_2299 = vector.broadcast %broadcast_in_dim3A_2298 : i32 to vector<16xi32>
      %slice3A_2300 = vector.extract_strided_slice %mul3A_2232 {offsets = [4], sizes = [1], strides = [1]} : vector<16xi32> to vector<1xi32>
      %squeeze3A_2301 = vector.extract %slice3A_2300[0] : i32 from vector<1xi32>
      %add3A_2302 = vector.broadcast %squeeze3A_2301 : i32 to vector<16xi32>
      %add3A_2303 = arith.addi %add3A_2302, %iota3A : vector<16xi32>
      %gather3A_2304 = tpu.vector_load_idx %arg7[%broadcast_in_dim3A_2297, %broadcast_in_dim3A_2299, %add3A_2303] : memref<2x128x128xf32, #tpu.memory_space<vmem>>[vector<16xi32>, vector<16xi32>, vector<16xi32>], vector<16xf32>,
      %mul3A_2305 = arith.constant 128 : i32
      %mul3A_2306 = arith.muli %sub3A_1672, %mul3A_2305 : i32
      %add3A_2307 = arith.constant 36 : i32
      %add3A_2308 = arith.addi %mul3A_2306, %add3A_2307 : i32
      %mul3A_2309 = arith.constant 16 : i32
      %mul3A_2310 = arith.muli %add3A_2308, %mul3A_2309 : i32
      %add3A_2311 = vector.broadcast %mul3A_2310 : i32 to vector<16xi32>
      %add3A_2312 = arith.addi %add3A_2311, %iota3A : vector<16xi32>
      tpu.vector_store_idx %arg8[%add3A_2312], %gather3A_2304 : memref<53248xf32, #tpu.memory_space<vmem>>[vector<16xi32>], vector<16xf32>,
      %broadcast_in_dim3A_2313 = vector.broadcast %rem3A_1674 : i32 to vector<16xi32>
      %broadcast_in_dim3A_2314 = arith.constant 37 : i32
      %broadcast_in_dim3A_2315 = vector.broadcast %broadcast_in_dim3A_2314 : i32 to vector<16xi32>
      %slice3A_2316 = vector.extract_strided_slice %mul3A_2232 {offsets = [5], sizes = [1], strides = [1]} : vector<16xi32> to vector<1xi32>
      %squeeze3A_2317 = vector.extract %slice3A_2316[0] : i32 from vector<1xi32>
      %add3A_2318 = vector.broadcast %squeeze3A_2317 : i32 to vector<16xi32>
      %add3A_2319 = arith.addi %add3A_2318, %iota3A : vector<16xi32>
      %gather3A_2320 = tpu.vector_load_idx %arg7[%broadcast_in_dim3A_2313, %broadcast_in_dim3A_2315, %add3A_2319] : memref<2x128x128xf32, #tpu.memory_space<vmem>>[vector<16xi32>, vector<16xi32>, vector<16xi32>], vector<16xf32>,
      %mul3A_2321 = arith.constant 128 : i32
      %mul3A_2322 = arith.muli %sub3A_1672, %mul3A_2321 : i32
      %add3A_2323 = arith.constant 37 : i32
      %add3A_2324 = arith.addi %mul3A_2322, %add3A_2323 : i32
      %mul3A_2325 = arith.constant 16 : i32
      %mul3A_2326 = arith.muli %add3A_2324, %mul3A_2325 : i32
      %add3A_2327 = vector.broadcast %mul3A_2326 : i32 to vector<16xi32>
      %add3A_2328 = arith.addi %add3A_2327, %iota3A : vector<16xi32>
      tpu.vector_store_idx %arg8[%add3A_2328], %gather3A_2320 : memref<53248xf32, #tpu.memory_space<vmem>>[vector<16xi32>], vector<16xf32>,
      %broadcast_in_dim3A_2329 = vector.broadcast %rem3A_1674 : i32 to vector<16xi32>
      %broadcast_in_dim3A_2330 = arith.constant 38 : i32
      %broadcast_in_dim3A_2331 = vector.broadcast %broadcast_in_dim3A_2330 : i32 to vector<16xi32>
      %slice3A_2332 = vector.extract_strided_slice %mul3A_2232 {offsets = [6], sizes = [1], strides = [1]} : vector<16xi32> to vector<1xi32>
      %squeeze3A_2333 = vector.extract %slice3A_2332[0] : i32 from vector<1xi32>
      %add3A_2334 = vector.broadcast %squeeze3A_2333 : i32 to vector<16xi32>
      %add3A_2335 = arith.addi %add3A_2334, %iota3A : vector<16xi32>
      %gather3A_2336 = tpu.vector_load_idx %arg7[%broadcast_in_dim3A_2329, %broadcast_in_dim3A_2331, %add3A_2335] : memref<2x128x128xf32, #tpu.memory_space<vmem>>[vector<16xi32>, vector<16xi32>, vector<16xi32>], vector<16xf32>,
      %mul3A_2337 = arith.constant 128 : i32
      %mul3A_2338 = arith.muli %sub3A_1672, %mul3A_2337 : i32
      %add3A_2339 = arith.constant 38 : i32
      %add3A_2340 = arith.addi %mul3A_2338, %add3A_2339 : i32
      %mul3A_2341 = arith.constant 16 : i32
      %mul3A_2342 = arith.muli %add3A_2340, %mul3A_2341 : i32
      %add3A_2343 = vector.broadcast %mul3A_2342 : i32 to vector<16xi32>
      %add3A_2344 = arith.addi %add3A_2343, %iota3A : vector<16xi32>
      tpu.vector_store_idx %arg8[%add3A_2344], %gather3A_2336 : memref<53248xf32, #tpu.memory_space<vmem>>[vector<16xi32>], vector<16xf32>,
      %broadcast_in_dim3A_2345 = vector.broadcast %rem3A_1674 : i32 to vector<16xi32>
      %broadcast_in_dim3A_2346 = arith.constant 39 : i32
      %broadcast_in_dim3A_2347 = vector.broadcast %broadcast_in_dim3A_2346 : i32 to vector<16xi32>
      %slice3A_2348 = vector.extract_strided_slice %mul3A_2232 {offsets = [7], sizes = [1], strides = [1]} : vector<16xi32> to vector<1xi32>
      %squeeze3A_2349 = vector.extract %slice3A_2348[0] : i32 from vector<1xi32>
      %add3A_2350 = vector.broadcast %squeeze3A_2349 : i32 to vector<16xi32>
      %add3A_2351 = arith.addi %add3A_2350, %iota3A : vector<16xi32>
      %gather3A_2352 = tpu.vector_load_idx %arg7[%broadcast_in_dim3A_2345, %broadcast_in_dim3A_2347, %add3A_2351] : memref<2x128x128xf32, #tpu.memory_space<vmem>>[vector<16xi32>, vector<16xi32>, vector<16xi32>], vector<16xf32>,
      %mul3A_2353 = arith.constant 128 : i32
      %mul3A_2354 = arith.muli %sub3A_1672, %mul3A_2353 : i32
      %add3A_2355 = arith.constant 39 : i32
      %add3A_2356 = arith.addi %mul3A_2354, %add3A_2355 : i32
      %mul3A_2357 = arith.constant 16 : i32
      %mul3A_2358 = arith.muli %add3A_2356, %mul3A_2357 : i32
      %add3A_2359 = vector.broadcast %mul3A_2358 : i32 to vector<16xi32>
      %add3A_2360 = arith.addi %add3A_2359, %iota3A : vector<16xi32>
      tpu.vector_store_idx %arg8[%add3A_2360], %gather3A_2352 : memref<53248xf32, #tpu.memory_space<vmem>>[vector<16xi32>], vector<16xf32>,
      %broadcast_in_dim3A_2361 = vector.broadcast %rem3A_1674 : i32 to vector<16xi32>
      %broadcast_in_dim3A_2362 = arith.constant 40 : i32
      %broadcast_in_dim3A_2363 = vector.broadcast %broadcast_in_dim3A_2362 : i32 to vector<16xi32>
      %slice3A_2364 = vector.extract_strided_slice %mul3A_2232 {offsets = [8], sizes = [1], strides = [1]} : vector<16xi32> to vector<1xi32>
      %squeeze3A_2365 = vector.extract %slice3A_2364[0] : i32 from vector<1xi32>
      %add3A_2366 = vector.broadcast %squeeze3A_2365 : i32 to vector<16xi32>
      %add3A_2367 = arith.addi %add3A_2366, %iota3A : vector<16xi32>
      %gather3A_2368 = tpu.vector_load_idx %arg7[%broadcast_in_dim3A_2361, %broadcast_in_dim3A_2363, %add3A_2367] : memref<2x128x128xf32, #tpu.memory_space<vmem>>[vector<16xi32>, vector<16xi32>, vector<16xi32>], vector<16xf32>,
      %mul3A_2369 = arith.constant 128 : i32
      %mul3A_2370 = arith.muli %sub3A_1672, %mul3A_2369 : i32
      %add3A_2371 = arith.constant 40 : i32
      %add3A_2372 = arith.addi %mul3A_2370, %add3A_2371 : i32
      %mul3A_2373 = arith.constant 16 : i32
      %mul3A_2374 = arith.muli %add3A_2372, %mul3A_2373 : i32
      %add3A_2375 = vector.broadcast %mul3A_2374 : i32 to vector<16xi32>
      %add3A_2376 = arith.addi %add3A_2375, %iota3A : vector<16xi32>
      tpu.vector_store_idx %arg8[%add3A_2376], %gather3A_2368 : memref<53248xf32, #tpu.memory_space<vmem>>[vector<16xi32>], vector<16xf32>,
      %broadcast_in_dim3A_2377 = vector.broadcast %rem3A_1674 : i32 to vector<16xi32>
      %broadcast_in_dim3A_2378 = arith.constant 41 : i32
      %broadcast_in_dim3A_2379 = vector.broadcast %broadcast_in_dim3A_2378 : i32 to vector<16xi32>
      %slice3A_2380 = vector.extract_strided_slice %mul3A_2232 {offsets = [9], sizes = [1], strides = [1]} : vector<16xi32> to vector<1xi32>
      %squeeze3A_2381 = vector.extract %slice3A_2380[0] : i32 from vector<1xi32>
      %add3A_2382 = vector.broadcast %squeeze3A_2381 : i32 to vector<16xi32>
      %add3A_2383 = arith.addi %add3A_2382, %iota3A : vector<16xi32>
      %gather3A_2384 = tpu.vector_load_idx %arg7[%broadcast_in_dim3A_2377, %broadcast_in_dim3A_2379, %add3A_2383] : memref<2x128x128xf32, #tpu.memory_space<vmem>>[vector<16xi32>, vector<16xi32>, vector<16xi32>], vector<16xf32>,
      %mul3A_2385 = arith.constant 128 : i32
      %mul3A_2386 = arith.muli %sub3A_1672, %mul3A_2385 : i32
      %add3A_2387 = arith.constant 41 : i32
      %add3A_2388 = arith.addi %mul3A_2386, %add3A_2387 : i32
      %mul3A_2389 = arith.constant 16 : i32
      %mul3A_2390 = arith.muli %add3A_2388, %mul3A_2389 : i32
      %add3A_2391 = vector.broadcast %mul3A_2390 : i32 to vector<16xi32>
      %add3A_2392 = arith.addi %add3A_2391, %iota3A : vector<16xi32>
      tpu.vector_store_idx %arg8[%add3A_2392], %gather3A_2384 : memref<53248xf32, #tpu.memory_space<vmem>>[vector<16xi32>], vector<16xf32>,
      %broadcast_in_dim3A_2393 = vector.broadcast %rem3A_1674 : i32 to vector<16xi32>
      %broadcast_in_dim3A_2394 = arith.constant 42 : i32
      %broadcast_in_dim3A_2395 = vector.broadcast %broadcast_in_dim3A_2394 : i32 to vector<16xi32>
      %slice3A_2396 = vector.extract_strided_slice %mul3A_2232 {offsets = [10], sizes = [1], strides = [1]} : vector<16xi32> to vector<1xi32>
      %squeeze3A_2397 = vector.extract %slice3A_2396[0] : i32 from vector<1xi32>
      %add3A_2398 = vector.broadcast %squeeze3A_2397 : i32 to vector<16xi32>
      %add3A_2399 = arith.addi %add3A_2398, %iota3A : vector<16xi32>
      %gather3A_2400 = tpu.vector_load_idx %arg7[%broadcast_in_dim3A_2393, %broadcast_in_dim3A_2395, %add3A_2399] : memref<2x128x128xf32, #tpu.memory_space<vmem>>[vector<16xi32>, vector<16xi32>, vector<16xi32>], vector<16xf32>,
      %mul3A_2401 = arith.constant 128 : i32
      %mul3A_2402 = arith.muli %sub3A_1672, %mul3A_2401 : i32
      %add3A_2403 = arith.constant 42 : i32
      %add3A_2404 = arith.addi %mul3A_2402, %add3A_2403 : i32
      %mul3A_2405 = arith.constant 16 : i32
      %mul3A_2406 = arith.muli %add3A_2404, %mul3A_2405 : i32
      %add3A_2407 = vector.broadcast %mul3A_2406 : i32 to vector<16xi32>
      %add3A_2408 = arith.addi %add3A_2407, %iota3A : vector<16xi32>
      tpu.vector_store_idx %arg8[%add3A_2408], %gather3A_2400 : memref<53248xf32, #tpu.memory_space<vmem>>[vector<16xi32>], vector<16xf32>,
      %broadcast_in_dim3A_2409 = vector.broadcast %rem3A_1674 : i32 to vector<16xi32>
      %broadcast_in_dim3A_2410 = arith.constant 43 : i32
      %broadcast_in_dim3A_2411 = vector.broadcast %broadcast_in_dim3A_2410 : i32 to vector<16xi32>
      %slice3A_2412 = vector.extract_strided_slice %mul3A_2232 {offsets = [11], sizes = [1], strides = [1]} : vector<16xi32> to vector<1xi32>
      %squeeze3A_2413 = vector.extract %slice3A_2412[0] : i32 from vector<1xi32>
      %add3A_2414 = vector.broadcast %squeeze3A_2413 : i32 to vector<16xi32>
      %add3A_2415 = arith.addi %add3A_2414, %iota3A : vector<16xi32>
      %gather3A_2416 = tpu.vector_load_idx %arg7[%broadcast_in_dim3A_2409, %broadcast_in_dim3A_2411, %add3A_2415] : memref<2x128x128xf32, #tpu.memory_space<vmem>>[vector<16xi32>, vector<16xi32>, vector<16xi32>], vector<16xf32>,
      %mul3A_2417 = arith.constant 128 : i32
      %mul3A_2418 = arith.muli %sub3A_1672, %mul3A_2417 : i32
      %add3A_2419 = arith.constant 43 : i32
      %add3A_2420 = arith.addi %mul3A_2418, %add3A_2419 : i32
      %mul3A_2421 = arith.constant 16 : i32
      %mul3A_2422 = arith.muli %add3A_2420, %mul3A_2421 : i32
      %add3A_2423 = vector.broadcast %mul3A_2422 : i32 to vector<16xi32>
      %add3A_2424 = arith.addi %add3A_2423, %iota3A : vector<16xi32>
      tpu.vector_store_idx %arg8[%add3A_2424], %gather3A_2416 : memref<53248xf32, #tpu.memory_space<vmem>>[vector<16xi32>], vector<16xf32>,
      %broadcast_in_dim3A_2425 = vector.broadcast %rem3A_1674 : i32 to vector<16xi32>
      %broadcast_in_dim3A_2426 = arith.constant 44 : i32
      %broadcast_in_dim3A_2427 = vector.broadcast %broadcast_in_dim3A_2426 : i32 to vector<16xi32>
      %slice3A_2428 = vector.extract_strided_slice %mul3A_2232 {offsets = [12], sizes = [1], strides = [1]} : vector<16xi32> to vector<1xi32>
      %squeeze3A_2429 = vector.extract %slice3A_2428[0] : i32 from vector<1xi32>
      %add3A_2430 = vector.broadcast %squeeze3A_2429 : i32 to vector<16xi32>
      %add3A_2431 = arith.addi %add3A_2430, %iota3A : vector<16xi32>
      %gather3A_2432 = tpu.vector_load_idx %arg7[%broadcast_in_dim3A_2425, %broadcast_in_dim3A_2427, %add3A_2431] : memref<2x128x128xf32, #tpu.memory_space<vmem>>[vector<16xi32>, vector<16xi32>, vector<16xi32>], vector<16xf32>,
      %mul3A_2433 = arith.constant 128 : i32
      %mul3A_2434 = arith.muli %sub3A_1672, %mul3A_2433 : i32
      %add3A_2435 = arith.constant 44 : i32
      %add3A_2436 = arith.addi %mul3A_2434, %add3A_2435 : i32
      %mul3A_2437 = arith.constant 16 : i32
      %mul3A_2438 = arith.muli %add3A_2436, %mul3A_2437 : i32
      %add3A_2439 = vector.broadcast %mul3A_2438 : i32 to vector<16xi32>
      %add3A_2440 = arith.addi %add3A_2439, %iota3A : vector<16xi32>
      tpu.vector_store_idx %arg8[%add3A_2440], %gather3A_2432 : memref<53248xf32, #tpu.memory_space<vmem>>[vector<16xi32>], vector<16xf32>,
      %broadcast_in_dim3A_2441 = vector.broadcast %rem3A_1674 : i32 to vector<16xi32>
      %broadcast_in_dim3A_2442 = arith.constant 45 : i32
      %broadcast_in_dim3A_2443 = vector.broadcast %broadcast_in_dim3A_2442 : i32 to vector<16xi32>
      %slice3A_2444 = vector.extract_strided_slice %mul3A_2232 {offsets = [13], sizes = [1], strides = [1]} : vector<16xi32> to vector<1xi32>
      %squeeze3A_2445 = vector.extract %slice3A_2444[0] : i32 from vector<1xi32>
      %add3A_2446 = vector.broadcast %squeeze3A_2445 : i32 to vector<16xi32>
      %add3A_2447 = arith.addi %add3A_2446, %iota3A : vector<16xi32>
      %gather3A_2448 = tpu.vector_load_idx %arg7[%broadcast_in_dim3A_2441, %broadcast_in_dim3A_2443, %add3A_2447] : memref<2x128x128xf32, #tpu.memory_space<vmem>>[vector<16xi32>, vector<16xi32>, vector<16xi32>], vector<16xf32>,
      %mul3A_2449 = arith.constant 128 : i32
      %mul3A_2450 = arith.muli %sub3A_1672, %mul3A_2449 : i32
      %add3A_2451 = arith.constant 45 : i32
      %add3A_2452 = arith.addi %mul3A_2450, %add3A_2451 : i32
      %mul3A_2453 = arith.constant 16 : i32
      %mul3A_2454 = arith.muli %add3A_2452, %mul3A_2453 : i32
      %add3A_2455 = vector.broadcast %mul3A_2454 : i32 to vector<16xi32>
      %add3A_2456 = arith.addi %add3A_2455, %iota3A : vector<16xi32>
      tpu.vector_store_idx %arg8[%add3A_2456], %gather3A_2448 : memref<53248xf32, #tpu.memory_space<vmem>>[vector<16xi32>], vector<16xf32>,
      %broadcast_in_dim3A_2457 = vector.broadcast %rem3A_1674 : i32 to vector<16xi32>
      %broadcast_in_dim3A_2458 = arith.constant 46 : i32
      %broadcast_in_dim3A_2459 = vector.broadcast %broadcast_in_dim3A_2458 : i32 to vector<16xi32>
      %slice3A_2460 = vector.extract_strided_slice %mul3A_2232 {offsets = [14], sizes = [1], strides = [1]} : vector<16xi32> to vector<1xi32>
      %squeeze3A_2461 = vector.extract %slice3A_2460[0] : i32 from vector<1xi32>
      %add3A_2462 = vector.broadcast %squeeze3A_2461 : i32 to vector<16xi32>
      %add3A_2463 = arith.addi %add3A_2462, %iota3A : vector<16xi32>
      %gather3A_2464 = tpu.vector_load_idx %arg7[%broadcast_in_dim3A_2457, %broadcast_in_dim3A_2459, %add3A_2463] : memref<2x128x128xf32, #tpu.memory_space<vmem>>[vector<16xi32>, vector<16xi32>, vector<16xi32>], vector<16xf32>,
      %mul3A_2465 = arith.constant 128 : i32
      %mul3A_2466 = arith.muli %sub3A_1672, %mul3A_2465 : i32
      %add3A_2467 = arith.constant 46 : i32
      %add3A_2468 = arith.addi %mul3A_2466, %add3A_2467 : i32
      %mul3A_2469 = arith.constant 16 : i32
      %mul3A_2470 = arith.muli %add3A_2468, %mul3A_2469 : i32
      %add3A_2471 = vector.broadcast %mul3A_2470 : i32 to vector<16xi32>
      %add3A_2472 = arith.addi %add3A_2471, %iota3A : vector<16xi32>
      tpu.vector_store_idx %arg8[%add3A_2472], %gather3A_2464 : memref<53248xf32, #tpu.memory_space<vmem>>[vector<16xi32>], vector<16xf32>,
      %broadcast_in_dim3A_2473 = vector.broadcast %rem3A_1674 : i32 to vector<16xi32>
      %broadcast_in_dim3A_2474 = arith.constant 47 : i32
      %broadcast_in_dim3A_2475 = vector.broadcast %broadcast_in_dim3A_2474 : i32 to vector<16xi32>
      %slice3A_2476 = vector.extract_strided_slice %mul3A_2232 {offsets = [15], sizes = [1], strides = [1]} : vector<16xi32> to vector<1xi32>
      %squeeze3A_2477 = vector.extract %slice3A_2476[0] : i32 from vector<1xi32>
      %add3A_2478 = vector.broadcast %squeeze3A_2477 : i32 to vector<16xi32>
      %add3A_2479 = arith.addi %add3A_2478, %iota3A : vector<16xi32>
      %gather3A_2480 = tpu.vector_load_idx %arg7[%broadcast_in_dim3A_2473, %broadcast_in_dim3A_2475, %add3A_2479] : memref<2x128x128xf32, #tpu.memory_space<vmem>>[vector<16xi32>, vector<16xi32>, vector<16xi32>], vector<16xf32>,
      %mul3A_2481 = arith.constant 128 : i32
      %mul3A_2482 = arith.muli %sub3A_1672, %mul3A_2481 : i32
      %add3A_2483 = arith.constant 47 : i32
      %add3A_2484 = arith.addi %mul3A_2482, %add3A_2483 : i32
      %mul3A_2485 = arith.constant 16 : i32
      %mul3A_2486 = arith.muli %add3A_2484, %mul3A_2485 : i32
      %add3A_2487 = vector.broadcast %mul3A_2486 : i32 to vector<16xi32>
      %add3A_2488 = arith.addi %add3A_2487, %iota3A : vector<16xi32>
      tpu.vector_store_idx %arg8[%add3A_2488], %gather3A_2480 : memref<53248xf32, #tpu.memory_space<vmem>>[vector<16xi32>], vector<16xf32>,
      %mul3A_2489 = arith.constant 128 : i32
      %mul3A_2490 = arith.muli %sub3A_1672, %mul3A_2489 : i32
      %add3A_2491 = arith.constant 48 : i32
      %add3A_2492 = arith.addi %mul3A_2490, %add3A_2491 : i32
      %get3A_2493 = arith.index_cast %add3A_2492 : i32 to index
      %get3A_2494 = tpu.vector_load %arg5[%get3A_2493] {strides = array<i32>} : memref<3328xi32, #tpu.memory_space<vmem>>, vector<16xi32>,
      %and3A_2495 = arith.constant 7 : i32
      %and3A_2496 = vector.broadcast %and3A_2495 : i32 to vector<16xi32>
      %and3A_2497 = arith.andi %get3A_2494, %and3A_2496 : vector<16xi32>
      %mul3A_2498 = arith.constant 16 : i32
      %mul3A_2499 = vector.broadcast %mul3A_2498 : i32 to vector<16xi32>
      %mul3A_2500 = arith.muli %and3A_2497, %mul3A_2499 : vector<16xi32>
      %broadcast_in_dim3A_2501 = vector.broadcast %rem3A_1674 : i32 to vector<16xi32>
      %broadcast_in_dim3A_2502 = arith.constant 48 : i32
      %broadcast_in_dim3A_2503 = vector.broadcast %broadcast_in_dim3A_2502 : i32 to vector<16xi32>
      %slice3A_2504 = vector.extract_strided_slice %mul3A_2500 {offsets = [0], sizes = [1], strides = [1]} : vector<16xi32> to vector<1xi32>
      %squeeze3A_2505 = vector.extract %slice3A_2504[0] : i32 from vector<1xi32>
      %add3A_2506 = vector.broadcast %squeeze3A_2505 : i32 to vector<16xi32>
      %add3A_2507 = arith.addi %add3A_2506, %iota3A : vector<16xi32>
      %gather3A_2508 = tpu.vector_load_idx %arg7[%broadcast_in_dim3A_2501, %broadcast_in_dim3A_2503, %add3A_2507] : memref<2x128x128xf32, #tpu.memory_space<vmem>>[vector<16xi32>, vector<16xi32>, vector<16xi32>], vector<16xf32>,
      %mul3A_2509 = arith.constant 128 : i32
      %mul3A_2510 = arith.muli %sub3A_1672, %mul3A_2509 : i32
      %add3A_2511 = arith.constant 48 : i32
      %add3A_2512 = arith.addi %mul3A_2510, %add3A_2511 : i32
      %mul3A_2513 = arith.constant 16 : i32
      %mul3A_2514 = arith.muli %add3A_2512, %mul3A_2513 : i32
      %add3A_2515 = vector.broadcast %mul3A_2514 : i32 to vector<16xi32>
      %add3A_2516 = arith.addi %add3A_2515, %iota3A : vector<16xi32>
      tpu.vector_store_idx %arg8[%add3A_2516], %gather3A_2508 : memref<53248xf32, #tpu.memory_space<vmem>>[vector<16xi32>], vector<16xf32>,
      %broadcast_in_dim3A_2517 = vector.broadcast %rem3A_1674 : i32 to vector<16xi32>
      %broadcast_in_dim3A_2518 = arith.constant 49 : i32
      %broadcast_in_dim3A_2519 = vector.broadcast %broadcast_in_dim3A_2518 : i32 to vector<16xi32>
      %slice3A_2520 = vector.extract_strided_slice %mul3A_2500 {offsets = [1], sizes = [1], strides = [1]} : vector<16xi32> to vector<1xi32>
      %squeeze3A_2521 = vector.extract %slice3A_2520[0] : i32 from vector<1xi32>
      %add3A_2522 = vector.broadcast %squeeze3A_2521 : i32 to vector<16xi32>
      %add3A_2523 = arith.addi %add3A_2522, %iota3A : vector<16xi32>
      %gather3A_2524 = tpu.vector_load_idx %arg7[%broadcast_in_dim3A_2517, %broadcast_in_dim3A_2519, %add3A_2523] : memref<2x128x128xf32, #tpu.memory_space<vmem>>[vector<16xi32>, vector<16xi32>, vector<16xi32>], vector<16xf32>,
      %mul3A_2525 = arith.constant 128 : i32
      %mul3A_2526 = arith.muli %sub3A_1672, %mul3A_2525 : i32
      %add3A_2527 = arith.constant 49 : i32
      %add3A_2528 = arith.addi %mul3A_2526, %add3A_2527 : i32
      %mul3A_2529 = arith.constant 16 : i32
      %mul3A_2530 = arith.muli %add3A_2528, %mul3A_2529 : i32
      %add3A_2531 = vector.broadcast %mul3A_2530 : i32 to vector<16xi32>
      %add3A_2532 = arith.addi %add3A_2531, %iota3A : vector<16xi32>
      tpu.vector_store_idx %arg8[%add3A_2532], %gather3A_2524 : memref<53248xf32, #tpu.memory_space<vmem>>[vector<16xi32>], vector<16xf32>,
      %broadcast_in_dim3A_2533 = vector.broadcast %rem3A_1674 : i32 to vector<16xi32>
      %broadcast_in_dim3A_2534 = arith.constant 50 : i32
      %broadcast_in_dim3A_2535 = vector.broadcast %broadcast_in_dim3A_2534 : i32 to vector<16xi32>
      %slice3A_2536 = vector.extract_strided_slice %mul3A_2500 {offsets = [2], sizes = [1], strides = [1]} : vector<16xi32> to vector<1xi32>
      %squeeze3A_2537 = vector.extract %slice3A_2536[0] : i32 from vector<1xi32>
      %add3A_2538 = vector.broadcast %squeeze3A_2537 : i32 to vector<16xi32>
      %add3A_2539 = arith.addi %add3A_2538, %iota3A : vector<16xi32>
      %gather3A_2540 = tpu.vector_load_idx %arg7[%broadcast_in_dim3A_2533, %broadcast_in_dim3A_2535, %add3A_2539] : memref<2x128x128xf32, #tpu.memory_space<vmem>>[vector<16xi32>, vector<16xi32>, vector<16xi32>], vector<16xf32>,
      %mul3A_2541 = arith.constant 128 : i32
      %mul3A_2542 = arith.muli %sub3A_1672, %mul3A_2541 : i32
      %add3A_2543 = arith.constant 50 : i32
      %add3A_2544 = arith.addi %mul3A_2542, %add3A_2543 : i32
      %mul3A_2545 = arith.constant 16 : i32
      %mul3A_2546 = arith.muli %add3A_2544, %mul3A_2545 : i32
      %add3A_2547 = vector.broadcast %mul3A_2546 : i32 to vector<16xi32>
      %add3A_2548 = arith.addi %add3A_2547, %iota3A : vector<16xi32>
      tpu.vector_store_idx %arg8[%add3A_2548], %gather3A_2540 : memref<53248xf32, #tpu.memory_space<vmem>>[vector<16xi32>], vector<16xf32>,
      %broadcast_in_dim3A_2549 = vector.broadcast %rem3A_1674 : i32 to vector<16xi32>
      %broadcast_in_dim3A_2550 = arith.constant 51 : i32
      %broadcast_in_dim3A_2551 = vector.broadcast %broadcast_in_dim3A_2550 : i32 to vector<16xi32>
      %slice3A_2552 = vector.extract_strided_slice %mul3A_2500 {offsets = [3], sizes = [1], strides = [1]} : vector<16xi32> to vector<1xi32>
      %squeeze3A_2553 = vector.extract %slice3A_2552[0] : i32 from vector<1xi32>
      %add3A_2554 = vector.broadcast %squeeze3A_2553 : i32 to vector<16xi32>
      %add3A_2555 = arith.addi %add3A_2554, %iota3A : vector<16xi32>
      %gather3A_2556 = tpu.vector_load_idx %arg7[%broadcast_in_dim3A_2549, %broadcast_in_dim3A_2551, %add3A_2555] : memref<2x128x128xf32, #tpu.memory_space<vmem>>[vector<16xi32>, vector<16xi32>, vector<16xi32>], vector<16xf32>,
      %mul3A_2557 = arith.constant 128 : i32
      %mul3A_2558 = arith.muli %sub3A_1672, %mul3A_2557 : i32
      %add3A_2559 = arith.constant 51 : i32
      %add3A_2560 = arith.addi %mul3A_2558, %add3A_2559 : i32
      %mul3A_2561 = arith.constant 16 : i32
      %mul3A_2562 = arith.muli %add3A_2560, %mul3A_2561 : i32
      %add3A_2563 = vector.broadcast %mul3A_2562 : i32 to vector<16xi32>
      %add3A_2564 = arith.addi %add3A_2563, %iota3A : vector<16xi32>
      tpu.vector_store_idx %arg8[%add3A_2564], %gather3A_2556 : memref<53248xf32, #tpu.memory_space<vmem>>[vector<16xi32>], vector<16xf32>,
      %broadcast_in_dim3A_2565 = vector.broadcast %rem3A_1674 : i32 to vector<16xi32>
      %broadcast_in_dim3A_2566 = arith.constant 52 : i32
      %broadcast_in_dim3A_2567 = vector.broadcast %broadcast_in_dim3A_2566 : i32 to vector<16xi32>
      %slice3A_2568 = vector.extract_strided_slice %mul3A_2500 {offsets = [4], sizes = [1], strides = [1]} : vector<16xi32> to vector<1xi32>
      %squeeze3A_2569 = vector.extract %slice3A_2568[0] : i32 from vector<1xi32>
      %add3A_2570 = vector.broadcast %squeeze3A_2569 : i32 to vector<16xi32>
      %add3A_2571 = arith.addi %add3A_2570, %iota3A : vector<16xi32>
      %gather3A_2572 = tpu.vector_load_idx %arg7[%broadcast_in_dim3A_2565, %broadcast_in_dim3A_2567, %add3A_2571] : memref<2x128x128xf32, #tpu.memory_space<vmem>>[vector<16xi32>, vector<16xi32>, vector<16xi32>], vector<16xf32>,
      %mul3A_2573 = arith.constant 128 : i32
      %mul3A_2574 = arith.muli %sub3A_1672, %mul3A_2573 : i32
      %add3A_2575 = arith.constant 52 : i32
      %add3A_2576 = arith.addi %mul3A_2574, %add3A_2575 : i32
      %mul3A_2577 = arith.constant 16 : i32
      %mul3A_2578 = arith.muli %add3A_2576, %mul3A_2577 : i32
      %add3A_2579 = vector.broadcast %mul3A_2578 : i32 to vector<16xi32>
      %add3A_2580 = arith.addi %add3A_2579, %iota3A : vector<16xi32>
      tpu.vector_store_idx %arg8[%add3A_2580], %gather3A_2572 : memref<53248xf32, #tpu.memory_space<vmem>>[vector<16xi32>], vector<16xf32>,
      %broadcast_in_dim3A_2581 = vector.broadcast %rem3A_1674 : i32 to vector<16xi32>
      %broadcast_in_dim3A_2582 = arith.constant 53 : i32
      %broadcast_in_dim3A_2583 = vector.broadcast %broadcast_in_dim3A_2582 : i32 to vector<16xi32>
      %slice3A_2584 = vector.extract_strided_slice %mul3A_2500 {offsets = [5], sizes = [1], strides = [1]} : vector<16xi32> to vector<1xi32>
      %squeeze3A_2585 = vector.extract %slice3A_2584[0] : i32 from vector<1xi32>
      %add3A_2586 = vector.broadcast %squeeze3A_2585 : i32 to vector<16xi32>
      %add3A_2587 = arith.addi %add3A_2586, %iota3A : vector<16xi32>
      %gather3A_2588 = tpu.vector_load_idx %arg7[%broadcast_in_dim3A_2581, %broadcast_in_dim3A_2583, %add3A_2587] : memref<2x128x128xf32, #tpu.memory_space<vmem>>[vector<16xi32>, vector<16xi32>, vector<16xi32>], vector<16xf32>,
      %mul3A_2589 = arith.constant 128 : i32
      %mul3A_2590 = arith.muli %sub3A_1672, %mul3A_2589 : i32
      %add3A_2591 = arith.constant 53 : i32
      %add3A_2592 = arith.addi %mul3A_2590, %add3A_2591 : i32
      %mul3A_2593 = arith.constant 16 : i32
      %mul3A_2594 = arith.muli %add3A_2592, %mul3A_2593 : i32
      %add3A_2595 = vector.broadcast %mul3A_2594 : i32 to vector<16xi32>
      %add3A_2596 = arith.addi %add3A_2595, %iota3A : vector<16xi32>
      tpu.vector_store_idx %arg8[%add3A_2596], %gather3A_2588 : memref<53248xf32, #tpu.memory_space<vmem>>[vector<16xi32>], vector<16xf32>,
      %broadcast_in_dim3A_2597 = vector.broadcast %rem3A_1674 : i32 to vector<16xi32>
      %broadcast_in_dim3A_2598 = arith.constant 54 : i32
      %broadcast_in_dim3A_2599 = vector.broadcast %broadcast_in_dim3A_2598 : i32 to vector<16xi32>
      %slice3A_2600 = vector.extract_strided_slice %mul3A_2500 {offsets = [6], sizes = [1], strides = [1]} : vector<16xi32> to vector<1xi32>
      %squeeze3A_2601 = vector.extract %slice3A_2600[0] : i32 from vector<1xi32>
      %add3A_2602 = vector.broadcast %squeeze3A_2601 : i32 to vector<16xi32>
      %add3A_2603 = arith.addi %add3A_2602, %iota3A : vector<16xi32>
      %gather3A_2604 = tpu.vector_load_idx %arg7[%broadcast_in_dim3A_2597, %broadcast_in_dim3A_2599, %add3A_2603] : memref<2x128x128xf32, #tpu.memory_space<vmem>>[vector<16xi32>, vector<16xi32>, vector<16xi32>], vector<16xf32>,
      %mul3A_2605 = arith.constant 128 : i32
      %mul3A_2606 = arith.muli %sub3A_1672, %mul3A_2605 : i32
      %add3A_2607 = arith.constant 54 : i32
      %add3A_2608 = arith.addi %mul3A_2606, %add3A_2607 : i32
      %mul3A_2609 = arith.constant 16 : i32
      %mul3A_2610 = arith.muli %add3A_2608, %mul3A_2609 : i32
      %add3A_2611 = vector.broadcast %mul3A_2610 : i32 to vector<16xi32>
      %add3A_2612 = arith.addi %add3A_2611, %iota3A : vector<16xi32>
      tpu.vector_store_idx %arg8[%add3A_2612], %gather3A_2604 : memref<53248xf32, #tpu.memory_space<vmem>>[vector<16xi32>], vector<16xf32>,
      %broadcast_in_dim3A_2613 = vector.broadcast %rem3A_1674 : i32 to vector<16xi32>
      %broadcast_in_dim3A_2614 = arith.constant 55 : i32
      %broadcast_in_dim3A_2615 = vector.broadcast %broadcast_in_dim3A_2614 : i32 to vector<16xi32>
      %slice3A_2616 = vector.extract_strided_slice %mul3A_2500 {offsets = [7], sizes = [1], strides = [1]} : vector<16xi32> to vector<1xi32>
      %squeeze3A_2617 = vector.extract %slice3A_2616[0] : i32 from vector<1xi32>
      %add3A_2618 = vector.broadcast %squeeze3A_2617 : i32 to vector<16xi32>
      %add3A_2619 = arith.addi %add3A_2618, %iota3A : vector<16xi32>
      %gather3A_2620 = tpu.vector_load_idx %arg7[%broadcast_in_dim3A_2613, %broadcast_in_dim3A_2615, %add3A_2619] : memref<2x128x128xf32, #tpu.memory_space<vmem>>[vector<16xi32>, vector<16xi32>, vector<16xi32>], vector<16xf32>,
      %mul3A_2621 = arith.constant 128 : i32
      %mul3A_2622 = arith.muli %sub3A_1672, %mul3A_2621 : i32
      %add3A_2623 = arith.constant 55 : i32
      %add3A_2624 = arith.addi %mul3A_2622, %add3A_2623 : i32
      %mul3A_2625 = arith.constant 16 : i32
      %mul3A_2626 = arith.muli %add3A_2624, %mul3A_2625 : i32
      %add3A_2627 = vector.broadcast %mul3A_2626 : i32 to vector<16xi32>
      %add3A_2628 = arith.addi %add3A_2627, %iota3A : vector<16xi32>
      tpu.vector_store_idx %arg8[%add3A_2628], %gather3A_2620 : memref<53248xf32, #tpu.memory_space<vmem>>[vector<16xi32>], vector<16xf32>,
      %broadcast_in_dim3A_2629 = vector.broadcast %rem3A_1674 : i32 to vector<16xi32>
      %broadcast_in_dim3A_2630 = arith.constant 56 : i32
      %broadcast_in_dim3A_2631 = vector.broadcast %broadcast_in_dim3A_2630 : i32 to vector<16xi32>
      %slice3A_2632 = vector.extract_strided_slice %mul3A_2500 {offsets = [8], sizes = [1], strides = [1]} : vector<16xi32> to vector<1xi32>
      %squeeze3A_2633 = vector.extract %slice3A_2632[0] : i32 from vector<1xi32>
      %add3A_2634 = vector.broadcast %squeeze3A_2633 : i32 to vector<16xi32>
      %add3A_2635 = arith.addi %add3A_2634, %iota3A : vector<16xi32>
      %gather3A_2636 = tpu.vector_load_idx %arg7[%broadcast_in_dim3A_2629, %broadcast_in_dim3A_2631, %add3A_2635] : memref<2x128x128xf32, #tpu.memory_space<vmem>>[vector<16xi32>, vector<16xi32>, vector<16xi32>], vector<16xf32>,
      %mul3A_2637 = arith.constant 128 : i32
      %mul3A_2638 = arith.muli %sub3A_1672, %mul3A_2637 : i32
      %add3A_2639 = arith.constant 56 : i32
      %add3A_2640 = arith.addi %mul3A_2638, %add3A_2639 : i32
      %mul3A_2641 = arith.constant 16 : i32
      %mul3A_2642 = arith.muli %add3A_2640, %mul3A_2641 : i32
      %add3A_2643 = vector.broadcast %mul3A_2642 : i32 to vector<16xi32>
      %add3A_2644 = arith.addi %add3A_2643, %iota3A : vector<16xi32>
      tpu.vector_store_idx %arg8[%add3A_2644], %gather3A_2636 : memref<53248xf32, #tpu.memory_space<vmem>>[vector<16xi32>], vector<16xf32>,
      %broadcast_in_dim3A_2645 = vector.broadcast %rem3A_1674 : i32 to vector<16xi32>
      %broadcast_in_dim3A_2646 = arith.constant 57 : i32
      %broadcast_in_dim3A_2647 = vector.broadcast %broadcast_in_dim3A_2646 : i32 to vector<16xi32>
      %slice3A_2648 = vector.extract_strided_slice %mul3A_2500 {offsets = [9], sizes = [1], strides = [1]} : vector<16xi32> to vector<1xi32>
      %squeeze3A_2649 = vector.extract %slice3A_2648[0] : i32 from vector<1xi32>
      %add3A_2650 = vector.broadcast %squeeze3A_2649 : i32 to vector<16xi32>
      %add3A_2651 = arith.addi %add3A_2650, %iota3A : vector<16xi32>
      %gather3A_2652 = tpu.vector_load_idx %arg7[%broadcast_in_dim3A_2645, %broadcast_in_dim3A_2647, %add3A_2651] : memref<2x128x128xf32, #tpu.memory_space<vmem>>[vector<16xi32>, vector<16xi32>, vector<16xi32>], vector<16xf32>,
      %mul3A_2653 = arith.constant 128 : i32
      %mul3A_2654 = arith.muli %sub3A_1672, %mul3A_2653 : i32
      %add3A_2655 = arith.constant 57 : i32
      %add3A_2656 = arith.addi %mul3A_2654, %add3A_2655 : i32
      %mul3A_2657 = arith.constant 16 : i32
      %mul3A_2658 = arith.muli %add3A_2656, %mul3A_2657 : i32
      %add3A_2659 = vector.broadcast %mul3A_2658 : i32 to vector<16xi32>
      %add3A_2660 = arith.addi %add3A_2659, %iota3A : vector<16xi32>
      tpu.vector_store_idx %arg8[%add3A_2660], %gather3A_2652 : memref<53248xf32, #tpu.memory_space<vmem>>[vector<16xi32>], vector<16xf32>,
      %broadcast_in_dim3A_2661 = vector.broadcast %rem3A_1674 : i32 to vector<16xi32>
      %broadcast_in_dim3A_2662 = arith.constant 58 : i32
      %broadcast_in_dim3A_2663 = vector.broadcast %broadcast_in_dim3A_2662 : i32 to vector<16xi32>
      %slice3A_2664 = vector.extract_strided_slice %mul3A_2500 {offsets = [10], sizes = [1], strides = [1]} : vector<16xi32> to vector<1xi32>
      %squeeze3A_2665 = vector.extract %slice3A_2664[0] : i32 from vector<1xi32>
      %add3A_2666 = vector.broadcast %squeeze3A_2665 : i32 to vector<16xi32>
      %add3A_2667 = arith.addi %add3A_2666, %iota3A : vector<16xi32>
      %gather3A_2668 = tpu.vector_load_idx %arg7[%broadcast_in_dim3A_2661, %broadcast_in_dim3A_2663, %add3A_2667] : memref<2x128x128xf32, #tpu.memory_space<vmem>>[vector<16xi32>, vector<16xi32>, vector<16xi32>], vector<16xf32>,
      %mul3A_2669 = arith.constant 128 : i32
      %mul3A_2670 = arith.muli %sub3A_1672, %mul3A_2669 : i32
      %add3A_2671 = arith.constant 58 : i32
      %add3A_2672 = arith.addi %mul3A_2670, %add3A_2671 : i32
      %mul3A_2673 = arith.constant 16 : i32
      %mul3A_2674 = arith.muli %add3A_2672, %mul3A_2673 : i32
      %add3A_2675 = vector.broadcast %mul3A_2674 : i32 to vector<16xi32>
      %add3A_2676 = arith.addi %add3A_2675, %iota3A : vector<16xi32>
      tpu.vector_store_idx %arg8[%add3A_2676], %gather3A_2668 : memref<53248xf32, #tpu.memory_space<vmem>>[vector<16xi32>], vector<16xf32>,
      %broadcast_in_dim3A_2677 = vector.broadcast %rem3A_1674 : i32 to vector<16xi32>
      %broadcast_in_dim3A_2678 = arith.constant 59 : i32
      %broadcast_in_dim3A_2679 = vector.broadcast %broadcast_in_dim3A_2678 : i32 to vector<16xi32>
      %slice3A_2680 = vector.extract_strided_slice %mul3A_2500 {offsets = [11], sizes = [1], strides = [1]} : vector<16xi32> to vector<1xi32>
      %squeeze3A_2681 = vector.extract %slice3A_2680[0] : i32 from vector<1xi32>
      %add3A_2682 = vector.broadcast %squeeze3A_2681 : i32 to vector<16xi32>
      %add3A_2683 = arith.addi %add3A_2682, %iota3A : vector<16xi32>
      %gather3A_2684 = tpu.vector_load_idx %arg7[%broadcast_in_dim3A_2677, %broadcast_in_dim3A_2679, %add3A_2683] : memref<2x128x128xf32, #tpu.memory_space<vmem>>[vector<16xi32>, vector<16xi32>, vector<16xi32>], vector<16xf32>,
      %mul3A_2685 = arith.constant 128 : i32
      %mul3A_2686 = arith.muli %sub3A_1672, %mul3A_2685 : i32
      %add3A_2687 = arith.constant 59 : i32
      %add3A_2688 = arith.addi %mul3A_2686, %add3A_2687 : i32
      %mul3A_2689 = arith.constant 16 : i32
      %mul3A_2690 = arith.muli %add3A_2688, %mul3A_2689 : i32
      %add3A_2691 = vector.broadcast %mul3A_2690 : i32 to vector<16xi32>
      %add3A_2692 = arith.addi %add3A_2691, %iota3A : vector<16xi32>
      tpu.vector_store_idx %arg8[%add3A_2692], %gather3A_2684 : memref<53248xf32, #tpu.memory_space<vmem>>[vector<16xi32>], vector<16xf32>,
      %broadcast_in_dim3A_2693 = vector.broadcast %rem3A_1674 : i32 to vector<16xi32>
      %broadcast_in_dim3A_2694 = arith.constant 60 : i32
      %broadcast_in_dim3A_2695 = vector.broadcast %broadcast_in_dim3A_2694 : i32 to vector<16xi32>
      %slice3A_2696 = vector.extract_strided_slice %mul3A_2500 {offsets = [12], sizes = [1], strides = [1]} : vector<16xi32> to vector<1xi32>
      %squeeze3A_2697 = vector.extract %slice3A_2696[0] : i32 from vector<1xi32>
      %add3A_2698 = vector.broadcast %squeeze3A_2697 : i32 to vector<16xi32>
      %add3A_2699 = arith.addi %add3A_2698, %iota3A : vector<16xi32>
      %gather3A_2700 = tpu.vector_load_idx %arg7[%broadcast_in_dim3A_2693, %broadcast_in_dim3A_2695, %add3A_2699] : memref<2x128x128xf32, #tpu.memory_space<vmem>>[vector<16xi32>, vector<16xi32>, vector<16xi32>], vector<16xf32>,
      %mul3A_2701 = arith.constant 128 : i32
      %mul3A_2702 = arith.muli %sub3A_1672, %mul3A_2701 : i32
      %add3A_2703 = arith.constant 60 : i32
      %add3A_2704 = arith.addi %mul3A_2702, %add3A_2703 : i32
      %mul3A_2705 = arith.constant 16 : i32
      %mul3A_2706 = arith.muli %add3A_2704, %mul3A_2705 : i32
      %add3A_2707 = vector.broadcast %mul3A_2706 : i32 to vector<16xi32>
      %add3A_2708 = arith.addi %add3A_2707, %iota3A : vector<16xi32>
      tpu.vector_store_idx %arg8[%add3A_2708], %gather3A_2700 : memref<53248xf32, #tpu.memory_space<vmem>>[vector<16xi32>], vector<16xf32>,
      %broadcast_in_dim3A_2709 = vector.broadcast %rem3A_1674 : i32 to vector<16xi32>
      %broadcast_in_dim3A_2710 = arith.constant 61 : i32
      %broadcast_in_dim3A_2711 = vector.broadcast %broadcast_in_dim3A_2710 : i32 to vector<16xi32>
      %slice3A_2712 = vector.extract_strided_slice %mul3A_2500 {offsets = [13], sizes = [1], strides = [1]} : vector<16xi32> to vector<1xi32>
      %squeeze3A_2713 = vector.extract %slice3A_2712[0] : i32 from vector<1xi32>
      %add3A_2714 = vector.broadcast %squeeze3A_2713 : i32 to vector<16xi32>
      %add3A_2715 = arith.addi %add3A_2714, %iota3A : vector<16xi32>
      %gather3A_2716 = tpu.vector_load_idx %arg7[%broadcast_in_dim3A_2709, %broadcast_in_dim3A_2711, %add3A_2715] : memref<2x128x128xf32, #tpu.memory_space<vmem>>[vector<16xi32>, vector<16xi32>, vector<16xi32>], vector<16xf32>,
      %mul3A_2717 = arith.constant 128 : i32
      %mul3A_2718 = arith.muli %sub3A_1672, %mul3A_2717 : i32
      %add3A_2719 = arith.constant 61 : i32
      %add3A_2720 = arith.addi %mul3A_2718, %add3A_2719 : i32
      %mul3A_2721 = arith.constant 16 : i32
      %mul3A_2722 = arith.muli %add3A_2720, %mul3A_2721 : i32
      %add3A_2723 = vector.broadcast %mul3A_2722 : i32 to vector<16xi32>
      %add3A_2724 = arith.addi %add3A_2723, %iota3A : vector<16xi32>
      tpu.vector_store_idx %arg8[%add3A_2724], %gather3A_2716 : memref<53248xf32, #tpu.memory_space<vmem>>[vector<16xi32>], vector<16xf32>,
      %broadcast_in_dim3A_2725 = vector.broadcast %rem3A_1674 : i32 to vector<16xi32>
      %broadcast_in_dim3A_2726 = arith.constant 62 : i32
      %broadcast_in_dim3A_2727 = vector.broadcast %broadcast_in_dim3A_2726 : i32 to vector<16xi32>
      %slice3A_2728 = vector.extract_strided_slice %mul3A_2500 {offsets = [14], sizes = [1], strides = [1]} : vector<16xi32> to vector<1xi32>
      %squeeze3A_2729 = vector.extract %slice3A_2728[0] : i32 from vector<1xi32>
      %add3A_2730 = vector.broadcast %squeeze3A_2729 : i32 to vector<16xi32>
      %add3A_2731 = arith.addi %add3A_2730, %iota3A : vector<16xi32>
      %gather3A_2732 = tpu.vector_load_idx %arg7[%broadcast_in_dim3A_2725, %broadcast_in_dim3A_2727, %add3A_2731] : memref<2x128x128xf32, #tpu.memory_space<vmem>>[vector<16xi32>, vector<16xi32>, vector<16xi32>], vector<16xf32>,
      %mul3A_2733 = arith.constant 128 : i32
      %mul3A_2734 = arith.muli %sub3A_1672, %mul3A_2733 : i32
      %add3A_2735 = arith.constant 62 : i32
      %add3A_2736 = arith.addi %mul3A_2734, %add3A_2735 : i32
      %mul3A_2737 = arith.constant 16 : i32
      %mul3A_2738 = arith.muli %add3A_2736, %mul3A_2737 : i32
      %add3A_2739 = vector.broadcast %mul3A_2738 : i32 to vector<16xi32>
      %add3A_2740 = arith.addi %add3A_2739, %iota3A : vector<16xi32>
      tpu.vector_store_idx %arg8[%add3A_2740], %gather3A_2732 : memref<53248xf32, #tpu.memory_space<vmem>>[vector<16xi32>], vector<16xf32>,
      %broadcast_in_dim3A_2741 = vector.broadcast %rem3A_1674 : i32 to vector<16xi32>
      %broadcast_in_dim3A_2742 = arith.constant 63 : i32
      %broadcast_in_dim3A_2743 = vector.broadcast %broadcast_in_dim3A_2742 : i32 to vector<16xi32>
      %slice3A_2744 = vector.extract_strided_slice %mul3A_2500 {offsets = [15], sizes = [1], strides = [1]} : vector<16xi32> to vector<1xi32>
      %squeeze3A_2745 = vector.extract %slice3A_2744[0] : i32 from vector<1xi32>
      %add3A_2746 = vector.broadcast %squeeze3A_2745 : i32 to vector<16xi32>
      %add3A_2747 = arith.addi %add3A_2746, %iota3A : vector<16xi32>
      %gather3A_2748 = tpu.vector_load_idx %arg7[%broadcast_in_dim3A_2741, %broadcast_in_dim3A_2743, %add3A_2747] : memref<2x128x128xf32, #tpu.memory_space<vmem>>[vector<16xi32>, vector<16xi32>, vector<16xi32>], vector<16xf32>,
      %mul3A_2749 = arith.constant 128 : i32
      %mul3A_2750 = arith.muli %sub3A_1672, %mul3A_2749 : i32
      %add3A_2751 = arith.constant 63 : i32
      %add3A_2752 = arith.addi %mul3A_2750, %add3A_2751 : i32
      %mul3A_2753 = arith.constant 16 : i32
      %mul3A_2754 = arith.muli %add3A_2752, %mul3A_2753 : i32
      %add3A_2755 = vector.broadcast %mul3A_2754 : i32 to vector<16xi32>
      %add3A_2756 = arith.addi %add3A_2755, %iota3A : vector<16xi32>
      tpu.vector_store_idx %arg8[%add3A_2756], %gather3A_2748 : memref<53248xf32, #tpu.memory_space<vmem>>[vector<16xi32>], vector<16xf32>,
      %mul3A_2757 = arith.constant 128 : i32
      %mul3A_2758 = arith.muli %sub3A_1672, %mul3A_2757 : i32
      %add3A_2759 = arith.constant 64 : i32
      %add3A_2760 = arith.addi %mul3A_2758, %add3A_2759 : i32
      %get3A_2761 = arith.index_cast %add3A_2760 : i32 to index
      %get3A_2762 = tpu.vector_load %arg5[%get3A_2761] {strides = array<i32>} : memref<3328xi32, #tpu.memory_space<vmem>>, vector<16xi32>,
      %and3A_2763 = arith.constant 7 : i32
      %and3A_2764 = vector.broadcast %and3A_2763 : i32 to vector<16xi32>
      %and3A_2765 = arith.andi %get3A_2762, %and3A_2764 : vector<16xi32>
      %mul3A_2766 = arith.constant 16 : i32
      %mul3A_2767 = vector.broadcast %mul3A_2766 : i32 to vector<16xi32>
      %mul3A_2768 = arith.muli %and3A_2765, %mul3A_2767 : vector<16xi32>
      %broadcast_in_dim3A_2769 = vector.broadcast %rem3A_1674 : i32 to vector<16xi32>
      %broadcast_in_dim3A_2770 = arith.constant 64 : i32
      %broadcast_in_dim3A_2771 = vector.broadcast %broadcast_in_dim3A_2770 : i32 to vector<16xi32>
      %slice3A_2772 = vector.extract_strided_slice %mul3A_2768 {offsets = [0], sizes = [1], strides = [1]} : vector<16xi32> to vector<1xi32>
      %squeeze3A_2773 = vector.extract %slice3A_2772[0] : i32 from vector<1xi32>
      %add3A_2774 = vector.broadcast %squeeze3A_2773 : i32 to vector<16xi32>
      %add3A_2775 = arith.addi %add3A_2774, %iota3A : vector<16xi32>
      %gather3A_2776 = tpu.vector_load_idx %arg7[%broadcast_in_dim3A_2769, %broadcast_in_dim3A_2771, %add3A_2775] : memref<2x128x128xf32, #tpu.memory_space<vmem>>[vector<16xi32>, vector<16xi32>, vector<16xi32>], vector<16xf32>,
      %mul3A_2777 = arith.constant 128 : i32
      %mul3A_2778 = arith.muli %sub3A_1672, %mul3A_2777 : i32
      %add3A_2779 = arith.constant 64 : i32
      %add3A_2780 = arith.addi %mul3A_2778, %add3A_2779 : i32
      %mul3A_2781 = arith.constant 16 : i32
      %mul3A_2782 = arith.muli %add3A_2780, %mul3A_2781 : i32
      %add3A_2783 = vector.broadcast %mul3A_2782 : i32 to vector<16xi32>
      %add3A_2784 = arith.addi %add3A_2783, %iota3A : vector<16xi32>
      tpu.vector_store_idx %arg8[%add3A_2784], %gather3A_2776 : memref<53248xf32, #tpu.memory_space<vmem>>[vector<16xi32>], vector<16xf32>,
      %broadcast_in_dim3A_2785 = vector.broadcast %rem3A_1674 : i32 to vector<16xi32>
      %broadcast_in_dim3A_2786 = arith.constant 65 : i32
      %broadcast_in_dim3A_2787 = vector.broadcast %broadcast_in_dim3A_2786 : i32 to vector<16xi32>
      %slice3A_2788 = vector.extract_strided_slice %mul3A_2768 {offsets = [1], sizes = [1], strides = [1]} : vector<16xi32> to vector<1xi32>
      %squeeze3A_2789 = vector.extract %slice3A_2788[0] : i32 from vector<1xi32>
      %add3A_2790 = vector.broadcast %squeeze3A_2789 : i32 to vector<16xi32>
      %add3A_2791 = arith.addi %add3A_2790, %iota3A : vector<16xi32>
      %gather3A_2792 = tpu.vector_load_idx %arg7[%broadcast_in_dim3A_2785, %broadcast_in_dim3A_2787, %add3A_2791] : memref<2x128x128xf32, #tpu.memory_space<vmem>>[vector<16xi32>, vector<16xi32>, vector<16xi32>], vector<16xf32>,
      %mul3A_2793 = arith.constant 128 : i32
      %mul3A_2794 = arith.muli %sub3A_1672, %mul3A_2793 : i32
      %add3A_2795 = arith.constant 65 : i32
      %add3A_2796 = arith.addi %mul3A_2794, %add3A_2795 : i32
      %mul3A_2797 = arith.constant 16 : i32
      %mul3A_2798 = arith.muli %add3A_2796, %mul3A_2797 : i32
      %add3A_2799 = vector.broadcast %mul3A_2798 : i32 to vector<16xi32>
      %add3A_2800 = arith.addi %add3A_2799, %iota3A : vector<16xi32>
      tpu.vector_store_idx %arg8[%add3A_2800], %gather3A_2792 : memref<53248xf32, #tpu.memory_space<vmem>>[vector<16xi32>], vector<16xf32>,
      %broadcast_in_dim3A_2801 = vector.broadcast %rem3A_1674 : i32 to vector<16xi32>
      %broadcast_in_dim3A_2802 = arith.constant 66 : i32
      %broadcast_in_dim3A_2803 = vector.broadcast %broadcast_in_dim3A_2802 : i32 to vector<16xi32>
      %slice3A_2804 = vector.extract_strided_slice %mul3A_2768 {offsets = [2], sizes = [1], strides = [1]} : vector<16xi32> to vector<1xi32>
      %squeeze3A_2805 = vector.extract %slice3A_2804[0] : i32 from vector<1xi32>
      %add3A_2806 = vector.broadcast %squeeze3A_2805 : i32 to vector<16xi32>
      %add3A_2807 = arith.addi %add3A_2806, %iota3A : vector<16xi32>
      %gather3A_2808 = tpu.vector_load_idx %arg7[%broadcast_in_dim3A_2801, %broadcast_in_dim3A_2803, %add3A_2807] : memref<2x128x128xf32, #tpu.memory_space<vmem>>[vector<16xi32>, vector<16xi32>, vector<16xi32>], vector<16xf32>,
      %mul3A_2809 = arith.constant 128 : i32
      %mul3A_2810 = arith.muli %sub3A_1672, %mul3A_2809 : i32
      %add3A_2811 = arith.constant 66 : i32
      %add3A_2812 = arith.addi %mul3A_2810, %add3A_2811 : i32
      %mul3A_2813 = arith.constant 16 : i32
      %mul3A_2814 = arith.muli %add3A_2812, %mul3A_2813 : i32
      %add3A_2815 = vector.broadcast %mul3A_2814 : i32 to vector<16xi32>
      %add3A_2816 = arith.addi %add3A_2815, %iota3A : vector<16xi32>
      tpu.vector_store_idx %arg8[%add3A_2816], %gather3A_2808 : memref<53248xf32, #tpu.memory_space<vmem>>[vector<16xi32>], vector<16xf32>,
      %broadcast_in_dim3A_2817 = vector.broadcast %rem3A_1674 : i32 to vector<16xi32>
      %broadcast_in_dim3A_2818 = arith.constant 67 : i32
      %broadcast_in_dim3A_2819 = vector.broadcast %broadcast_in_dim3A_2818 : i32 to vector<16xi32>
      %slice3A_2820 = vector.extract_strided_slice %mul3A_2768 {offsets = [3], sizes = [1], strides = [1]} : vector<16xi32> to vector<1xi32>
      %squeeze3A_2821 = vector.extract %slice3A_2820[0] : i32 from vector<1xi32>
      %add3A_2822 = vector.broadcast %squeeze3A_2821 : i32 to vector<16xi32>
      %add3A_2823 = arith.addi %add3A_2822, %iota3A : vector<16xi32>
      %gather3A_2824 = tpu.vector_load_idx %arg7[%broadcast_in_dim3A_2817, %broadcast_in_dim3A_2819, %add3A_2823] : memref<2x128x128xf32, #tpu.memory_space<vmem>>[vector<16xi32>, vector<16xi32>, vector<16xi32>], vector<16xf32>,
      %mul3A_2825 = arith.constant 128 : i32
      %mul3A_2826 = arith.muli %sub3A_1672, %mul3A_2825 : i32
      %add3A_2827 = arith.constant 67 : i32
      %add3A_2828 = arith.addi %mul3A_2826, %add3A_2827 : i32
      %mul3A_2829 = arith.constant 16 : i32
      %mul3A_2830 = arith.muli %add3A_2828, %mul3A_2829 : i32
      %add3A_2831 = vector.broadcast %mul3A_2830 : i32 to vector<16xi32>
      %add3A_2832 = arith.addi %add3A_2831, %iota3A : vector<16xi32>
      tpu.vector_store_idx %arg8[%add3A_2832], %gather3A_2824 : memref<53248xf32, #tpu.memory_space<vmem>>[vector<16xi32>], vector<16xf32>,
      %broadcast_in_dim3A_2833 = vector.broadcast %rem3A_1674 : i32 to vector<16xi32>
      %broadcast_in_dim3A_2834 = arith.constant 68 : i32
      %broadcast_in_dim3A_2835 = vector.broadcast %broadcast_in_dim3A_2834 : i32 to vector<16xi32>
      %slice3A_2836 = vector.extract_strided_slice %mul3A_2768 {offsets = [4], sizes = [1], strides = [1]} : vector<16xi32> to vector<1xi32>
      %squeeze3A_2837 = vector.extract %slice3A_2836[0] : i32 from vector<1xi32>
      %add3A_2838 = vector.broadcast %squeeze3A_2837 : i32 to vector<16xi32>
      %add3A_2839 = arith.addi %add3A_2838, %iota3A : vector<16xi32>
      %gather3A_2840 = tpu.vector_load_idx %arg7[%broadcast_in_dim3A_2833, %broadcast_in_dim3A_2835, %add3A_2839] : memref<2x128x128xf32, #tpu.memory_space<vmem>>[vector<16xi32>, vector<16xi32>, vector<16xi32>], vector<16xf32>,
      %mul3A_2841 = arith.constant 128 : i32
      %mul3A_2842 = arith.muli %sub3A_1672, %mul3A_2841 : i32
      %add3A_2843 = arith.constant 68 : i32
      %add3A_2844 = arith.addi %mul3A_2842, %add3A_2843 : i32
      %mul3A_2845 = arith.constant 16 : i32
      %mul3A_2846 = arith.muli %add3A_2844, %mul3A_2845 : i32
      %add3A_2847 = vector.broadcast %mul3A_2846 : i32 to vector<16xi32>
      %add3A_2848 = arith.addi %add3A_2847, %iota3A : vector<16xi32>
      tpu.vector_store_idx %arg8[%add3A_2848], %gather3A_2840 : memref<53248xf32, #tpu.memory_space<vmem>>[vector<16xi32>], vector<16xf32>,
      %broadcast_in_dim3A_2849 = vector.broadcast %rem3A_1674 : i32 to vector<16xi32>
      %broadcast_in_dim3A_2850 = arith.constant 69 : i32
      %broadcast_in_dim3A_2851 = vector.broadcast %broadcast_in_dim3A_2850 : i32 to vector<16xi32>
      %slice3A_2852 = vector.extract_strided_slice %mul3A_2768 {offsets = [5], sizes = [1], strides = [1]} : vector<16xi32> to vector<1xi32>
      %squeeze3A_2853 = vector.extract %slice3A_2852[0] : i32 from vector<1xi32>
      %add3A_2854 = vector.broadcast %squeeze3A_2853 : i32 to vector<16xi32>
      %add3A_2855 = arith.addi %add3A_2854, %iota3A : vector<16xi32>
      %gather3A_2856 = tpu.vector_load_idx %arg7[%broadcast_in_dim3A_2849, %broadcast_in_dim3A_2851, %add3A_2855] : memref<2x128x128xf32, #tpu.memory_space<vmem>>[vector<16xi32>, vector<16xi32>, vector<16xi32>], vector<16xf32>,
      %mul3A_2857 = arith.constant 128 : i32
      %mul3A_2858 = arith.muli %sub3A_1672, %mul3A_2857 : i32
      %add3A_2859 = arith.constant 69 : i32
      %add3A_2860 = arith.addi %mul3A_2858, %add3A_2859 : i32
      %mul3A_2861 = arith.constant 16 : i32
      %mul3A_2862 = arith.muli %add3A_2860, %mul3A_2861 : i32
      %add3A_2863 = vector.broadcast %mul3A_2862 : i32 to vector<16xi32>
      %add3A_2864 = arith.addi %add3A_2863, %iota3A : vector<16xi32>
      tpu.vector_store_idx %arg8[%add3A_2864], %gather3A_2856 : memref<53248xf32, #tpu.memory_space<vmem>>[vector<16xi32>], vector<16xf32>,
      %broadcast_in_dim3A_2865 = vector.broadcast %rem3A_1674 : i32 to vector<16xi32>
      %broadcast_in_dim3A_2866 = arith.constant 70 : i32
      %broadcast_in_dim3A_2867 = vector.broadcast %broadcast_in_dim3A_2866 : i32 to vector<16xi32>
      %slice3A_2868 = vector.extract_strided_slice %mul3A_2768 {offsets = [6], sizes = [1], strides = [1]} : vector<16xi32> to vector<1xi32>
      %squeeze3A_2869 = vector.extract %slice3A_2868[0] : i32 from vector<1xi32>
      %add3A_2870 = vector.broadcast %squeeze3A_2869 : i32 to vector<16xi32>
      %add3A_2871 = arith.addi %add3A_2870, %iota3A : vector<16xi32>
      %gather3A_2872 = tpu.vector_load_idx %arg7[%broadcast_in_dim3A_2865, %broadcast_in_dim3A_2867, %add3A_2871] : memref<2x128x128xf32, #tpu.memory_space<vmem>>[vector<16xi32>, vector<16xi32>, vector<16xi32>], vector<16xf32>,
      %mul3A_2873 = arith.constant 128 : i32
      %mul3A_2874 = arith.muli %sub3A_1672, %mul3A_2873 : i32
      %add3A_2875 = arith.constant 70 : i32
      %add3A_2876 = arith.addi %mul3A_2874, %add3A_2875 : i32
      %mul3A_2877 = arith.constant 16 : i32
      %mul3A_2878 = arith.muli %add3A_2876, %mul3A_2877 : i32
      %add3A_2879 = vector.broadcast %mul3A_2878 : i32 to vector<16xi32>
      %add3A_2880 = arith.addi %add3A_2879, %iota3A : vector<16xi32>
      tpu.vector_store_idx %arg8[%add3A_2880], %gather3A_2872 : memref<53248xf32, #tpu.memory_space<vmem>>[vector<16xi32>], vector<16xf32>,
      %broadcast_in_dim3A_2881 = vector.broadcast %rem3A_1674 : i32 to vector<16xi32>
      %broadcast_in_dim3A_2882 = arith.constant 71 : i32
      %broadcast_in_dim3A_2883 = vector.broadcast %broadcast_in_dim3A_2882 : i32 to vector<16xi32>
      %slice3A_2884 = vector.extract_strided_slice %mul3A_2768 {offsets = [7], sizes = [1], strides = [1]} : vector<16xi32> to vector<1xi32>
      %squeeze3A_2885 = vector.extract %slice3A_2884[0] : i32 from vector<1xi32>
      %add3A_2886 = vector.broadcast %squeeze3A_2885 : i32 to vector<16xi32>
      %add3A_2887 = arith.addi %add3A_2886, %iota3A : vector<16xi32>
      %gather3A_2888 = tpu.vector_load_idx %arg7[%broadcast_in_dim3A_2881, %broadcast_in_dim3A_2883, %add3A_2887] : memref<2x128x128xf32, #tpu.memory_space<vmem>>[vector<16xi32>, vector<16xi32>, vector<16xi32>], vector<16xf32>,
      %mul3A_2889 = arith.constant 128 : i32
      %mul3A_2890 = arith.muli %sub3A_1672, %mul3A_2889 : i32
      %add3A_2891 = arith.constant 71 : i32
      %add3A_2892 = arith.addi %mul3A_2890, %add3A_2891 : i32
      %mul3A_2893 = arith.constant 16 : i32
      %mul3A_2894 = arith.muli %add3A_2892, %mul3A_2893 : i32
      %add3A_2895 = vector.broadcast %mul3A_2894 : i32 to vector<16xi32>
      %add3A_2896 = arith.addi %add3A_2895, %iota3A : vector<16xi32>
      tpu.vector_store_idx %arg8[%add3A_2896], %gather3A_2888 : memref<53248xf32, #tpu.memory_space<vmem>>[vector<16xi32>], vector<16xf32>,
      %broadcast_in_dim3A_2897 = vector.broadcast %rem3A_1674 : i32 to vector<16xi32>
      %broadcast_in_dim3A_2898 = arith.constant 72 : i32
      %broadcast_in_dim3A_2899 = vector.broadcast %broadcast_in_dim3A_2898 : i32 to vector<16xi32>
      %slice3A_2900 = vector.extract_strided_slice %mul3A_2768 {offsets = [8], sizes = [1], strides = [1]} : vector<16xi32> to vector<1xi32>
      %squeeze3A_2901 = vector.extract %slice3A_2900[0] : i32 from vector<1xi32>
      %add3A_2902 = vector.broadcast %squeeze3A_2901 : i32 to vector<16xi32>
      %add3A_2903 = arith.addi %add3A_2902, %iota3A : vector<16xi32>
      %gather3A_2904 = tpu.vector_load_idx %arg7[%broadcast_in_dim3A_2897, %broadcast_in_dim3A_2899, %add3A_2903] : memref<2x128x128xf32, #tpu.memory_space<vmem>>[vector<16xi32>, vector<16xi32>, vector<16xi32>], vector<16xf32>,
      %mul3A_2905 = arith.constant 128 : i32
      %mul3A_2906 = arith.muli %sub3A_1672, %mul3A_2905 : i32
      %add3A_2907 = arith.constant 72 : i32
      %add3A_2908 = arith.addi %mul3A_2906, %add3A_2907 : i32
      %mul3A_2909 = arith.constant 16 : i32
      %mul3A_2910 = arith.muli %add3A_2908, %mul3A_2909 : i32
      %add3A_2911 = vector.broadcast %mul3A_2910 : i32 to vector<16xi32>
      %add3A_2912 = arith.addi %add3A_2911, %iota3A : vector<16xi32>
      tpu.vector_store_idx %arg8[%add3A_2912], %gather3A_2904 : memref<53248xf32, #tpu.memory_space<vmem>>[vector<16xi32>], vector<16xf32>,
      %broadcast_in_dim3A_2913 = vector.broadcast %rem3A_1674 : i32 to vector<16xi32>
      %broadcast_in_dim3A_2914 = arith.constant 73 : i32
      %broadcast_in_dim3A_2915 = vector.broadcast %broadcast_in_dim3A_2914 : i32 to vector<16xi32>
      %slice3A_2916 = vector.extract_strided_slice %mul3A_2768 {offsets = [9], sizes = [1], strides = [1]} : vector<16xi32> to vector<1xi32>
      %squeeze3A_2917 = vector.extract %slice3A_2916[0] : i32 from vector<1xi32>
      %add3A_2918 = vector.broadcast %squeeze3A_2917 : i32 to vector<16xi32>
      %add3A_2919 = arith.addi %add3A_2918, %iota3A : vector<16xi32>
      %gather3A_2920 = tpu.vector_load_idx %arg7[%broadcast_in_dim3A_2913, %broadcast_in_dim3A_2915, %add3A_2919] : memref<2x128x128xf32, #tpu.memory_space<vmem>>[vector<16xi32>, vector<16xi32>, vector<16xi32>], vector<16xf32>,
      %mul3A_2921 = arith.constant 128 : i32
      %mul3A_2922 = arith.muli %sub3A_1672, %mul3A_2921 : i32
      %add3A_2923 = arith.constant 73 : i32
      %add3A_2924 = arith.addi %mul3A_2922, %add3A_2923 : i32
      %mul3A_2925 = arith.constant 16 : i32
      %mul3A_2926 = arith.muli %add3A_2924, %mul3A_2925 : i32
      %add3A_2927 = vector.broadcast %mul3A_2926 : i32 to vector<16xi32>
      %add3A_2928 = arith.addi %add3A_2927, %iota3A : vector<16xi32>
      tpu.vector_store_idx %arg8[%add3A_2928], %gather3A_2920 : memref<53248xf32, #tpu.memory_space<vmem>>[vector<16xi32>], vector<16xf32>,
      %broadcast_in_dim3A_2929 = vector.broadcast %rem3A_1674 : i32 to vector<16xi32>
      %broadcast_in_dim3A_2930 = arith.constant 74 : i32
      %broadcast_in_dim3A_2931 = vector.broadcast %broadcast_in_dim3A_2930 : i32 to vector<16xi32>
      %slice3A_2932 = vector.extract_strided_slice %mul3A_2768 {offsets = [10], sizes = [1], strides = [1]} : vector<16xi32> to vector<1xi32>
      %squeeze3A_2933 = vector.extract %slice3A_2932[0] : i32 from vector<1xi32>
      %add3A_2934 = vector.broadcast %squeeze3A_2933 : i32 to vector<16xi32>
      %add3A_2935 = arith.addi %add3A_2934, %iota3A : vector<16xi32>
      %gather3A_2936 = tpu.vector_load_idx %arg7[%broadcast_in_dim3A_2929, %broadcast_in_dim3A_2931, %add3A_2935] : memref<2x128x128xf32, #tpu.memory_space<vmem>>[vector<16xi32>, vector<16xi32>, vector<16xi32>], vector<16xf32>,
      %mul3A_2937 = arith.constant 128 : i32
      %mul3A_2938 = arith.muli %sub3A_1672, %mul3A_2937 : i32
      %add3A_2939 = arith.constant 74 : i32
      %add3A_2940 = arith.addi %mul3A_2938, %add3A_2939 : i32
      %mul3A_2941 = arith.constant 16 : i32
      %mul3A_2942 = arith.muli %add3A_2940, %mul3A_2941 : i32
      %add3A_2943 = vector.broadcast %mul3A_2942 : i32 to vector<16xi32>
      %add3A_2944 = arith.addi %add3A_2943, %iota3A : vector<16xi32>
      tpu.vector_store_idx %arg8[%add3A_2944], %gather3A_2936 : memref<53248xf32, #tpu.memory_space<vmem>>[vector<16xi32>], vector<16xf32>,
      %broadcast_in_dim3A_2945 = vector.broadcast %rem3A_1674 : i32 to vector<16xi32>
      %broadcast_in_dim3A_2946 = arith.constant 75 : i32
      %broadcast_in_dim3A_2947 = vector.broadcast %broadcast_in_dim3A_2946 : i32 to vector<16xi32>
      %slice3A_2948 = vector.extract_strided_slice %mul3A_2768 {offsets = [11], sizes = [1], strides = [1]} : vector<16xi32> to vector<1xi32>
      %squeeze3A_2949 = vector.extract %slice3A_2948[0] : i32 from vector<1xi32>
      %add3A_2950 = vector.broadcast %squeeze3A_2949 : i32 to vector<16xi32>
      %add3A_2951 = arith.addi %add3A_2950, %iota3A : vector<16xi32>
      %gather3A_2952 = tpu.vector_load_idx %arg7[%broadcast_in_dim3A_2945, %broadcast_in_dim3A_2947, %add3A_2951] : memref<2x128x128xf32, #tpu.memory_space<vmem>>[vector<16xi32>, vector<16xi32>, vector<16xi32>], vector<16xf32>,
      %mul3A_2953 = arith.constant 128 : i32
      %mul3A_2954 = arith.muli %sub3A_1672, %mul3A_2953 : i32
      %add3A_2955 = arith.constant 75 : i32
      %add3A_2956 = arith.addi %mul3A_2954, %add3A_2955 : i32
      %mul3A_2957 = arith.constant 16 : i32
      %mul3A_2958 = arith.muli %add3A_2956, %mul3A_2957 : i32
      %add3A_2959 = vector.broadcast %mul3A_2958 : i32 to vector<16xi32>
      %add3A_2960 = arith.addi %add3A_2959, %iota3A : vector<16xi32>
      tpu.vector_store_idx %arg8[%add3A_2960], %gather3A_2952 : memref<53248xf32, #tpu.memory_space<vmem>>[vector<16xi32>], vector<16xf32>,
      %broadcast_in_dim3A_2961 = vector.broadcast %rem3A_1674 : i32 to vector<16xi32>
      %broadcast_in_dim3A_2962 = arith.constant 76 : i32
      %broadcast_in_dim3A_2963 = vector.broadcast %broadcast_in_dim3A_2962 : i32 to vector<16xi32>
      %slice3A_2964 = vector.extract_strided_slice %mul3A_2768 {offsets = [12], sizes = [1], strides = [1]} : vector<16xi32> to vector<1xi32>
      %squeeze3A_2965 = vector.extract %slice3A_2964[0] : i32 from vector<1xi32>
      %add3A_2966 = vector.broadcast %squeeze3A_2965 : i32 to vector<16xi32>
      %add3A_2967 = arith.addi %add3A_2966, %iota3A : vector<16xi32>
      %gather3A_2968 = tpu.vector_load_idx %arg7[%broadcast_in_dim3A_2961, %broadcast_in_dim3A_2963, %add3A_2967] : memref<2x128x128xf32, #tpu.memory_space<vmem>>[vector<16xi32>, vector<16xi32>, vector<16xi32>], vector<16xf32>,
      %mul3A_2969 = arith.constant 128 : i32
      %mul3A_2970 = arith.muli %sub3A_1672, %mul3A_2969 : i32
      %add3A_2971 = arith.constant 76 : i32
      %add3A_2972 = arith.addi %mul3A_2970, %add3A_2971 : i32
      %mul3A_2973 = arith.constant 16 : i32
      %mul3A_2974 = arith.muli %add3A_2972, %mul3A_2973 : i32
      %add3A_2975 = vector.broadcast %mul3A_2974 : i32 to vector<16xi32>
      %add3A_2976 = arith.addi %add3A_2975, %iota3A : vector<16xi32>
      tpu.vector_store_idx %arg8[%add3A_2976], %gather3A_2968 : memref<53248xf32, #tpu.memory_space<vmem>>[vector<16xi32>], vector<16xf32>,
      %broadcast_in_dim3A_2977 = vector.broadcast %rem3A_1674 : i32 to vector<16xi32>
      %broadcast_in_dim3A_2978 = arith.constant 77 : i32
      %broadcast_in_dim3A_2979 = vector.broadcast %broadcast_in_dim3A_2978 : i32 to vector<16xi32>
      %slice3A_2980 = vector.extract_strided_slice %mul3A_2768 {offsets = [13], sizes = [1], strides = [1]} : vector<16xi32> to vector<1xi32>
      %squeeze3A_2981 = vector.extract %slice3A_2980[0] : i32 from vector<1xi32>
      %add3A_2982 = vector.broadcast %squeeze3A_2981 : i32 to vector<16xi32>
      %add3A_2983 = arith.addi %add3A_2982, %iota3A : vector<16xi32>
      %gather3A_2984 = tpu.vector_load_idx %arg7[%broadcast_in_dim3A_2977, %broadcast_in_dim3A_2979, %add3A_2983] : memref<2x128x128xf32, #tpu.memory_space<vmem>>[vector<16xi32>, vector<16xi32>, vector<16xi32>], vector<16xf32>,
      %mul3A_2985 = arith.constant 128 : i32
      %mul3A_2986 = arith.muli %sub3A_1672, %mul3A_2985 : i32
      %add3A_2987 = arith.constant 77 : i32
      %add3A_2988 = arith.addi %mul3A_2986, %add3A_2987 : i32
      %mul3A_2989 = arith.constant 16 : i32
      %mul3A_2990 = arith.muli %add3A_2988, %mul3A_2989 : i32
      %add3A_2991 = vector.broadcast %mul3A_2990 : i32 to vector<16xi32>
      %add3A_2992 = arith.addi %add3A_2991, %iota3A : vector<16xi32>
      tpu.vector_store_idx %arg8[%add3A_2992], %gather3A_2984 : memref<53248xf32, #tpu.memory_space<vmem>>[vector<16xi32>], vector<16xf32>,
      %broadcast_in_dim3A_2993 = vector.broadcast %rem3A_1674 : i32 to vector<16xi32>
      %broadcast_in_dim3A_2994 = arith.constant 78 : i32
      %broadcast_in_dim3A_2995 = vector.broadcast %broadcast_in_dim3A_2994 : i32 to vector<16xi32>
      %slice3A_2996 = vector.extract_strided_slice %mul3A_2768 {offsets = [14], sizes = [1], strides = [1]} : vector<16xi32> to vector<1xi32>
      %squeeze3A_2997 = vector.extract %slice3A_2996[0] : i32 from vector<1xi32>
      %add3A_2998 = vector.broadcast %squeeze3A_2997 : i32 to vector<16xi32>
      %add3A_2999 = arith.addi %add3A_2998, %iota3A : vector<16xi32>
      %gather3A_3000 = tpu.vector_load_idx %arg7[%broadcast_in_dim3A_2993, %broadcast_in_dim3A_2995, %add3A_2999] : memref<2x128x128xf32, #tpu.memory_space<vmem>>[vector<16xi32>, vector<16xi32>, vector<16xi32>], vector<16xf32>,
      %mul3A_3001 = arith.constant 128 : i32
      %mul3A_3002 = arith.muli %sub3A_1672, %mul3A_3001 : i32
      %add3A_3003 = arith.constant 78 : i32
      %add3A_3004 = arith.addi %mul3A_3002, %add3A_3003 : i32
      %mul3A_3005 = arith.constant 16 : i32
      %mul3A_3006 = arith.muli %add3A_3004, %mul3A_3005 : i32
      %add3A_3007 = vector.broadcast %mul3A_3006 : i32 to vector<16xi32>
      %add3A_3008 = arith.addi %add3A_3007, %iota3A : vector<16xi32>
      tpu.vector_store_idx %arg8[%add3A_3008], %gather3A_3000 : memref<53248xf32, #tpu.memory_space<vmem>>[vector<16xi32>], vector<16xf32>,
      %broadcast_in_dim3A_3009 = vector.broadcast %rem3A_1674 : i32 to vector<16xi32>
      %broadcast_in_dim3A_3010 = arith.constant 79 : i32
      %broadcast_in_dim3A_3011 = vector.broadcast %broadcast_in_dim3A_3010 : i32 to vector<16xi32>
      %slice3A_3012 = vector.extract_strided_slice %mul3A_2768 {offsets = [15], sizes = [1], strides = [1]} : vector<16xi32> to vector<1xi32>
      %squeeze3A_3013 = vector.extract %slice3A_3012[0] : i32 from vector<1xi32>
      %add3A_3014 = vector.broadcast %squeeze3A_3013 : i32 to vector<16xi32>
      %add3A_3015 = arith.addi %add3A_3014, %iota3A : vector<16xi32>
      %gather3A_3016 = tpu.vector_load_idx %arg7[%broadcast_in_dim3A_3009, %broadcast_in_dim3A_3011, %add3A_3015] : memref<2x128x128xf32, #tpu.memory_space<vmem>>[vector<16xi32>, vector<16xi32>, vector<16xi32>], vector<16xf32>,
      %mul3A_3017 = arith.constant 128 : i32
      %mul3A_3018 = arith.muli %sub3A_1672, %mul3A_3017 : i32
      %add3A_3019 = arith.constant 79 : i32
      %add3A_3020 = arith.addi %mul3A_3018, %add3A_3019 : i32
      %mul3A_3021 = arith.constant 16 : i32
      %mul3A_3022 = arith.muli %add3A_3020, %mul3A_3021 : i32
      %add3A_3023 = vector.broadcast %mul3A_3022 : i32 to vector<16xi32>
      %add3A_3024 = arith.addi %add3A_3023, %iota3A : vector<16xi32>
      tpu.vector_store_idx %arg8[%add3A_3024], %gather3A_3016 : memref<53248xf32, #tpu.memory_space<vmem>>[vector<16xi32>], vector<16xf32>,
      %mul3A_3025 = arith.constant 128 : i32
      %mul3A_3026 = arith.muli %sub3A_1672, %mul3A_3025 : i32
      %add3A_3027 = arith.constant 80 : i32
      %add3A_3028 = arith.addi %mul3A_3026, %add3A_3027 : i32
      %get3A_3029 = arith.index_cast %add3A_3028 : i32 to index
      %get3A_3030 = tpu.vector_load %arg5[%get3A_3029] {strides = array<i32>} : memref<3328xi32, #tpu.memory_space<vmem>>, vector<16xi32>,
      %and3A_3031 = arith.constant 7 : i32
      %and3A_3032 = vector.broadcast %and3A_3031 : i32 to vector<16xi32>
      %and3A_3033 = arith.andi %get3A_3030, %and3A_3032 : vector<16xi32>
      %mul3A_3034 = arith.constant 16 : i32
      %mul3A_3035 = vector.broadcast %mul3A_3034 : i32 to vector<16xi32>
      %mul3A_3036 = arith.muli %and3A_3033, %mul3A_3035 : vector<16xi32>
      %broadcast_in_dim3A_3037 = vector.broadcast %rem3A_1674 : i32 to vector<16xi32>
      %broadcast_in_dim3A_3038 = arith.constant 80 : i32
      %broadcast_in_dim3A_3039 = vector.broadcast %broadcast_in_dim3A_3038 : i32 to vector<16xi32>
      %slice3A_3040 = vector.extract_strided_slice %mul3A_3036 {offsets = [0], sizes = [1], strides = [1]} : vector<16xi32> to vector<1xi32>
      %squeeze3A_3041 = vector.extract %slice3A_3040[0] : i32 from vector<1xi32>
      %add3A_3042 = vector.broadcast %squeeze3A_3041 : i32 to vector<16xi32>
      %add3A_3043 = arith.addi %add3A_3042, %iota3A : vector<16xi32>
      %gather3A_3044 = tpu.vector_load_idx %arg7[%broadcast_in_dim3A_3037, %broadcast_in_dim3A_3039, %add3A_3043] : memref<2x128x128xf32, #tpu.memory_space<vmem>>[vector<16xi32>, vector<16xi32>, vector<16xi32>], vector<16xf32>,
      %mul3A_3045 = arith.constant 128 : i32
      %mul3A_3046 = arith.muli %sub3A_1672, %mul3A_3045 : i32
      %add3A_3047 = arith.constant 80 : i32
      %add3A_3048 = arith.addi %mul3A_3046, %add3A_3047 : i32
      %mul3A_3049 = arith.constant 16 : i32
      %mul3A_3050 = arith.muli %add3A_3048, %mul3A_3049 : i32
      %add3A_3051 = vector.broadcast %mul3A_3050 : i32 to vector<16xi32>
      %add3A_3052 = arith.addi %add3A_3051, %iota3A : vector<16xi32>
      tpu.vector_store_idx %arg8[%add3A_3052], %gather3A_3044 : memref<53248xf32, #tpu.memory_space<vmem>>[vector<16xi32>], vector<16xf32>,
      %broadcast_in_dim3A_3053 = vector.broadcast %rem3A_1674 : i32 to vector<16xi32>
      %broadcast_in_dim3A_3054 = arith.constant 81 : i32
      %broadcast_in_dim3A_3055 = vector.broadcast %broadcast_in_dim3A_3054 : i32 to vector<16xi32>
      %slice3A_3056 = vector.extract_strided_slice %mul3A_3036 {offsets = [1], sizes = [1], strides = [1]} : vector<16xi32> to vector<1xi32>
      %squeeze3A_3057 = vector.extract %slice3A_3056[0] : i32 from vector<1xi32>
      %add3A_3058 = vector.broadcast %squeeze3A_3057 : i32 to vector<16xi32>
      %add3A_3059 = arith.addi %add3A_3058, %iota3A : vector<16xi32>
      %gather3A_3060 = tpu.vector_load_idx %arg7[%broadcast_in_dim3A_3053, %broadcast_in_dim3A_3055, %add3A_3059] : memref<2x128x128xf32, #tpu.memory_space<vmem>>[vector<16xi32>, vector<16xi32>, vector<16xi32>], vector<16xf32>,
      %mul3A_3061 = arith.constant 128 : i32
      %mul3A_3062 = arith.muli %sub3A_1672, %mul3A_3061 : i32
      %add3A_3063 = arith.constant 81 : i32
      %add3A_3064 = arith.addi %mul3A_3062, %add3A_3063 : i32
      %mul3A_3065 = arith.constant 16 : i32
      %mul3A_3066 = arith.muli %add3A_3064, %mul3A_3065 : i32
      %add3A_3067 = vector.broadcast %mul3A_3066 : i32 to vector<16xi32>
      %add3A_3068 = arith.addi %add3A_3067, %iota3A : vector<16xi32>
      tpu.vector_store_idx %arg8[%add3A_3068], %gather3A_3060 : memref<53248xf32, #tpu.memory_space<vmem>>[vector<16xi32>], vector<16xf32>,
      %broadcast_in_dim3A_3069 = vector.broadcast %rem3A_1674 : i32 to vector<16xi32>
      %broadcast_in_dim3A_3070 = arith.constant 82 : i32
      %broadcast_in_dim3A_3071 = vector.broadcast %broadcast_in_dim3A_3070 : i32 to vector<16xi32>
      %slice3A_3072 = vector.extract_strided_slice %mul3A_3036 {offsets = [2], sizes = [1], strides = [1]} : vector<16xi32> to vector<1xi32>
      %squeeze3A_3073 = vector.extract %slice3A_3072[0] : i32 from vector<1xi32>
      %add3A_3074 = vector.broadcast %squeeze3A_3073 : i32 to vector<16xi32>
      %add3A_3075 = arith.addi %add3A_3074, %iota3A : vector<16xi32>
      %gather3A_3076 = tpu.vector_load_idx %arg7[%broadcast_in_dim3A_3069, %broadcast_in_dim3A_3071, %add3A_3075] : memref<2x128x128xf32, #tpu.memory_space<vmem>>[vector<16xi32>, vector<16xi32>, vector<16xi32>], vector<16xf32>,
      %mul3A_3077 = arith.constant 128 : i32
      %mul3A_3078 = arith.muli %sub3A_1672, %mul3A_3077 : i32
      %add3A_3079 = arith.constant 82 : i32
      %add3A_3080 = arith.addi %mul3A_3078, %add3A_3079 : i32
      %mul3A_3081 = arith.constant 16 : i32
      %mul3A_3082 = arith.muli %add3A_3080, %mul3A_3081 : i32
      %add3A_3083 = vector.broadcast %mul3A_3082 : i32 to vector<16xi32>
      %add3A_3084 = arith.addi %add3A_3083, %iota3A : vector<16xi32>
      tpu.vector_store_idx %arg8[%add3A_3084], %gather3A_3076 : memref<53248xf32, #tpu.memory_space<vmem>>[vector<16xi32>], vector<16xf32>,
      %broadcast_in_dim3A_3085 = vector.broadcast %rem3A_1674 : i32 to vector<16xi32>
      %broadcast_in_dim3A_3086 = arith.constant 83 : i32
      %broadcast_in_dim3A_3087 = vector.broadcast %broadcast_in_dim3A_3086 : i32 to vector<16xi32>
      %slice3A_3088 = vector.extract_strided_slice %mul3A_3036 {offsets = [3], sizes = [1], strides = [1]} : vector<16xi32> to vector<1xi32>
      %squeeze3A_3089 = vector.extract %slice3A_3088[0] : i32 from vector<1xi32>
      %add3A_3090 = vector.broadcast %squeeze3A_3089 : i32 to vector<16xi32>
      %add3A_3091 = arith.addi %add3A_3090, %iota3A : vector<16xi32>
      %gather3A_3092 = tpu.vector_load_idx %arg7[%broadcast_in_dim3A_3085, %broadcast_in_dim3A_3087, %add3A_3091] : memref<2x128x128xf32, #tpu.memory_space<vmem>>[vector<16xi32>, vector<16xi32>, vector<16xi32>], vector<16xf32>,
      %mul3A_3093 = arith.constant 128 : i32
      %mul3A_3094 = arith.muli %sub3A_1672, %mul3A_3093 : i32
      %add3A_3095 = arith.constant 83 : i32
      %add3A_3096 = arith.addi %mul3A_3094, %add3A_3095 : i32
      %mul3A_3097 = arith.constant 16 : i32
      %mul3A_3098 = arith.muli %add3A_3096, %mul3A_3097 : i32
      %add3A_3099 = vector.broadcast %mul3A_3098 : i32 to vector<16xi32>
      %add3A_3100 = arith.addi %add3A_3099, %iota3A : vector<16xi32>
      tpu.vector_store_idx %arg8[%add3A_3100], %gather3A_3092 : memref<53248xf32, #tpu.memory_space<vmem>>[vector<16xi32>], vector<16xf32>,
      %broadcast_in_dim3A_3101 = vector.broadcast %rem3A_1674 : i32 to vector<16xi32>
      %broadcast_in_dim3A_3102 = arith.constant 84 : i32
      %broadcast_in_dim3A_3103 = vector.broadcast %broadcast_in_dim3A_3102 : i32 to vector<16xi32>
      %slice3A_3104 = vector.extract_strided_slice %mul3A_3036 {offsets = [4], sizes = [1], strides = [1]} : vector<16xi32> to vector<1xi32>
      %squeeze3A_3105 = vector.extract %slice3A_3104[0] : i32 from vector<1xi32>
      %add3A_3106 = vector.broadcast %squeeze3A_3105 : i32 to vector<16xi32>
      %add3A_3107 = arith.addi %add3A_3106, %iota3A : vector<16xi32>
      %gather3A_3108 = tpu.vector_load_idx %arg7[%broadcast_in_dim3A_3101, %broadcast_in_dim3A_3103, %add3A_3107] : memref<2x128x128xf32, #tpu.memory_space<vmem>>[vector<16xi32>, vector<16xi32>, vector<16xi32>], vector<16xf32>,
      %mul3A_3109 = arith.constant 128 : i32
      %mul3A_3110 = arith.muli %sub3A_1672, %mul3A_3109 : i32
      %add3A_3111 = arith.constant 84 : i32
      %add3A_3112 = arith.addi %mul3A_3110, %add3A_3111 : i32
      %mul3A_3113 = arith.constant 16 : i32
      %mul3A_3114 = arith.muli %add3A_3112, %mul3A_3113 : i32
      %add3A_3115 = vector.broadcast %mul3A_3114 : i32 to vector<16xi32>
      %add3A_3116 = arith.addi %add3A_3115, %iota3A : vector<16xi32>
      tpu.vector_store_idx %arg8[%add3A_3116], %gather3A_3108 : memref<53248xf32, #tpu.memory_space<vmem>>[vector<16xi32>], vector<16xf32>,
      %broadcast_in_dim3A_3117 = vector.broadcast %rem3A_1674 : i32 to vector<16xi32>
      %broadcast_in_dim3A_3118 = arith.constant 85 : i32
      %broadcast_in_dim3A_3119 = vector.broadcast %broadcast_in_dim3A_3118 : i32 to vector<16xi32>
      %slice3A_3120 = vector.extract_strided_slice %mul3A_3036 {offsets = [5], sizes = [1], strides = [1]} : vector<16xi32> to vector<1xi32>
      %squeeze3A_3121 = vector.extract %slice3A_3120[0] : i32 from vector<1xi32>
      %add3A_3122 = vector.broadcast %squeeze3A_3121 : i32 to vector<16xi32>
      %add3A_3123 = arith.addi %add3A_3122, %iota3A : vector<16xi32>
      %gather3A_3124 = tpu.vector_load_idx %arg7[%broadcast_in_dim3A_3117, %broadcast_in_dim3A_3119, %add3A_3123] : memref<2x128x128xf32, #tpu.memory_space<vmem>>[vector<16xi32>, vector<16xi32>, vector<16xi32>], vector<16xf32>,
      %mul3A_3125 = arith.constant 128 : i32
      %mul3A_3126 = arith.muli %sub3A_1672, %mul3A_3125 : i32
      %add3A_3127 = arith.constant 85 : i32
      %add3A_3128 = arith.addi %mul3A_3126, %add3A_3127 : i32
      %mul3A_3129 = arith.constant 16 : i32
      %mul3A_3130 = arith.muli %add3A_3128, %mul3A_3129 : i32
      %add3A_3131 = vector.broadcast %mul3A_3130 : i32 to vector<16xi32>
      %add3A_3132 = arith.addi %add3A_3131, %iota3A : vector<16xi32>
      tpu.vector_store_idx %arg8[%add3A_3132], %gather3A_3124 : memref<53248xf32, #tpu.memory_space<vmem>>[vector<16xi32>], vector<16xf32>,
      %broadcast_in_dim3A_3133 = vector.broadcast %rem3A_1674 : i32 to vector<16xi32>
      %broadcast_in_dim3A_3134 = arith.constant 86 : i32
      %broadcast_in_dim3A_3135 = vector.broadcast %broadcast_in_dim3A_3134 : i32 to vector<16xi32>
      %slice3A_3136 = vector.extract_strided_slice %mul3A_3036 {offsets = [6], sizes = [1], strides = [1]} : vector<16xi32> to vector<1xi32>
      %squeeze3A_3137 = vector.extract %slice3A_3136[0] : i32 from vector<1xi32>
      %add3A_3138 = vector.broadcast %squeeze3A_3137 : i32 to vector<16xi32>
      %add3A_3139 = arith.addi %add3A_3138, %iota3A : vector<16xi32>
      %gather3A_3140 = tpu.vector_load_idx %arg7[%broadcast_in_dim3A_3133, %broadcast_in_dim3A_3135, %add3A_3139] : memref<2x128x128xf32, #tpu.memory_space<vmem>>[vector<16xi32>, vector<16xi32>, vector<16xi32>], vector<16xf32>,
      %mul3A_3141 = arith.constant 128 : i32
      %mul3A_3142 = arith.muli %sub3A_1672, %mul3A_3141 : i32
      %add3A_3143 = arith.constant 86 : i32
      %add3A_3144 = arith.addi %mul3A_3142, %add3A_3143 : i32
      %mul3A_3145 = arith.constant 16 : i32
      %mul3A_3146 = arith.muli %add3A_3144, %mul3A_3145 : i32
      %add3A_3147 = vector.broadcast %mul3A_3146 : i32 to vector<16xi32>
      %add3A_3148 = arith.addi %add3A_3147, %iota3A : vector<16xi32>
      tpu.vector_store_idx %arg8[%add3A_3148], %gather3A_3140 : memref<53248xf32, #tpu.memory_space<vmem>>[vector<16xi32>], vector<16xf32>,
      %broadcast_in_dim3A_3149 = vector.broadcast %rem3A_1674 : i32 to vector<16xi32>
      %broadcast_in_dim3A_3150 = arith.constant 87 : i32
      %broadcast_in_dim3A_3151 = vector.broadcast %broadcast_in_dim3A_3150 : i32 to vector<16xi32>
      %slice3A_3152 = vector.extract_strided_slice %mul3A_3036 {offsets = [7], sizes = [1], strides = [1]} : vector<16xi32> to vector<1xi32>
      %squeeze3A_3153 = vector.extract %slice3A_3152[0] : i32 from vector<1xi32>
      %add3A_3154 = vector.broadcast %squeeze3A_3153 : i32 to vector<16xi32>
      %add3A_3155 = arith.addi %add3A_3154, %iota3A : vector<16xi32>
      %gather3A_3156 = tpu.vector_load_idx %arg7[%broadcast_in_dim3A_3149, %broadcast_in_dim3A_3151, %add3A_3155] : memref<2x128x128xf32, #tpu.memory_space<vmem>>[vector<16xi32>, vector<16xi32>, vector<16xi32>], vector<16xf32>,
      %mul3A_3157 = arith.constant 128 : i32
      %mul3A_3158 = arith.muli %sub3A_1672, %mul3A_3157 : i32
      %add3A_3159 = arith.constant 87 : i32
      %add3A_3160 = arith.addi %mul3A_3158, %add3A_3159 : i32
      %mul3A_3161 = arith.constant 16 : i32
      %mul3A_3162 = arith.muli %add3A_3160, %mul3A_3161 : i32
      %add3A_3163 = vector.broadcast %mul3A_3162 : i32 to vector<16xi32>
      %add3A_3164 = arith.addi %add3A_3163, %iota3A : vector<16xi32>
      tpu.vector_store_idx %arg8[%add3A_3164], %gather3A_3156 : memref<53248xf32, #tpu.memory_space<vmem>>[vector<16xi32>], vector<16xf32>,
      %broadcast_in_dim3A_3165 = vector.broadcast %rem3A_1674 : i32 to vector<16xi32>
      %broadcast_in_dim3A_3166 = arith.constant 88 : i32
      %broadcast_in_dim3A_3167 = vector.broadcast %broadcast_in_dim3A_3166 : i32 to vector<16xi32>
      %slice3A_3168 = vector.extract_strided_slice %mul3A_3036 {offsets = [8], sizes = [1], strides = [1]} : vector<16xi32> to vector<1xi32>
      %squeeze3A_3169 = vector.extract %slice3A_3168[0] : i32 from vector<1xi32>
      %add3A_3170 = vector.broadcast %squeeze3A_3169 : i32 to vector<16xi32>
      %add3A_3171 = arith.addi %add3A_3170, %iota3A : vector<16xi32>
      %gather3A_3172 = tpu.vector_load_idx %arg7[%broadcast_in_dim3A_3165, %broadcast_in_dim3A_3167, %add3A_3171] : memref<2x128x128xf32, #tpu.memory_space<vmem>>[vector<16xi32>, vector<16xi32>, vector<16xi32>], vector<16xf32>,
      %mul3A_3173 = arith.constant 128 : i32
      %mul3A_3174 = arith.muli %sub3A_1672, %mul3A_3173 : i32
      %add3A_3175 = arith.constant 88 : i32
      %add3A_3176 = arith.addi %mul3A_3174, %add3A_3175 : i32
      %mul3A_3177 = arith.constant 16 : i32
      %mul3A_3178 = arith.muli %add3A_3176, %mul3A_3177 : i32
      %add3A_3179 = vector.broadcast %mul3A_3178 : i32 to vector<16xi32>
      %add3A_3180 = arith.addi %add3A_3179, %iota3A : vector<16xi32>
      tpu.vector_store_idx %arg8[%add3A_3180], %gather3A_3172 : memref<53248xf32, #tpu.memory_space<vmem>>[vector<16xi32>], vector<16xf32>,
      %broadcast_in_dim3A_3181 = vector.broadcast %rem3A_1674 : i32 to vector<16xi32>
      %broadcast_in_dim3A_3182 = arith.constant 89 : i32
      %broadcast_in_dim3A_3183 = vector.broadcast %broadcast_in_dim3A_3182 : i32 to vector<16xi32>
      %slice3A_3184 = vector.extract_strided_slice %mul3A_3036 {offsets = [9], sizes = [1], strides = [1]} : vector<16xi32> to vector<1xi32>
      %squeeze3A_3185 = vector.extract %slice3A_3184[0] : i32 from vector<1xi32>
      %add3A_3186 = vector.broadcast %squeeze3A_3185 : i32 to vector<16xi32>
      %add3A_3187 = arith.addi %add3A_3186, %iota3A : vector<16xi32>
      %gather3A_3188 = tpu.vector_load_idx %arg7[%broadcast_in_dim3A_3181, %broadcast_in_dim3A_3183, %add3A_3187] : memref<2x128x128xf32, #tpu.memory_space<vmem>>[vector<16xi32>, vector<16xi32>, vector<16xi32>], vector<16xf32>,
      %mul3A_3189 = arith.constant 128 : i32
      %mul3A_3190 = arith.muli %sub3A_1672, %mul3A_3189 : i32
      %add3A_3191 = arith.constant 89 : i32
      %add3A_3192 = arith.addi %mul3A_3190, %add3A_3191 : i32
      %mul3A_3193 = arith.constant 16 : i32
      %mul3A_3194 = arith.muli %add3A_3192, %mul3A_3193 : i32
      %add3A_3195 = vector.broadcast %mul3A_3194 : i32 to vector<16xi32>
      %add3A_3196 = arith.addi %add3A_3195, %iota3A : vector<16xi32>
      tpu.vector_store_idx %arg8[%add3A_3196], %gather3A_3188 : memref<53248xf32, #tpu.memory_space<vmem>>[vector<16xi32>], vector<16xf32>,
      %broadcast_in_dim3A_3197 = vector.broadcast %rem3A_1674 : i32 to vector<16xi32>
      %broadcast_in_dim3A_3198 = arith.constant 90 : i32
      %broadcast_in_dim3A_3199 = vector.broadcast %broadcast_in_dim3A_3198 : i32 to vector<16xi32>
      %slice3A_3200 = vector.extract_strided_slice %mul3A_3036 {offsets = [10], sizes = [1], strides = [1]} : vector<16xi32> to vector<1xi32>
      %squeeze3A_3201 = vector.extract %slice3A_3200[0] : i32 from vector<1xi32>
      %add3A_3202 = vector.broadcast %squeeze3A_3201 : i32 to vector<16xi32>
      %add3A_3203 = arith.addi %add3A_3202, %iota3A : vector<16xi32>
      %gather3A_3204 = tpu.vector_load_idx %arg7[%broadcast_in_dim3A_3197, %broadcast_in_dim3A_3199, %add3A_3203] : memref<2x128x128xf32, #tpu.memory_space<vmem>>[vector<16xi32>, vector<16xi32>, vector<16xi32>], vector<16xf32>,
      %mul3A_3205 = arith.constant 128 : i32
      %mul3A_3206 = arith.muli %sub3A_1672, %mul3A_3205 : i32
      %add3A_3207 = arith.constant 90 : i32
      %add3A_3208 = arith.addi %mul3A_3206, %add3A_3207 : i32
      %mul3A_3209 = arith.constant 16 : i32
      %mul3A_3210 = arith.muli %add3A_3208, %mul3A_3209 : i32
      %add3A_3211 = vector.broadcast %mul3A_3210 : i32 to vector<16xi32>
      %add3A_3212 = arith.addi %add3A_3211, %iota3A : vector<16xi32>
      tpu.vector_store_idx %arg8[%add3A_3212], %gather3A_3204 : memref<53248xf32, #tpu.memory_space<vmem>>[vector<16xi32>], vector<16xf32>,
      %broadcast_in_dim3A_3213 = vector.broadcast %rem3A_1674 : i32 to vector<16xi32>
      %broadcast_in_dim3A_3214 = arith.constant 91 : i32
      %broadcast_in_dim3A_3215 = vector.broadcast %broadcast_in_dim3A_3214 : i32 to vector<16xi32>
      %slice3A_3216 = vector.extract_strided_slice %mul3A_3036 {offsets = [11], sizes = [1], strides = [1]} : vector<16xi32> to vector<1xi32>
      %squeeze3A_3217 = vector.extract %slice3A_3216[0] : i32 from vector<1xi32>
      %add3A_3218 = vector.broadcast %squeeze3A_3217 : i32 to vector<16xi32>
      %add3A_3219 = arith.addi %add3A_3218, %iota3A : vector<16xi32>
      %gather3A_3220 = tpu.vector_load_idx %arg7[%broadcast_in_dim3A_3213, %broadcast_in_dim3A_3215, %add3A_3219] : memref<2x128x128xf32, #tpu.memory_space<vmem>>[vector<16xi32>, vector<16xi32>, vector<16xi32>], vector<16xf32>,
      %mul3A_3221 = arith.constant 128 : i32
      %mul3A_3222 = arith.muli %sub3A_1672, %mul3A_3221 : i32
      %add3A_3223 = arith.constant 91 : i32
      %add3A_3224 = arith.addi %mul3A_3222, %add3A_3223 : i32
      %mul3A_3225 = arith.constant 16 : i32
      %mul3A_3226 = arith.muli %add3A_3224, %mul3A_3225 : i32
      %add3A_3227 = vector.broadcast %mul3A_3226 : i32 to vector<16xi32>
      %add3A_3228 = arith.addi %add3A_3227, %iota3A : vector<16xi32>
      tpu.vector_store_idx %arg8[%add3A_3228], %gather3A_3220 : memref<53248xf32, #tpu.memory_space<vmem>>[vector<16xi32>], vector<16xf32>,
      %broadcast_in_dim3A_3229 = vector.broadcast %rem3A_1674 : i32 to vector<16xi32>
      %broadcast_in_dim3A_3230 = arith.constant 92 : i32
      %broadcast_in_dim3A_3231 = vector.broadcast %broadcast_in_dim3A_3230 : i32 to vector<16xi32>
      %slice3A_3232 = vector.extract_strided_slice %mul3A_3036 {offsets = [12], sizes = [1], strides = [1]} : vector<16xi32> to vector<1xi32>
      %squeeze3A_3233 = vector.extract %slice3A_3232[0] : i32 from vector<1xi32>
      %add3A_3234 = vector.broadcast %squeeze3A_3233 : i32 to vector<16xi32>
      %add3A_3235 = arith.addi %add3A_3234, %iota3A : vector<16xi32>
      %gather3A_3236 = tpu.vector_load_idx %arg7[%broadcast_in_dim3A_3229, %broadcast_in_dim3A_3231, %add3A_3235] : memref<2x128x128xf32, #tpu.memory_space<vmem>>[vector<16xi32>, vector<16xi32>, vector<16xi32>], vector<16xf32>,
      %mul3A_3237 = arith.constant 128 : i32
      %mul3A_3238 = arith.muli %sub3A_1672, %mul3A_3237 : i32
      %add3A_3239 = arith.constant 92 : i32
      %add3A_3240 = arith.addi %mul3A_3238, %add3A_3239 : i32
      %mul3A_3241 = arith.constant 16 : i32
      %mul3A_3242 = arith.muli %add3A_3240, %mul3A_3241 : i32
      %add3A_3243 = vector.broadcast %mul3A_3242 : i32 to vector<16xi32>
      %add3A_3244 = arith.addi %add3A_3243, %iota3A : vector<16xi32>
      tpu.vector_store_idx %arg8[%add3A_3244], %gather3A_3236 : memref<53248xf32, #tpu.memory_space<vmem>>[vector<16xi32>], vector<16xf32>,
      %broadcast_in_dim3A_3245 = vector.broadcast %rem3A_1674 : i32 to vector<16xi32>
      %broadcast_in_dim3A_3246 = arith.constant 93 : i32
      %broadcast_in_dim3A_3247 = vector.broadcast %broadcast_in_dim3A_3246 : i32 to vector<16xi32>
      %slice3A_3248 = vector.extract_strided_slice %mul3A_3036 {offsets = [13], sizes = [1], strides = [1]} : vector<16xi32> to vector<1xi32>
      %squeeze3A_3249 = vector.extract %slice3A_3248[0] : i32 from vector<1xi32>
      %add3A_3250 = vector.broadcast %squeeze3A_3249 : i32 to vector<16xi32>
      %add3A_3251 = arith.addi %add3A_3250, %iota3A : vector<16xi32>
      %gather3A_3252 = tpu.vector_load_idx %arg7[%broadcast_in_dim3A_3245, %broadcast_in_dim3A_3247, %add3A_3251] : memref<2x128x128xf32, #tpu.memory_space<vmem>>[vector<16xi32>, vector<16xi32>, vector<16xi32>], vector<16xf32>,
      %mul3A_3253 = arith.constant 128 : i32
      %mul3A_3254 = arith.muli %sub3A_1672, %mul3A_3253 : i32
      %add3A_3255 = arith.constant 93 : i32
      %add3A_3256 = arith.addi %mul3A_3254, %add3A_3255 : i32
      %mul3A_3257 = arith.constant 16 : i32
      %mul3A_3258 = arith.muli %add3A_3256, %mul3A_3257 : i32
      %add3A_3259 = vector.broadcast %mul3A_3258 : i32 to vector<16xi32>
      %add3A_3260 = arith.addi %add3A_3259, %iota3A : vector<16xi32>
      tpu.vector_store_idx %arg8[%add3A_3260], %gather3A_3252 : memref<53248xf32, #tpu.memory_space<vmem>>[vector<16xi32>], vector<16xf32>,
      %broadcast_in_dim3A_3261 = vector.broadcast %rem3A_1674 : i32 to vector<16xi32>
      %broadcast_in_dim3A_3262 = arith.constant 94 : i32
      %broadcast_in_dim3A_3263 = vector.broadcast %broadcast_in_dim3A_3262 : i32 to vector<16xi32>
      %slice3A_3264 = vector.extract_strided_slice %mul3A_3036 {offsets = [14], sizes = [1], strides = [1]} : vector<16xi32> to vector<1xi32>
      %squeeze3A_3265 = vector.extract %slice3A_3264[0] : i32 from vector<1xi32>
      %add3A_3266 = vector.broadcast %squeeze3A_3265 : i32 to vector<16xi32>
      %add3A_3267 = arith.addi %add3A_3266, %iota3A : vector<16xi32>
      %gather3A_3268 = tpu.vector_load_idx %arg7[%broadcast_in_dim3A_3261, %broadcast_in_dim3A_3263, %add3A_3267] : memref<2x128x128xf32, #tpu.memory_space<vmem>>[vector<16xi32>, vector<16xi32>, vector<16xi32>], vector<16xf32>,
      %mul3A_3269 = arith.constant 128 : i32
      %mul3A_3270 = arith.muli %sub3A_1672, %mul3A_3269 : i32
      %add3A_3271 = arith.constant 94 : i32
      %add3A_3272 = arith.addi %mul3A_3270, %add3A_3271 : i32
      %mul3A_3273 = arith.constant 16 : i32
      %mul3A_3274 = arith.muli %add3A_3272, %mul3A_3273 : i32
      %add3A_3275 = vector.broadcast %mul3A_3274 : i32 to vector<16xi32>
      %add3A_3276 = arith.addi %add3A_3275, %iota3A : vector<16xi32>
      tpu.vector_store_idx %arg8[%add3A_3276], %gather3A_3268 : memref<53248xf32, #tpu.memory_space<vmem>>[vector<16xi32>], vector<16xf32>,
      %broadcast_in_dim3A_3277 = vector.broadcast %rem3A_1674 : i32 to vector<16xi32>
      %broadcast_in_dim3A_3278 = arith.constant 95 : i32
      %broadcast_in_dim3A_3279 = vector.broadcast %broadcast_in_dim3A_3278 : i32 to vector<16xi32>
      %slice3A_3280 = vector.extract_strided_slice %mul3A_3036 {offsets = [15], sizes = [1], strides = [1]} : vector<16xi32> to vector<1xi32>
      %squeeze3A_3281 = vector.extract %slice3A_3280[0] : i32 from vector<1xi32>
      %add3A_3282 = vector.broadcast %squeeze3A_3281 : i32 to vector<16xi32>
      %add3A_3283 = arith.addi %add3A_3282, %iota3A : vector<16xi32>
      %gather3A_3284 = tpu.vector_load_idx %arg7[%broadcast_in_dim3A_3277, %broadcast_in_dim3A_3279, %add3A_3283] : memref<2x128x128xf32, #tpu.memory_space<vmem>>[vector<16xi32>, vector<16xi32>, vector<16xi32>], vector<16xf32>,
      %mul3A_3285 = arith.constant 128 : i32
      %mul3A_3286 = arith.muli %sub3A_1672, %mul3A_3285 : i32
      %add3A_3287 = arith.constant 95 : i32
      %add3A_3288 = arith.addi %mul3A_3286, %add3A_3287 : i32
      %mul3A_3289 = arith.constant 16 : i32
      %mul3A_3290 = arith.muli %add3A_3288, %mul3A_3289 : i32
      %add3A_3291 = vector.broadcast %mul3A_3290 : i32 to vector<16xi32>
      %add3A_3292 = arith.addi %add3A_3291, %iota3A : vector<16xi32>
      tpu.vector_store_idx %arg8[%add3A_3292], %gather3A_3284 : memref<53248xf32, #tpu.memory_space<vmem>>[vector<16xi32>], vector<16xf32>,
      %mul3A_3293 = arith.constant 128 : i32
      %mul3A_3294 = arith.muli %sub3A_1672, %mul3A_3293 : i32
      %add3A_3295 = arith.constant 96 : i32
      %add3A_3296 = arith.addi %mul3A_3294, %add3A_3295 : i32
      %get3A_3297 = arith.index_cast %add3A_3296 : i32 to index
      %get3A_3298 = tpu.vector_load %arg5[%get3A_3297] {strides = array<i32>} : memref<3328xi32, #tpu.memory_space<vmem>>, vector<16xi32>,
      %and3A_3299 = arith.constant 7 : i32
      %and3A_3300 = vector.broadcast %and3A_3299 : i32 to vector<16xi32>
      %and3A_3301 = arith.andi %get3A_3298, %and3A_3300 : vector<16xi32>
      %mul3A_3302 = arith.constant 16 : i32
      %mul3A_3303 = vector.broadcast %mul3A_3302 : i32 to vector<16xi32>
      %mul3A_3304 = arith.muli %and3A_3301, %mul3A_3303 : vector<16xi32>
      %broadcast_in_dim3A_3305 = vector.broadcast %rem3A_1674 : i32 to vector<16xi32>
      %broadcast_in_dim3A_3306 = arith.constant 96 : i32
      %broadcast_in_dim3A_3307 = vector.broadcast %broadcast_in_dim3A_3306 : i32 to vector<16xi32>
      %slice3A_3308 = vector.extract_strided_slice %mul3A_3304 {offsets = [0], sizes = [1], strides = [1]} : vector<16xi32> to vector<1xi32>
      %squeeze3A_3309 = vector.extract %slice3A_3308[0] : i32 from vector<1xi32>
      %add3A_3310 = vector.broadcast %squeeze3A_3309 : i32 to vector<16xi32>
      %add3A_3311 = arith.addi %add3A_3310, %iota3A : vector<16xi32>
      %gather3A_3312 = tpu.vector_load_idx %arg7[%broadcast_in_dim3A_3305, %broadcast_in_dim3A_3307, %add3A_3311] : memref<2x128x128xf32, #tpu.memory_space<vmem>>[vector<16xi32>, vector<16xi32>, vector<16xi32>], vector<16xf32>,
      %mul3A_3313 = arith.constant 128 : i32
      %mul3A_3314 = arith.muli %sub3A_1672, %mul3A_3313 : i32
      %add3A_3315 = arith.constant 96 : i32
      %add3A_3316 = arith.addi %mul3A_3314, %add3A_3315 : i32
      %mul3A_3317 = arith.constant 16 : i32
      %mul3A_3318 = arith.muli %add3A_3316, %mul3A_3317 : i32
      %add3A_3319 = vector.broadcast %mul3A_3318 : i32 to vector<16xi32>
      %add3A_3320 = arith.addi %add3A_3319, %iota3A : vector<16xi32>
      tpu.vector_store_idx %arg8[%add3A_3320], %gather3A_3312 : memref<53248xf32, #tpu.memory_space<vmem>>[vector<16xi32>], vector<16xf32>,
      %broadcast_in_dim3A_3321 = vector.broadcast %rem3A_1674 : i32 to vector<16xi32>
      %broadcast_in_dim3A_3322 = arith.constant 97 : i32
      %broadcast_in_dim3A_3323 = vector.broadcast %broadcast_in_dim3A_3322 : i32 to vector<16xi32>
      %slice3A_3324 = vector.extract_strided_slice %mul3A_3304 {offsets = [1], sizes = [1], strides = [1]} : vector<16xi32> to vector<1xi32>
      %squeeze3A_3325 = vector.extract %slice3A_3324[0] : i32 from vector<1xi32>
      %add3A_3326 = vector.broadcast %squeeze3A_3325 : i32 to vector<16xi32>
      %add3A_3327 = arith.addi %add3A_3326, %iota3A : vector<16xi32>
      %gather3A_3328 = tpu.vector_load_idx %arg7[%broadcast_in_dim3A_3321, %broadcast_in_dim3A_3323, %add3A_3327] : memref<2x128x128xf32, #tpu.memory_space<vmem>>[vector<16xi32>, vector<16xi32>, vector<16xi32>], vector<16xf32>,
      %mul3A_3329 = arith.constant 128 : i32
      %mul3A_3330 = arith.muli %sub3A_1672, %mul3A_3329 : i32
      %add3A_3331 = arith.constant 97 : i32
      %add3A_3332 = arith.addi %mul3A_3330, %add3A_3331 : i32
      %mul3A_3333 = arith.constant 16 : i32
      %mul3A_3334 = arith.muli %add3A_3332, %mul3A_3333 : i32
      %add3A_3335 = vector.broadcast %mul3A_3334 : i32 to vector<16xi32>
      %add3A_3336 = arith.addi %add3A_3335, %iota3A : vector<16xi32>
      tpu.vector_store_idx %arg8[%add3A_3336], %gather3A_3328 : memref<53248xf32, #tpu.memory_space<vmem>>[vector<16xi32>], vector<16xf32>,
      %broadcast_in_dim3A_3337 = vector.broadcast %rem3A_1674 : i32 to vector<16xi32>
      %broadcast_in_dim3A_3338 = arith.constant 98 : i32
      %broadcast_in_dim3A_3339 = vector.broadcast %broadcast_in_dim3A_3338 : i32 to vector<16xi32>
      %slice3A_3340 = vector.extract_strided_slice %mul3A_3304 {offsets = [2], sizes = [1], strides = [1]} : vector<16xi32> to vector<1xi32>
      %squeeze3A_3341 = vector.extract %slice3A_3340[0] : i32 from vector<1xi32>
      %add3A_3342 = vector.broadcast %squeeze3A_3341 : i32 to vector<16xi32>
      %add3A_3343 = arith.addi %add3A_3342, %iota3A : vector<16xi32>
      %gather3A_3344 = tpu.vector_load_idx %arg7[%broadcast_in_dim3A_3337, %broadcast_in_dim3A_3339, %add3A_3343] : memref<2x128x128xf32, #tpu.memory_space<vmem>>[vector<16xi32>, vector<16xi32>, vector<16xi32>], vector<16xf32>,
      %mul3A_3345 = arith.constant 128 : i32
      %mul3A_3346 = arith.muli %sub3A_1672, %mul3A_3345 : i32
      %add3A_3347 = arith.constant 98 : i32
      %add3A_3348 = arith.addi %mul3A_3346, %add3A_3347 : i32
      %mul3A_3349 = arith.constant 16 : i32
      %mul3A_3350 = arith.muli %add3A_3348, %mul3A_3349 : i32
      %add3A_3351 = vector.broadcast %mul3A_3350 : i32 to vector<16xi32>
      %add3A_3352 = arith.addi %add3A_3351, %iota3A : vector<16xi32>
      tpu.vector_store_idx %arg8[%add3A_3352], %gather3A_3344 : memref<53248xf32, #tpu.memory_space<vmem>>[vector<16xi32>], vector<16xf32>,
      %broadcast_in_dim3A_3353 = vector.broadcast %rem3A_1674 : i32 to vector<16xi32>
      %broadcast_in_dim3A_3354 = arith.constant 99 : i32
      %broadcast_in_dim3A_3355 = vector.broadcast %broadcast_in_dim3A_3354 : i32 to vector<16xi32>
      %slice3A_3356 = vector.extract_strided_slice %mul3A_3304 {offsets = [3], sizes = [1], strides = [1]} : vector<16xi32> to vector<1xi32>
      %squeeze3A_3357 = vector.extract %slice3A_3356[0] : i32 from vector<1xi32>
      %add3A_3358 = vector.broadcast %squeeze3A_3357 : i32 to vector<16xi32>
      %add3A_3359 = arith.addi %add3A_3358, %iota3A : vector<16xi32>
      %gather3A_3360 = tpu.vector_load_idx %arg7[%broadcast_in_dim3A_3353, %broadcast_in_dim3A_3355, %add3A_3359] : memref<2x128x128xf32, #tpu.memory_space<vmem>>[vector<16xi32>, vector<16xi32>, vector<16xi32>], vector<16xf32>,
      %mul3A_3361 = arith.constant 128 : i32
      %mul3A_3362 = arith.muli %sub3A_1672, %mul3A_3361 : i32
      %add3A_3363 = arith.constant 99 : i32
      %add3A_3364 = arith.addi %mul3A_3362, %add3A_3363 : i32
      %mul3A_3365 = arith.constant 16 : i32
      %mul3A_3366 = arith.muli %add3A_3364, %mul3A_3365 : i32
      %add3A_3367 = vector.broadcast %mul3A_3366 : i32 to vector<16xi32>
      %add3A_3368 = arith.addi %add3A_3367, %iota3A : vector<16xi32>
      tpu.vector_store_idx %arg8[%add3A_3368], %gather3A_3360 : memref<53248xf32, #tpu.memory_space<vmem>>[vector<16xi32>], vector<16xf32>,
      %broadcast_in_dim3A_3369 = vector.broadcast %rem3A_1674 : i32 to vector<16xi32>
      %broadcast_in_dim3A_3370 = arith.constant 100 : i32
      %broadcast_in_dim3A_3371 = vector.broadcast %broadcast_in_dim3A_3370 : i32 to vector<16xi32>
      %slice3A_3372 = vector.extract_strided_slice %mul3A_3304 {offsets = [4], sizes = [1], strides = [1]} : vector<16xi32> to vector<1xi32>
      %squeeze3A_3373 = vector.extract %slice3A_3372[0] : i32 from vector<1xi32>
      %add3A_3374 = vector.broadcast %squeeze3A_3373 : i32 to vector<16xi32>
      %add3A_3375 = arith.addi %add3A_3374, %iota3A : vector<16xi32>
      %gather3A_3376 = tpu.vector_load_idx %arg7[%broadcast_in_dim3A_3369, %broadcast_in_dim3A_3371, %add3A_3375] : memref<2x128x128xf32, #tpu.memory_space<vmem>>[vector<16xi32>, vector<16xi32>, vector<16xi32>], vector<16xf32>,
      %mul3A_3377 = arith.constant 128 : i32
      %mul3A_3378 = arith.muli %sub3A_1672, %mul3A_3377 : i32
      %add3A_3379 = arith.constant 100 : i32
      %add3A_3380 = arith.addi %mul3A_3378, %add3A_3379 : i32
      %mul3A_3381 = arith.constant 16 : i32
      %mul3A_3382 = arith.muli %add3A_3380, %mul3A_3381 : i32
      %add3A_3383 = vector.broadcast %mul3A_3382 : i32 to vector<16xi32>
      %add3A_3384 = arith.addi %add3A_3383, %iota3A : vector<16xi32>
      tpu.vector_store_idx %arg8[%add3A_3384], %gather3A_3376 : memref<53248xf32, #tpu.memory_space<vmem>>[vector<16xi32>], vector<16xf32>,
      %broadcast_in_dim3A_3385 = vector.broadcast %rem3A_1674 : i32 to vector<16xi32>
      %broadcast_in_dim3A_3386 = arith.constant 101 : i32
      %broadcast_in_dim3A_3387 = vector.broadcast %broadcast_in_dim3A_3386 : i32 to vector<16xi32>
      %slice3A_3388 = vector.extract_strided_slice %mul3A_3304 {offsets = [5], sizes = [1], strides = [1]} : vector<16xi32> to vector<1xi32>
      %squeeze3A_3389 = vector.extract %slice3A_3388[0] : i32 from vector<1xi32>
      %add3A_3390 = vector.broadcast %squeeze3A_3389 : i32 to vector<16xi32>
      %add3A_3391 = arith.addi %add3A_3390, %iota3A : vector<16xi32>
      %gather3A_3392 = tpu.vector_load_idx %arg7[%broadcast_in_dim3A_3385, %broadcast_in_dim3A_3387, %add3A_3391] : memref<2x128x128xf32, #tpu.memory_space<vmem>>[vector<16xi32>, vector<16xi32>, vector<16xi32>], vector<16xf32>,
      %mul3A_3393 = arith.constant 128 : i32
      %mul3A_3394 = arith.muli %sub3A_1672, %mul3A_3393 : i32
      %add3A_3395 = arith.constant 101 : i32
      %add3A_3396 = arith.addi %mul3A_3394, %add3A_3395 : i32
      %mul3A_3397 = arith.constant 16 : i32
      %mul3A_3398 = arith.muli %add3A_3396, %mul3A_3397 : i32
      %add3A_3399 = vector.broadcast %mul3A_3398 : i32 to vector<16xi32>
      %add3A_3400 = arith.addi %add3A_3399, %iota3A : vector<16xi32>
      tpu.vector_store_idx %arg8[%add3A_3400], %gather3A_3392 : memref<53248xf32, #tpu.memory_space<vmem>>[vector<16xi32>], vector<16xf32>,
      %broadcast_in_dim3A_3401 = vector.broadcast %rem3A_1674 : i32 to vector<16xi32>
      %broadcast_in_dim3A_3402 = arith.constant 102 : i32
      %broadcast_in_dim3A_3403 = vector.broadcast %broadcast_in_dim3A_3402 : i32 to vector<16xi32>
      %slice3A_3404 = vector.extract_strided_slice %mul3A_3304 {offsets = [6], sizes = [1], strides = [1]} : vector<16xi32> to vector<1xi32>
      %squeeze3A_3405 = vector.extract %slice3A_3404[0] : i32 from vector<1xi32>
      %add3A_3406 = vector.broadcast %squeeze3A_3405 : i32 to vector<16xi32>
      %add3A_3407 = arith.addi %add3A_3406, %iota3A : vector<16xi32>
      %gather3A_3408 = tpu.vector_load_idx %arg7[%broadcast_in_dim3A_3401, %broadcast_in_dim3A_3403, %add3A_3407] : memref<2x128x128xf32, #tpu.memory_space<vmem>>[vector<16xi32>, vector<16xi32>, vector<16xi32>], vector<16xf32>,
      %mul3A_3409 = arith.constant 128 : i32
      %mul3A_3410 = arith.muli %sub3A_1672, %mul3A_3409 : i32
      %add3A_3411 = arith.constant 102 : i32
      %add3A_3412 = arith.addi %mul3A_3410, %add3A_3411 : i32
      %mul3A_3413 = arith.constant 16 : i32
      %mul3A_3414 = arith.muli %add3A_3412, %mul3A_3413 : i32
      %add3A_3415 = vector.broadcast %mul3A_3414 : i32 to vector<16xi32>
      %add3A_3416 = arith.addi %add3A_3415, %iota3A : vector<16xi32>
      tpu.vector_store_idx %arg8[%add3A_3416], %gather3A_3408 : memref<53248xf32, #tpu.memory_space<vmem>>[vector<16xi32>], vector<16xf32>,
      %broadcast_in_dim3A_3417 = vector.broadcast %rem3A_1674 : i32 to vector<16xi32>
      %broadcast_in_dim3A_3418 = arith.constant 103 : i32
      %broadcast_in_dim3A_3419 = vector.broadcast %broadcast_in_dim3A_3418 : i32 to vector<16xi32>
      %slice3A_3420 = vector.extract_strided_slice %mul3A_3304 {offsets = [7], sizes = [1], strides = [1]} : vector<16xi32> to vector<1xi32>
      %squeeze3A_3421 = vector.extract %slice3A_3420[0] : i32 from vector<1xi32>
      %add3A_3422 = vector.broadcast %squeeze3A_3421 : i32 to vector<16xi32>
      %add3A_3423 = arith.addi %add3A_3422, %iota3A : vector<16xi32>
      %gather3A_3424 = tpu.vector_load_idx %arg7[%broadcast_in_dim3A_3417, %broadcast_in_dim3A_3419, %add3A_3423] : memref<2x128x128xf32, #tpu.memory_space<vmem>>[vector<16xi32>, vector<16xi32>, vector<16xi32>], vector<16xf32>,
      %mul3A_3425 = arith.constant 128 : i32
      %mul3A_3426 = arith.muli %sub3A_1672, %mul3A_3425 : i32
      %add3A_3427 = arith.constant 103 : i32
      %add3A_3428 = arith.addi %mul3A_3426, %add3A_3427 : i32
      %mul3A_3429 = arith.constant 16 : i32
      %mul3A_3430 = arith.muli %add3A_3428, %mul3A_3429 : i32
      %add3A_3431 = vector.broadcast %mul3A_3430 : i32 to vector<16xi32>
      %add3A_3432 = arith.addi %add3A_3431, %iota3A : vector<16xi32>
      tpu.vector_store_idx %arg8[%add3A_3432], %gather3A_3424 : memref<53248xf32, #tpu.memory_space<vmem>>[vector<16xi32>], vector<16xf32>,
      %broadcast_in_dim3A_3433 = vector.broadcast %rem3A_1674 : i32 to vector<16xi32>
      %broadcast_in_dim3A_3434 = arith.constant 104 : i32
      %broadcast_in_dim3A_3435 = vector.broadcast %broadcast_in_dim3A_3434 : i32 to vector<16xi32>
      %slice3A_3436 = vector.extract_strided_slice %mul3A_3304 {offsets = [8], sizes = [1], strides = [1]} : vector<16xi32> to vector<1xi32>
      %squeeze3A_3437 = vector.extract %slice3A_3436[0] : i32 from vector<1xi32>
      %add3A_3438 = vector.broadcast %squeeze3A_3437 : i32 to vector<16xi32>
      %add3A_3439 = arith.addi %add3A_3438, %iota3A : vector<16xi32>
      %gather3A_3440 = tpu.vector_load_idx %arg7[%broadcast_in_dim3A_3433, %broadcast_in_dim3A_3435, %add3A_3439] : memref<2x128x128xf32, #tpu.memory_space<vmem>>[vector<16xi32>, vector<16xi32>, vector<16xi32>], vector<16xf32>,
      %mul3A_3441 = arith.constant 128 : i32
      %mul3A_3442 = arith.muli %sub3A_1672, %mul3A_3441 : i32
      %add3A_3443 = arith.constant 104 : i32
      %add3A_3444 = arith.addi %mul3A_3442, %add3A_3443 : i32
      %mul3A_3445 = arith.constant 16 : i32
      %mul3A_3446 = arith.muli %add3A_3444, %mul3A_3445 : i32
      %add3A_3447 = vector.broadcast %mul3A_3446 : i32 to vector<16xi32>
      %add3A_3448 = arith.addi %add3A_3447, %iota3A : vector<16xi32>
      tpu.vector_store_idx %arg8[%add3A_3448], %gather3A_3440 : memref<53248xf32, #tpu.memory_space<vmem>>[vector<16xi32>], vector<16xf32>,
      %broadcast_in_dim3A_3449 = vector.broadcast %rem3A_1674 : i32 to vector<16xi32>
      %broadcast_in_dim3A_3450 = arith.constant 105 : i32
      %broadcast_in_dim3A_3451 = vector.broadcast %broadcast_in_dim3A_3450 : i32 to vector<16xi32>
      %slice3A_3452 = vector.extract_strided_slice %mul3A_3304 {offsets = [9], sizes = [1], strides = [1]} : vector<16xi32> to vector<1xi32>
      %squeeze3A_3453 = vector.extract %slice3A_3452[0] : i32 from vector<1xi32>
      %add3A_3454 = vector.broadcast %squeeze3A_3453 : i32 to vector<16xi32>
      %add3A_3455 = arith.addi %add3A_3454, %iota3A : vector<16xi32>
      %gather3A_3456 = tpu.vector_load_idx %arg7[%broadcast_in_dim3A_3449, %broadcast_in_dim3A_3451, %add3A_3455] : memref<2x128x128xf32, #tpu.memory_space<vmem>>[vector<16xi32>, vector<16xi32>, vector<16xi32>], vector<16xf32>,
      %mul3A_3457 = arith.constant 128 : i32
      %mul3A_3458 = arith.muli %sub3A_1672, %mul3A_3457 : i32
      %add3A_3459 = arith.constant 105 : i32
      %add3A_3460 = arith.addi %mul3A_3458, %add3A_3459 : i32
      %mul3A_3461 = arith.constant 16 : i32
      %mul3A_3462 = arith.muli %add3A_3460, %mul3A_3461 : i32
      %add3A_3463 = vector.broadcast %mul3A_3462 : i32 to vector<16xi32>
      %add3A_3464 = arith.addi %add3A_3463, %iota3A : vector<16xi32>
      tpu.vector_store_idx %arg8[%add3A_3464], %gather3A_3456 : memref<53248xf32, #tpu.memory_space<vmem>>[vector<16xi32>], vector<16xf32>,
      %broadcast_in_dim3A_3465 = vector.broadcast %rem3A_1674 : i32 to vector<16xi32>
      %broadcast_in_dim3A_3466 = arith.constant 106 : i32
      %broadcast_in_dim3A_3467 = vector.broadcast %broadcast_in_dim3A_3466 : i32 to vector<16xi32>
      %slice3A_3468 = vector.extract_strided_slice %mul3A_3304 {offsets = [10], sizes = [1], strides = [1]} : vector<16xi32> to vector<1xi32>
      %squeeze3A_3469 = vector.extract %slice3A_3468[0] : i32 from vector<1xi32>
      %add3A_3470 = vector.broadcast %squeeze3A_3469 : i32 to vector<16xi32>
      %add3A_3471 = arith.addi %add3A_3470, %iota3A : vector<16xi32>
      %gather3A_3472 = tpu.vector_load_idx %arg7[%broadcast_in_dim3A_3465, %broadcast_in_dim3A_3467, %add3A_3471] : memref<2x128x128xf32, #tpu.memory_space<vmem>>[vector<16xi32>, vector<16xi32>, vector<16xi32>], vector<16xf32>,
      %mul3A_3473 = arith.constant 128 : i32
      %mul3A_3474 = arith.muli %sub3A_1672, %mul3A_3473 : i32
      %add3A_3475 = arith.constant 106 : i32
      %add3A_3476 = arith.addi %mul3A_3474, %add3A_3475 : i32
      %mul3A_3477 = arith.constant 16 : i32
      %mul3A_3478 = arith.muli %add3A_3476, %mul3A_3477 : i32
      %add3A_3479 = vector.broadcast %mul3A_3478 : i32 to vector<16xi32>
      %add3A_3480 = arith.addi %add3A_3479, %iota3A : vector<16xi32>
      tpu.vector_store_idx %arg8[%add3A_3480], %gather3A_3472 : memref<53248xf32, #tpu.memory_space<vmem>>[vector<16xi32>], vector<16xf32>,
      %broadcast_in_dim3A_3481 = vector.broadcast %rem3A_1674 : i32 to vector<16xi32>
      %broadcast_in_dim3A_3482 = arith.constant 107 : i32
      %broadcast_in_dim3A_3483 = vector.broadcast %broadcast_in_dim3A_3482 : i32 to vector<16xi32>
      %slice3A_3484 = vector.extract_strided_slice %mul3A_3304 {offsets = [11], sizes = [1], strides = [1]} : vector<16xi32> to vector<1xi32>
      %squeeze3A_3485 = vector.extract %slice3A_3484[0] : i32 from vector<1xi32>
      %add3A_3486 = vector.broadcast %squeeze3A_3485 : i32 to vector<16xi32>
      %add3A_3487 = arith.addi %add3A_3486, %iota3A : vector<16xi32>
      %gather3A_3488 = tpu.vector_load_idx %arg7[%broadcast_in_dim3A_3481, %broadcast_in_dim3A_3483, %add3A_3487] : memref<2x128x128xf32, #tpu.memory_space<vmem>>[vector<16xi32>, vector<16xi32>, vector<16xi32>], vector<16xf32>,
      %mul3A_3489 = arith.constant 128 : i32
      %mul3A_3490 = arith.muli %sub3A_1672, %mul3A_3489 : i32
      %add3A_3491 = arith.constant 107 : i32
      %add3A_3492 = arith.addi %mul3A_3490, %add3A_3491 : i32
      %mul3A_3493 = arith.constant 16 : i32
      %mul3A_3494 = arith.muli %add3A_3492, %mul3A_3493 : i32
      %add3A_3495 = vector.broadcast %mul3A_3494 : i32 to vector<16xi32>
      %add3A_3496 = arith.addi %add3A_3495, %iota3A : vector<16xi32>
      tpu.vector_store_idx %arg8[%add3A_3496], %gather3A_3488 : memref<53248xf32, #tpu.memory_space<vmem>>[vector<16xi32>], vector<16xf32>,
      %broadcast_in_dim3A_3497 = vector.broadcast %rem3A_1674 : i32 to vector<16xi32>
      %broadcast_in_dim3A_3498 = arith.constant 108 : i32
      %broadcast_in_dim3A_3499 = vector.broadcast %broadcast_in_dim3A_3498 : i32 to vector<16xi32>
      %slice3A_3500 = vector.extract_strided_slice %mul3A_3304 {offsets = [12], sizes = [1], strides = [1]} : vector<16xi32> to vector<1xi32>
      %squeeze3A_3501 = vector.extract %slice3A_3500[0] : i32 from vector<1xi32>
      %add3A_3502 = vector.broadcast %squeeze3A_3501 : i32 to vector<16xi32>
      %add3A_3503 = arith.addi %add3A_3502, %iota3A : vector<16xi32>
      %gather3A_3504 = tpu.vector_load_idx %arg7[%broadcast_in_dim3A_3497, %broadcast_in_dim3A_3499, %add3A_3503] : memref<2x128x128xf32, #tpu.memory_space<vmem>>[vector<16xi32>, vector<16xi32>, vector<16xi32>], vector<16xf32>,
      %mul3A_3505 = arith.constant 128 : i32
      %mul3A_3506 = arith.muli %sub3A_1672, %mul3A_3505 : i32
      %add3A_3507 = arith.constant 108 : i32
      %add3A_3508 = arith.addi %mul3A_3506, %add3A_3507 : i32
      %mul3A_3509 = arith.constant 16 : i32
      %mul3A_3510 = arith.muli %add3A_3508, %mul3A_3509 : i32
      %add3A_3511 = vector.broadcast %mul3A_3510 : i32 to vector<16xi32>
      %add3A_3512 = arith.addi %add3A_3511, %iota3A : vector<16xi32>
      tpu.vector_store_idx %arg8[%add3A_3512], %gather3A_3504 : memref<53248xf32, #tpu.memory_space<vmem>>[vector<16xi32>], vector<16xf32>,
      %broadcast_in_dim3A_3513 = vector.broadcast %rem3A_1674 : i32 to vector<16xi32>
      %broadcast_in_dim3A_3514 = arith.constant 109 : i32
      %broadcast_in_dim3A_3515 = vector.broadcast %broadcast_in_dim3A_3514 : i32 to vector<16xi32>
      %slice3A_3516 = vector.extract_strided_slice %mul3A_3304 {offsets = [13], sizes = [1], strides = [1]} : vector<16xi32> to vector<1xi32>
      %squeeze3A_3517 = vector.extract %slice3A_3516[0] : i32 from vector<1xi32>
      %add3A_3518 = vector.broadcast %squeeze3A_3517 : i32 to vector<16xi32>
      %add3A_3519 = arith.addi %add3A_3518, %iota3A : vector<16xi32>
      %gather3A_3520 = tpu.vector_load_idx %arg7[%broadcast_in_dim3A_3513, %broadcast_in_dim3A_3515, %add3A_3519] : memref<2x128x128xf32, #tpu.memory_space<vmem>>[vector<16xi32>, vector<16xi32>, vector<16xi32>], vector<16xf32>,
      %mul3A_3521 = arith.constant 128 : i32
      %mul3A_3522 = arith.muli %sub3A_1672, %mul3A_3521 : i32
      %add3A_3523 = arith.constant 109 : i32
      %add3A_3524 = arith.addi %mul3A_3522, %add3A_3523 : i32
      %mul3A_3525 = arith.constant 16 : i32
      %mul3A_3526 = arith.muli %add3A_3524, %mul3A_3525 : i32
      %add3A_3527 = vector.broadcast %mul3A_3526 : i32 to vector<16xi32>
      %add3A_3528 = arith.addi %add3A_3527, %iota3A : vector<16xi32>
      tpu.vector_store_idx %arg8[%add3A_3528], %gather3A_3520 : memref<53248xf32, #tpu.memory_space<vmem>>[vector<16xi32>], vector<16xf32>,
      %broadcast_in_dim3A_3529 = vector.broadcast %rem3A_1674 : i32 to vector<16xi32>
      %broadcast_in_dim3A_3530 = arith.constant 110 : i32
      %broadcast_in_dim3A_3531 = vector.broadcast %broadcast_in_dim3A_3530 : i32 to vector<16xi32>
      %slice3A_3532 = vector.extract_strided_slice %mul3A_3304 {offsets = [14], sizes = [1], strides = [1]} : vector<16xi32> to vector<1xi32>
      %squeeze3A_3533 = vector.extract %slice3A_3532[0] : i32 from vector<1xi32>
      %add3A_3534 = vector.broadcast %squeeze3A_3533 : i32 to vector<16xi32>
      %add3A_3535 = arith.addi %add3A_3534, %iota3A : vector<16xi32>
      %gather3A_3536 = tpu.vector_load_idx %arg7[%broadcast_in_dim3A_3529, %broadcast_in_dim3A_3531, %add3A_3535] : memref<2x128x128xf32, #tpu.memory_space<vmem>>[vector<16xi32>, vector<16xi32>, vector<16xi32>], vector<16xf32>,
      %mul3A_3537 = arith.constant 128 : i32
      %mul3A_3538 = arith.muli %sub3A_1672, %mul3A_3537 : i32
      %add3A_3539 = arith.constant 110 : i32
      %add3A_3540 = arith.addi %mul3A_3538, %add3A_3539 : i32
      %mul3A_3541 = arith.constant 16 : i32
      %mul3A_3542 = arith.muli %add3A_3540, %mul3A_3541 : i32
      %add3A_3543 = vector.broadcast %mul3A_3542 : i32 to vector<16xi32>
      %add3A_3544 = arith.addi %add3A_3543, %iota3A : vector<16xi32>
      tpu.vector_store_idx %arg8[%add3A_3544], %gather3A_3536 : memref<53248xf32, #tpu.memory_space<vmem>>[vector<16xi32>], vector<16xf32>,
      %broadcast_in_dim3A_3545 = vector.broadcast %rem3A_1674 : i32 to vector<16xi32>
      %broadcast_in_dim3A_3546 = arith.constant 111 : i32
      %broadcast_in_dim3A_3547 = vector.broadcast %broadcast_in_dim3A_3546 : i32 to vector<16xi32>
      %slice3A_3548 = vector.extract_strided_slice %mul3A_3304 {offsets = [15], sizes = [1], strides = [1]} : vector<16xi32> to vector<1xi32>
      %squeeze3A_3549 = vector.extract %slice3A_3548[0] : i32 from vector<1xi32>
      %add3A_3550 = vector.broadcast %squeeze3A_3549 : i32 to vector<16xi32>
      %add3A_3551 = arith.addi %add3A_3550, %iota3A : vector<16xi32>
      %gather3A_3552 = tpu.vector_load_idx %arg7[%broadcast_in_dim3A_3545, %broadcast_in_dim3A_3547, %add3A_3551] : memref<2x128x128xf32, #tpu.memory_space<vmem>>[vector<16xi32>, vector<16xi32>, vector<16xi32>], vector<16xf32>,
      %mul3A_3553 = arith.constant 128 : i32
      %mul3A_3554 = arith.muli %sub3A_1672, %mul3A_3553 : i32
      %add3A_3555 = arith.constant 111 : i32
      %add3A_3556 = arith.addi %mul3A_3554, %add3A_3555 : i32
      %mul3A_3557 = arith.constant 16 : i32
      %mul3A_3558 = arith.muli %add3A_3556, %mul3A_3557 : i32
      %add3A_3559 = vector.broadcast %mul3A_3558 : i32 to vector<16xi32>
      %add3A_3560 = arith.addi %add3A_3559, %iota3A : vector<16xi32>
      tpu.vector_store_idx %arg8[%add3A_3560], %gather3A_3552 : memref<53248xf32, #tpu.memory_space<vmem>>[vector<16xi32>], vector<16xf32>,
      %mul3A_3561 = arith.constant 128 : i32
      %mul3A_3562 = arith.muli %sub3A_1672, %mul3A_3561 : i32
      %add3A_3563 = arith.constant 112 : i32
      %add3A_3564 = arith.addi %mul3A_3562, %add3A_3563 : i32
      %get3A_3565 = arith.index_cast %add3A_3564 : i32 to index
      %get3A_3566 = tpu.vector_load %arg5[%get3A_3565] {strides = array<i32>} : memref<3328xi32, #tpu.memory_space<vmem>>, vector<16xi32>,
      %and3A_3567 = arith.constant 7 : i32
      %and3A_3568 = vector.broadcast %and3A_3567 : i32 to vector<16xi32>
      %and3A_3569 = arith.andi %get3A_3566, %and3A_3568 : vector<16xi32>
      %mul3A_3570 = arith.constant 16 : i32
      %mul3A_3571 = vector.broadcast %mul3A_3570 : i32 to vector<16xi32>
      %mul3A_3572 = arith.muli %and3A_3569, %mul3A_3571 : vector<16xi32>
      %broadcast_in_dim3A_3573 = vector.broadcast %rem3A_1674 : i32 to vector<16xi32>
      %broadcast_in_dim3A_3574 = arith.constant 112 : i32
      %broadcast_in_dim3A_3575 = vector.broadcast %broadcast_in_dim3A_3574 : i32 to vector<16xi32>
      %slice3A_3576 = vector.extract_strided_slice %mul3A_3572 {offsets = [0], sizes = [1], strides = [1]} : vector<16xi32> to vector<1xi32>
      %squeeze3A_3577 = vector.extract %slice3A_3576[0] : i32 from vector<1xi32>
      %add3A_3578 = vector.broadcast %squeeze3A_3577 : i32 to vector<16xi32>
      %add3A_3579 = arith.addi %add3A_3578, %iota3A : vector<16xi32>
      %gather3A_3580 = tpu.vector_load_idx %arg7[%broadcast_in_dim3A_3573, %broadcast_in_dim3A_3575, %add3A_3579] : memref<2x128x128xf32, #tpu.memory_space<vmem>>[vector<16xi32>, vector<16xi32>, vector<16xi32>], vector<16xf32>,
      %mul3A_3581 = arith.constant 128 : i32
      %mul3A_3582 = arith.muli %sub3A_1672, %mul3A_3581 : i32
      %add3A_3583 = arith.constant 112 : i32
      %add3A_3584 = arith.addi %mul3A_3582, %add3A_3583 : i32
      %mul3A_3585 = arith.constant 16 : i32
      %mul3A_3586 = arith.muli %add3A_3584, %mul3A_3585 : i32
      %add3A_3587 = vector.broadcast %mul3A_3586 : i32 to vector<16xi32>
      %add3A_3588 = arith.addi %add3A_3587, %iota3A : vector<16xi32>
      tpu.vector_store_idx %arg8[%add3A_3588], %gather3A_3580 : memref<53248xf32, #tpu.memory_space<vmem>>[vector<16xi32>], vector<16xf32>,
      %broadcast_in_dim3A_3589 = vector.broadcast %rem3A_1674 : i32 to vector<16xi32>
      %broadcast_in_dim3A_3590 = arith.constant 113 : i32
      %broadcast_in_dim3A_3591 = vector.broadcast %broadcast_in_dim3A_3590 : i32 to vector<16xi32>
      %slice3A_3592 = vector.extract_strided_slice %mul3A_3572 {offsets = [1], sizes = [1], strides = [1]} : vector<16xi32> to vector<1xi32>
      %squeeze3A_3593 = vector.extract %slice3A_3592[0] : i32 from vector<1xi32>
      %add3A_3594 = vector.broadcast %squeeze3A_3593 : i32 to vector<16xi32>
      %add3A_3595 = arith.addi %add3A_3594, %iota3A : vector<16xi32>
      %gather3A_3596 = tpu.vector_load_idx %arg7[%broadcast_in_dim3A_3589, %broadcast_in_dim3A_3591, %add3A_3595] : memref<2x128x128xf32, #tpu.memory_space<vmem>>[vector<16xi32>, vector<16xi32>, vector<16xi32>], vector<16xf32>,
      %mul3A_3597 = arith.constant 128 : i32
      %mul3A_3598 = arith.muli %sub3A_1672, %mul3A_3597 : i32
      %add3A_3599 = arith.constant 113 : i32
      %add3A_3600 = arith.addi %mul3A_3598, %add3A_3599 : i32
      %mul3A_3601 = arith.constant 16 : i32
      %mul3A_3602 = arith.muli %add3A_3600, %mul3A_3601 : i32
      %add3A_3603 = vector.broadcast %mul3A_3602 : i32 to vector<16xi32>
      %add3A_3604 = arith.addi %add3A_3603, %iota3A : vector<16xi32>
      tpu.vector_store_idx %arg8[%add3A_3604], %gather3A_3596 : memref<53248xf32, #tpu.memory_space<vmem>>[vector<16xi32>], vector<16xf32>,
      %broadcast_in_dim3A_3605 = vector.broadcast %rem3A_1674 : i32 to vector<16xi32>
      %broadcast_in_dim3A_3606 = arith.constant 114 : i32
      %broadcast_in_dim3A_3607 = vector.broadcast %broadcast_in_dim3A_3606 : i32 to vector<16xi32>
      %slice3A_3608 = vector.extract_strided_slice %mul3A_3572 {offsets = [2], sizes = [1], strides = [1]} : vector<16xi32> to vector<1xi32>
      %squeeze3A_3609 = vector.extract %slice3A_3608[0] : i32 from vector<1xi32>
      %add3A_3610 = vector.broadcast %squeeze3A_3609 : i32 to vector<16xi32>
      %add3A_3611 = arith.addi %add3A_3610, %iota3A : vector<16xi32>
      %gather3A_3612 = tpu.vector_load_idx %arg7[%broadcast_in_dim3A_3605, %broadcast_in_dim3A_3607, %add3A_3611] : memref<2x128x128xf32, #tpu.memory_space<vmem>>[vector<16xi32>, vector<16xi32>, vector<16xi32>], vector<16xf32>,
      %mul3A_3613 = arith.constant 128 : i32
      %mul3A_3614 = arith.muli %sub3A_1672, %mul3A_3613 : i32
      %add3A_3615 = arith.constant 114 : i32
      %add3A_3616 = arith.addi %mul3A_3614, %add3A_3615 : i32
      %mul3A_3617 = arith.constant 16 : i32
      %mul3A_3618 = arith.muli %add3A_3616, %mul3A_3617 : i32
      %add3A_3619 = vector.broadcast %mul3A_3618 : i32 to vector<16xi32>
      %add3A_3620 = arith.addi %add3A_3619, %iota3A : vector<16xi32>
      tpu.vector_store_idx %arg8[%add3A_3620], %gather3A_3612 : memref<53248xf32, #tpu.memory_space<vmem>>[vector<16xi32>], vector<16xf32>,
      %broadcast_in_dim3A_3621 = vector.broadcast %rem3A_1674 : i32 to vector<16xi32>
      %broadcast_in_dim3A_3622 = arith.constant 115 : i32
      %broadcast_in_dim3A_3623 = vector.broadcast %broadcast_in_dim3A_3622 : i32 to vector<16xi32>
      %slice3A_3624 = vector.extract_strided_slice %mul3A_3572 {offsets = [3], sizes = [1], strides = [1]} : vector<16xi32> to vector<1xi32>
      %squeeze3A_3625 = vector.extract %slice3A_3624[0] : i32 from vector<1xi32>
      %add3A_3626 = vector.broadcast %squeeze3A_3625 : i32 to vector<16xi32>
      %add3A_3627 = arith.addi %add3A_3626, %iota3A : vector<16xi32>
      %gather3A_3628 = tpu.vector_load_idx %arg7[%broadcast_in_dim3A_3621, %broadcast_in_dim3A_3623, %add3A_3627] : memref<2x128x128xf32, #tpu.memory_space<vmem>>[vector<16xi32>, vector<16xi32>, vector<16xi32>], vector<16xf32>,
      %mul3A_3629 = arith.constant 128 : i32
      %mul3A_3630 = arith.muli %sub3A_1672, %mul3A_3629 : i32
      %add3A_3631 = arith.constant 115 : i32
      %add3A_3632 = arith.addi %mul3A_3630, %add3A_3631 : i32
      %mul3A_3633 = arith.constant 16 : i32
      %mul3A_3634 = arith.muli %add3A_3632, %mul3A_3633 : i32
      %add3A_3635 = vector.broadcast %mul3A_3634 : i32 to vector<16xi32>
      %add3A_3636 = arith.addi %add3A_3635, %iota3A : vector<16xi32>
      tpu.vector_store_idx %arg8[%add3A_3636], %gather3A_3628 : memref<53248xf32, #tpu.memory_space<vmem>>[vector<16xi32>], vector<16xf32>,
      %broadcast_in_dim3A_3637 = vector.broadcast %rem3A_1674 : i32 to vector<16xi32>
      %broadcast_in_dim3A_3638 = arith.constant 116 : i32
      %broadcast_in_dim3A_3639 = vector.broadcast %broadcast_in_dim3A_3638 : i32 to vector<16xi32>
      %slice3A_3640 = vector.extract_strided_slice %mul3A_3572 {offsets = [4], sizes = [1], strides = [1]} : vector<16xi32> to vector<1xi32>
      %squeeze3A_3641 = vector.extract %slice3A_3640[0] : i32 from vector<1xi32>
      %add3A_3642 = vector.broadcast %squeeze3A_3641 : i32 to vector<16xi32>
      %add3A_3643 = arith.addi %add3A_3642, %iota3A : vector<16xi32>
      %gather3A_3644 = tpu.vector_load_idx %arg7[%broadcast_in_dim3A_3637, %broadcast_in_dim3A_3639, %add3A_3643] : memref<2x128x128xf32, #tpu.memory_space<vmem>>[vector<16xi32>, vector<16xi32>, vector<16xi32>], vector<16xf32>,
      %mul3A_3645 = arith.constant 128 : i32
      %mul3A_3646 = arith.muli %sub3A_1672, %mul3A_3645 : i32
      %add3A_3647 = arith.constant 116 : i32
      %add3A_3648 = arith.addi %mul3A_3646, %add3A_3647 : i32
      %mul3A_3649 = arith.constant 16 : i32
      %mul3A_3650 = arith.muli %add3A_3648, %mul3A_3649 : i32
      %add3A_3651 = vector.broadcast %mul3A_3650 : i32 to vector<16xi32>
      %add3A_3652 = arith.addi %add3A_3651, %iota3A : vector<16xi32>
      tpu.vector_store_idx %arg8[%add3A_3652], %gather3A_3644 : memref<53248xf32, #tpu.memory_space<vmem>>[vector<16xi32>], vector<16xf32>,
      %broadcast_in_dim3A_3653 = vector.broadcast %rem3A_1674 : i32 to vector<16xi32>
      %broadcast_in_dim3A_3654 = arith.constant 117 : i32
      %broadcast_in_dim3A_3655 = vector.broadcast %broadcast_in_dim3A_3654 : i32 to vector<16xi32>
      %slice3A_3656 = vector.extract_strided_slice %mul3A_3572 {offsets = [5], sizes = [1], strides = [1]} : vector<16xi32> to vector<1xi32>
      %squeeze3A_3657 = vector.extract %slice3A_3656[0] : i32 from vector<1xi32>
      %add3A_3658 = vector.broadcast %squeeze3A_3657 : i32 to vector<16xi32>
      %add3A_3659 = arith.addi %add3A_3658, %iota3A : vector<16xi32>
      %gather3A_3660 = tpu.vector_load_idx %arg7[%broadcast_in_dim3A_3653, %broadcast_in_dim3A_3655, %add3A_3659] : memref<2x128x128xf32, #tpu.memory_space<vmem>>[vector<16xi32>, vector<16xi32>, vector<16xi32>], vector<16xf32>,
      %mul3A_3661 = arith.constant 128 : i32
      %mul3A_3662 = arith.muli %sub3A_1672, %mul3A_3661 : i32
      %add3A_3663 = arith.constant 117 : i32
      %add3A_3664 = arith.addi %mul3A_3662, %add3A_3663 : i32
      %mul3A_3665 = arith.constant 16 : i32
      %mul3A_3666 = arith.muli %add3A_3664, %mul3A_3665 : i32
      %add3A_3667 = vector.broadcast %mul3A_3666 : i32 to vector<16xi32>
      %add3A_3668 = arith.addi %add3A_3667, %iota3A : vector<16xi32>
      tpu.vector_store_idx %arg8[%add3A_3668], %gather3A_3660 : memref<53248xf32, #tpu.memory_space<vmem>>[vector<16xi32>], vector<16xf32>,
      %broadcast_in_dim3A_3669 = vector.broadcast %rem3A_1674 : i32 to vector<16xi32>
      %broadcast_in_dim3A_3670 = arith.constant 118 : i32
      %broadcast_in_dim3A_3671 = vector.broadcast %broadcast_in_dim3A_3670 : i32 to vector<16xi32>
      %slice3A_3672 = vector.extract_strided_slice %mul3A_3572 {offsets = [6], sizes = [1], strides = [1]} : vector<16xi32> to vector<1xi32>
      %squeeze3A_3673 = vector.extract %slice3A_3672[0] : i32 from vector<1xi32>
      %add3A_3674 = vector.broadcast %squeeze3A_3673 : i32 to vector<16xi32>
      %add3A_3675 = arith.addi %add3A_3674, %iota3A : vector<16xi32>
      %gather3A_3676 = tpu.vector_load_idx %arg7[%broadcast_in_dim3A_3669, %broadcast_in_dim3A_3671, %add3A_3675] : memref<2x128x128xf32, #tpu.memory_space<vmem>>[vector<16xi32>, vector<16xi32>, vector<16xi32>], vector<16xf32>,
      %mul3A_3677 = arith.constant 128 : i32
      %mul3A_3678 = arith.muli %sub3A_1672, %mul3A_3677 : i32
      %add3A_3679 = arith.constant 118 : i32
      %add3A_3680 = arith.addi %mul3A_3678, %add3A_3679 : i32
      %mul3A_3681 = arith.constant 16 : i32
      %mul3A_3682 = arith.muli %add3A_3680, %mul3A_3681 : i32
      %add3A_3683 = vector.broadcast %mul3A_3682 : i32 to vector<16xi32>
      %add3A_3684 = arith.addi %add3A_3683, %iota3A : vector<16xi32>
      tpu.vector_store_idx %arg8[%add3A_3684], %gather3A_3676 : memref<53248xf32, #tpu.memory_space<vmem>>[vector<16xi32>], vector<16xf32>,
      %broadcast_in_dim3A_3685 = vector.broadcast %rem3A_1674 : i32 to vector<16xi32>
      %broadcast_in_dim3A_3686 = arith.constant 119 : i32
      %broadcast_in_dim3A_3687 = vector.broadcast %broadcast_in_dim3A_3686 : i32 to vector<16xi32>
      %slice3A_3688 = vector.extract_strided_slice %mul3A_3572 {offsets = [7], sizes = [1], strides = [1]} : vector<16xi32> to vector<1xi32>
      %squeeze3A_3689 = vector.extract %slice3A_3688[0] : i32 from vector<1xi32>
      %add3A_3690 = vector.broadcast %squeeze3A_3689 : i32 to vector<16xi32>
      %add3A_3691 = arith.addi %add3A_3690, %iota3A : vector<16xi32>
      %gather3A_3692 = tpu.vector_load_idx %arg7[%broadcast_in_dim3A_3685, %broadcast_in_dim3A_3687, %add3A_3691] : memref<2x128x128xf32, #tpu.memory_space<vmem>>[vector<16xi32>, vector<16xi32>, vector<16xi32>], vector<16xf32>,
      %mul3A_3693 = arith.constant 128 : i32
      %mul3A_3694 = arith.muli %sub3A_1672, %mul3A_3693 : i32
      %add3A_3695 = arith.constant 119 : i32
      %add3A_3696 = arith.addi %mul3A_3694, %add3A_3695 : i32
      %mul3A_3697 = arith.constant 16 : i32
      %mul3A_3698 = arith.muli %add3A_3696, %mul3A_3697 : i32
      %add3A_3699 = vector.broadcast %mul3A_3698 : i32 to vector<16xi32>
      %add3A_3700 = arith.addi %add3A_3699, %iota3A : vector<16xi32>
      tpu.vector_store_idx %arg8[%add3A_3700], %gather3A_3692 : memref<53248xf32, #tpu.memory_space<vmem>>[vector<16xi32>], vector<16xf32>,
      %broadcast_in_dim3A_3701 = vector.broadcast %rem3A_1674 : i32 to vector<16xi32>
      %broadcast_in_dim3A_3702 = arith.constant 120 : i32
      %broadcast_in_dim3A_3703 = vector.broadcast %broadcast_in_dim3A_3702 : i32 to vector<16xi32>
      %slice3A_3704 = vector.extract_strided_slice %mul3A_3572 {offsets = [8], sizes = [1], strides = [1]} : vector<16xi32> to vector<1xi32>
      %squeeze3A_3705 = vector.extract %slice3A_3704[0] : i32 from vector<1xi32>
      %add3A_3706 = vector.broadcast %squeeze3A_3705 : i32 to vector<16xi32>
      %add3A_3707 = arith.addi %add3A_3706, %iota3A : vector<16xi32>
      %gather3A_3708 = tpu.vector_load_idx %arg7[%broadcast_in_dim3A_3701, %broadcast_in_dim3A_3703, %add3A_3707] : memref<2x128x128xf32, #tpu.memory_space<vmem>>[vector<16xi32>, vector<16xi32>, vector<16xi32>], vector<16xf32>,
      %mul3A_3709 = arith.constant 128 : i32
      %mul3A_3710 = arith.muli %sub3A_1672, %mul3A_3709 : i32
      %add3A_3711 = arith.constant 120 : i32
      %add3A_3712 = arith.addi %mul3A_3710, %add3A_3711 : i32
      %mul3A_3713 = arith.constant 16 : i32
      %mul3A_3714 = arith.muli %add3A_3712, %mul3A_3713 : i32
      %add3A_3715 = vector.broadcast %mul3A_3714 : i32 to vector<16xi32>
      %add3A_3716 = arith.addi %add3A_3715, %iota3A : vector<16xi32>
      tpu.vector_store_idx %arg8[%add3A_3716], %gather3A_3708 : memref<53248xf32, #tpu.memory_space<vmem>>[vector<16xi32>], vector<16xf32>,
      %broadcast_in_dim3A_3717 = vector.broadcast %rem3A_1674 : i32 to vector<16xi32>
      %broadcast_in_dim3A_3718 = arith.constant 121 : i32
      %broadcast_in_dim3A_3719 = vector.broadcast %broadcast_in_dim3A_3718 : i32 to vector<16xi32>
      %slice3A_3720 = vector.extract_strided_slice %mul3A_3572 {offsets = [9], sizes = [1], strides = [1]} : vector<16xi32> to vector<1xi32>
      %squeeze3A_3721 = vector.extract %slice3A_3720[0] : i32 from vector<1xi32>
      %add3A_3722 = vector.broadcast %squeeze3A_3721 : i32 to vector<16xi32>
      %add3A_3723 = arith.addi %add3A_3722, %iota3A : vector<16xi32>
      %gather3A_3724 = tpu.vector_load_idx %arg7[%broadcast_in_dim3A_3717, %broadcast_in_dim3A_3719, %add3A_3723] : memref<2x128x128xf32, #tpu.memory_space<vmem>>[vector<16xi32>, vector<16xi32>, vector<16xi32>], vector<16xf32>,
      %mul3A_3725 = arith.constant 128 : i32
      %mul3A_3726 = arith.muli %sub3A_1672, %mul3A_3725 : i32
      %add3A_3727 = arith.constant 121 : i32
      %add3A_3728 = arith.addi %mul3A_3726, %add3A_3727 : i32
      %mul3A_3729 = arith.constant 16 : i32
      %mul3A_3730 = arith.muli %add3A_3728, %mul3A_3729 : i32
      %add3A_3731 = vector.broadcast %mul3A_3730 : i32 to vector<16xi32>
      %add3A_3732 = arith.addi %add3A_3731, %iota3A : vector<16xi32>
      tpu.vector_store_idx %arg8[%add3A_3732], %gather3A_3724 : memref<53248xf32, #tpu.memory_space<vmem>>[vector<16xi32>], vector<16xf32>,
      %broadcast_in_dim3A_3733 = vector.broadcast %rem3A_1674 : i32 to vector<16xi32>
      %broadcast_in_dim3A_3734 = arith.constant 122 : i32
      %broadcast_in_dim3A_3735 = vector.broadcast %broadcast_in_dim3A_3734 : i32 to vector<16xi32>
      %slice3A_3736 = vector.extract_strided_slice %mul3A_3572 {offsets = [10], sizes = [1], strides = [1]} : vector<16xi32> to vector<1xi32>
      %squeeze3A_3737 = vector.extract %slice3A_3736[0] : i32 from vector<1xi32>
      %add3A_3738 = vector.broadcast %squeeze3A_3737 : i32 to vector<16xi32>
      %add3A_3739 = arith.addi %add3A_3738, %iota3A : vector<16xi32>
      %gather3A_3740 = tpu.vector_load_idx %arg7[%broadcast_in_dim3A_3733, %broadcast_in_dim3A_3735, %add3A_3739] : memref<2x128x128xf32, #tpu.memory_space<vmem>>[vector<16xi32>, vector<16xi32>, vector<16xi32>], vector<16xf32>,
      %mul3A_3741 = arith.constant 128 : i32
      %mul3A_3742 = arith.muli %sub3A_1672, %mul3A_3741 : i32
      %add3A_3743 = arith.constant 122 : i32
      %add3A_3744 = arith.addi %mul3A_3742, %add3A_3743 : i32
      %mul3A_3745 = arith.constant 16 : i32
      %mul3A_3746 = arith.muli %add3A_3744, %mul3A_3745 : i32
      %add3A_3747 = vector.broadcast %mul3A_3746 : i32 to vector<16xi32>
      %add3A_3748 = arith.addi %add3A_3747, %iota3A : vector<16xi32>
      tpu.vector_store_idx %arg8[%add3A_3748], %gather3A_3740 : memref<53248xf32, #tpu.memory_space<vmem>>[vector<16xi32>], vector<16xf32>,
      %broadcast_in_dim3A_3749 = vector.broadcast %rem3A_1674 : i32 to vector<16xi32>
      %broadcast_in_dim3A_3750 = arith.constant 123 : i32
      %broadcast_in_dim3A_3751 = vector.broadcast %broadcast_in_dim3A_3750 : i32 to vector<16xi32>
      %slice3A_3752 = vector.extract_strided_slice %mul3A_3572 {offsets = [11], sizes = [1], strides = [1]} : vector<16xi32> to vector<1xi32>
      %squeeze3A_3753 = vector.extract %slice3A_3752[0] : i32 from vector<1xi32>
      %add3A_3754 = vector.broadcast %squeeze3A_3753 : i32 to vector<16xi32>
      %add3A_3755 = arith.addi %add3A_3754, %iota3A : vector<16xi32>
      %gather3A_3756 = tpu.vector_load_idx %arg7[%broadcast_in_dim3A_3749, %broadcast_in_dim3A_3751, %add3A_3755] : memref<2x128x128xf32, #tpu.memory_space<vmem>>[vector<16xi32>, vector<16xi32>, vector<16xi32>], vector<16xf32>,
      %mul3A_3757 = arith.constant 128 : i32
      %mul3A_3758 = arith.muli %sub3A_1672, %mul3A_3757 : i32
      %add3A_3759 = arith.constant 123 : i32
      %add3A_3760 = arith.addi %mul3A_3758, %add3A_3759 : i32
      %mul3A_3761 = arith.constant 16 : i32
      %mul3A_3762 = arith.muli %add3A_3760, %mul3A_3761 : i32
      %add3A_3763 = vector.broadcast %mul3A_3762 : i32 to vector<16xi32>
      %add3A_3764 = arith.addi %add3A_3763, %iota3A : vector<16xi32>
      tpu.vector_store_idx %arg8[%add3A_3764], %gather3A_3756 : memref<53248xf32, #tpu.memory_space<vmem>>[vector<16xi32>], vector<16xf32>,
      %broadcast_in_dim3A_3765 = vector.broadcast %rem3A_1674 : i32 to vector<16xi32>
      %broadcast_in_dim3A_3766 = arith.constant 124 : i32
      %broadcast_in_dim3A_3767 = vector.broadcast %broadcast_in_dim3A_3766 : i32 to vector<16xi32>
      %slice3A_3768 = vector.extract_strided_slice %mul3A_3572 {offsets = [12], sizes = [1], strides = [1]} : vector<16xi32> to vector<1xi32>
      %squeeze3A_3769 = vector.extract %slice3A_3768[0] : i32 from vector<1xi32>
      %add3A_3770 = vector.broadcast %squeeze3A_3769 : i32 to vector<16xi32>
      %add3A_3771 = arith.addi %add3A_3770, %iota3A : vector<16xi32>
      %gather3A_3772 = tpu.vector_load_idx %arg7[%broadcast_in_dim3A_3765, %broadcast_in_dim3A_3767, %add3A_3771] : memref<2x128x128xf32, #tpu.memory_space<vmem>>[vector<16xi32>, vector<16xi32>, vector<16xi32>], vector<16xf32>,
      %mul3A_3773 = arith.constant 128 : i32
      %mul3A_3774 = arith.muli %sub3A_1672, %mul3A_3773 : i32
      %add3A_3775 = arith.constant 124 : i32
      %add3A_3776 = arith.addi %mul3A_3774, %add3A_3775 : i32
      %mul3A_3777 = arith.constant 16 : i32
      %mul3A_3778 = arith.muli %add3A_3776, %mul3A_3777 : i32
      %add3A_3779 = vector.broadcast %mul3A_3778 : i32 to vector<16xi32>
      %add3A_3780 = arith.addi %add3A_3779, %iota3A : vector<16xi32>
      tpu.vector_store_idx %arg8[%add3A_3780], %gather3A_3772 : memref<53248xf32, #tpu.memory_space<vmem>>[vector<16xi32>], vector<16xf32>,
      %broadcast_in_dim3A_3781 = vector.broadcast %rem3A_1674 : i32 to vector<16xi32>
      %broadcast_in_dim3A_3782 = arith.constant 125 : i32
      %broadcast_in_dim3A_3783 = vector.broadcast %broadcast_in_dim3A_3782 : i32 to vector<16xi32>
      %slice3A_3784 = vector.extract_strided_slice %mul3A_3572 {offsets = [13], sizes = [1], strides = [1]} : vector<16xi32> to vector<1xi32>
      %squeeze3A_3785 = vector.extract %slice3A_3784[0] : i32 from vector<1xi32>
      %add3A_3786 = vector.broadcast %squeeze3A_3785 : i32 to vector<16xi32>
      %add3A_3787 = arith.addi %add3A_3786, %iota3A : vector<16xi32>
      %gather3A_3788 = tpu.vector_load_idx %arg7[%broadcast_in_dim3A_3781, %broadcast_in_dim3A_3783, %add3A_3787] : memref<2x128x128xf32, #tpu.memory_space<vmem>>[vector<16xi32>, vector<16xi32>, vector<16xi32>], vector<16xf32>,
      %mul3A_3789 = arith.constant 128 : i32
      %mul3A_3790 = arith.muli %sub3A_1672, %mul3A_3789 : i32
      %add3A_3791 = arith.constant 125 : i32
      %add3A_3792 = arith.addi %mul3A_3790, %add3A_3791 : i32
      %mul3A_3793 = arith.constant 16 : i32
      %mul3A_3794 = arith.muli %add3A_3792, %mul3A_3793 : i32
      %add3A_3795 = vector.broadcast %mul3A_3794 : i32 to vector<16xi32>
      %add3A_3796 = arith.addi %add3A_3795, %iota3A : vector<16xi32>
      tpu.vector_store_idx %arg8[%add3A_3796], %gather3A_3788 : memref<53248xf32, #tpu.memory_space<vmem>>[vector<16xi32>], vector<16xf32>,
      %broadcast_in_dim3A_3797 = vector.broadcast %rem3A_1674 : i32 to vector<16xi32>
      %broadcast_in_dim3A_3798 = arith.constant 126 : i32
      %broadcast_in_dim3A_3799 = vector.broadcast %broadcast_in_dim3A_3798 : i32 to vector<16xi32>
      %slice3A_3800 = vector.extract_strided_slice %mul3A_3572 {offsets = [14], sizes = [1], strides = [1]} : vector<16xi32> to vector<1xi32>
      %squeeze3A_3801 = vector.extract %slice3A_3800[0] : i32 from vector<1xi32>
      %add3A_3802 = vector.broadcast %squeeze3A_3801 : i32 to vector<16xi32>
      %add3A_3803 = arith.addi %add3A_3802, %iota3A : vector<16xi32>
      %gather3A_3804 = tpu.vector_load_idx %arg7[%broadcast_in_dim3A_3797, %broadcast_in_dim3A_3799, %add3A_3803] : memref<2x128x128xf32, #tpu.memory_space<vmem>>[vector<16xi32>, vector<16xi32>, vector<16xi32>], vector<16xf32>,
      %mul3A_3805 = arith.constant 128 : i32
      %mul3A_3806 = arith.muli %sub3A_1672, %mul3A_3805 : i32
      %add3A_3807 = arith.constant 126 : i32
      %add3A_3808 = arith.addi %mul3A_3806, %add3A_3807 : i32
      %mul3A_3809 = arith.constant 16 : i32
      %mul3A_3810 = arith.muli %add3A_3808, %mul3A_3809 : i32
      %add3A_3811 = vector.broadcast %mul3A_3810 : i32 to vector<16xi32>
      %add3A_3812 = arith.addi %add3A_3811, %iota3A : vector<16xi32>
      tpu.vector_store_idx %arg8[%add3A_3812], %gather3A_3804 : memref<53248xf32, #tpu.memory_space<vmem>>[vector<16xi32>], vector<16xf32>,
      %broadcast_in_dim3A_3813 = vector.broadcast %rem3A_1674 : i32 to vector<16xi32>
      %broadcast_in_dim3A_3814 = arith.constant 127 : i32
      %broadcast_in_dim3A_3815 = vector.broadcast %broadcast_in_dim3A_3814 : i32 to vector<16xi32>
      %slice3A_3816 = vector.extract_strided_slice %mul3A_3572 {offsets = [15], sizes = [1], strides = [1]} : vector<16xi32> to vector<1xi32>
      %squeeze3A_3817 = vector.extract %slice3A_3816[0] : i32 from vector<1xi32>
      %add3A_3818 = vector.broadcast %squeeze3A_3817 : i32 to vector<16xi32>
      %add3A_3819 = arith.addi %add3A_3818, %iota3A : vector<16xi32>
      %gather3A_3820 = tpu.vector_load_idx %arg7[%broadcast_in_dim3A_3813, %broadcast_in_dim3A_3815, %add3A_3819] : memref<2x128x128xf32, #tpu.memory_space<vmem>>[vector<16xi32>, vector<16xi32>, vector<16xi32>], vector<16xf32>,
      %mul3A_3821 = arith.constant 128 : i32
      %mul3A_3822 = arith.muli %sub3A_1672, %mul3A_3821 : i32
      %add3A_3823 = arith.constant 127 : i32
      %add3A_3824 = arith.addi %mul3A_3822, %add3A_3823 : i32
      %mul3A_3825 = arith.constant 16 : i32
      %mul3A_3826 = arith.muli %add3A_3824, %mul3A_3825 : i32
      %add3A_3827 = vector.broadcast %mul3A_3826 : i32 to vector<16xi32>
      %add3A_3828 = arith.addi %add3A_3827, %iota3A : vector<16xi32>
      tpu.vector_store_idx %arg8[%add3A_3828], %gather3A_3820 : memref<53248xf32, #tpu.memory_space<vmem>>[vector<16xi32>], vector<16xf32>,
      %scan3A_3829 = arith.constant 0 : i32
      scf.yield %scan3A_3829 : i32
    }
    %scan3A_80 = arith.constant 25 : i32
    %rem3A_81 = arith.constant 25 : i32
    %rem3A_82 = arith.constant 2 : i32
    %rem3A_83 = arith.remsi %rem3A_81, %rem3A_82 : i32
    %dma_wait3A = arith.constant 0 : i32
    %dma_wait3A_84 = arith.constant 0 : i32
    %dma_wait3A_85 = tpu.memref_slice %arg7[%rem3A_83, %dma_wait3A, %dma_wait3A_84] : memref<2x128x128xf32, #tpu.memory_space<vmem>> -> memref<1x128x128xf32, #tpu.memory_space<vmem>>
    %dma_wait3A_86 = tpu.memref_squeeze %dma_wait3A_85 : memref<1x128x128xf32, #tpu.memory_space<vmem>> -> memref<128x128xf32, #tpu.memory_space<vmem>>
    %dma_wait3A_87 = arith.constant 0 : i32
    %dma_wait3A_88 = tpu.memref_slice %arg6[%rem3A_83, %dma_wait3A_87] : memref<2x128xi32, #tpu.memory_space<vmem>> -> memref<1x128xi32, #tpu.memory_space<vmem>>
    %dma_wait3A_89 = tpu.memref_squeeze %dma_wait3A_88 : memref<1x128xi32, #tpu.memory_space<vmem>> -> memref<128xi32, #tpu.memory_space<vmem>>
    %dma_wait3A_90 = arith.constant 0 : i32
    %dma_wait3A_91 = arith.constant 0 : i32
    %dma_wait3A_92 = tpu.memref_slice %arg2[%dma_wait3A_90, %dma_wait3A_91] : memref<3250000x128xf32, #tpu.memory_space<hbm>> -> memref<3250000x128xf32, #tpu.memory_space<hbm>>
    tpu.wait_indirect_dma semaphore(%arg9 : memref<!tpu.dma_semaphore, #tpu.memory_space<semaphore_mem>>) src(%dma_wait3A_92 : memref<3250000x128xf32, #tpu.memory_space<hbm>>) dst(%dma_wait3A_86 : memref<128x128xf32, #tpu.memory_space<vmem>>)
    %get3A_93 = arith.constant 3200 : index
    %get3A_94 = tpu.vector_load %arg5[%get3A_93] {strides = array<i32>} : memref<3328xi32, #tpu.memory_space<vmem>>, vector<16xi32>,
    %and3A = arith.constant 7 : i32
    %and3A_95 = vector.broadcast %and3A : i32 to vector<16xi32>
    %and3A_96 = arith.andi %get3A_94, %and3A_95 : vector<16xi32>
    %mul3A_97 = arith.constant 16 : i32
    %mul3A_98 = vector.broadcast %mul3A_97 : i32 to vector<16xi32>
    %mul3A_99 = arith.muli %and3A_96, %mul3A_98 : vector<16xi32>
    %broadcast_in_dim3A = vector.broadcast %rem3A_83 : i32 to vector<16xi32>
    %broadcast_in_dim3A_100 = arith.constant 0 : i32
    %broadcast_in_dim3A_101 = vector.broadcast %broadcast_in_dim3A_100 : i32 to vector<16xi32>
    %slice3A = vector.extract_strided_slice %mul3A_99 {offsets = [0], sizes = [1], strides = [1]} : vector<16xi32> to vector<1xi32>
    %squeeze3A = vector.extract %slice3A[0] : i32 from vector<1xi32>
    %add3A_102 = vector.broadcast %squeeze3A : i32 to vector<16xi32>
    %add3A_103 = arith.addi %add3A_102, %iota3A : vector<16xi32>
    %gather3A = tpu.vector_load_idx %arg7[%broadcast_in_dim3A, %broadcast_in_dim3A_101, %add3A_103] : memref<2x128x128xf32, #tpu.memory_space<vmem>>[vector<16xi32>, vector<16xi32>, vector<16xi32>], vector<16xf32>,
    %add3A_104 = arith.constant 51200 : i32
    %add3A_105 = vector.broadcast %add3A_104 : i32 to vector<16xi32>
    %add3A_106 = arith.addi %add3A_105, %iota3A : vector<16xi32>
    tpu.vector_store_idx %arg8[%add3A_106], %gather3A : memref<53248xf32, #tpu.memory_space<vmem>>[vector<16xi32>], vector<16xf32>,
    %broadcast_in_dim3A_107 = vector.broadcast %rem3A_83 : i32 to vector<16xi32>
    %broadcast_in_dim3A_108 = arith.constant 1 : i32
    %broadcast_in_dim3A_109 = vector.broadcast %broadcast_in_dim3A_108 : i32 to vector<16xi32>
    %slice3A_110 = vector.extract_strided_slice %mul3A_99 {offsets = [1], sizes = [1], strides = [1]} : vector<16xi32> to vector<1xi32>
    %squeeze3A_111 = vector.extract %slice3A_110[0] : i32 from vector<1xi32>
    %add3A_112 = vector.broadcast %squeeze3A_111 : i32 to vector<16xi32>
    %add3A_113 = arith.addi %add3A_112, %iota3A : vector<16xi32>
    %gather3A_114 = tpu.vector_load_idx %arg7[%broadcast_in_dim3A_107, %broadcast_in_dim3A_109, %add3A_113] : memref<2x128x128xf32, #tpu.memory_space<vmem>>[vector<16xi32>, vector<16xi32>, vector<16xi32>], vector<16xf32>,
    %add3A_115 = arith.constant 51216 : i32
    %add3A_116 = vector.broadcast %add3A_115 : i32 to vector<16xi32>
    %add3A_117 = arith.addi %add3A_116, %iota3A : vector<16xi32>
    tpu.vector_store_idx %arg8[%add3A_117], %gather3A_114 : memref<53248xf32, #tpu.memory_space<vmem>>[vector<16xi32>], vector<16xf32>,
    %broadcast_in_dim3A_118 = vector.broadcast %rem3A_83 : i32 to vector<16xi32>
    %broadcast_in_dim3A_119 = arith.constant 2 : i32
    %broadcast_in_dim3A_120 = vector.broadcast %broadcast_in_dim3A_119 : i32 to vector<16xi32>
    %slice3A_121 = vector.extract_strided_slice %mul3A_99 {offsets = [2], sizes = [1], strides = [1]} : vector<16xi32> to vector<1xi32>
    %squeeze3A_122 = vector.extract %slice3A_121[0] : i32 from vector<1xi32>
    %add3A_123 = vector.broadcast %squeeze3A_122 : i32 to vector<16xi32>
    %add3A_124 = arith.addi %add3A_123, %iota3A : vector<16xi32>
    %gather3A_125 = tpu.vector_load_idx %arg7[%broadcast_in_dim3A_118, %broadcast_in_dim3A_120, %add3A_124] : memref<2x128x128xf32, #tpu.memory_space<vmem>>[vector<16xi32>, vector<16xi32>, vector<16xi32>], vector<16xf32>,
    %add3A_126 = arith.constant 51232 : i32
    %add3A_127 = vector.broadcast %add3A_126 : i32 to vector<16xi32>
    %add3A_128 = arith.addi %add3A_127, %iota3A : vector<16xi32>
    tpu.vector_store_idx %arg8[%add3A_128], %gather3A_125 : memref<53248xf32, #tpu.memory_space<vmem>>[vector<16xi32>], vector<16xf32>,
    %broadcast_in_dim3A_129 = vector.broadcast %rem3A_83 : i32 to vector<16xi32>
    %broadcast_in_dim3A_130 = arith.constant 3 : i32
    %broadcast_in_dim3A_131 = vector.broadcast %broadcast_in_dim3A_130 : i32 to vector<16xi32>
    %slice3A_132 = vector.extract_strided_slice %mul3A_99 {offsets = [3], sizes = [1], strides = [1]} : vector<16xi32> to vector<1xi32>
    %squeeze3A_133 = vector.extract %slice3A_132[0] : i32 from vector<1xi32>
    %add3A_134 = vector.broadcast %squeeze3A_133 : i32 to vector<16xi32>
    %add3A_135 = arith.addi %add3A_134, %iota3A : vector<16xi32>
    %gather3A_136 = tpu.vector_load_idx %arg7[%broadcast_in_dim3A_129, %broadcast_in_dim3A_131, %add3A_135] : memref<2x128x128xf32, #tpu.memory_space<vmem>>[vector<16xi32>, vector<16xi32>, vector<16xi32>], vector<16xf32>,
    %add3A_137 = arith.constant 51248 : i32
    %add3A_138 = vector.broadcast %add3A_137 : i32 to vector<16xi32>
    %add3A_139 = arith.addi %add3A_138, %iota3A : vector<16xi32>
    tpu.vector_store_idx %arg8[%add3A_139], %gather3A_136 : memref<53248xf32, #tpu.memory_space<vmem>>[vector<16xi32>], vector<16xf32>,
    %broadcast_in_dim3A_140 = vector.broadcast %rem3A_83 : i32 to vector<16xi32>
    %broadcast_in_dim3A_141 = arith.constant 4 : i32
    %broadcast_in_dim3A_142 = vector.broadcast %broadcast_in_dim3A_141 : i32 to vector<16xi32>
    %slice3A_143 = vector.extract_strided_slice %mul3A_99 {offsets = [4], sizes = [1], strides = [1]} : vector<16xi32> to vector<1xi32>
    %squeeze3A_144 = vector.extract %slice3A_143[0] : i32 from vector<1xi32>
    %add3A_145 = vector.broadcast %squeeze3A_144 : i32 to vector<16xi32>
    %add3A_146 = arith.addi %add3A_145, %iota3A : vector<16xi32>
    %gather3A_147 = tpu.vector_load_idx %arg7[%broadcast_in_dim3A_140, %broadcast_in_dim3A_142, %add3A_146] : memref<2x128x128xf32, #tpu.memory_space<vmem>>[vector<16xi32>, vector<16xi32>, vector<16xi32>], vector<16xf32>,
    %add3A_148 = arith.constant 51264 : i32
    %add3A_149 = vector.broadcast %add3A_148 : i32 to vector<16xi32>
    %add3A_150 = arith.addi %add3A_149, %iota3A : vector<16xi32>
    tpu.vector_store_idx %arg8[%add3A_150], %gather3A_147 : memref<53248xf32, #tpu.memory_space<vmem>>[vector<16xi32>], vector<16xf32>,
    %broadcast_in_dim3A_151 = vector.broadcast %rem3A_83 : i32 to vector<16xi32>
    %broadcast_in_dim3A_152 = arith.constant 5 : i32
    %broadcast_in_dim3A_153 = vector.broadcast %broadcast_in_dim3A_152 : i32 to vector<16xi32>
    %slice3A_154 = vector.extract_strided_slice %mul3A_99 {offsets = [5], sizes = [1], strides = [1]} : vector<16xi32> to vector<1xi32>
    %squeeze3A_155 = vector.extract %slice3A_154[0] : i32 from vector<1xi32>
    %add3A_156 = vector.broadcast %squeeze3A_155 : i32 to vector<16xi32>
    %add3A_157 = arith.addi %add3A_156, %iota3A : vector<16xi32>
    %gather3A_158 = tpu.vector_load_idx %arg7[%broadcast_in_dim3A_151, %broadcast_in_dim3A_153, %add3A_157] : memref<2x128x128xf32, #tpu.memory_space<vmem>>[vector<16xi32>, vector<16xi32>, vector<16xi32>], vector<16xf32>,
    %add3A_159 = arith.constant 51280 : i32
    %add3A_160 = vector.broadcast %add3A_159 : i32 to vector<16xi32>
    %add3A_161 = arith.addi %add3A_160, %iota3A : vector<16xi32>
    tpu.vector_store_idx %arg8[%add3A_161], %gather3A_158 : memref<53248xf32, #tpu.memory_space<vmem>>[vector<16xi32>], vector<16xf32>,
    %broadcast_in_dim3A_162 = vector.broadcast %rem3A_83 : i32 to vector<16xi32>
    %broadcast_in_dim3A_163 = arith.constant 6 : i32
    %broadcast_in_dim3A_164 = vector.broadcast %broadcast_in_dim3A_163 : i32 to vector<16xi32>
    %slice3A_165 = vector.extract_strided_slice %mul3A_99 {offsets = [6], sizes = [1], strides = [1]} : vector<16xi32> to vector<1xi32>
    %squeeze3A_166 = vector.extract %slice3A_165[0] : i32 from vector<1xi32>
    %add3A_167 = vector.broadcast %squeeze3A_166 : i32 to vector<16xi32>
    %add3A_168 = arith.addi %add3A_167, %iota3A : vector<16xi32>
    %gather3A_169 = tpu.vector_load_idx %arg7[%broadcast_in_dim3A_162, %broadcast_in_dim3A_164, %add3A_168] : memref<2x128x128xf32, #tpu.memory_space<vmem>>[vector<16xi32>, vector<16xi32>, vector<16xi32>], vector<16xf32>,
    %add3A_170 = arith.constant 51296 : i32
    %add3A_171 = vector.broadcast %add3A_170 : i32 to vector<16xi32>
    %add3A_172 = arith.addi %add3A_171, %iota3A : vector<16xi32>
    tpu.vector_store_idx %arg8[%add3A_172], %gather3A_169 : memref<53248xf32, #tpu.memory_space<vmem>>[vector<16xi32>], vector<16xf32>,
    %broadcast_in_dim3A_173 = vector.broadcast %rem3A_83 : i32 to vector<16xi32>
    %broadcast_in_dim3A_174 = arith.constant 7 : i32
    %broadcast_in_dim3A_175 = vector.broadcast %broadcast_in_dim3A_174 : i32 to vector<16xi32>
    %slice3A_176 = vector.extract_strided_slice %mul3A_99 {offsets = [7], sizes = [1], strides = [1]} : vector<16xi32> to vector<1xi32>
    %squeeze3A_177 = vector.extract %slice3A_176[0] : i32 from vector<1xi32>
    %add3A_178 = vector.broadcast %squeeze3A_177 : i32 to vector<16xi32>
    %add3A_179 = arith.addi %add3A_178, %iota3A : vector<16xi32>
    %gather3A_180 = tpu.vector_load_idx %arg7[%broadcast_in_dim3A_173, %broadcast_in_dim3A_175, %add3A_179] : memref<2x128x128xf32, #tpu.memory_space<vmem>>[vector<16xi32>, vector<16xi32>, vector<16xi32>], vector<16xf32>,
    %add3A_181 = arith.constant 51312 : i32
    %add3A_182 = vector.broadcast %add3A_181 : i32 to vector<16xi32>
    %add3A_183 = arith.addi %add3A_182, %iota3A : vector<16xi32>
    tpu.vector_store_idx %arg8[%add3A_183], %gather3A_180 : memref<53248xf32, #tpu.memory_space<vmem>>[vector<16xi32>], vector<16xf32>,
    %broadcast_in_dim3A_184 = vector.broadcast %rem3A_83 : i32 to vector<16xi32>
    %broadcast_in_dim3A_185 = arith.constant 8 : i32
    %broadcast_in_dim3A_186 = vector.broadcast %broadcast_in_dim3A_185 : i32 to vector<16xi32>
    %slice3A_187 = vector.extract_strided_slice %mul3A_99 {offsets = [8], sizes = [1], strides = [1]} : vector<16xi32> to vector<1xi32>
    %squeeze3A_188 = vector.extract %slice3A_187[0] : i32 from vector<1xi32>
    %add3A_189 = vector.broadcast %squeeze3A_188 : i32 to vector<16xi32>
    %add3A_190 = arith.addi %add3A_189, %iota3A : vector<16xi32>
    %gather3A_191 = tpu.vector_load_idx %arg7[%broadcast_in_dim3A_184, %broadcast_in_dim3A_186, %add3A_190] : memref<2x128x128xf32, #tpu.memory_space<vmem>>[vector<16xi32>, vector<16xi32>, vector<16xi32>], vector<16xf32>,
    %add3A_192 = arith.constant 51328 : i32
    %add3A_193 = vector.broadcast %add3A_192 : i32 to vector<16xi32>
    %add3A_194 = arith.addi %add3A_193, %iota3A : vector<16xi32>
    tpu.vector_store_idx %arg8[%add3A_194], %gather3A_191 : memref<53248xf32, #tpu.memory_space<vmem>>[vector<16xi32>], vector<16xf32>,
    %broadcast_in_dim3A_195 = vector.broadcast %rem3A_83 : i32 to vector<16xi32>
    %broadcast_in_dim3A_196 = arith.constant 9 : i32
    %broadcast_in_dim3A_197 = vector.broadcast %broadcast_in_dim3A_196 : i32 to vector<16xi32>
    %slice3A_198 = vector.extract_strided_slice %mul3A_99 {offsets = [9], sizes = [1], strides = [1]} : vector<16xi32> to vector<1xi32>
    %squeeze3A_199 = vector.extract %slice3A_198[0] : i32 from vector<1xi32>
    %add3A_200 = vector.broadcast %squeeze3A_199 : i32 to vector<16xi32>
    %add3A_201 = arith.addi %add3A_200, %iota3A : vector<16xi32>
    %gather3A_202 = tpu.vector_load_idx %arg7[%broadcast_in_dim3A_195, %broadcast_in_dim3A_197, %add3A_201] : memref<2x128x128xf32, #tpu.memory_space<vmem>>[vector<16xi32>, vector<16xi32>, vector<16xi32>], vector<16xf32>,
    %add3A_203 = arith.constant 51344 : i32
    %add3A_204 = vector.broadcast %add3A_203 : i32 to vector<16xi32>
    %add3A_205 = arith.addi %add3A_204, %iota3A : vector<16xi32>
    tpu.vector_store_idx %arg8[%add3A_205], %gather3A_202 : memref<53248xf32, #tpu.memory_space<vmem>>[vector<16xi32>], vector<16xf32>,
    %broadcast_in_dim3A_206 = vector.broadcast %rem3A_83 : i32 to vector<16xi32>
    %broadcast_in_dim3A_207 = arith.constant 10 : i32
    %broadcast_in_dim3A_208 = vector.broadcast %broadcast_in_dim3A_207 : i32 to vector<16xi32>
    %slice3A_209 = vector.extract_strided_slice %mul3A_99 {offsets = [10], sizes = [1], strides = [1]} : vector<16xi32> to vector<1xi32>
    %squeeze3A_210 = vector.extract %slice3A_209[0] : i32 from vector<1xi32>
    %add3A_211 = vector.broadcast %squeeze3A_210 : i32 to vector<16xi32>
    %add3A_212 = arith.addi %add3A_211, %iota3A : vector<16xi32>
    %gather3A_213 = tpu.vector_load_idx %arg7[%broadcast_in_dim3A_206, %broadcast_in_dim3A_208, %add3A_212] : memref<2x128x128xf32, #tpu.memory_space<vmem>>[vector<16xi32>, vector<16xi32>, vector<16xi32>], vector<16xf32>,
    %add3A_214 = arith.constant 51360 : i32
    %add3A_215 = vector.broadcast %add3A_214 : i32 to vector<16xi32>
    %add3A_216 = arith.addi %add3A_215, %iota3A : vector<16xi32>
    tpu.vector_store_idx %arg8[%add3A_216], %gather3A_213 : memref<53248xf32, #tpu.memory_space<vmem>>[vector<16xi32>], vector<16xf32>,
    %broadcast_in_dim3A_217 = vector.broadcast %rem3A_83 : i32 to vector<16xi32>
    %broadcast_in_dim3A_218 = arith.constant 11 : i32
    %broadcast_in_dim3A_219 = vector.broadcast %broadcast_in_dim3A_218 : i32 to vector<16xi32>
    %slice3A_220 = vector.extract_strided_slice %mul3A_99 {offsets = [11], sizes = [1], strides = [1]} : vector<16xi32> to vector<1xi32>
    %squeeze3A_221 = vector.extract %slice3A_220[0] : i32 from vector<1xi32>
    %add3A_222 = vector.broadcast %squeeze3A_221 : i32 to vector<16xi32>
    %add3A_223 = arith.addi %add3A_222, %iota3A : vector<16xi32>
    %gather3A_224 = tpu.vector_load_idx %arg7[%broadcast_in_dim3A_217, %broadcast_in_dim3A_219, %add3A_223] : memref<2x128x128xf32, #tpu.memory_space<vmem>>[vector<16xi32>, vector<16xi32>, vector<16xi32>], vector<16xf32>,
    %add3A_225 = arith.constant 51376 : i32
    %add3A_226 = vector.broadcast %add3A_225 : i32 to vector<16xi32>
    %add3A_227 = arith.addi %add3A_226, %iota3A : vector<16xi32>
    tpu.vector_store_idx %arg8[%add3A_227], %gather3A_224 : memref<53248xf32, #tpu.memory_space<vmem>>[vector<16xi32>], vector<16xf32>,
    %broadcast_in_dim3A_228 = vector.broadcast %rem3A_83 : i32 to vector<16xi32>
    %broadcast_in_dim3A_229 = arith.constant 12 : i32
    %broadcast_in_dim3A_230 = vector.broadcast %broadcast_in_dim3A_229 : i32 to vector<16xi32>
    %slice3A_231 = vector.extract_strided_slice %mul3A_99 {offsets = [12], sizes = [1], strides = [1]} : vector<16xi32> to vector<1xi32>
    %squeeze3A_232 = vector.extract %slice3A_231[0] : i32 from vector<1xi32>
    %add3A_233 = vector.broadcast %squeeze3A_232 : i32 to vector<16xi32>
    %add3A_234 = arith.addi %add3A_233, %iota3A : vector<16xi32>
    %gather3A_235 = tpu.vector_load_idx %arg7[%broadcast_in_dim3A_228, %broadcast_in_dim3A_230, %add3A_234] : memref<2x128x128xf32, #tpu.memory_space<vmem>>[vector<16xi32>, vector<16xi32>, vector<16xi32>], vector<16xf32>,
    %add3A_236 = arith.constant 51392 : i32
    %add3A_237 = vector.broadcast %add3A_236 : i32 to vector<16xi32>
    %add3A_238 = arith.addi %add3A_237, %iota3A : vector<16xi32>
    tpu.vector_store_idx %arg8[%add3A_238], %gather3A_235 : memref<53248xf32, #tpu.memory_space<vmem>>[vector<16xi32>], vector<16xf32>,
    %broadcast_in_dim3A_239 = vector.broadcast %rem3A_83 : i32 to vector<16xi32>
    %broadcast_in_dim3A_240 = arith.constant 13 : i32
    %broadcast_in_dim3A_241 = vector.broadcast %broadcast_in_dim3A_240 : i32 to vector<16xi32>
    %slice3A_242 = vector.extract_strided_slice %mul3A_99 {offsets = [13], sizes = [1], strides = [1]} : vector<16xi32> to vector<1xi32>
    %squeeze3A_243 = vector.extract %slice3A_242[0] : i32 from vector<1xi32>
    %add3A_244 = vector.broadcast %squeeze3A_243 : i32 to vector<16xi32>
    %add3A_245 = arith.addi %add3A_244, %iota3A : vector<16xi32>
    %gather3A_246 = tpu.vector_load_idx %arg7[%broadcast_in_dim3A_239, %broadcast_in_dim3A_241, %add3A_245] : memref<2x128x128xf32, #tpu.memory_space<vmem>>[vector<16xi32>, vector<16xi32>, vector<16xi32>], vector<16xf32>,
    %add3A_247 = arith.constant 51408 : i32
    %add3A_248 = vector.broadcast %add3A_247 : i32 to vector<16xi32>
    %add3A_249 = arith.addi %add3A_248, %iota3A : vector<16xi32>
    tpu.vector_store_idx %arg8[%add3A_249], %gather3A_246 : memref<53248xf32, #tpu.memory_space<vmem>>[vector<16xi32>], vector<16xf32>,
    %broadcast_in_dim3A_250 = vector.broadcast %rem3A_83 : i32 to vector<16xi32>
    %broadcast_in_dim3A_251 = arith.constant 14 : i32
    %broadcast_in_dim3A_252 = vector.broadcast %broadcast_in_dim3A_251 : i32 to vector<16xi32>
    %slice3A_253 = vector.extract_strided_slice %mul3A_99 {offsets = [14], sizes = [1], strides = [1]} : vector<16xi32> to vector<1xi32>
    %squeeze3A_254 = vector.extract %slice3A_253[0] : i32 from vector<1xi32>
    %add3A_255 = vector.broadcast %squeeze3A_254 : i32 to vector<16xi32>
    %add3A_256 = arith.addi %add3A_255, %iota3A : vector<16xi32>
    %gather3A_257 = tpu.vector_load_idx %arg7[%broadcast_in_dim3A_250, %broadcast_in_dim3A_252, %add3A_256] : memref<2x128x128xf32, #tpu.memory_space<vmem>>[vector<16xi32>, vector<16xi32>, vector<16xi32>], vector<16xf32>,
    %add3A_258 = arith.constant 51424 : i32
    %add3A_259 = vector.broadcast %add3A_258 : i32 to vector<16xi32>
    %add3A_260 = arith.addi %add3A_259, %iota3A : vector<16xi32>
    tpu.vector_store_idx %arg8[%add3A_260], %gather3A_257 : memref<53248xf32, #tpu.memory_space<vmem>>[vector<16xi32>], vector<16xf32>,
    %broadcast_in_dim3A_261 = vector.broadcast %rem3A_83 : i32 to vector<16xi32>
    %broadcast_in_dim3A_262 = arith.constant 15 : i32
    %broadcast_in_dim3A_263 = vector.broadcast %broadcast_in_dim3A_262 : i32 to vector<16xi32>
    %slice3A_264 = vector.extract_strided_slice %mul3A_99 {offsets = [15], sizes = [1], strides = [1]} : vector<16xi32> to vector<1xi32>
    %squeeze3A_265 = vector.extract %slice3A_264[0] : i32 from vector<1xi32>
    %add3A_266 = vector.broadcast %squeeze3A_265 : i32 to vector<16xi32>
    %add3A_267 = arith.addi %add3A_266, %iota3A : vector<16xi32>
    %gather3A_268 = tpu.vector_load_idx %arg7[%broadcast_in_dim3A_261, %broadcast_in_dim3A_263, %add3A_267] : memref<2x128x128xf32, #tpu.memory_space<vmem>>[vector<16xi32>, vector<16xi32>, vector<16xi32>], vector<16xf32>,
    %add3A_269 = arith.constant 51440 : i32
    %add3A_270 = vector.broadcast %add3A_269 : i32 to vector<16xi32>
    %add3A_271 = arith.addi %add3A_270, %iota3A : vector<16xi32>
    tpu.vector_store_idx %arg8[%add3A_271], %gather3A_268 : memref<53248xf32, #tpu.memory_space<vmem>>[vector<16xi32>], vector<16xf32>,
    %get3A_272 = arith.constant 3216 : index
    %get3A_273 = tpu.vector_load %arg5[%get3A_272] {strides = array<i32>} : memref<3328xi32, #tpu.memory_space<vmem>>, vector<16xi32>,
    %and3A_274 = arith.constant 7 : i32
    %and3A_275 = vector.broadcast %and3A_274 : i32 to vector<16xi32>
    %and3A_276 = arith.andi %get3A_273, %and3A_275 : vector<16xi32>
    %mul3A_277 = arith.constant 16 : i32
    %mul3A_278 = vector.broadcast %mul3A_277 : i32 to vector<16xi32>
    %mul3A_279 = arith.muli %and3A_276, %mul3A_278 : vector<16xi32>
    %broadcast_in_dim3A_280 = vector.broadcast %rem3A_83 : i32 to vector<16xi32>
    %broadcast_in_dim3A_281 = arith.constant 16 : i32
    %broadcast_in_dim3A_282 = vector.broadcast %broadcast_in_dim3A_281 : i32 to vector<16xi32>
    %slice3A_283 = vector.extract_strided_slice %mul3A_279 {offsets = [0], sizes = [1], strides = [1]} : vector<16xi32> to vector<1xi32>
    %squeeze3A_284 = vector.extract %slice3A_283[0] : i32 from vector<1xi32>
    %add3A_285 = vector.broadcast %squeeze3A_284 : i32 to vector<16xi32>
    %add3A_286 = arith.addi %add3A_285, %iota3A : vector<16xi32>
    %gather3A_287 = tpu.vector_load_idx %arg7[%broadcast_in_dim3A_280, %broadcast_in_dim3A_282, %add3A_286] : memref<2x128x128xf32, #tpu.memory_space<vmem>>[vector<16xi32>, vector<16xi32>, vector<16xi32>], vector<16xf32>,
    %add3A_288 = arith.constant 51456 : i32
    %add3A_289 = vector.broadcast %add3A_288 : i32 to vector<16xi32>
    %add3A_290 = arith.addi %add3A_289, %iota3A : vector<16xi32>
    tpu.vector_store_idx %arg8[%add3A_290], %gather3A_287 : memref<53248xf32, #tpu.memory_space<vmem>>[vector<16xi32>], vector<16xf32>,
    %broadcast_in_dim3A_291 = vector.broadcast %rem3A_83 : i32 to vector<16xi32>
    %broadcast_in_dim3A_292 = arith.constant 17 : i32
    %broadcast_in_dim3A_293 = vector.broadcast %broadcast_in_dim3A_292 : i32 to vector<16xi32>
    %slice3A_294 = vector.extract_strided_slice %mul3A_279 {offsets = [1], sizes = [1], strides = [1]} : vector<16xi32> to vector<1xi32>
    %squeeze3A_295 = vector.extract %slice3A_294[0] : i32 from vector<1xi32>
    %add3A_296 = vector.broadcast %squeeze3A_295 : i32 to vector<16xi32>
    %add3A_297 = arith.addi %add3A_296, %iota3A : vector<16xi32>
    %gather3A_298 = tpu.vector_load_idx %arg7[%broadcast_in_dim3A_291, %broadcast_in_dim3A_293, %add3A_297] : memref<2x128x128xf32, #tpu.memory_space<vmem>>[vector<16xi32>, vector<16xi32>, vector<16xi32>], vector<16xf32>,
    %add3A_299 = arith.constant 51472 : i32
    %add3A_300 = vector.broadcast %add3A_299 : i32 to vector<16xi32>
    %add3A_301 = arith.addi %add3A_300, %iota3A : vector<16xi32>
    tpu.vector_store_idx %arg8[%add3A_301], %gather3A_298 : memref<53248xf32, #tpu.memory_space<vmem>>[vector<16xi32>], vector<16xf32>,
    %broadcast_in_dim3A_302 = vector.broadcast %rem3A_83 : i32 to vector<16xi32>
    %broadcast_in_dim3A_303 = arith.constant 18 : i32
    %broadcast_in_dim3A_304 = vector.broadcast %broadcast_in_dim3A_303 : i32 to vector<16xi32>
    %slice3A_305 = vector.extract_strided_slice %mul3A_279 {offsets = [2], sizes = [1], strides = [1]} : vector<16xi32> to vector<1xi32>
    %squeeze3A_306 = vector.extract %slice3A_305[0] : i32 from vector<1xi32>
    %add3A_307 = vector.broadcast %squeeze3A_306 : i32 to vector<16xi32>
    %add3A_308 = arith.addi %add3A_307, %iota3A : vector<16xi32>
    %gather3A_309 = tpu.vector_load_idx %arg7[%broadcast_in_dim3A_302, %broadcast_in_dim3A_304, %add3A_308] : memref<2x128x128xf32, #tpu.memory_space<vmem>>[vector<16xi32>, vector<16xi32>, vector<16xi32>], vector<16xf32>,
    %add3A_310 = arith.constant 51488 : i32
    %add3A_311 = vector.broadcast %add3A_310 : i32 to vector<16xi32>
    %add3A_312 = arith.addi %add3A_311, %iota3A : vector<16xi32>
    tpu.vector_store_idx %arg8[%add3A_312], %gather3A_309 : memref<53248xf32, #tpu.memory_space<vmem>>[vector<16xi32>], vector<16xf32>,
    %broadcast_in_dim3A_313 = vector.broadcast %rem3A_83 : i32 to vector<16xi32>
    %broadcast_in_dim3A_314 = arith.constant 19 : i32
    %broadcast_in_dim3A_315 = vector.broadcast %broadcast_in_dim3A_314 : i32 to vector<16xi32>
    %slice3A_316 = vector.extract_strided_slice %mul3A_279 {offsets = [3], sizes = [1], strides = [1]} : vector<16xi32> to vector<1xi32>
    %squeeze3A_317 = vector.extract %slice3A_316[0] : i32 from vector<1xi32>
    %add3A_318 = vector.broadcast %squeeze3A_317 : i32 to vector<16xi32>
    %add3A_319 = arith.addi %add3A_318, %iota3A : vector<16xi32>
    %gather3A_320 = tpu.vector_load_idx %arg7[%broadcast_in_dim3A_313, %broadcast_in_dim3A_315, %add3A_319] : memref<2x128x128xf32, #tpu.memory_space<vmem>>[vector<16xi32>, vector<16xi32>, vector<16xi32>], vector<16xf32>,
    %add3A_321 = arith.constant 51504 : i32
    %add3A_322 = vector.broadcast %add3A_321 : i32 to vector<16xi32>
    %add3A_323 = arith.addi %add3A_322, %iota3A : vector<16xi32>
    tpu.vector_store_idx %arg8[%add3A_323], %gather3A_320 : memref<53248xf32, #tpu.memory_space<vmem>>[vector<16xi32>], vector<16xf32>,
    %broadcast_in_dim3A_324 = vector.broadcast %rem3A_83 : i32 to vector<16xi32>
    %broadcast_in_dim3A_325 = arith.constant 20 : i32
    %broadcast_in_dim3A_326 = vector.broadcast %broadcast_in_dim3A_325 : i32 to vector<16xi32>
    %slice3A_327 = vector.extract_strided_slice %mul3A_279 {offsets = [4], sizes = [1], strides = [1]} : vector<16xi32> to vector<1xi32>
    %squeeze3A_328 = vector.extract %slice3A_327[0] : i32 from vector<1xi32>
    %add3A_329 = vector.broadcast %squeeze3A_328 : i32 to vector<16xi32>
    %add3A_330 = arith.addi %add3A_329, %iota3A : vector<16xi32>
    %gather3A_331 = tpu.vector_load_idx %arg7[%broadcast_in_dim3A_324, %broadcast_in_dim3A_326, %add3A_330] : memref<2x128x128xf32, #tpu.memory_space<vmem>>[vector<16xi32>, vector<16xi32>, vector<16xi32>], vector<16xf32>,
    %add3A_332 = arith.constant 51520 : i32
    %add3A_333 = vector.broadcast %add3A_332 : i32 to vector<16xi32>
    %add3A_334 = arith.addi %add3A_333, %iota3A : vector<16xi32>
    tpu.vector_store_idx %arg8[%add3A_334], %gather3A_331 : memref<53248xf32, #tpu.memory_space<vmem>>[vector<16xi32>], vector<16xf32>,
    %broadcast_in_dim3A_335 = vector.broadcast %rem3A_83 : i32 to vector<16xi32>
    %broadcast_in_dim3A_336 = arith.constant 21 : i32
    %broadcast_in_dim3A_337 = vector.broadcast %broadcast_in_dim3A_336 : i32 to vector<16xi32>
    %slice3A_338 = vector.extract_strided_slice %mul3A_279 {offsets = [5], sizes = [1], strides = [1]} : vector<16xi32> to vector<1xi32>
    %squeeze3A_339 = vector.extract %slice3A_338[0] : i32 from vector<1xi32>
    %add3A_340 = vector.broadcast %squeeze3A_339 : i32 to vector<16xi32>
    %add3A_341 = arith.addi %add3A_340, %iota3A : vector<16xi32>
    %gather3A_342 = tpu.vector_load_idx %arg7[%broadcast_in_dim3A_335, %broadcast_in_dim3A_337, %add3A_341] : memref<2x128x128xf32, #tpu.memory_space<vmem>>[vector<16xi32>, vector<16xi32>, vector<16xi32>], vector<16xf32>,
    %add3A_343 = arith.constant 51536 : i32
    %add3A_344 = vector.broadcast %add3A_343 : i32 to vector<16xi32>
    %add3A_345 = arith.addi %add3A_344, %iota3A : vector<16xi32>
    tpu.vector_store_idx %arg8[%add3A_345], %gather3A_342 : memref<53248xf32, #tpu.memory_space<vmem>>[vector<16xi32>], vector<16xf32>,
    %broadcast_in_dim3A_346 = vector.broadcast %rem3A_83 : i32 to vector<16xi32>
    %broadcast_in_dim3A_347 = arith.constant 22 : i32
    %broadcast_in_dim3A_348 = vector.broadcast %broadcast_in_dim3A_347 : i32 to vector<16xi32>
    %slice3A_349 = vector.extract_strided_slice %mul3A_279 {offsets = [6], sizes = [1], strides = [1]} : vector<16xi32> to vector<1xi32>
    %squeeze3A_350 = vector.extract %slice3A_349[0] : i32 from vector<1xi32>
    %add3A_351 = vector.broadcast %squeeze3A_350 : i32 to vector<16xi32>
    %add3A_352 = arith.addi %add3A_351, %iota3A : vector<16xi32>
    %gather3A_353 = tpu.vector_load_idx %arg7[%broadcast_in_dim3A_346, %broadcast_in_dim3A_348, %add3A_352] : memref<2x128x128xf32, #tpu.memory_space<vmem>>[vector<16xi32>, vector<16xi32>, vector<16xi32>], vector<16xf32>,
    %add3A_354 = arith.constant 51552 : i32
    %add3A_355 = vector.broadcast %add3A_354 : i32 to vector<16xi32>
    %add3A_356 = arith.addi %add3A_355, %iota3A : vector<16xi32>
    tpu.vector_store_idx %arg8[%add3A_356], %gather3A_353 : memref<53248xf32, #tpu.memory_space<vmem>>[vector<16xi32>], vector<16xf32>,
    %broadcast_in_dim3A_357 = vector.broadcast %rem3A_83 : i32 to vector<16xi32>
    %broadcast_in_dim3A_358 = arith.constant 23 : i32
    %broadcast_in_dim3A_359 = vector.broadcast %broadcast_in_dim3A_358 : i32 to vector<16xi32>
    %slice3A_360 = vector.extract_strided_slice %mul3A_279 {offsets = [7], sizes = [1], strides = [1]} : vector<16xi32> to vector<1xi32>
    %squeeze3A_361 = vector.extract %slice3A_360[0] : i32 from vector<1xi32>
    %add3A_362 = vector.broadcast %squeeze3A_361 : i32 to vector<16xi32>
    %add3A_363 = arith.addi %add3A_362, %iota3A : vector<16xi32>
    %gather3A_364 = tpu.vector_load_idx %arg7[%broadcast_in_dim3A_357, %broadcast_in_dim3A_359, %add3A_363] : memref<2x128x128xf32, #tpu.memory_space<vmem>>[vector<16xi32>, vector<16xi32>, vector<16xi32>], vector<16xf32>,
    %add3A_365 = arith.constant 51568 : i32
    %add3A_366 = vector.broadcast %add3A_365 : i32 to vector<16xi32>
    %add3A_367 = arith.addi %add3A_366, %iota3A : vector<16xi32>
    tpu.vector_store_idx %arg8[%add3A_367], %gather3A_364 : memref<53248xf32, #tpu.memory_space<vmem>>[vector<16xi32>], vector<16xf32>,
    %broadcast_in_dim3A_368 = vector.broadcast %rem3A_83 : i32 to vector<16xi32>
    %broadcast_in_dim3A_369 = arith.constant 24 : i32
    %broadcast_in_dim3A_370 = vector.broadcast %broadcast_in_dim3A_369 : i32 to vector<16xi32>
    %slice3A_371 = vector.extract_strided_slice %mul3A_279 {offsets = [8], sizes = [1], strides = [1]} : vector<16xi32> to vector<1xi32>
    %squeeze3A_372 = vector.extract %slice3A_371[0] : i32 from vector<1xi32>
    %add3A_373 = vector.broadcast %squeeze3A_372 : i32 to vector<16xi32>
    %add3A_374 = arith.addi %add3A_373, %iota3A : vector<16xi32>
    %gather3A_375 = tpu.vector_load_idx %arg7[%broadcast_in_dim3A_368, %broadcast_in_dim3A_370, %add3A_374] : memref<2x128x128xf32, #tpu.memory_space<vmem>>[vector<16xi32>, vector<16xi32>, vector<16xi32>], vector<16xf32>,
    %add3A_376 = arith.constant 51584 : i32
    %add3A_377 = vector.broadcast %add3A_376 : i32 to vector<16xi32>
    %add3A_378 = arith.addi %add3A_377, %iota3A : vector<16xi32>
    tpu.vector_store_idx %arg8[%add3A_378], %gather3A_375 : memref<53248xf32, #tpu.memory_space<vmem>>[vector<16xi32>], vector<16xf32>,
    %broadcast_in_dim3A_379 = vector.broadcast %rem3A_83 : i32 to vector<16xi32>
    %broadcast_in_dim3A_380 = arith.constant 25 : i32
    %broadcast_in_dim3A_381 = vector.broadcast %broadcast_in_dim3A_380 : i32 to vector<16xi32>
    %slice3A_382 = vector.extract_strided_slice %mul3A_279 {offsets = [9], sizes = [1], strides = [1]} : vector<16xi32> to vector<1xi32>
    %squeeze3A_383 = vector.extract %slice3A_382[0] : i32 from vector<1xi32>
    %add3A_384 = vector.broadcast %squeeze3A_383 : i32 to vector<16xi32>
    %add3A_385 = arith.addi %add3A_384, %iota3A : vector<16xi32>
    %gather3A_386 = tpu.vector_load_idx %arg7[%broadcast_in_dim3A_379, %broadcast_in_dim3A_381, %add3A_385] : memref<2x128x128xf32, #tpu.memory_space<vmem>>[vector<16xi32>, vector<16xi32>, vector<16xi32>], vector<16xf32>,
    %add3A_387 = arith.constant 51600 : i32
    %add3A_388 = vector.broadcast %add3A_387 : i32 to vector<16xi32>
    %add3A_389 = arith.addi %add3A_388, %iota3A : vector<16xi32>
    tpu.vector_store_idx %arg8[%add3A_389], %gather3A_386 : memref<53248xf32, #tpu.memory_space<vmem>>[vector<16xi32>], vector<16xf32>,
    %broadcast_in_dim3A_390 = vector.broadcast %rem3A_83 : i32 to vector<16xi32>
    %broadcast_in_dim3A_391 = arith.constant 26 : i32
    %broadcast_in_dim3A_392 = vector.broadcast %broadcast_in_dim3A_391 : i32 to vector<16xi32>
    %slice3A_393 = vector.extract_strided_slice %mul3A_279 {offsets = [10], sizes = [1], strides = [1]} : vector<16xi32> to vector<1xi32>
    %squeeze3A_394 = vector.extract %slice3A_393[0] : i32 from vector<1xi32>
    %add3A_395 = vector.broadcast %squeeze3A_394 : i32 to vector<16xi32>
    %add3A_396 = arith.addi %add3A_395, %iota3A : vector<16xi32>
    %gather3A_397 = tpu.vector_load_idx %arg7[%broadcast_in_dim3A_390, %broadcast_in_dim3A_392, %add3A_396] : memref<2x128x128xf32, #tpu.memory_space<vmem>>[vector<16xi32>, vector<16xi32>, vector<16xi32>], vector<16xf32>,
    %add3A_398 = arith.constant 51616 : i32
    %add3A_399 = vector.broadcast %add3A_398 : i32 to vector<16xi32>
    %add3A_400 = arith.addi %add3A_399, %iota3A : vector<16xi32>
    tpu.vector_store_idx %arg8[%add3A_400], %gather3A_397 : memref<53248xf32, #tpu.memory_space<vmem>>[vector<16xi32>], vector<16xf32>,
    %broadcast_in_dim3A_401 = vector.broadcast %rem3A_83 : i32 to vector<16xi32>
    %broadcast_in_dim3A_402 = arith.constant 27 : i32
    %broadcast_in_dim3A_403 = vector.broadcast %broadcast_in_dim3A_402 : i32 to vector<16xi32>
    %slice3A_404 = vector.extract_strided_slice %mul3A_279 {offsets = [11], sizes = [1], strides = [1]} : vector<16xi32> to vector<1xi32>
    %squeeze3A_405 = vector.extract %slice3A_404[0] : i32 from vector<1xi32>
    %add3A_406 = vector.broadcast %squeeze3A_405 : i32 to vector<16xi32>
    %add3A_407 = arith.addi %add3A_406, %iota3A : vector<16xi32>
    %gather3A_408 = tpu.vector_load_idx %arg7[%broadcast_in_dim3A_401, %broadcast_in_dim3A_403, %add3A_407] : memref<2x128x128xf32, #tpu.memory_space<vmem>>[vector<16xi32>, vector<16xi32>, vector<16xi32>], vector<16xf32>,
    %add3A_409 = arith.constant 51632 : i32
    %add3A_410 = vector.broadcast %add3A_409 : i32 to vector<16xi32>
    %add3A_411 = arith.addi %add3A_410, %iota3A : vector<16xi32>
    tpu.vector_store_idx %arg8[%add3A_411], %gather3A_408 : memref<53248xf32, #tpu.memory_space<vmem>>[vector<16xi32>], vector<16xf32>,
    %broadcast_in_dim3A_412 = vector.broadcast %rem3A_83 : i32 to vector<16xi32>
    %broadcast_in_dim3A_413 = arith.constant 28 : i32
    %broadcast_in_dim3A_414 = vector.broadcast %broadcast_in_dim3A_413 : i32 to vector<16xi32>
    %slice3A_415 = vector.extract_strided_slice %mul3A_279 {offsets = [12], sizes = [1], strides = [1]} : vector<16xi32> to vector<1xi32>
    %squeeze3A_416 = vector.extract %slice3A_415[0] : i32 from vector<1xi32>
    %add3A_417 = vector.broadcast %squeeze3A_416 : i32 to vector<16xi32>
    %add3A_418 = arith.addi %add3A_417, %iota3A : vector<16xi32>
    %gather3A_419 = tpu.vector_load_idx %arg7[%broadcast_in_dim3A_412, %broadcast_in_dim3A_414, %add3A_418] : memref<2x128x128xf32, #tpu.memory_space<vmem>>[vector<16xi32>, vector<16xi32>, vector<16xi32>], vector<16xf32>,
    %add3A_420 = arith.constant 51648 : i32
    %add3A_421 = vector.broadcast %add3A_420 : i32 to vector<16xi32>
    %add3A_422 = arith.addi %add3A_421, %iota3A : vector<16xi32>
    tpu.vector_store_idx %arg8[%add3A_422], %gather3A_419 : memref<53248xf32, #tpu.memory_space<vmem>>[vector<16xi32>], vector<16xf32>,
    %broadcast_in_dim3A_423 = vector.broadcast %rem3A_83 : i32 to vector<16xi32>
    %broadcast_in_dim3A_424 = arith.constant 29 : i32
    %broadcast_in_dim3A_425 = vector.broadcast %broadcast_in_dim3A_424 : i32 to vector<16xi32>
    %slice3A_426 = vector.extract_strided_slice %mul3A_279 {offsets = [13], sizes = [1], strides = [1]} : vector<16xi32> to vector<1xi32>
    %squeeze3A_427 = vector.extract %slice3A_426[0] : i32 from vector<1xi32>
    %add3A_428 = vector.broadcast %squeeze3A_427 : i32 to vector<16xi32>
    %add3A_429 = arith.addi %add3A_428, %iota3A : vector<16xi32>
    %gather3A_430 = tpu.vector_load_idx %arg7[%broadcast_in_dim3A_423, %broadcast_in_dim3A_425, %add3A_429] : memref<2x128x128xf32, #tpu.memory_space<vmem>>[vector<16xi32>, vector<16xi32>, vector<16xi32>], vector<16xf32>,
    %add3A_431 = arith.constant 51664 : i32
    %add3A_432 = vector.broadcast %add3A_431 : i32 to vector<16xi32>
    %add3A_433 = arith.addi %add3A_432, %iota3A : vector<16xi32>
    tpu.vector_store_idx %arg8[%add3A_433], %gather3A_430 : memref<53248xf32, #tpu.memory_space<vmem>>[vector<16xi32>], vector<16xf32>,
    %broadcast_in_dim3A_434 = vector.broadcast %rem3A_83 : i32 to vector<16xi32>
    %broadcast_in_dim3A_435 = arith.constant 30 : i32
    %broadcast_in_dim3A_436 = vector.broadcast %broadcast_in_dim3A_435 : i32 to vector<16xi32>
    %slice3A_437 = vector.extract_strided_slice %mul3A_279 {offsets = [14], sizes = [1], strides = [1]} : vector<16xi32> to vector<1xi32>
    %squeeze3A_438 = vector.extract %slice3A_437[0] : i32 from vector<1xi32>
    %add3A_439 = vector.broadcast %squeeze3A_438 : i32 to vector<16xi32>
    %add3A_440 = arith.addi %add3A_439, %iota3A : vector<16xi32>
    %gather3A_441 = tpu.vector_load_idx %arg7[%broadcast_in_dim3A_434, %broadcast_in_dim3A_436, %add3A_440] : memref<2x128x128xf32, #tpu.memory_space<vmem>>[vector<16xi32>, vector<16xi32>, vector<16xi32>], vector<16xf32>,
    %add3A_442 = arith.constant 51680 : i32
    %add3A_443 = vector.broadcast %add3A_442 : i32 to vector<16xi32>
    %add3A_444 = arith.addi %add3A_443, %iota3A : vector<16xi32>
    tpu.vector_store_idx %arg8[%add3A_444], %gather3A_441 : memref<53248xf32, #tpu.memory_space<vmem>>[vector<16xi32>], vector<16xf32>,
    %broadcast_in_dim3A_445 = vector.broadcast %rem3A_83 : i32 to vector<16xi32>
    %broadcast_in_dim3A_446 = arith.constant 31 : i32
    %broadcast_in_dim3A_447 = vector.broadcast %broadcast_in_dim3A_446 : i32 to vector<16xi32>
    %slice3A_448 = vector.extract_strided_slice %mul3A_279 {offsets = [15], sizes = [1], strides = [1]} : vector<16xi32> to vector<1xi32>
    %squeeze3A_449 = vector.extract %slice3A_448[0] : i32 from vector<1xi32>
    %add3A_450 = vector.broadcast %squeeze3A_449 : i32 to vector<16xi32>
    %add3A_451 = arith.addi %add3A_450, %iota3A : vector<16xi32>
    %gather3A_452 = tpu.vector_load_idx %arg7[%broadcast_in_dim3A_445, %broadcast_in_dim3A_447, %add3A_451] : memref<2x128x128xf32, #tpu.memory_space<vmem>>[vector<16xi32>, vector<16xi32>, vector<16xi32>], vector<16xf32>,
    %add3A_453 = arith.constant 51696 : i32
    %add3A_454 = vector.broadcast %add3A_453 : i32 to vector<16xi32>
    %add3A_455 = arith.addi %add3A_454, %iota3A : vector<16xi32>
    tpu.vector_store_idx %arg8[%add3A_455], %gather3A_452 : memref<53248xf32, #tpu.memory_space<vmem>>[vector<16xi32>], vector<16xf32>,
    %get3A_456 = arith.constant 3232 : index
    %get3A_457 = tpu.vector_load %arg5[%get3A_456] {strides = array<i32>} : memref<3328xi32, #tpu.memory_space<vmem>>, vector<16xi32>,
    %and3A_458 = arith.constant 7 : i32
    %and3A_459 = vector.broadcast %and3A_458 : i32 to vector<16xi32>
    %and3A_460 = arith.andi %get3A_457, %and3A_459 : vector<16xi32>
    %mul3A_461 = arith.constant 16 : i32
    %mul3A_462 = vector.broadcast %mul3A_461 : i32 to vector<16xi32>
    %mul3A_463 = arith.muli %and3A_460, %mul3A_462 : vector<16xi32>
    %broadcast_in_dim3A_464 = vector.broadcast %rem3A_83 : i32 to vector<16xi32>
    %broadcast_in_dim3A_465 = arith.constant 32 : i32
    %broadcast_in_dim3A_466 = vector.broadcast %broadcast_in_dim3A_465 : i32 to vector<16xi32>
    %slice3A_467 = vector.extract_strided_slice %mul3A_463 {offsets = [0], sizes = [1], strides = [1]} : vector<16xi32> to vector<1xi32>
    %squeeze3A_468 = vector.extract %slice3A_467[0] : i32 from vector<1xi32>
    %add3A_469 = vector.broadcast %squeeze3A_468 : i32 to vector<16xi32>
    %add3A_470 = arith.addi %add3A_469, %iota3A : vector<16xi32>
    %gather3A_471 = tpu.vector_load_idx %arg7[%broadcast_in_dim3A_464, %broadcast_in_dim3A_466, %add3A_470] : memref<2x128x128xf32, #tpu.memory_space<vmem>>[vector<16xi32>, vector<16xi32>, vector<16xi32>], vector<16xf32>,
    %add3A_472 = arith.constant 51712 : i32
    %add3A_473 = vector.broadcast %add3A_472 : i32 to vector<16xi32>
    %add3A_474 = arith.addi %add3A_473, %iota3A : vector<16xi32>
    tpu.vector_store_idx %arg8[%add3A_474], %gather3A_471 : memref<53248xf32, #tpu.memory_space<vmem>>[vector<16xi32>], vector<16xf32>,
    %broadcast_in_dim3A_475 = vector.broadcast %rem3A_83 : i32 to vector<16xi32>
    %broadcast_in_dim3A_476 = arith.constant 33 : i32
    %broadcast_in_dim3A_477 = vector.broadcast %broadcast_in_dim3A_476 : i32 to vector<16xi32>
    %slice3A_478 = vector.extract_strided_slice %mul3A_463 {offsets = [1], sizes = [1], strides = [1]} : vector<16xi32> to vector<1xi32>
    %squeeze3A_479 = vector.extract %slice3A_478[0] : i32 from vector<1xi32>
    %add3A_480 = vector.broadcast %squeeze3A_479 : i32 to vector<16xi32>
    %add3A_481 = arith.addi %add3A_480, %iota3A : vector<16xi32>
    %gather3A_482 = tpu.vector_load_idx %arg7[%broadcast_in_dim3A_475, %broadcast_in_dim3A_477, %add3A_481] : memref<2x128x128xf32, #tpu.memory_space<vmem>>[vector<16xi32>, vector<16xi32>, vector<16xi32>], vector<16xf32>,
    %add3A_483 = arith.constant 51728 : i32
    %add3A_484 = vector.broadcast %add3A_483 : i32 to vector<16xi32>
    %add3A_485 = arith.addi %add3A_484, %iota3A : vector<16xi32>
    tpu.vector_store_idx %arg8[%add3A_485], %gather3A_482 : memref<53248xf32, #tpu.memory_space<vmem>>[vector<16xi32>], vector<16xf32>,
    %broadcast_in_dim3A_486 = vector.broadcast %rem3A_83 : i32 to vector<16xi32>
    %broadcast_in_dim3A_487 = arith.constant 34 : i32
    %broadcast_in_dim3A_488 = vector.broadcast %broadcast_in_dim3A_487 : i32 to vector<16xi32>
    %slice3A_489 = vector.extract_strided_slice %mul3A_463 {offsets = [2], sizes = [1], strides = [1]} : vector<16xi32> to vector<1xi32>
    %squeeze3A_490 = vector.extract %slice3A_489[0] : i32 from vector<1xi32>
    %add3A_491 = vector.broadcast %squeeze3A_490 : i32 to vector<16xi32>
    %add3A_492 = arith.addi %add3A_491, %iota3A : vector<16xi32>
    %gather3A_493 = tpu.vector_load_idx %arg7[%broadcast_in_dim3A_486, %broadcast_in_dim3A_488, %add3A_492] : memref<2x128x128xf32, #tpu.memory_space<vmem>>[vector<16xi32>, vector<16xi32>, vector<16xi32>], vector<16xf32>,
    %add3A_494 = arith.constant 51744 : i32
    %add3A_495 = vector.broadcast %add3A_494 : i32 to vector<16xi32>
    %add3A_496 = arith.addi %add3A_495, %iota3A : vector<16xi32>
    tpu.vector_store_idx %arg8[%add3A_496], %gather3A_493 : memref<53248xf32, #tpu.memory_space<vmem>>[vector<16xi32>], vector<16xf32>,
    %broadcast_in_dim3A_497 = vector.broadcast %rem3A_83 : i32 to vector<16xi32>
    %broadcast_in_dim3A_498 = arith.constant 35 : i32
    %broadcast_in_dim3A_499 = vector.broadcast %broadcast_in_dim3A_498 : i32 to vector<16xi32>
    %slice3A_500 = vector.extract_strided_slice %mul3A_463 {offsets = [3], sizes = [1], strides = [1]} : vector<16xi32> to vector<1xi32>
    %squeeze3A_501 = vector.extract %slice3A_500[0] : i32 from vector<1xi32>
    %add3A_502 = vector.broadcast %squeeze3A_501 : i32 to vector<16xi32>
    %add3A_503 = arith.addi %add3A_502, %iota3A : vector<16xi32>
    %gather3A_504 = tpu.vector_load_idx %arg7[%broadcast_in_dim3A_497, %broadcast_in_dim3A_499, %add3A_503] : memref<2x128x128xf32, #tpu.memory_space<vmem>>[vector<16xi32>, vector<16xi32>, vector<16xi32>], vector<16xf32>,
    %add3A_505 = arith.constant 51760 : i32
    %add3A_506 = vector.broadcast %add3A_505 : i32 to vector<16xi32>
    %add3A_507 = arith.addi %add3A_506, %iota3A : vector<16xi32>
    tpu.vector_store_idx %arg8[%add3A_507], %gather3A_504 : memref<53248xf32, #tpu.memory_space<vmem>>[vector<16xi32>], vector<16xf32>,
    %broadcast_in_dim3A_508 = vector.broadcast %rem3A_83 : i32 to vector<16xi32>
    %broadcast_in_dim3A_509 = arith.constant 36 : i32
    %broadcast_in_dim3A_510 = vector.broadcast %broadcast_in_dim3A_509 : i32 to vector<16xi32>
    %slice3A_511 = vector.extract_strided_slice %mul3A_463 {offsets = [4], sizes = [1], strides = [1]} : vector<16xi32> to vector<1xi32>
    %squeeze3A_512 = vector.extract %slice3A_511[0] : i32 from vector<1xi32>
    %add3A_513 = vector.broadcast %squeeze3A_512 : i32 to vector<16xi32>
    %add3A_514 = arith.addi %add3A_513, %iota3A : vector<16xi32>
    %gather3A_515 = tpu.vector_load_idx %arg7[%broadcast_in_dim3A_508, %broadcast_in_dim3A_510, %add3A_514] : memref<2x128x128xf32, #tpu.memory_space<vmem>>[vector<16xi32>, vector<16xi32>, vector<16xi32>], vector<16xf32>,
    %add3A_516 = arith.constant 51776 : i32
    %add3A_517 = vector.broadcast %add3A_516 : i32 to vector<16xi32>
    %add3A_518 = arith.addi %add3A_517, %iota3A : vector<16xi32>
    tpu.vector_store_idx %arg8[%add3A_518], %gather3A_515 : memref<53248xf32, #tpu.memory_space<vmem>>[vector<16xi32>], vector<16xf32>,
    %broadcast_in_dim3A_519 = vector.broadcast %rem3A_83 : i32 to vector<16xi32>
    %broadcast_in_dim3A_520 = arith.constant 37 : i32
    %broadcast_in_dim3A_521 = vector.broadcast %broadcast_in_dim3A_520 : i32 to vector<16xi32>
    %slice3A_522 = vector.extract_strided_slice %mul3A_463 {offsets = [5], sizes = [1], strides = [1]} : vector<16xi32> to vector<1xi32>
    %squeeze3A_523 = vector.extract %slice3A_522[0] : i32 from vector<1xi32>
    %add3A_524 = vector.broadcast %squeeze3A_523 : i32 to vector<16xi32>
    %add3A_525 = arith.addi %add3A_524, %iota3A : vector<16xi32>
    %gather3A_526 = tpu.vector_load_idx %arg7[%broadcast_in_dim3A_519, %broadcast_in_dim3A_521, %add3A_525] : memref<2x128x128xf32, #tpu.memory_space<vmem>>[vector<16xi32>, vector<16xi32>, vector<16xi32>], vector<16xf32>,
    %add3A_527 = arith.constant 51792 : i32
    %add3A_528 = vector.broadcast %add3A_527 : i32 to vector<16xi32>
    %add3A_529 = arith.addi %add3A_528, %iota3A : vector<16xi32>
    tpu.vector_store_idx %arg8[%add3A_529], %gather3A_526 : memref<53248xf32, #tpu.memory_space<vmem>>[vector<16xi32>], vector<16xf32>,
    %broadcast_in_dim3A_530 = vector.broadcast %rem3A_83 : i32 to vector<16xi32>
    %broadcast_in_dim3A_531 = arith.constant 38 : i32
    %broadcast_in_dim3A_532 = vector.broadcast %broadcast_in_dim3A_531 : i32 to vector<16xi32>
    %slice3A_533 = vector.extract_strided_slice %mul3A_463 {offsets = [6], sizes = [1], strides = [1]} : vector<16xi32> to vector<1xi32>
    %squeeze3A_534 = vector.extract %slice3A_533[0] : i32 from vector<1xi32>
    %add3A_535 = vector.broadcast %squeeze3A_534 : i32 to vector<16xi32>
    %add3A_536 = arith.addi %add3A_535, %iota3A : vector<16xi32>
    %gather3A_537 = tpu.vector_load_idx %arg7[%broadcast_in_dim3A_530, %broadcast_in_dim3A_532, %add3A_536] : memref<2x128x128xf32, #tpu.memory_space<vmem>>[vector<16xi32>, vector<16xi32>, vector<16xi32>], vector<16xf32>,
    %add3A_538 = arith.constant 51808 : i32
    %add3A_539 = vector.broadcast %add3A_538 : i32 to vector<16xi32>
    %add3A_540 = arith.addi %add3A_539, %iota3A : vector<16xi32>
    tpu.vector_store_idx %arg8[%add3A_540], %gather3A_537 : memref<53248xf32, #tpu.memory_space<vmem>>[vector<16xi32>], vector<16xf32>,
    %broadcast_in_dim3A_541 = vector.broadcast %rem3A_83 : i32 to vector<16xi32>
    %broadcast_in_dim3A_542 = arith.constant 39 : i32
    %broadcast_in_dim3A_543 = vector.broadcast %broadcast_in_dim3A_542 : i32 to vector<16xi32>
    %slice3A_544 = vector.extract_strided_slice %mul3A_463 {offsets = [7], sizes = [1], strides = [1]} : vector<16xi32> to vector<1xi32>
    %squeeze3A_545 = vector.extract %slice3A_544[0] : i32 from vector<1xi32>
    %add3A_546 = vector.broadcast %squeeze3A_545 : i32 to vector<16xi32>
    %add3A_547 = arith.addi %add3A_546, %iota3A : vector<16xi32>
    %gather3A_548 = tpu.vector_load_idx %arg7[%broadcast_in_dim3A_541, %broadcast_in_dim3A_543, %add3A_547] : memref<2x128x128xf32, #tpu.memory_space<vmem>>[vector<16xi32>, vector<16xi32>, vector<16xi32>], vector<16xf32>,
    %add3A_549 = arith.constant 51824 : i32
    %add3A_550 = vector.broadcast %add3A_549 : i32 to vector<16xi32>
    %add3A_551 = arith.addi %add3A_550, %iota3A : vector<16xi32>
    tpu.vector_store_idx %arg8[%add3A_551], %gather3A_548 : memref<53248xf32, #tpu.memory_space<vmem>>[vector<16xi32>], vector<16xf32>,
    %broadcast_in_dim3A_552 = vector.broadcast %rem3A_83 : i32 to vector<16xi32>
    %broadcast_in_dim3A_553 = arith.constant 40 : i32
    %broadcast_in_dim3A_554 = vector.broadcast %broadcast_in_dim3A_553 : i32 to vector<16xi32>
    %slice3A_555 = vector.extract_strided_slice %mul3A_463 {offsets = [8], sizes = [1], strides = [1]} : vector<16xi32> to vector<1xi32>
    %squeeze3A_556 = vector.extract %slice3A_555[0] : i32 from vector<1xi32>
    %add3A_557 = vector.broadcast %squeeze3A_556 : i32 to vector<16xi32>
    %add3A_558 = arith.addi %add3A_557, %iota3A : vector<16xi32>
    %gather3A_559 = tpu.vector_load_idx %arg7[%broadcast_in_dim3A_552, %broadcast_in_dim3A_554, %add3A_558] : memref<2x128x128xf32, #tpu.memory_space<vmem>>[vector<16xi32>, vector<16xi32>, vector<16xi32>], vector<16xf32>,
    %add3A_560 = arith.constant 51840 : i32
    %add3A_561 = vector.broadcast %add3A_560 : i32 to vector<16xi32>
    %add3A_562 = arith.addi %add3A_561, %iota3A : vector<16xi32>
    tpu.vector_store_idx %arg8[%add3A_562], %gather3A_559 : memref<53248xf32, #tpu.memory_space<vmem>>[vector<16xi32>], vector<16xf32>,
    %broadcast_in_dim3A_563 = vector.broadcast %rem3A_83 : i32 to vector<16xi32>
    %broadcast_in_dim3A_564 = arith.constant 41 : i32
    %broadcast_in_dim3A_565 = vector.broadcast %broadcast_in_dim3A_564 : i32 to vector<16xi32>
    %slice3A_566 = vector.extract_strided_slice %mul3A_463 {offsets = [9], sizes = [1], strides = [1]} : vector<16xi32> to vector<1xi32>
    %squeeze3A_567 = vector.extract %slice3A_566[0] : i32 from vector<1xi32>
    %add3A_568 = vector.broadcast %squeeze3A_567 : i32 to vector<16xi32>
    %add3A_569 = arith.addi %add3A_568, %iota3A : vector<16xi32>
    %gather3A_570 = tpu.vector_load_idx %arg7[%broadcast_in_dim3A_563, %broadcast_in_dim3A_565, %add3A_569] : memref<2x128x128xf32, #tpu.memory_space<vmem>>[vector<16xi32>, vector<16xi32>, vector<16xi32>], vector<16xf32>,
    %add3A_571 = arith.constant 51856 : i32
    %add3A_572 = vector.broadcast %add3A_571 : i32 to vector<16xi32>
    %add3A_573 = arith.addi %add3A_572, %iota3A : vector<16xi32>
    tpu.vector_store_idx %arg8[%add3A_573], %gather3A_570 : memref<53248xf32, #tpu.memory_space<vmem>>[vector<16xi32>], vector<16xf32>,
    %broadcast_in_dim3A_574 = vector.broadcast %rem3A_83 : i32 to vector<16xi32>
    %broadcast_in_dim3A_575 = arith.constant 42 : i32
    %broadcast_in_dim3A_576 = vector.broadcast %broadcast_in_dim3A_575 : i32 to vector<16xi32>
    %slice3A_577 = vector.extract_strided_slice %mul3A_463 {offsets = [10], sizes = [1], strides = [1]} : vector<16xi32> to vector<1xi32>
    %squeeze3A_578 = vector.extract %slice3A_577[0] : i32 from vector<1xi32>
    %add3A_579 = vector.broadcast %squeeze3A_578 : i32 to vector<16xi32>
    %add3A_580 = arith.addi %add3A_579, %iota3A : vector<16xi32>
    %gather3A_581 = tpu.vector_load_idx %arg7[%broadcast_in_dim3A_574, %broadcast_in_dim3A_576, %add3A_580] : memref<2x128x128xf32, #tpu.memory_space<vmem>>[vector<16xi32>, vector<16xi32>, vector<16xi32>], vector<16xf32>,
    %add3A_582 = arith.constant 51872 : i32
    %add3A_583 = vector.broadcast %add3A_582 : i32 to vector<16xi32>
    %add3A_584 = arith.addi %add3A_583, %iota3A : vector<16xi32>
    tpu.vector_store_idx %arg8[%add3A_584], %gather3A_581 : memref<53248xf32, #tpu.memory_space<vmem>>[vector<16xi32>], vector<16xf32>,
    %broadcast_in_dim3A_585 = vector.broadcast %rem3A_83 : i32 to vector<16xi32>
    %broadcast_in_dim3A_586 = arith.constant 43 : i32
    %broadcast_in_dim3A_587 = vector.broadcast %broadcast_in_dim3A_586 : i32 to vector<16xi32>
    %slice3A_588 = vector.extract_strided_slice %mul3A_463 {offsets = [11], sizes = [1], strides = [1]} : vector<16xi32> to vector<1xi32>
    %squeeze3A_589 = vector.extract %slice3A_588[0] : i32 from vector<1xi32>
    %add3A_590 = vector.broadcast %squeeze3A_589 : i32 to vector<16xi32>
    %add3A_591 = arith.addi %add3A_590, %iota3A : vector<16xi32>
    %gather3A_592 = tpu.vector_load_idx %arg7[%broadcast_in_dim3A_585, %broadcast_in_dim3A_587, %add3A_591] : memref<2x128x128xf32, #tpu.memory_space<vmem>>[vector<16xi32>, vector<16xi32>, vector<16xi32>], vector<16xf32>,
    %add3A_593 = arith.constant 51888 : i32
    %add3A_594 = vector.broadcast %add3A_593 : i32 to vector<16xi32>
    %add3A_595 = arith.addi %add3A_594, %iota3A : vector<16xi32>
    tpu.vector_store_idx %arg8[%add3A_595], %gather3A_592 : memref<53248xf32, #tpu.memory_space<vmem>>[vector<16xi32>], vector<16xf32>,
    %broadcast_in_dim3A_596 = vector.broadcast %rem3A_83 : i32 to vector<16xi32>
    %broadcast_in_dim3A_597 = arith.constant 44 : i32
    %broadcast_in_dim3A_598 = vector.broadcast %broadcast_in_dim3A_597 : i32 to vector<16xi32>
    %slice3A_599 = vector.extract_strided_slice %mul3A_463 {offsets = [12], sizes = [1], strides = [1]} : vector<16xi32> to vector<1xi32>
    %squeeze3A_600 = vector.extract %slice3A_599[0] : i32 from vector<1xi32>
    %add3A_601 = vector.broadcast %squeeze3A_600 : i32 to vector<16xi32>
    %add3A_602 = arith.addi %add3A_601, %iota3A : vector<16xi32>
    %gather3A_603 = tpu.vector_load_idx %arg7[%broadcast_in_dim3A_596, %broadcast_in_dim3A_598, %add3A_602] : memref<2x128x128xf32, #tpu.memory_space<vmem>>[vector<16xi32>, vector<16xi32>, vector<16xi32>], vector<16xf32>,
    %add3A_604 = arith.constant 51904 : i32
    %add3A_605 = vector.broadcast %add3A_604 : i32 to vector<16xi32>
    %add3A_606 = arith.addi %add3A_605, %iota3A : vector<16xi32>
    tpu.vector_store_idx %arg8[%add3A_606], %gather3A_603 : memref<53248xf32, #tpu.memory_space<vmem>>[vector<16xi32>], vector<16xf32>,
    %broadcast_in_dim3A_607 = vector.broadcast %rem3A_83 : i32 to vector<16xi32>
    %broadcast_in_dim3A_608 = arith.constant 45 : i32
    %broadcast_in_dim3A_609 = vector.broadcast %broadcast_in_dim3A_608 : i32 to vector<16xi32>
    %slice3A_610 = vector.extract_strided_slice %mul3A_463 {offsets = [13], sizes = [1], strides = [1]} : vector<16xi32> to vector<1xi32>
    %squeeze3A_611 = vector.extract %slice3A_610[0] : i32 from vector<1xi32>
    %add3A_612 = vector.broadcast %squeeze3A_611 : i32 to vector<16xi32>
    %add3A_613 = arith.addi %add3A_612, %iota3A : vector<16xi32>
    %gather3A_614 = tpu.vector_load_idx %arg7[%broadcast_in_dim3A_607, %broadcast_in_dim3A_609, %add3A_613] : memref<2x128x128xf32, #tpu.memory_space<vmem>>[vector<16xi32>, vector<16xi32>, vector<16xi32>], vector<16xf32>,
    %add3A_615 = arith.constant 51920 : i32
    %add3A_616 = vector.broadcast %add3A_615 : i32 to vector<16xi32>
    %add3A_617 = arith.addi %add3A_616, %iota3A : vector<16xi32>
    tpu.vector_store_idx %arg8[%add3A_617], %gather3A_614 : memref<53248xf32, #tpu.memory_space<vmem>>[vector<16xi32>], vector<16xf32>,
    %broadcast_in_dim3A_618 = vector.broadcast %rem3A_83 : i32 to vector<16xi32>
    %broadcast_in_dim3A_619 = arith.constant 46 : i32
    %broadcast_in_dim3A_620 = vector.broadcast %broadcast_in_dim3A_619 : i32 to vector<16xi32>
    %slice3A_621 = vector.extract_strided_slice %mul3A_463 {offsets = [14], sizes = [1], strides = [1]} : vector<16xi32> to vector<1xi32>
    %squeeze3A_622 = vector.extract %slice3A_621[0] : i32 from vector<1xi32>
    %add3A_623 = vector.broadcast %squeeze3A_622 : i32 to vector<16xi32>
    %add3A_624 = arith.addi %add3A_623, %iota3A : vector<16xi32>
    %gather3A_625 = tpu.vector_load_idx %arg7[%broadcast_in_dim3A_618, %broadcast_in_dim3A_620, %add3A_624] : memref<2x128x128xf32, #tpu.memory_space<vmem>>[vector<16xi32>, vector<16xi32>, vector<16xi32>], vector<16xf32>,
    %add3A_626 = arith.constant 51936 : i32
    %add3A_627 = vector.broadcast %add3A_626 : i32 to vector<16xi32>
    %add3A_628 = arith.addi %add3A_627, %iota3A : vector<16xi32>
    tpu.vector_store_idx %arg8[%add3A_628], %gather3A_625 : memref<53248xf32, #tpu.memory_space<vmem>>[vector<16xi32>], vector<16xf32>,
    %broadcast_in_dim3A_629 = vector.broadcast %rem3A_83 : i32 to vector<16xi32>
    %broadcast_in_dim3A_630 = arith.constant 47 : i32
    %broadcast_in_dim3A_631 = vector.broadcast %broadcast_in_dim3A_630 : i32 to vector<16xi32>
    %slice3A_632 = vector.extract_strided_slice %mul3A_463 {offsets = [15], sizes = [1], strides = [1]} : vector<16xi32> to vector<1xi32>
    %squeeze3A_633 = vector.extract %slice3A_632[0] : i32 from vector<1xi32>
    %add3A_634 = vector.broadcast %squeeze3A_633 : i32 to vector<16xi32>
    %add3A_635 = arith.addi %add3A_634, %iota3A : vector<16xi32>
    %gather3A_636 = tpu.vector_load_idx %arg7[%broadcast_in_dim3A_629, %broadcast_in_dim3A_631, %add3A_635] : memref<2x128x128xf32, #tpu.memory_space<vmem>>[vector<16xi32>, vector<16xi32>, vector<16xi32>], vector<16xf32>,
    %add3A_637 = arith.constant 51952 : i32
    %add3A_638 = vector.broadcast %add3A_637 : i32 to vector<16xi32>
    %add3A_639 = arith.addi %add3A_638, %iota3A : vector<16xi32>
    tpu.vector_store_idx %arg8[%add3A_639], %gather3A_636 : memref<53248xf32, #tpu.memory_space<vmem>>[vector<16xi32>], vector<16xf32>,
    %get3A_640 = arith.constant 3248 : index
    %get3A_641 = tpu.vector_load %arg5[%get3A_640] {strides = array<i32>} : memref<3328xi32, #tpu.memory_space<vmem>>, vector<16xi32>,
    %and3A_642 = arith.constant 7 : i32
    %and3A_643 = vector.broadcast %and3A_642 : i32 to vector<16xi32>
    %and3A_644 = arith.andi %get3A_641, %and3A_643 : vector<16xi32>
    %mul3A_645 = arith.constant 16 : i32
    %mul3A_646 = vector.broadcast %mul3A_645 : i32 to vector<16xi32>
    %mul3A_647 = arith.muli %and3A_644, %mul3A_646 : vector<16xi32>
    %broadcast_in_dim3A_648 = vector.broadcast %rem3A_83 : i32 to vector<16xi32>
    %broadcast_in_dim3A_649 = arith.constant 48 : i32
    %broadcast_in_dim3A_650 = vector.broadcast %broadcast_in_dim3A_649 : i32 to vector<16xi32>
    %slice3A_651 = vector.extract_strided_slice %mul3A_647 {offsets = [0], sizes = [1], strides = [1]} : vector<16xi32> to vector<1xi32>
    %squeeze3A_652 = vector.extract %slice3A_651[0] : i32 from vector<1xi32>
    %add3A_653 = vector.broadcast %squeeze3A_652 : i32 to vector<16xi32>
    %add3A_654 = arith.addi %add3A_653, %iota3A : vector<16xi32>
    %gather3A_655 = tpu.vector_load_idx %arg7[%broadcast_in_dim3A_648, %broadcast_in_dim3A_650, %add3A_654] : memref<2x128x128xf32, #tpu.memory_space<vmem>>[vector<16xi32>, vector<16xi32>, vector<16xi32>], vector<16xf32>,
    %add3A_656 = arith.constant 51968 : i32
    %add3A_657 = vector.broadcast %add3A_656 : i32 to vector<16xi32>
    %add3A_658 = arith.addi %add3A_657, %iota3A : vector<16xi32>
    tpu.vector_store_idx %arg8[%add3A_658], %gather3A_655 : memref<53248xf32, #tpu.memory_space<vmem>>[vector<16xi32>], vector<16xf32>,
    %broadcast_in_dim3A_659 = vector.broadcast %rem3A_83 : i32 to vector<16xi32>
    %broadcast_in_dim3A_660 = arith.constant 49 : i32
    %broadcast_in_dim3A_661 = vector.broadcast %broadcast_in_dim3A_660 : i32 to vector<16xi32>
    %slice3A_662 = vector.extract_strided_slice %mul3A_647 {offsets = [1], sizes = [1], strides = [1]} : vector<16xi32> to vector<1xi32>
    %squeeze3A_663 = vector.extract %slice3A_662[0] : i32 from vector<1xi32>
    %add3A_664 = vector.broadcast %squeeze3A_663 : i32 to vector<16xi32>
    %add3A_665 = arith.addi %add3A_664, %iota3A : vector<16xi32>
    %gather3A_666 = tpu.vector_load_idx %arg7[%broadcast_in_dim3A_659, %broadcast_in_dim3A_661, %add3A_665] : memref<2x128x128xf32, #tpu.memory_space<vmem>>[vector<16xi32>, vector<16xi32>, vector<16xi32>], vector<16xf32>,
    %add3A_667 = arith.constant 51984 : i32
    %add3A_668 = vector.broadcast %add3A_667 : i32 to vector<16xi32>
    %add3A_669 = arith.addi %add3A_668, %iota3A : vector<16xi32>
    tpu.vector_store_idx %arg8[%add3A_669], %gather3A_666 : memref<53248xf32, #tpu.memory_space<vmem>>[vector<16xi32>], vector<16xf32>,
    %broadcast_in_dim3A_670 = vector.broadcast %rem3A_83 : i32 to vector<16xi32>
    %broadcast_in_dim3A_671 = arith.constant 50 : i32
    %broadcast_in_dim3A_672 = vector.broadcast %broadcast_in_dim3A_671 : i32 to vector<16xi32>
    %slice3A_673 = vector.extract_strided_slice %mul3A_647 {offsets = [2], sizes = [1], strides = [1]} : vector<16xi32> to vector<1xi32>
    %squeeze3A_674 = vector.extract %slice3A_673[0] : i32 from vector<1xi32>
    %add3A_675 = vector.broadcast %squeeze3A_674 : i32 to vector<16xi32>
    %add3A_676 = arith.addi %add3A_675, %iota3A : vector<16xi32>
    %gather3A_677 = tpu.vector_load_idx %arg7[%broadcast_in_dim3A_670, %broadcast_in_dim3A_672, %add3A_676] : memref<2x128x128xf32, #tpu.memory_space<vmem>>[vector<16xi32>, vector<16xi32>, vector<16xi32>], vector<16xf32>,
    %add3A_678 = arith.constant 52000 : i32
    %add3A_679 = vector.broadcast %add3A_678 : i32 to vector<16xi32>
    %add3A_680 = arith.addi %add3A_679, %iota3A : vector<16xi32>
    tpu.vector_store_idx %arg8[%add3A_680], %gather3A_677 : memref<53248xf32, #tpu.memory_space<vmem>>[vector<16xi32>], vector<16xf32>,
    %broadcast_in_dim3A_681 = vector.broadcast %rem3A_83 : i32 to vector<16xi32>
    %broadcast_in_dim3A_682 = arith.constant 51 : i32
    %broadcast_in_dim3A_683 = vector.broadcast %broadcast_in_dim3A_682 : i32 to vector<16xi32>
    %slice3A_684 = vector.extract_strided_slice %mul3A_647 {offsets = [3], sizes = [1], strides = [1]} : vector<16xi32> to vector<1xi32>
    %squeeze3A_685 = vector.extract %slice3A_684[0] : i32 from vector<1xi32>
    %add3A_686 = vector.broadcast %squeeze3A_685 : i32 to vector<16xi32>
    %add3A_687 = arith.addi %add3A_686, %iota3A : vector<16xi32>
    %gather3A_688 = tpu.vector_load_idx %arg7[%broadcast_in_dim3A_681, %broadcast_in_dim3A_683, %add3A_687] : memref<2x128x128xf32, #tpu.memory_space<vmem>>[vector<16xi32>, vector<16xi32>, vector<16xi32>], vector<16xf32>,
    %add3A_689 = arith.constant 52016 : i32
    %add3A_690 = vector.broadcast %add3A_689 : i32 to vector<16xi32>
    %add3A_691 = arith.addi %add3A_690, %iota3A : vector<16xi32>
    tpu.vector_store_idx %arg8[%add3A_691], %gather3A_688 : memref<53248xf32, #tpu.memory_space<vmem>>[vector<16xi32>], vector<16xf32>,
    %broadcast_in_dim3A_692 = vector.broadcast %rem3A_83 : i32 to vector<16xi32>
    %broadcast_in_dim3A_693 = arith.constant 52 : i32
    %broadcast_in_dim3A_694 = vector.broadcast %broadcast_in_dim3A_693 : i32 to vector<16xi32>
    %slice3A_695 = vector.extract_strided_slice %mul3A_647 {offsets = [4], sizes = [1], strides = [1]} : vector<16xi32> to vector<1xi32>
    %squeeze3A_696 = vector.extract %slice3A_695[0] : i32 from vector<1xi32>
    %add3A_697 = vector.broadcast %squeeze3A_696 : i32 to vector<16xi32>
    %add3A_698 = arith.addi %add3A_697, %iota3A : vector<16xi32>
    %gather3A_699 = tpu.vector_load_idx %arg7[%broadcast_in_dim3A_692, %broadcast_in_dim3A_694, %add3A_698] : memref<2x128x128xf32, #tpu.memory_space<vmem>>[vector<16xi32>, vector<16xi32>, vector<16xi32>], vector<16xf32>,
    %add3A_700 = arith.constant 52032 : i32
    %add3A_701 = vector.broadcast %add3A_700 : i32 to vector<16xi32>
    %add3A_702 = arith.addi %add3A_701, %iota3A : vector<16xi32>
    tpu.vector_store_idx %arg8[%add3A_702], %gather3A_699 : memref<53248xf32, #tpu.memory_space<vmem>>[vector<16xi32>], vector<16xf32>,
    %broadcast_in_dim3A_703 = vector.broadcast %rem3A_83 : i32 to vector<16xi32>
    %broadcast_in_dim3A_704 = arith.constant 53 : i32
    %broadcast_in_dim3A_705 = vector.broadcast %broadcast_in_dim3A_704 : i32 to vector<16xi32>
    %slice3A_706 = vector.extract_strided_slice %mul3A_647 {offsets = [5], sizes = [1], strides = [1]} : vector<16xi32> to vector<1xi32>
    %squeeze3A_707 = vector.extract %slice3A_706[0] : i32 from vector<1xi32>
    %add3A_708 = vector.broadcast %squeeze3A_707 : i32 to vector<16xi32>
    %add3A_709 = arith.addi %add3A_708, %iota3A : vector<16xi32>
    %gather3A_710 = tpu.vector_load_idx %arg7[%broadcast_in_dim3A_703, %broadcast_in_dim3A_705, %add3A_709] : memref<2x128x128xf32, #tpu.memory_space<vmem>>[vector<16xi32>, vector<16xi32>, vector<16xi32>], vector<16xf32>,
    %add3A_711 = arith.constant 52048 : i32
    %add3A_712 = vector.broadcast %add3A_711 : i32 to vector<16xi32>
    %add3A_713 = arith.addi %add3A_712, %iota3A : vector<16xi32>
    tpu.vector_store_idx %arg8[%add3A_713], %gather3A_710 : memref<53248xf32, #tpu.memory_space<vmem>>[vector<16xi32>], vector<16xf32>,
    %broadcast_in_dim3A_714 = vector.broadcast %rem3A_83 : i32 to vector<16xi32>
    %broadcast_in_dim3A_715 = arith.constant 54 : i32
    %broadcast_in_dim3A_716 = vector.broadcast %broadcast_in_dim3A_715 : i32 to vector<16xi32>
    %slice3A_717 = vector.extract_strided_slice %mul3A_647 {offsets = [6], sizes = [1], strides = [1]} : vector<16xi32> to vector<1xi32>
    %squeeze3A_718 = vector.extract %slice3A_717[0] : i32 from vector<1xi32>
    %add3A_719 = vector.broadcast %squeeze3A_718 : i32 to vector<16xi32>
    %add3A_720 = arith.addi %add3A_719, %iota3A : vector<16xi32>
    %gather3A_721 = tpu.vector_load_idx %arg7[%broadcast_in_dim3A_714, %broadcast_in_dim3A_716, %add3A_720] : memref<2x128x128xf32, #tpu.memory_space<vmem>>[vector<16xi32>, vector<16xi32>, vector<16xi32>], vector<16xf32>,
    %add3A_722 = arith.constant 52064 : i32
    %add3A_723 = vector.broadcast %add3A_722 : i32 to vector<16xi32>
    %add3A_724 = arith.addi %add3A_723, %iota3A : vector<16xi32>
    tpu.vector_store_idx %arg8[%add3A_724], %gather3A_721 : memref<53248xf32, #tpu.memory_space<vmem>>[vector<16xi32>], vector<16xf32>,
    %broadcast_in_dim3A_725 = vector.broadcast %rem3A_83 : i32 to vector<16xi32>
    %broadcast_in_dim3A_726 = arith.constant 55 : i32
    %broadcast_in_dim3A_727 = vector.broadcast %broadcast_in_dim3A_726 : i32 to vector<16xi32>
    %slice3A_728 = vector.extract_strided_slice %mul3A_647 {offsets = [7], sizes = [1], strides = [1]} : vector<16xi32> to vector<1xi32>
    %squeeze3A_729 = vector.extract %slice3A_728[0] : i32 from vector<1xi32>
    %add3A_730 = vector.broadcast %squeeze3A_729 : i32 to vector<16xi32>
    %add3A_731 = arith.addi %add3A_730, %iota3A : vector<16xi32>
    %gather3A_732 = tpu.vector_load_idx %arg7[%broadcast_in_dim3A_725, %broadcast_in_dim3A_727, %add3A_731] : memref<2x128x128xf32, #tpu.memory_space<vmem>>[vector<16xi32>, vector<16xi32>, vector<16xi32>], vector<16xf32>,
    %add3A_733 = arith.constant 52080 : i32
    %add3A_734 = vector.broadcast %add3A_733 : i32 to vector<16xi32>
    %add3A_735 = arith.addi %add3A_734, %iota3A : vector<16xi32>
    tpu.vector_store_idx %arg8[%add3A_735], %gather3A_732 : memref<53248xf32, #tpu.memory_space<vmem>>[vector<16xi32>], vector<16xf32>,
    %broadcast_in_dim3A_736 = vector.broadcast %rem3A_83 : i32 to vector<16xi32>
    %broadcast_in_dim3A_737 = arith.constant 56 : i32
    %broadcast_in_dim3A_738 = vector.broadcast %broadcast_in_dim3A_737 : i32 to vector<16xi32>
    %slice3A_739 = vector.extract_strided_slice %mul3A_647 {offsets = [8], sizes = [1], strides = [1]} : vector<16xi32> to vector<1xi32>
    %squeeze3A_740 = vector.extract %slice3A_739[0] : i32 from vector<1xi32>
    %add3A_741 = vector.broadcast %squeeze3A_740 : i32 to vector<16xi32>
    %add3A_742 = arith.addi %add3A_741, %iota3A : vector<16xi32>
    %gather3A_743 = tpu.vector_load_idx %arg7[%broadcast_in_dim3A_736, %broadcast_in_dim3A_738, %add3A_742] : memref<2x128x128xf32, #tpu.memory_space<vmem>>[vector<16xi32>, vector<16xi32>, vector<16xi32>], vector<16xf32>,
    %add3A_744 = arith.constant 52096 : i32
    %add3A_745 = vector.broadcast %add3A_744 : i32 to vector<16xi32>
    %add3A_746 = arith.addi %add3A_745, %iota3A : vector<16xi32>
    tpu.vector_store_idx %arg8[%add3A_746], %gather3A_743 : memref<53248xf32, #tpu.memory_space<vmem>>[vector<16xi32>], vector<16xf32>,
    %broadcast_in_dim3A_747 = vector.broadcast %rem3A_83 : i32 to vector<16xi32>
    %broadcast_in_dim3A_748 = arith.constant 57 : i32
    %broadcast_in_dim3A_749 = vector.broadcast %broadcast_in_dim3A_748 : i32 to vector<16xi32>
    %slice3A_750 = vector.extract_strided_slice %mul3A_647 {offsets = [9], sizes = [1], strides = [1]} : vector<16xi32> to vector<1xi32>
    %squeeze3A_751 = vector.extract %slice3A_750[0] : i32 from vector<1xi32>
    %add3A_752 = vector.broadcast %squeeze3A_751 : i32 to vector<16xi32>
    %add3A_753 = arith.addi %add3A_752, %iota3A : vector<16xi32>
    %gather3A_754 = tpu.vector_load_idx %arg7[%broadcast_in_dim3A_747, %broadcast_in_dim3A_749, %add3A_753] : memref<2x128x128xf32, #tpu.memory_space<vmem>>[vector<16xi32>, vector<16xi32>, vector<16xi32>], vector<16xf32>,
    %add3A_755 = arith.constant 52112 : i32
    %add3A_756 = vector.broadcast %add3A_755 : i32 to vector<16xi32>
    %add3A_757 = arith.addi %add3A_756, %iota3A : vector<16xi32>
    tpu.vector_store_idx %arg8[%add3A_757], %gather3A_754 : memref<53248xf32, #tpu.memory_space<vmem>>[vector<16xi32>], vector<16xf32>,
    %broadcast_in_dim3A_758 = vector.broadcast %rem3A_83 : i32 to vector<16xi32>
    %broadcast_in_dim3A_759 = arith.constant 58 : i32
    %broadcast_in_dim3A_760 = vector.broadcast %broadcast_in_dim3A_759 : i32 to vector<16xi32>
    %slice3A_761 = vector.extract_strided_slice %mul3A_647 {offsets = [10], sizes = [1], strides = [1]} : vector<16xi32> to vector<1xi32>
    %squeeze3A_762 = vector.extract %slice3A_761[0] : i32 from vector<1xi32>
    %add3A_763 = vector.broadcast %squeeze3A_762 : i32 to vector<16xi32>
    %add3A_764 = arith.addi %add3A_763, %iota3A : vector<16xi32>
    %gather3A_765 = tpu.vector_load_idx %arg7[%broadcast_in_dim3A_758, %broadcast_in_dim3A_760, %add3A_764] : memref<2x128x128xf32, #tpu.memory_space<vmem>>[vector<16xi32>, vector<16xi32>, vector<16xi32>], vector<16xf32>,
    %add3A_766 = arith.constant 52128 : i32
    %add3A_767 = vector.broadcast %add3A_766 : i32 to vector<16xi32>
    %add3A_768 = arith.addi %add3A_767, %iota3A : vector<16xi32>
    tpu.vector_store_idx %arg8[%add3A_768], %gather3A_765 : memref<53248xf32, #tpu.memory_space<vmem>>[vector<16xi32>], vector<16xf32>,
    %broadcast_in_dim3A_769 = vector.broadcast %rem3A_83 : i32 to vector<16xi32>
    %broadcast_in_dim3A_770 = arith.constant 59 : i32
    %broadcast_in_dim3A_771 = vector.broadcast %broadcast_in_dim3A_770 : i32 to vector<16xi32>
    %slice3A_772 = vector.extract_strided_slice %mul3A_647 {offsets = [11], sizes = [1], strides = [1]} : vector<16xi32> to vector<1xi32>
    %squeeze3A_773 = vector.extract %slice3A_772[0] : i32 from vector<1xi32>
    %add3A_774 = vector.broadcast %squeeze3A_773 : i32 to vector<16xi32>
    %add3A_775 = arith.addi %add3A_774, %iota3A : vector<16xi32>
    %gather3A_776 = tpu.vector_load_idx %arg7[%broadcast_in_dim3A_769, %broadcast_in_dim3A_771, %add3A_775] : memref<2x128x128xf32, #tpu.memory_space<vmem>>[vector<16xi32>, vector<16xi32>, vector<16xi32>], vector<16xf32>,
    %add3A_777 = arith.constant 52144 : i32
    %add3A_778 = vector.broadcast %add3A_777 : i32 to vector<16xi32>
    %add3A_779 = arith.addi %add3A_778, %iota3A : vector<16xi32>
    tpu.vector_store_idx %arg8[%add3A_779], %gather3A_776 : memref<53248xf32, #tpu.memory_space<vmem>>[vector<16xi32>], vector<16xf32>,
    %broadcast_in_dim3A_780 = vector.broadcast %rem3A_83 : i32 to vector<16xi32>
    %broadcast_in_dim3A_781 = arith.constant 60 : i32
    %broadcast_in_dim3A_782 = vector.broadcast %broadcast_in_dim3A_781 : i32 to vector<16xi32>
    %slice3A_783 = vector.extract_strided_slice %mul3A_647 {offsets = [12], sizes = [1], strides = [1]} : vector<16xi32> to vector<1xi32>
    %squeeze3A_784 = vector.extract %slice3A_783[0] : i32 from vector<1xi32>
    %add3A_785 = vector.broadcast %squeeze3A_784 : i32 to vector<16xi32>
    %add3A_786 = arith.addi %add3A_785, %iota3A : vector<16xi32>
    %gather3A_787 = tpu.vector_load_idx %arg7[%broadcast_in_dim3A_780, %broadcast_in_dim3A_782, %add3A_786] : memref<2x128x128xf32, #tpu.memory_space<vmem>>[vector<16xi32>, vector<16xi32>, vector<16xi32>], vector<16xf32>,
    %add3A_788 = arith.constant 52160 : i32
    %add3A_789 = vector.broadcast %add3A_788 : i32 to vector<16xi32>
    %add3A_790 = arith.addi %add3A_789, %iota3A : vector<16xi32>
    tpu.vector_store_idx %arg8[%add3A_790], %gather3A_787 : memref<53248xf32, #tpu.memory_space<vmem>>[vector<16xi32>], vector<16xf32>,
    %broadcast_in_dim3A_791 = vector.broadcast %rem3A_83 : i32 to vector<16xi32>
    %broadcast_in_dim3A_792 = arith.constant 61 : i32
    %broadcast_in_dim3A_793 = vector.broadcast %broadcast_in_dim3A_792 : i32 to vector<16xi32>
    %slice3A_794 = vector.extract_strided_slice %mul3A_647 {offsets = [13], sizes = [1], strides = [1]} : vector<16xi32> to vector<1xi32>
    %squeeze3A_795 = vector.extract %slice3A_794[0] : i32 from vector<1xi32>
    %add3A_796 = vector.broadcast %squeeze3A_795 : i32 to vector<16xi32>
    %add3A_797 = arith.addi %add3A_796, %iota3A : vector<16xi32>
    %gather3A_798 = tpu.vector_load_idx %arg7[%broadcast_in_dim3A_791, %broadcast_in_dim3A_793, %add3A_797] : memref<2x128x128xf32, #tpu.memory_space<vmem>>[vector<16xi32>, vector<16xi32>, vector<16xi32>], vector<16xf32>,
    %add3A_799 = arith.constant 52176 : i32
    %add3A_800 = vector.broadcast %add3A_799 : i32 to vector<16xi32>
    %add3A_801 = arith.addi %add3A_800, %iota3A : vector<16xi32>
    tpu.vector_store_idx %arg8[%add3A_801], %gather3A_798 : memref<53248xf32, #tpu.memory_space<vmem>>[vector<16xi32>], vector<16xf32>,
    %broadcast_in_dim3A_802 = vector.broadcast %rem3A_83 : i32 to vector<16xi32>
    %broadcast_in_dim3A_803 = arith.constant 62 : i32
    %broadcast_in_dim3A_804 = vector.broadcast %broadcast_in_dim3A_803 : i32 to vector<16xi32>
    %slice3A_805 = vector.extract_strided_slice %mul3A_647 {offsets = [14], sizes = [1], strides = [1]} : vector<16xi32> to vector<1xi32>
    %squeeze3A_806 = vector.extract %slice3A_805[0] : i32 from vector<1xi32>
    %add3A_807 = vector.broadcast %squeeze3A_806 : i32 to vector<16xi32>
    %add3A_808 = arith.addi %add3A_807, %iota3A : vector<16xi32>
    %gather3A_809 = tpu.vector_load_idx %arg7[%broadcast_in_dim3A_802, %broadcast_in_dim3A_804, %add3A_808] : memref<2x128x128xf32, #tpu.memory_space<vmem>>[vector<16xi32>, vector<16xi32>, vector<16xi32>], vector<16xf32>,
    %add3A_810 = arith.constant 52192 : i32
    %add3A_811 = vector.broadcast %add3A_810 : i32 to vector<16xi32>
    %add3A_812 = arith.addi %add3A_811, %iota3A : vector<16xi32>
    tpu.vector_store_idx %arg8[%add3A_812], %gather3A_809 : memref<53248xf32, #tpu.memory_space<vmem>>[vector<16xi32>], vector<16xf32>,
    %broadcast_in_dim3A_813 = vector.broadcast %rem3A_83 : i32 to vector<16xi32>
    %broadcast_in_dim3A_814 = arith.constant 63 : i32
    %broadcast_in_dim3A_815 = vector.broadcast %broadcast_in_dim3A_814 : i32 to vector<16xi32>
    %slice3A_816 = vector.extract_strided_slice %mul3A_647 {offsets = [15], sizes = [1], strides = [1]} : vector<16xi32> to vector<1xi32>
    %squeeze3A_817 = vector.extract %slice3A_816[0] : i32 from vector<1xi32>
    %add3A_818 = vector.broadcast %squeeze3A_817 : i32 to vector<16xi32>
    %add3A_819 = arith.addi %add3A_818, %iota3A : vector<16xi32>
    %gather3A_820 = tpu.vector_load_idx %arg7[%broadcast_in_dim3A_813, %broadcast_in_dim3A_815, %add3A_819] : memref<2x128x128xf32, #tpu.memory_space<vmem>>[vector<16xi32>, vector<16xi32>, vector<16xi32>], vector<16xf32>,
    %add3A_821 = arith.constant 52208 : i32
    %add3A_822 = vector.broadcast %add3A_821 : i32 to vector<16xi32>
    %add3A_823 = arith.addi %add3A_822, %iota3A : vector<16xi32>
    tpu.vector_store_idx %arg8[%add3A_823], %gather3A_820 : memref<53248xf32, #tpu.memory_space<vmem>>[vector<16xi32>], vector<16xf32>,
    %get3A_824 = arith.constant 3264 : index
    %get3A_825 = tpu.vector_load %arg5[%get3A_824] {strides = array<i32>} : memref<3328xi32, #tpu.memory_space<vmem>>, vector<16xi32>,
    %and3A_826 = arith.constant 7 : i32
    %and3A_827 = vector.broadcast %and3A_826 : i32 to vector<16xi32>
    %and3A_828 = arith.andi %get3A_825, %and3A_827 : vector<16xi32>
    %mul3A_829 = arith.constant 16 : i32
    %mul3A_830 = vector.broadcast %mul3A_829 : i32 to vector<16xi32>
    %mul3A_831 = arith.muli %and3A_828, %mul3A_830 : vector<16xi32>
    %broadcast_in_dim3A_832 = vector.broadcast %rem3A_83 : i32 to vector<16xi32>
    %broadcast_in_dim3A_833 = arith.constant 64 : i32
    %broadcast_in_dim3A_834 = vector.broadcast %broadcast_in_dim3A_833 : i32 to vector<16xi32>
    %slice3A_835 = vector.extract_strided_slice %mul3A_831 {offsets = [0], sizes = [1], strides = [1]} : vector<16xi32> to vector<1xi32>
    %squeeze3A_836 = vector.extract %slice3A_835[0] : i32 from vector<1xi32>
    %add3A_837 = vector.broadcast %squeeze3A_836 : i32 to vector<16xi32>
    %add3A_838 = arith.addi %add3A_837, %iota3A : vector<16xi32>
    %gather3A_839 = tpu.vector_load_idx %arg7[%broadcast_in_dim3A_832, %broadcast_in_dim3A_834, %add3A_838] : memref<2x128x128xf32, #tpu.memory_space<vmem>>[vector<16xi32>, vector<16xi32>, vector<16xi32>], vector<16xf32>,
    %add3A_840 = arith.constant 52224 : i32
    %add3A_841 = vector.broadcast %add3A_840 : i32 to vector<16xi32>
    %add3A_842 = arith.addi %add3A_841, %iota3A : vector<16xi32>
    tpu.vector_store_idx %arg8[%add3A_842], %gather3A_839 : memref<53248xf32, #tpu.memory_space<vmem>>[vector<16xi32>], vector<16xf32>,
    %broadcast_in_dim3A_843 = vector.broadcast %rem3A_83 : i32 to vector<16xi32>
    %broadcast_in_dim3A_844 = arith.constant 65 : i32
    %broadcast_in_dim3A_845 = vector.broadcast %broadcast_in_dim3A_844 : i32 to vector<16xi32>
    %slice3A_846 = vector.extract_strided_slice %mul3A_831 {offsets = [1], sizes = [1], strides = [1]} : vector<16xi32> to vector<1xi32>
    %squeeze3A_847 = vector.extract %slice3A_846[0] : i32 from vector<1xi32>
    %add3A_848 = vector.broadcast %squeeze3A_847 : i32 to vector<16xi32>
    %add3A_849 = arith.addi %add3A_848, %iota3A : vector<16xi32>
    %gather3A_850 = tpu.vector_load_idx %arg7[%broadcast_in_dim3A_843, %broadcast_in_dim3A_845, %add3A_849] : memref<2x128x128xf32, #tpu.memory_space<vmem>>[vector<16xi32>, vector<16xi32>, vector<16xi32>], vector<16xf32>,
    %add3A_851 = arith.constant 52240 : i32
    %add3A_852 = vector.broadcast %add3A_851 : i32 to vector<16xi32>
    %add3A_853 = arith.addi %add3A_852, %iota3A : vector<16xi32>
    tpu.vector_store_idx %arg8[%add3A_853], %gather3A_850 : memref<53248xf32, #tpu.memory_space<vmem>>[vector<16xi32>], vector<16xf32>,
    %broadcast_in_dim3A_854 = vector.broadcast %rem3A_83 : i32 to vector<16xi32>
    %broadcast_in_dim3A_855 = arith.constant 66 : i32
    %broadcast_in_dim3A_856 = vector.broadcast %broadcast_in_dim3A_855 : i32 to vector<16xi32>
    %slice3A_857 = vector.extract_strided_slice %mul3A_831 {offsets = [2], sizes = [1], strides = [1]} : vector<16xi32> to vector<1xi32>
    %squeeze3A_858 = vector.extract %slice3A_857[0] : i32 from vector<1xi32>
    %add3A_859 = vector.broadcast %squeeze3A_858 : i32 to vector<16xi32>
    %add3A_860 = arith.addi %add3A_859, %iota3A : vector<16xi32>
    %gather3A_861 = tpu.vector_load_idx %arg7[%broadcast_in_dim3A_854, %broadcast_in_dim3A_856, %add3A_860] : memref<2x128x128xf32, #tpu.memory_space<vmem>>[vector<16xi32>, vector<16xi32>, vector<16xi32>], vector<16xf32>,
    %add3A_862 = arith.constant 52256 : i32
    %add3A_863 = vector.broadcast %add3A_862 : i32 to vector<16xi32>
    %add3A_864 = arith.addi %add3A_863, %iota3A : vector<16xi32>
    tpu.vector_store_idx %arg8[%add3A_864], %gather3A_861 : memref<53248xf32, #tpu.memory_space<vmem>>[vector<16xi32>], vector<16xf32>,
    %broadcast_in_dim3A_865 = vector.broadcast %rem3A_83 : i32 to vector<16xi32>
    %broadcast_in_dim3A_866 = arith.constant 67 : i32
    %broadcast_in_dim3A_867 = vector.broadcast %broadcast_in_dim3A_866 : i32 to vector<16xi32>
    %slice3A_868 = vector.extract_strided_slice %mul3A_831 {offsets = [3], sizes = [1], strides = [1]} : vector<16xi32> to vector<1xi32>
    %squeeze3A_869 = vector.extract %slice3A_868[0] : i32 from vector<1xi32>
    %add3A_870 = vector.broadcast %squeeze3A_869 : i32 to vector<16xi32>
    %add3A_871 = arith.addi %add3A_870, %iota3A : vector<16xi32>
    %gather3A_872 = tpu.vector_load_idx %arg7[%broadcast_in_dim3A_865, %broadcast_in_dim3A_867, %add3A_871] : memref<2x128x128xf32, #tpu.memory_space<vmem>>[vector<16xi32>, vector<16xi32>, vector<16xi32>], vector<16xf32>,
    %add3A_873 = arith.constant 52272 : i32
    %add3A_874 = vector.broadcast %add3A_873 : i32 to vector<16xi32>
    %add3A_875 = arith.addi %add3A_874, %iota3A : vector<16xi32>
    tpu.vector_store_idx %arg8[%add3A_875], %gather3A_872 : memref<53248xf32, #tpu.memory_space<vmem>>[vector<16xi32>], vector<16xf32>,
    %broadcast_in_dim3A_876 = vector.broadcast %rem3A_83 : i32 to vector<16xi32>
    %broadcast_in_dim3A_877 = arith.constant 68 : i32
    %broadcast_in_dim3A_878 = vector.broadcast %broadcast_in_dim3A_877 : i32 to vector<16xi32>
    %slice3A_879 = vector.extract_strided_slice %mul3A_831 {offsets = [4], sizes = [1], strides = [1]} : vector<16xi32> to vector<1xi32>
    %squeeze3A_880 = vector.extract %slice3A_879[0] : i32 from vector<1xi32>
    %add3A_881 = vector.broadcast %squeeze3A_880 : i32 to vector<16xi32>
    %add3A_882 = arith.addi %add3A_881, %iota3A : vector<16xi32>
    %gather3A_883 = tpu.vector_load_idx %arg7[%broadcast_in_dim3A_876, %broadcast_in_dim3A_878, %add3A_882] : memref<2x128x128xf32, #tpu.memory_space<vmem>>[vector<16xi32>, vector<16xi32>, vector<16xi32>], vector<16xf32>,
    %add3A_884 = arith.constant 52288 : i32
    %add3A_885 = vector.broadcast %add3A_884 : i32 to vector<16xi32>
    %add3A_886 = arith.addi %add3A_885, %iota3A : vector<16xi32>
    tpu.vector_store_idx %arg8[%add3A_886], %gather3A_883 : memref<53248xf32, #tpu.memory_space<vmem>>[vector<16xi32>], vector<16xf32>,
    %broadcast_in_dim3A_887 = vector.broadcast %rem3A_83 : i32 to vector<16xi32>
    %broadcast_in_dim3A_888 = arith.constant 69 : i32
    %broadcast_in_dim3A_889 = vector.broadcast %broadcast_in_dim3A_888 : i32 to vector<16xi32>
    %slice3A_890 = vector.extract_strided_slice %mul3A_831 {offsets = [5], sizes = [1], strides = [1]} : vector<16xi32> to vector<1xi32>
    %squeeze3A_891 = vector.extract %slice3A_890[0] : i32 from vector<1xi32>
    %add3A_892 = vector.broadcast %squeeze3A_891 : i32 to vector<16xi32>
    %add3A_893 = arith.addi %add3A_892, %iota3A : vector<16xi32>
    %gather3A_894 = tpu.vector_load_idx %arg7[%broadcast_in_dim3A_887, %broadcast_in_dim3A_889, %add3A_893] : memref<2x128x128xf32, #tpu.memory_space<vmem>>[vector<16xi32>, vector<16xi32>, vector<16xi32>], vector<16xf32>,
    %add3A_895 = arith.constant 52304 : i32
    %add3A_896 = vector.broadcast %add3A_895 : i32 to vector<16xi32>
    %add3A_897 = arith.addi %add3A_896, %iota3A : vector<16xi32>
    tpu.vector_store_idx %arg8[%add3A_897], %gather3A_894 : memref<53248xf32, #tpu.memory_space<vmem>>[vector<16xi32>], vector<16xf32>,
    %broadcast_in_dim3A_898 = vector.broadcast %rem3A_83 : i32 to vector<16xi32>
    %broadcast_in_dim3A_899 = arith.constant 70 : i32
    %broadcast_in_dim3A_900 = vector.broadcast %broadcast_in_dim3A_899 : i32 to vector<16xi32>
    %slice3A_901 = vector.extract_strided_slice %mul3A_831 {offsets = [6], sizes = [1], strides = [1]} : vector<16xi32> to vector<1xi32>
    %squeeze3A_902 = vector.extract %slice3A_901[0] : i32 from vector<1xi32>
    %add3A_903 = vector.broadcast %squeeze3A_902 : i32 to vector<16xi32>
    %add3A_904 = arith.addi %add3A_903, %iota3A : vector<16xi32>
    %gather3A_905 = tpu.vector_load_idx %arg7[%broadcast_in_dim3A_898, %broadcast_in_dim3A_900, %add3A_904] : memref<2x128x128xf32, #tpu.memory_space<vmem>>[vector<16xi32>, vector<16xi32>, vector<16xi32>], vector<16xf32>,
    %add3A_906 = arith.constant 52320 : i32
    %add3A_907 = vector.broadcast %add3A_906 : i32 to vector<16xi32>
    %add3A_908 = arith.addi %add3A_907, %iota3A : vector<16xi32>
    tpu.vector_store_idx %arg8[%add3A_908], %gather3A_905 : memref<53248xf32, #tpu.memory_space<vmem>>[vector<16xi32>], vector<16xf32>,
    %broadcast_in_dim3A_909 = vector.broadcast %rem3A_83 : i32 to vector<16xi32>
    %broadcast_in_dim3A_910 = arith.constant 71 : i32
    %broadcast_in_dim3A_911 = vector.broadcast %broadcast_in_dim3A_910 : i32 to vector<16xi32>
    %slice3A_912 = vector.extract_strided_slice %mul3A_831 {offsets = [7], sizes = [1], strides = [1]} : vector<16xi32> to vector<1xi32>
    %squeeze3A_913 = vector.extract %slice3A_912[0] : i32 from vector<1xi32>
    %add3A_914 = vector.broadcast %squeeze3A_913 : i32 to vector<16xi32>
    %add3A_915 = arith.addi %add3A_914, %iota3A : vector<16xi32>
    %gather3A_916 = tpu.vector_load_idx %arg7[%broadcast_in_dim3A_909, %broadcast_in_dim3A_911, %add3A_915] : memref<2x128x128xf32, #tpu.memory_space<vmem>>[vector<16xi32>, vector<16xi32>, vector<16xi32>], vector<16xf32>,
    %add3A_917 = arith.constant 52336 : i32
    %add3A_918 = vector.broadcast %add3A_917 : i32 to vector<16xi32>
    %add3A_919 = arith.addi %add3A_918, %iota3A : vector<16xi32>
    tpu.vector_store_idx %arg8[%add3A_919], %gather3A_916 : memref<53248xf32, #tpu.memory_space<vmem>>[vector<16xi32>], vector<16xf32>,
    %broadcast_in_dim3A_920 = vector.broadcast %rem3A_83 : i32 to vector<16xi32>
    %broadcast_in_dim3A_921 = arith.constant 72 : i32
    %broadcast_in_dim3A_922 = vector.broadcast %broadcast_in_dim3A_921 : i32 to vector<16xi32>
    %slice3A_923 = vector.extract_strided_slice %mul3A_831 {offsets = [8], sizes = [1], strides = [1]} : vector<16xi32> to vector<1xi32>
    %squeeze3A_924 = vector.extract %slice3A_923[0] : i32 from vector<1xi32>
    %add3A_925 = vector.broadcast %squeeze3A_924 : i32 to vector<16xi32>
    %add3A_926 = arith.addi %add3A_925, %iota3A : vector<16xi32>
    %gather3A_927 = tpu.vector_load_idx %arg7[%broadcast_in_dim3A_920, %broadcast_in_dim3A_922, %add3A_926] : memref<2x128x128xf32, #tpu.memory_space<vmem>>[vector<16xi32>, vector<16xi32>, vector<16xi32>], vector<16xf32>,
    %add3A_928 = arith.constant 52352 : i32
    %add3A_929 = vector.broadcast %add3A_928 : i32 to vector<16xi32>
    %add3A_930 = arith.addi %add3A_929, %iota3A : vector<16xi32>
    tpu.vector_store_idx %arg8[%add3A_930], %gather3A_927 : memref<53248xf32, #tpu.memory_space<vmem>>[vector<16xi32>], vector<16xf32>,
    %broadcast_in_dim3A_931 = vector.broadcast %rem3A_83 : i32 to vector<16xi32>
    %broadcast_in_dim3A_932 = arith.constant 73 : i32
    %broadcast_in_dim3A_933 = vector.broadcast %broadcast_in_dim3A_932 : i32 to vector<16xi32>
    %slice3A_934 = vector.extract_strided_slice %mul3A_831 {offsets = [9], sizes = [1], strides = [1]} : vector<16xi32> to vector<1xi32>
    %squeeze3A_935 = vector.extract %slice3A_934[0] : i32 from vector<1xi32>
    %add3A_936 = vector.broadcast %squeeze3A_935 : i32 to vector<16xi32>
    %add3A_937 = arith.addi %add3A_936, %iota3A : vector<16xi32>
    %gather3A_938 = tpu.vector_load_idx %arg7[%broadcast_in_dim3A_931, %broadcast_in_dim3A_933, %add3A_937] : memref<2x128x128xf32, #tpu.memory_space<vmem>>[vector<16xi32>, vector<16xi32>, vector<16xi32>], vector<16xf32>,
    %add3A_939 = arith.constant 52368 : i32
    %add3A_940 = vector.broadcast %add3A_939 : i32 to vector<16xi32>
    %add3A_941 = arith.addi %add3A_940, %iota3A : vector<16xi32>
    tpu.vector_store_idx %arg8[%add3A_941], %gather3A_938 : memref<53248xf32, #tpu.memory_space<vmem>>[vector<16xi32>], vector<16xf32>,
    %broadcast_in_dim3A_942 = vector.broadcast %rem3A_83 : i32 to vector<16xi32>
    %broadcast_in_dim3A_943 = arith.constant 74 : i32
    %broadcast_in_dim3A_944 = vector.broadcast %broadcast_in_dim3A_943 : i32 to vector<16xi32>
    %slice3A_945 = vector.extract_strided_slice %mul3A_831 {offsets = [10], sizes = [1], strides = [1]} : vector<16xi32> to vector<1xi32>
    %squeeze3A_946 = vector.extract %slice3A_945[0] : i32 from vector<1xi32>
    %add3A_947 = vector.broadcast %squeeze3A_946 : i32 to vector<16xi32>
    %add3A_948 = arith.addi %add3A_947, %iota3A : vector<16xi32>
    %gather3A_949 = tpu.vector_load_idx %arg7[%broadcast_in_dim3A_942, %broadcast_in_dim3A_944, %add3A_948] : memref<2x128x128xf32, #tpu.memory_space<vmem>>[vector<16xi32>, vector<16xi32>, vector<16xi32>], vector<16xf32>,
    %add3A_950 = arith.constant 52384 : i32
    %add3A_951 = vector.broadcast %add3A_950 : i32 to vector<16xi32>
    %add3A_952 = arith.addi %add3A_951, %iota3A : vector<16xi32>
    tpu.vector_store_idx %arg8[%add3A_952], %gather3A_949 : memref<53248xf32, #tpu.memory_space<vmem>>[vector<16xi32>], vector<16xf32>,
    %broadcast_in_dim3A_953 = vector.broadcast %rem3A_83 : i32 to vector<16xi32>
    %broadcast_in_dim3A_954 = arith.constant 75 : i32
    %broadcast_in_dim3A_955 = vector.broadcast %broadcast_in_dim3A_954 : i32 to vector<16xi32>
    %slice3A_956 = vector.extract_strided_slice %mul3A_831 {offsets = [11], sizes = [1], strides = [1]} : vector<16xi32> to vector<1xi32>
    %squeeze3A_957 = vector.extract %slice3A_956[0] : i32 from vector<1xi32>
    %add3A_958 = vector.broadcast %squeeze3A_957 : i32 to vector<16xi32>
    %add3A_959 = arith.addi %add3A_958, %iota3A : vector<16xi32>
    %gather3A_960 = tpu.vector_load_idx %arg7[%broadcast_in_dim3A_953, %broadcast_in_dim3A_955, %add3A_959] : memref<2x128x128xf32, #tpu.memory_space<vmem>>[vector<16xi32>, vector<16xi32>, vector<16xi32>], vector<16xf32>,
    %add3A_961 = arith.constant 52400 : i32
    %add3A_962 = vector.broadcast %add3A_961 : i32 to vector<16xi32>
    %add3A_963 = arith.addi %add3A_962, %iota3A : vector<16xi32>
    tpu.vector_store_idx %arg8[%add3A_963], %gather3A_960 : memref<53248xf32, #tpu.memory_space<vmem>>[vector<16xi32>], vector<16xf32>,
    %broadcast_in_dim3A_964 = vector.broadcast %rem3A_83 : i32 to vector<16xi32>
    %broadcast_in_dim3A_965 = arith.constant 76 : i32
    %broadcast_in_dim3A_966 = vector.broadcast %broadcast_in_dim3A_965 : i32 to vector<16xi32>
    %slice3A_967 = vector.extract_strided_slice %mul3A_831 {offsets = [12], sizes = [1], strides = [1]} : vector<16xi32> to vector<1xi32>
    %squeeze3A_968 = vector.extract %slice3A_967[0] : i32 from vector<1xi32>
    %add3A_969 = vector.broadcast %squeeze3A_968 : i32 to vector<16xi32>
    %add3A_970 = arith.addi %add3A_969, %iota3A : vector<16xi32>
    %gather3A_971 = tpu.vector_load_idx %arg7[%broadcast_in_dim3A_964, %broadcast_in_dim3A_966, %add3A_970] : memref<2x128x128xf32, #tpu.memory_space<vmem>>[vector<16xi32>, vector<16xi32>, vector<16xi32>], vector<16xf32>,
    %add3A_972 = arith.constant 52416 : i32
    %add3A_973 = vector.broadcast %add3A_972 : i32 to vector<16xi32>
    %add3A_974 = arith.addi %add3A_973, %iota3A : vector<16xi32>
    tpu.vector_store_idx %arg8[%add3A_974], %gather3A_971 : memref<53248xf32, #tpu.memory_space<vmem>>[vector<16xi32>], vector<16xf32>,
    %broadcast_in_dim3A_975 = vector.broadcast %rem3A_83 : i32 to vector<16xi32>
    %broadcast_in_dim3A_976 = arith.constant 77 : i32
    %broadcast_in_dim3A_977 = vector.broadcast %broadcast_in_dim3A_976 : i32 to vector<16xi32>
    %slice3A_978 = vector.extract_strided_slice %mul3A_831 {offsets = [13], sizes = [1], strides = [1]} : vector<16xi32> to vector<1xi32>
    %squeeze3A_979 = vector.extract %slice3A_978[0] : i32 from vector<1xi32>
    %add3A_980 = vector.broadcast %squeeze3A_979 : i32 to vector<16xi32>
    %add3A_981 = arith.addi %add3A_980, %iota3A : vector<16xi32>
    %gather3A_982 = tpu.vector_load_idx %arg7[%broadcast_in_dim3A_975, %broadcast_in_dim3A_977, %add3A_981] : memref<2x128x128xf32, #tpu.memory_space<vmem>>[vector<16xi32>, vector<16xi32>, vector<16xi32>], vector<16xf32>,
    %add3A_983 = arith.constant 52432 : i32
    %add3A_984 = vector.broadcast %add3A_983 : i32 to vector<16xi32>
    %add3A_985 = arith.addi %add3A_984, %iota3A : vector<16xi32>
    tpu.vector_store_idx %arg8[%add3A_985], %gather3A_982 : memref<53248xf32, #tpu.memory_space<vmem>>[vector<16xi32>], vector<16xf32>,
    %broadcast_in_dim3A_986 = vector.broadcast %rem3A_83 : i32 to vector<16xi32>
    %broadcast_in_dim3A_987 = arith.constant 78 : i32
    %broadcast_in_dim3A_988 = vector.broadcast %broadcast_in_dim3A_987 : i32 to vector<16xi32>
    %slice3A_989 = vector.extract_strided_slice %mul3A_831 {offsets = [14], sizes = [1], strides = [1]} : vector<16xi32> to vector<1xi32>
    %squeeze3A_990 = vector.extract %slice3A_989[0] : i32 from vector<1xi32>
    %add3A_991 = vector.broadcast %squeeze3A_990 : i32 to vector<16xi32>
    %add3A_992 = arith.addi %add3A_991, %iota3A : vector<16xi32>
    %gather3A_993 = tpu.vector_load_idx %arg7[%broadcast_in_dim3A_986, %broadcast_in_dim3A_988, %add3A_992] : memref<2x128x128xf32, #tpu.memory_space<vmem>>[vector<16xi32>, vector<16xi32>, vector<16xi32>], vector<16xf32>,
    %add3A_994 = arith.constant 52448 : i32
    %add3A_995 = vector.broadcast %add3A_994 : i32 to vector<16xi32>
    %add3A_996 = arith.addi %add3A_995, %iota3A : vector<16xi32>
    tpu.vector_store_idx %arg8[%add3A_996], %gather3A_993 : memref<53248xf32, #tpu.memory_space<vmem>>[vector<16xi32>], vector<16xf32>,
    %broadcast_in_dim3A_997 = vector.broadcast %rem3A_83 : i32 to vector<16xi32>
    %broadcast_in_dim3A_998 = arith.constant 79 : i32
    %broadcast_in_dim3A_999 = vector.broadcast %broadcast_in_dim3A_998 : i32 to vector<16xi32>
    %slice3A_1000 = vector.extract_strided_slice %mul3A_831 {offsets = [15], sizes = [1], strides = [1]} : vector<16xi32> to vector<1xi32>
    %squeeze3A_1001 = vector.extract %slice3A_1000[0] : i32 from vector<1xi32>
    %add3A_1002 = vector.broadcast %squeeze3A_1001 : i32 to vector<16xi32>
    %add3A_1003 = arith.addi %add3A_1002, %iota3A : vector<16xi32>
    %gather3A_1004 = tpu.vector_load_idx %arg7[%broadcast_in_dim3A_997, %broadcast_in_dim3A_999, %add3A_1003] : memref<2x128x128xf32, #tpu.memory_space<vmem>>[vector<16xi32>, vector<16xi32>, vector<16xi32>], vector<16xf32>,
    %add3A_1005 = arith.constant 52464 : i32
    %add3A_1006 = vector.broadcast %add3A_1005 : i32 to vector<16xi32>
    %add3A_1007 = arith.addi %add3A_1006, %iota3A : vector<16xi32>
    tpu.vector_store_idx %arg8[%add3A_1007], %gather3A_1004 : memref<53248xf32, #tpu.memory_space<vmem>>[vector<16xi32>], vector<16xf32>,
    %get3A_1008 = arith.constant 3280 : index
    %get3A_1009 = tpu.vector_load %arg5[%get3A_1008] {strides = array<i32>} : memref<3328xi32, #tpu.memory_space<vmem>>, vector<16xi32>,
    %and3A_1010 = arith.constant 7 : i32
    %and3A_1011 = vector.broadcast %and3A_1010 : i32 to vector<16xi32>
    %and3A_1012 = arith.andi %get3A_1009, %and3A_1011 : vector<16xi32>
    %mul3A_1013 = arith.constant 16 : i32
    %mul3A_1014 = vector.broadcast %mul3A_1013 : i32 to vector<16xi32>
    %mul3A_1015 = arith.muli %and3A_1012, %mul3A_1014 : vector<16xi32>
    %broadcast_in_dim3A_1016 = vector.broadcast %rem3A_83 : i32 to vector<16xi32>
    %broadcast_in_dim3A_1017 = arith.constant 80 : i32
    %broadcast_in_dim3A_1018 = vector.broadcast %broadcast_in_dim3A_1017 : i32 to vector<16xi32>
    %slice3A_1019 = vector.extract_strided_slice %mul3A_1015 {offsets = [0], sizes = [1], strides = [1]} : vector<16xi32> to vector<1xi32>
    %squeeze3A_1020 = vector.extract %slice3A_1019[0] : i32 from vector<1xi32>
    %add3A_1021 = vector.broadcast %squeeze3A_1020 : i32 to vector<16xi32>
    %add3A_1022 = arith.addi %add3A_1021, %iota3A : vector<16xi32>
    %gather3A_1023 = tpu.vector_load_idx %arg7[%broadcast_in_dim3A_1016, %broadcast_in_dim3A_1018, %add3A_1022] : memref<2x128x128xf32, #tpu.memory_space<vmem>>[vector<16xi32>, vector<16xi32>, vector<16xi32>], vector<16xf32>,
    %add3A_1024 = arith.constant 52480 : i32
    %add3A_1025 = vector.broadcast %add3A_1024 : i32 to vector<16xi32>
    %add3A_1026 = arith.addi %add3A_1025, %iota3A : vector<16xi32>
    tpu.vector_store_idx %arg8[%add3A_1026], %gather3A_1023 : memref<53248xf32, #tpu.memory_space<vmem>>[vector<16xi32>], vector<16xf32>,
    %broadcast_in_dim3A_1027 = vector.broadcast %rem3A_83 : i32 to vector<16xi32>
    %broadcast_in_dim3A_1028 = arith.constant 81 : i32
    %broadcast_in_dim3A_1029 = vector.broadcast %broadcast_in_dim3A_1028 : i32 to vector<16xi32>
    %slice3A_1030 = vector.extract_strided_slice %mul3A_1015 {offsets = [1], sizes = [1], strides = [1]} : vector<16xi32> to vector<1xi32>
    %squeeze3A_1031 = vector.extract %slice3A_1030[0] : i32 from vector<1xi32>
    %add3A_1032 = vector.broadcast %squeeze3A_1031 : i32 to vector<16xi32>
    %add3A_1033 = arith.addi %add3A_1032, %iota3A : vector<16xi32>
    %gather3A_1034 = tpu.vector_load_idx %arg7[%broadcast_in_dim3A_1027, %broadcast_in_dim3A_1029, %add3A_1033] : memref<2x128x128xf32, #tpu.memory_space<vmem>>[vector<16xi32>, vector<16xi32>, vector<16xi32>], vector<16xf32>,
    %add3A_1035 = arith.constant 52496 : i32
    %add3A_1036 = vector.broadcast %add3A_1035 : i32 to vector<16xi32>
    %add3A_1037 = arith.addi %add3A_1036, %iota3A : vector<16xi32>
    tpu.vector_store_idx %arg8[%add3A_1037], %gather3A_1034 : memref<53248xf32, #tpu.memory_space<vmem>>[vector<16xi32>], vector<16xf32>,
    %broadcast_in_dim3A_1038 = vector.broadcast %rem3A_83 : i32 to vector<16xi32>
    %broadcast_in_dim3A_1039 = arith.constant 82 : i32
    %broadcast_in_dim3A_1040 = vector.broadcast %broadcast_in_dim3A_1039 : i32 to vector<16xi32>
    %slice3A_1041 = vector.extract_strided_slice %mul3A_1015 {offsets = [2], sizes = [1], strides = [1]} : vector<16xi32> to vector<1xi32>
    %squeeze3A_1042 = vector.extract %slice3A_1041[0] : i32 from vector<1xi32>
    %add3A_1043 = vector.broadcast %squeeze3A_1042 : i32 to vector<16xi32>
    %add3A_1044 = arith.addi %add3A_1043, %iota3A : vector<16xi32>
    %gather3A_1045 = tpu.vector_load_idx %arg7[%broadcast_in_dim3A_1038, %broadcast_in_dim3A_1040, %add3A_1044] : memref<2x128x128xf32, #tpu.memory_space<vmem>>[vector<16xi32>, vector<16xi32>, vector<16xi32>], vector<16xf32>,
    %add3A_1046 = arith.constant 52512 : i32
    %add3A_1047 = vector.broadcast %add3A_1046 : i32 to vector<16xi32>
    %add3A_1048 = arith.addi %add3A_1047, %iota3A : vector<16xi32>
    tpu.vector_store_idx %arg8[%add3A_1048], %gather3A_1045 : memref<53248xf32, #tpu.memory_space<vmem>>[vector<16xi32>], vector<16xf32>,
    %broadcast_in_dim3A_1049 = vector.broadcast %rem3A_83 : i32 to vector<16xi32>
    %broadcast_in_dim3A_1050 = arith.constant 83 : i32
    %broadcast_in_dim3A_1051 = vector.broadcast %broadcast_in_dim3A_1050 : i32 to vector<16xi32>
    %slice3A_1052 = vector.extract_strided_slice %mul3A_1015 {offsets = [3], sizes = [1], strides = [1]} : vector<16xi32> to vector<1xi32>
    %squeeze3A_1053 = vector.extract %slice3A_1052[0] : i32 from vector<1xi32>
    %add3A_1054 = vector.broadcast %squeeze3A_1053 : i32 to vector<16xi32>
    %add3A_1055 = arith.addi %add3A_1054, %iota3A : vector<16xi32>
    %gather3A_1056 = tpu.vector_load_idx %arg7[%broadcast_in_dim3A_1049, %broadcast_in_dim3A_1051, %add3A_1055] : memref<2x128x128xf32, #tpu.memory_space<vmem>>[vector<16xi32>, vector<16xi32>, vector<16xi32>], vector<16xf32>,
    %add3A_1057 = arith.constant 52528 : i32
    %add3A_1058 = vector.broadcast %add3A_1057 : i32 to vector<16xi32>
    %add3A_1059 = arith.addi %add3A_1058, %iota3A : vector<16xi32>
    tpu.vector_store_idx %arg8[%add3A_1059], %gather3A_1056 : memref<53248xf32, #tpu.memory_space<vmem>>[vector<16xi32>], vector<16xf32>,
    %broadcast_in_dim3A_1060 = vector.broadcast %rem3A_83 : i32 to vector<16xi32>
    %broadcast_in_dim3A_1061 = arith.constant 84 : i32
    %broadcast_in_dim3A_1062 = vector.broadcast %broadcast_in_dim3A_1061 : i32 to vector<16xi32>
    %slice3A_1063 = vector.extract_strided_slice %mul3A_1015 {offsets = [4], sizes = [1], strides = [1]} : vector<16xi32> to vector<1xi32>
    %squeeze3A_1064 = vector.extract %slice3A_1063[0] : i32 from vector<1xi32>
    %add3A_1065 = vector.broadcast %squeeze3A_1064 : i32 to vector<16xi32>
    %add3A_1066 = arith.addi %add3A_1065, %iota3A : vector<16xi32>
    %gather3A_1067 = tpu.vector_load_idx %arg7[%broadcast_in_dim3A_1060, %broadcast_in_dim3A_1062, %add3A_1066] : memref<2x128x128xf32, #tpu.memory_space<vmem>>[vector<16xi32>, vector<16xi32>, vector<16xi32>], vector<16xf32>,
    %add3A_1068 = arith.constant 52544 : i32
    %add3A_1069 = vector.broadcast %add3A_1068 : i32 to vector<16xi32>
    %add3A_1070 = arith.addi %add3A_1069, %iota3A : vector<16xi32>
    tpu.vector_store_idx %arg8[%add3A_1070], %gather3A_1067 : memref<53248xf32, #tpu.memory_space<vmem>>[vector<16xi32>], vector<16xf32>,
    %broadcast_in_dim3A_1071 = vector.broadcast %rem3A_83 : i32 to vector<16xi32>
    %broadcast_in_dim3A_1072 = arith.constant 85 : i32
    %broadcast_in_dim3A_1073 = vector.broadcast %broadcast_in_dim3A_1072 : i32 to vector<16xi32>
    %slice3A_1074 = vector.extract_strided_slice %mul3A_1015 {offsets = [5], sizes = [1], strides = [1]} : vector<16xi32> to vector<1xi32>
    %squeeze3A_1075 = vector.extract %slice3A_1074[0] : i32 from vector<1xi32>
    %add3A_1076 = vector.broadcast %squeeze3A_1075 : i32 to vector<16xi32>
    %add3A_1077 = arith.addi %add3A_1076, %iota3A : vector<16xi32>
    %gather3A_1078 = tpu.vector_load_idx %arg7[%broadcast_in_dim3A_1071, %broadcast_in_dim3A_1073, %add3A_1077] : memref<2x128x128xf32, #tpu.memory_space<vmem>>[vector<16xi32>, vector<16xi32>, vector<16xi32>], vector<16xf32>,
    %add3A_1079 = arith.constant 52560 : i32
    %add3A_1080 = vector.broadcast %add3A_1079 : i32 to vector<16xi32>
    %add3A_1081 = arith.addi %add3A_1080, %iota3A : vector<16xi32>
    tpu.vector_store_idx %arg8[%add3A_1081], %gather3A_1078 : memref<53248xf32, #tpu.memory_space<vmem>>[vector<16xi32>], vector<16xf32>,
    %broadcast_in_dim3A_1082 = vector.broadcast %rem3A_83 : i32 to vector<16xi32>
    %broadcast_in_dim3A_1083 = arith.constant 86 : i32
    %broadcast_in_dim3A_1084 = vector.broadcast %broadcast_in_dim3A_1083 : i32 to vector<16xi32>
    %slice3A_1085 = vector.extract_strided_slice %mul3A_1015 {offsets = [6], sizes = [1], strides = [1]} : vector<16xi32> to vector<1xi32>
    %squeeze3A_1086 = vector.extract %slice3A_1085[0] : i32 from vector<1xi32>
    %add3A_1087 = vector.broadcast %squeeze3A_1086 : i32 to vector<16xi32>
    %add3A_1088 = arith.addi %add3A_1087, %iota3A : vector<16xi32>
    %gather3A_1089 = tpu.vector_load_idx %arg7[%broadcast_in_dim3A_1082, %broadcast_in_dim3A_1084, %add3A_1088] : memref<2x128x128xf32, #tpu.memory_space<vmem>>[vector<16xi32>, vector<16xi32>, vector<16xi32>], vector<16xf32>,
    %add3A_1090 = arith.constant 52576 : i32
    %add3A_1091 = vector.broadcast %add3A_1090 : i32 to vector<16xi32>
    %add3A_1092 = arith.addi %add3A_1091, %iota3A : vector<16xi32>
    tpu.vector_store_idx %arg8[%add3A_1092], %gather3A_1089 : memref<53248xf32, #tpu.memory_space<vmem>>[vector<16xi32>], vector<16xf32>,
    %broadcast_in_dim3A_1093 = vector.broadcast %rem3A_83 : i32 to vector<16xi32>
    %broadcast_in_dim3A_1094 = arith.constant 87 : i32
    %broadcast_in_dim3A_1095 = vector.broadcast %broadcast_in_dim3A_1094 : i32 to vector<16xi32>
    %slice3A_1096 = vector.extract_strided_slice %mul3A_1015 {offsets = [7], sizes = [1], strides = [1]} : vector<16xi32> to vector<1xi32>
    %squeeze3A_1097 = vector.extract %slice3A_1096[0] : i32 from vector<1xi32>
    %add3A_1098 = vector.broadcast %squeeze3A_1097 : i32 to vector<16xi32>
    %add3A_1099 = arith.addi %add3A_1098, %iota3A : vector<16xi32>
    %gather3A_1100 = tpu.vector_load_idx %arg7[%broadcast_in_dim3A_1093, %broadcast_in_dim3A_1095, %add3A_1099] : memref<2x128x128xf32, #tpu.memory_space<vmem>>[vector<16xi32>, vector<16xi32>, vector<16xi32>], vector<16xf32>,
    %add3A_1101 = arith.constant 52592 : i32
    %add3A_1102 = vector.broadcast %add3A_1101 : i32 to vector<16xi32>
    %add3A_1103 = arith.addi %add3A_1102, %iota3A : vector<16xi32>
    tpu.vector_store_idx %arg8[%add3A_1103], %gather3A_1100 : memref<53248xf32, #tpu.memory_space<vmem>>[vector<16xi32>], vector<16xf32>,
    %broadcast_in_dim3A_1104 = vector.broadcast %rem3A_83 : i32 to vector<16xi32>
    %broadcast_in_dim3A_1105 = arith.constant 88 : i32
    %broadcast_in_dim3A_1106 = vector.broadcast %broadcast_in_dim3A_1105 : i32 to vector<16xi32>
    %slice3A_1107 = vector.extract_strided_slice %mul3A_1015 {offsets = [8], sizes = [1], strides = [1]} : vector<16xi32> to vector<1xi32>
    %squeeze3A_1108 = vector.extract %slice3A_1107[0] : i32 from vector<1xi32>
    %add3A_1109 = vector.broadcast %squeeze3A_1108 : i32 to vector<16xi32>
    %add3A_1110 = arith.addi %add3A_1109, %iota3A : vector<16xi32>
    %gather3A_1111 = tpu.vector_load_idx %arg7[%broadcast_in_dim3A_1104, %broadcast_in_dim3A_1106, %add3A_1110] : memref<2x128x128xf32, #tpu.memory_space<vmem>>[vector<16xi32>, vector<16xi32>, vector<16xi32>], vector<16xf32>,
    %add3A_1112 = arith.constant 52608 : i32
    %add3A_1113 = vector.broadcast %add3A_1112 : i32 to vector<16xi32>
    %add3A_1114 = arith.addi %add3A_1113, %iota3A : vector<16xi32>
    tpu.vector_store_idx %arg8[%add3A_1114], %gather3A_1111 : memref<53248xf32, #tpu.memory_space<vmem>>[vector<16xi32>], vector<16xf32>,
    %broadcast_in_dim3A_1115 = vector.broadcast %rem3A_83 : i32 to vector<16xi32>
    %broadcast_in_dim3A_1116 = arith.constant 89 : i32
    %broadcast_in_dim3A_1117 = vector.broadcast %broadcast_in_dim3A_1116 : i32 to vector<16xi32>
    %slice3A_1118 = vector.extract_strided_slice %mul3A_1015 {offsets = [9], sizes = [1], strides = [1]} : vector<16xi32> to vector<1xi32>
    %squeeze3A_1119 = vector.extract %slice3A_1118[0] : i32 from vector<1xi32>
    %add3A_1120 = vector.broadcast %squeeze3A_1119 : i32 to vector<16xi32>
    %add3A_1121 = arith.addi %add3A_1120, %iota3A : vector<16xi32>
    %gather3A_1122 = tpu.vector_load_idx %arg7[%broadcast_in_dim3A_1115, %broadcast_in_dim3A_1117, %add3A_1121] : memref<2x128x128xf32, #tpu.memory_space<vmem>>[vector<16xi32>, vector<16xi32>, vector<16xi32>], vector<16xf32>,
    %add3A_1123 = arith.constant 52624 : i32
    %add3A_1124 = vector.broadcast %add3A_1123 : i32 to vector<16xi32>
    %add3A_1125 = arith.addi %add3A_1124, %iota3A : vector<16xi32>
    tpu.vector_store_idx %arg8[%add3A_1125], %gather3A_1122 : memref<53248xf32, #tpu.memory_space<vmem>>[vector<16xi32>], vector<16xf32>,
    %broadcast_in_dim3A_1126 = vector.broadcast %rem3A_83 : i32 to vector<16xi32>
    %broadcast_in_dim3A_1127 = arith.constant 90 : i32
    %broadcast_in_dim3A_1128 = vector.broadcast %broadcast_in_dim3A_1127 : i32 to vector<16xi32>
    %slice3A_1129 = vector.extract_strided_slice %mul3A_1015 {offsets = [10], sizes = [1], strides = [1]} : vector<16xi32> to vector<1xi32>
    %squeeze3A_1130 = vector.extract %slice3A_1129[0] : i32 from vector<1xi32>
    %add3A_1131 = vector.broadcast %squeeze3A_1130 : i32 to vector<16xi32>
    %add3A_1132 = arith.addi %add3A_1131, %iota3A : vector<16xi32>
    %gather3A_1133 = tpu.vector_load_idx %arg7[%broadcast_in_dim3A_1126, %broadcast_in_dim3A_1128, %add3A_1132] : memref<2x128x128xf32, #tpu.memory_space<vmem>>[vector<16xi32>, vector<16xi32>, vector<16xi32>], vector<16xf32>,
    %add3A_1134 = arith.constant 52640 : i32
    %add3A_1135 = vector.broadcast %add3A_1134 : i32 to vector<16xi32>
    %add3A_1136 = arith.addi %add3A_1135, %iota3A : vector<16xi32>
    tpu.vector_store_idx %arg8[%add3A_1136], %gather3A_1133 : memref<53248xf32, #tpu.memory_space<vmem>>[vector<16xi32>], vector<16xf32>,
    %broadcast_in_dim3A_1137 = vector.broadcast %rem3A_83 : i32 to vector<16xi32>
    %broadcast_in_dim3A_1138 = arith.constant 91 : i32
    %broadcast_in_dim3A_1139 = vector.broadcast %broadcast_in_dim3A_1138 : i32 to vector<16xi32>
    %slice3A_1140 = vector.extract_strided_slice %mul3A_1015 {offsets = [11], sizes = [1], strides = [1]} : vector<16xi32> to vector<1xi32>
    %squeeze3A_1141 = vector.extract %slice3A_1140[0] : i32 from vector<1xi32>
    %add3A_1142 = vector.broadcast %squeeze3A_1141 : i32 to vector<16xi32>
    %add3A_1143 = arith.addi %add3A_1142, %iota3A : vector<16xi32>
    %gather3A_1144 = tpu.vector_load_idx %arg7[%broadcast_in_dim3A_1137, %broadcast_in_dim3A_1139, %add3A_1143] : memref<2x128x128xf32, #tpu.memory_space<vmem>>[vector<16xi32>, vector<16xi32>, vector<16xi32>], vector<16xf32>,
    %add3A_1145 = arith.constant 52656 : i32
    %add3A_1146 = vector.broadcast %add3A_1145 : i32 to vector<16xi32>
    %add3A_1147 = arith.addi %add3A_1146, %iota3A : vector<16xi32>
    tpu.vector_store_idx %arg8[%add3A_1147], %gather3A_1144 : memref<53248xf32, #tpu.memory_space<vmem>>[vector<16xi32>], vector<16xf32>,
    %broadcast_in_dim3A_1148 = vector.broadcast %rem3A_83 : i32 to vector<16xi32>
    %broadcast_in_dim3A_1149 = arith.constant 92 : i32
    %broadcast_in_dim3A_1150 = vector.broadcast %broadcast_in_dim3A_1149 : i32 to vector<16xi32>
    %slice3A_1151 = vector.extract_strided_slice %mul3A_1015 {offsets = [12], sizes = [1], strides = [1]} : vector<16xi32> to vector<1xi32>
    %squeeze3A_1152 = vector.extract %slice3A_1151[0] : i32 from vector<1xi32>
    %add3A_1153 = vector.broadcast %squeeze3A_1152 : i32 to vector<16xi32>
    %add3A_1154 = arith.addi %add3A_1153, %iota3A : vector<16xi32>
    %gather3A_1155 = tpu.vector_load_idx %arg7[%broadcast_in_dim3A_1148, %broadcast_in_dim3A_1150, %add3A_1154] : memref<2x128x128xf32, #tpu.memory_space<vmem>>[vector<16xi32>, vector<16xi32>, vector<16xi32>], vector<16xf32>,
    %add3A_1156 = arith.constant 52672 : i32
    %add3A_1157 = vector.broadcast %add3A_1156 : i32 to vector<16xi32>
    %add3A_1158 = arith.addi %add3A_1157, %iota3A : vector<16xi32>
    tpu.vector_store_idx %arg8[%add3A_1158], %gather3A_1155 : memref<53248xf32, #tpu.memory_space<vmem>>[vector<16xi32>], vector<16xf32>,
    %broadcast_in_dim3A_1159 = vector.broadcast %rem3A_83 : i32 to vector<16xi32>
    %broadcast_in_dim3A_1160 = arith.constant 93 : i32
    %broadcast_in_dim3A_1161 = vector.broadcast %broadcast_in_dim3A_1160 : i32 to vector<16xi32>
    %slice3A_1162 = vector.extract_strided_slice %mul3A_1015 {offsets = [13], sizes = [1], strides = [1]} : vector<16xi32> to vector<1xi32>
    %squeeze3A_1163 = vector.extract %slice3A_1162[0] : i32 from vector<1xi32>
    %add3A_1164 = vector.broadcast %squeeze3A_1163 : i32 to vector<16xi32>
    %add3A_1165 = arith.addi %add3A_1164, %iota3A : vector<16xi32>
    %gather3A_1166 = tpu.vector_load_idx %arg7[%broadcast_in_dim3A_1159, %broadcast_in_dim3A_1161, %add3A_1165] : memref<2x128x128xf32, #tpu.memory_space<vmem>>[vector<16xi32>, vector<16xi32>, vector<16xi32>], vector<16xf32>,
    %add3A_1167 = arith.constant 52688 : i32
    %add3A_1168 = vector.broadcast %add3A_1167 : i32 to vector<16xi32>
    %add3A_1169 = arith.addi %add3A_1168, %iota3A : vector<16xi32>
    tpu.vector_store_idx %arg8[%add3A_1169], %gather3A_1166 : memref<53248xf32, #tpu.memory_space<vmem>>[vector<16xi32>], vector<16xf32>,
    %broadcast_in_dim3A_1170 = vector.broadcast %rem3A_83 : i32 to vector<16xi32>
    %broadcast_in_dim3A_1171 = arith.constant 94 : i32
    %broadcast_in_dim3A_1172 = vector.broadcast %broadcast_in_dim3A_1171 : i32 to vector<16xi32>
    %slice3A_1173 = vector.extract_strided_slice %mul3A_1015 {offsets = [14], sizes = [1], strides = [1]} : vector<16xi32> to vector<1xi32>
    %squeeze3A_1174 = vector.extract %slice3A_1173[0] : i32 from vector<1xi32>
    %add3A_1175 = vector.broadcast %squeeze3A_1174 : i32 to vector<16xi32>
    %add3A_1176 = arith.addi %add3A_1175, %iota3A : vector<16xi32>
    %gather3A_1177 = tpu.vector_load_idx %arg7[%broadcast_in_dim3A_1170, %broadcast_in_dim3A_1172, %add3A_1176] : memref<2x128x128xf32, #tpu.memory_space<vmem>>[vector<16xi32>, vector<16xi32>, vector<16xi32>], vector<16xf32>,
    %add3A_1178 = arith.constant 52704 : i32
    %add3A_1179 = vector.broadcast %add3A_1178 : i32 to vector<16xi32>
    %add3A_1180 = arith.addi %add3A_1179, %iota3A : vector<16xi32>
    tpu.vector_store_idx %arg8[%add3A_1180], %gather3A_1177 : memref<53248xf32, #tpu.memory_space<vmem>>[vector<16xi32>], vector<16xf32>,
    %broadcast_in_dim3A_1181 = vector.broadcast %rem3A_83 : i32 to vector<16xi32>
    %broadcast_in_dim3A_1182 = arith.constant 95 : i32
    %broadcast_in_dim3A_1183 = vector.broadcast %broadcast_in_dim3A_1182 : i32 to vector<16xi32>
    %slice3A_1184 = vector.extract_strided_slice %mul3A_1015 {offsets = [15], sizes = [1], strides = [1]} : vector<16xi32> to vector<1xi32>
    %squeeze3A_1185 = vector.extract %slice3A_1184[0] : i32 from vector<1xi32>
    %add3A_1186 = vector.broadcast %squeeze3A_1185 : i32 to vector<16xi32>
    %add3A_1187 = arith.addi %add3A_1186, %iota3A : vector<16xi32>
    %gather3A_1188 = tpu.vector_load_idx %arg7[%broadcast_in_dim3A_1181, %broadcast_in_dim3A_1183, %add3A_1187] : memref<2x128x128xf32, #tpu.memory_space<vmem>>[vector<16xi32>, vector<16xi32>, vector<16xi32>], vector<16xf32>,
    %add3A_1189 = arith.constant 52720 : i32
    %add3A_1190 = vector.broadcast %add3A_1189 : i32 to vector<16xi32>
    %add3A_1191 = arith.addi %add3A_1190, %iota3A : vector<16xi32>
    tpu.vector_store_idx %arg8[%add3A_1191], %gather3A_1188 : memref<53248xf32, #tpu.memory_space<vmem>>[vector<16xi32>], vector<16xf32>,
    %get3A_1192 = arith.constant 3296 : index
    %get3A_1193 = tpu.vector_load %arg5[%get3A_1192] {strides = array<i32>} : memref<3328xi32, #tpu.memory_space<vmem>>, vector<16xi32>,
    %and3A_1194 = arith.constant 7 : i32
    %and3A_1195 = vector.broadcast %and3A_1194 : i32 to vector<16xi32>
    %and3A_1196 = arith.andi %get3A_1193, %and3A_1195 : vector<16xi32>
    %mul3A_1197 = arith.constant 16 : i32
    %mul3A_1198 = vector.broadcast %mul3A_1197 : i32 to vector<16xi32>
    %mul3A_1199 = arith.muli %and3A_1196, %mul3A_1198 : vector<16xi32>
    %broadcast_in_dim3A_1200 = vector.broadcast %rem3A_83 : i32 to vector<16xi32>
    %broadcast_in_dim3A_1201 = arith.constant 96 : i32
    %broadcast_in_dim3A_1202 = vector.broadcast %broadcast_in_dim3A_1201 : i32 to vector<16xi32>
    %slice3A_1203 = vector.extract_strided_slice %mul3A_1199 {offsets = [0], sizes = [1], strides = [1]} : vector<16xi32> to vector<1xi32>
    %squeeze3A_1204 = vector.extract %slice3A_1203[0] : i32 from vector<1xi32>
    %add3A_1205 = vector.broadcast %squeeze3A_1204 : i32 to vector<16xi32>
    %add3A_1206 = arith.addi %add3A_1205, %iota3A : vector<16xi32>
    %gather3A_1207 = tpu.vector_load_idx %arg7[%broadcast_in_dim3A_1200, %broadcast_in_dim3A_1202, %add3A_1206] : memref<2x128x128xf32, #tpu.memory_space<vmem>>[vector<16xi32>, vector<16xi32>, vector<16xi32>], vector<16xf32>,
    %add3A_1208 = arith.constant 52736 : i32
    %add3A_1209 = vector.broadcast %add3A_1208 : i32 to vector<16xi32>
    %add3A_1210 = arith.addi %add3A_1209, %iota3A : vector<16xi32>
    tpu.vector_store_idx %arg8[%add3A_1210], %gather3A_1207 : memref<53248xf32, #tpu.memory_space<vmem>>[vector<16xi32>], vector<16xf32>,
    %broadcast_in_dim3A_1211 = vector.broadcast %rem3A_83 : i32 to vector<16xi32>
    %broadcast_in_dim3A_1212 = arith.constant 97 : i32
    %broadcast_in_dim3A_1213 = vector.broadcast %broadcast_in_dim3A_1212 : i32 to vector<16xi32>
    %slice3A_1214 = vector.extract_strided_slice %mul3A_1199 {offsets = [1], sizes = [1], strides = [1]} : vector<16xi32> to vector<1xi32>
    %squeeze3A_1215 = vector.extract %slice3A_1214[0] : i32 from vector<1xi32>
    %add3A_1216 = vector.broadcast %squeeze3A_1215 : i32 to vector<16xi32>
    %add3A_1217 = arith.addi %add3A_1216, %iota3A : vector<16xi32>
    %gather3A_1218 = tpu.vector_load_idx %arg7[%broadcast_in_dim3A_1211, %broadcast_in_dim3A_1213, %add3A_1217] : memref<2x128x128xf32, #tpu.memory_space<vmem>>[vector<16xi32>, vector<16xi32>, vector<16xi32>], vector<16xf32>,
    %add3A_1219 = arith.constant 52752 : i32
    %add3A_1220 = vector.broadcast %add3A_1219 : i32 to vector<16xi32>
    %add3A_1221 = arith.addi %add3A_1220, %iota3A : vector<16xi32>
    tpu.vector_store_idx %arg8[%add3A_1221], %gather3A_1218 : memref<53248xf32, #tpu.memory_space<vmem>>[vector<16xi32>], vector<16xf32>,
    %broadcast_in_dim3A_1222 = vector.broadcast %rem3A_83 : i32 to vector<16xi32>
    %broadcast_in_dim3A_1223 = arith.constant 98 : i32
    %broadcast_in_dim3A_1224 = vector.broadcast %broadcast_in_dim3A_1223 : i32 to vector<16xi32>
    %slice3A_1225 = vector.extract_strided_slice %mul3A_1199 {offsets = [2], sizes = [1], strides = [1]} : vector<16xi32> to vector<1xi32>
    %squeeze3A_1226 = vector.extract %slice3A_1225[0] : i32 from vector<1xi32>
    %add3A_1227 = vector.broadcast %squeeze3A_1226 : i32 to vector<16xi32>
    %add3A_1228 = arith.addi %add3A_1227, %iota3A : vector<16xi32>
    %gather3A_1229 = tpu.vector_load_idx %arg7[%broadcast_in_dim3A_1222, %broadcast_in_dim3A_1224, %add3A_1228] : memref<2x128x128xf32, #tpu.memory_space<vmem>>[vector<16xi32>, vector<16xi32>, vector<16xi32>], vector<16xf32>,
    %add3A_1230 = arith.constant 52768 : i32
    %add3A_1231 = vector.broadcast %add3A_1230 : i32 to vector<16xi32>
    %add3A_1232 = arith.addi %add3A_1231, %iota3A : vector<16xi32>
    tpu.vector_store_idx %arg8[%add3A_1232], %gather3A_1229 : memref<53248xf32, #tpu.memory_space<vmem>>[vector<16xi32>], vector<16xf32>,
    %broadcast_in_dim3A_1233 = vector.broadcast %rem3A_83 : i32 to vector<16xi32>
    %broadcast_in_dim3A_1234 = arith.constant 99 : i32
    %broadcast_in_dim3A_1235 = vector.broadcast %broadcast_in_dim3A_1234 : i32 to vector<16xi32>
    %slice3A_1236 = vector.extract_strided_slice %mul3A_1199 {offsets = [3], sizes = [1], strides = [1]} : vector<16xi32> to vector<1xi32>
    %squeeze3A_1237 = vector.extract %slice3A_1236[0] : i32 from vector<1xi32>
    %add3A_1238 = vector.broadcast %squeeze3A_1237 : i32 to vector<16xi32>
    %add3A_1239 = arith.addi %add3A_1238, %iota3A : vector<16xi32>
    %gather3A_1240 = tpu.vector_load_idx %arg7[%broadcast_in_dim3A_1233, %broadcast_in_dim3A_1235, %add3A_1239] : memref<2x128x128xf32, #tpu.memory_space<vmem>>[vector<16xi32>, vector<16xi32>, vector<16xi32>], vector<16xf32>,
    %add3A_1241 = arith.constant 52784 : i32
    %add3A_1242 = vector.broadcast %add3A_1241 : i32 to vector<16xi32>
    %add3A_1243 = arith.addi %add3A_1242, %iota3A : vector<16xi32>
    tpu.vector_store_idx %arg8[%add3A_1243], %gather3A_1240 : memref<53248xf32, #tpu.memory_space<vmem>>[vector<16xi32>], vector<16xf32>,
    %broadcast_in_dim3A_1244 = vector.broadcast %rem3A_83 : i32 to vector<16xi32>
    %broadcast_in_dim3A_1245 = arith.constant 100 : i32
    %broadcast_in_dim3A_1246 = vector.broadcast %broadcast_in_dim3A_1245 : i32 to vector<16xi32>
    %slice3A_1247 = vector.extract_strided_slice %mul3A_1199 {offsets = [4], sizes = [1], strides = [1]} : vector<16xi32> to vector<1xi32>
    %squeeze3A_1248 = vector.extract %slice3A_1247[0] : i32 from vector<1xi32>
    %add3A_1249 = vector.broadcast %squeeze3A_1248 : i32 to vector<16xi32>
    %add3A_1250 = arith.addi %add3A_1249, %iota3A : vector<16xi32>
    %gather3A_1251 = tpu.vector_load_idx %arg7[%broadcast_in_dim3A_1244, %broadcast_in_dim3A_1246, %add3A_1250] : memref<2x128x128xf32, #tpu.memory_space<vmem>>[vector<16xi32>, vector<16xi32>, vector<16xi32>], vector<16xf32>,
    %add3A_1252 = arith.constant 52800 : i32
    %add3A_1253 = vector.broadcast %add3A_1252 : i32 to vector<16xi32>
    %add3A_1254 = arith.addi %add3A_1253, %iota3A : vector<16xi32>
    tpu.vector_store_idx %arg8[%add3A_1254], %gather3A_1251 : memref<53248xf32, #tpu.memory_space<vmem>>[vector<16xi32>], vector<16xf32>,
    %broadcast_in_dim3A_1255 = vector.broadcast %rem3A_83 : i32 to vector<16xi32>
    %broadcast_in_dim3A_1256 = arith.constant 101 : i32
    %broadcast_in_dim3A_1257 = vector.broadcast %broadcast_in_dim3A_1256 : i32 to vector<16xi32>
    %slice3A_1258 = vector.extract_strided_slice %mul3A_1199 {offsets = [5], sizes = [1], strides = [1]} : vector<16xi32> to vector<1xi32>
    %squeeze3A_1259 = vector.extract %slice3A_1258[0] : i32 from vector<1xi32>
    %add3A_1260 = vector.broadcast %squeeze3A_1259 : i32 to vector<16xi32>
    %add3A_1261 = arith.addi %add3A_1260, %iota3A : vector<16xi32>
    %gather3A_1262 = tpu.vector_load_idx %arg7[%broadcast_in_dim3A_1255, %broadcast_in_dim3A_1257, %add3A_1261] : memref<2x128x128xf32, #tpu.memory_space<vmem>>[vector<16xi32>, vector<16xi32>, vector<16xi32>], vector<16xf32>,
    %add3A_1263 = arith.constant 52816 : i32
    %add3A_1264 = vector.broadcast %add3A_1263 : i32 to vector<16xi32>
    %add3A_1265 = arith.addi %add3A_1264, %iota3A : vector<16xi32>
    tpu.vector_store_idx %arg8[%add3A_1265], %gather3A_1262 : memref<53248xf32, #tpu.memory_space<vmem>>[vector<16xi32>], vector<16xf32>,
    %broadcast_in_dim3A_1266 = vector.broadcast %rem3A_83 : i32 to vector<16xi32>
    %broadcast_in_dim3A_1267 = arith.constant 102 : i32
    %broadcast_in_dim3A_1268 = vector.broadcast %broadcast_in_dim3A_1267 : i32 to vector<16xi32>
    %slice3A_1269 = vector.extract_strided_slice %mul3A_1199 {offsets = [6], sizes = [1], strides = [1]} : vector<16xi32> to vector<1xi32>
    %squeeze3A_1270 = vector.extract %slice3A_1269[0] : i32 from vector<1xi32>
    %add3A_1271 = vector.broadcast %squeeze3A_1270 : i32 to vector<16xi32>
    %add3A_1272 = arith.addi %add3A_1271, %iota3A : vector<16xi32>
    %gather3A_1273 = tpu.vector_load_idx %arg7[%broadcast_in_dim3A_1266, %broadcast_in_dim3A_1268, %add3A_1272] : memref<2x128x128xf32, #tpu.memory_space<vmem>>[vector<16xi32>, vector<16xi32>, vector<16xi32>], vector<16xf32>,
    %add3A_1274 = arith.constant 52832 : i32
    %add3A_1275 = vector.broadcast %add3A_1274 : i32 to vector<16xi32>
    %add3A_1276 = arith.addi %add3A_1275, %iota3A : vector<16xi32>
    tpu.vector_store_idx %arg8[%add3A_1276], %gather3A_1273 : memref<53248xf32, #tpu.memory_space<vmem>>[vector<16xi32>], vector<16xf32>,
    %broadcast_in_dim3A_1277 = vector.broadcast %rem3A_83 : i32 to vector<16xi32>
    %broadcast_in_dim3A_1278 = arith.constant 103 : i32
    %broadcast_in_dim3A_1279 = vector.broadcast %broadcast_in_dim3A_1278 : i32 to vector<16xi32>
    %slice3A_1280 = vector.extract_strided_slice %mul3A_1199 {offsets = [7], sizes = [1], strides = [1]} : vector<16xi32> to vector<1xi32>
    %squeeze3A_1281 = vector.extract %slice3A_1280[0] : i32 from vector<1xi32>
    %add3A_1282 = vector.broadcast %squeeze3A_1281 : i32 to vector<16xi32>
    %add3A_1283 = arith.addi %add3A_1282, %iota3A : vector<16xi32>
    %gather3A_1284 = tpu.vector_load_idx %arg7[%broadcast_in_dim3A_1277, %broadcast_in_dim3A_1279, %add3A_1283] : memref<2x128x128xf32, #tpu.memory_space<vmem>>[vector<16xi32>, vector<16xi32>, vector<16xi32>], vector<16xf32>,
    %add3A_1285 = arith.constant 52848 : i32
    %add3A_1286 = vector.broadcast %add3A_1285 : i32 to vector<16xi32>
    %add3A_1287 = arith.addi %add3A_1286, %iota3A : vector<16xi32>
    tpu.vector_store_idx %arg8[%add3A_1287], %gather3A_1284 : memref<53248xf32, #tpu.memory_space<vmem>>[vector<16xi32>], vector<16xf32>,
    %broadcast_in_dim3A_1288 = vector.broadcast %rem3A_83 : i32 to vector<16xi32>
    %broadcast_in_dim3A_1289 = arith.constant 104 : i32
    %broadcast_in_dim3A_1290 = vector.broadcast %broadcast_in_dim3A_1289 : i32 to vector<16xi32>
    %slice3A_1291 = vector.extract_strided_slice %mul3A_1199 {offsets = [8], sizes = [1], strides = [1]} : vector<16xi32> to vector<1xi32>
    %squeeze3A_1292 = vector.extract %slice3A_1291[0] : i32 from vector<1xi32>
    %add3A_1293 = vector.broadcast %squeeze3A_1292 : i32 to vector<16xi32>
    %add3A_1294 = arith.addi %add3A_1293, %iota3A : vector<16xi32>
    %gather3A_1295 = tpu.vector_load_idx %arg7[%broadcast_in_dim3A_1288, %broadcast_in_dim3A_1290, %add3A_1294] : memref<2x128x128xf32, #tpu.memory_space<vmem>>[vector<16xi32>, vector<16xi32>, vector<16xi32>], vector<16xf32>,
    %add3A_1296 = arith.constant 52864 : i32
    %add3A_1297 = vector.broadcast %add3A_1296 : i32 to vector<16xi32>
    %add3A_1298 = arith.addi %add3A_1297, %iota3A : vector<16xi32>
    tpu.vector_store_idx %arg8[%add3A_1298], %gather3A_1295 : memref<53248xf32, #tpu.memory_space<vmem>>[vector<16xi32>], vector<16xf32>,
    %broadcast_in_dim3A_1299 = vector.broadcast %rem3A_83 : i32 to vector<16xi32>
    %broadcast_in_dim3A_1300 = arith.constant 105 : i32
    %broadcast_in_dim3A_1301 = vector.broadcast %broadcast_in_dim3A_1300 : i32 to vector<16xi32>
    %slice3A_1302 = vector.extract_strided_slice %mul3A_1199 {offsets = [9], sizes = [1], strides = [1]} : vector<16xi32> to vector<1xi32>
    %squeeze3A_1303 = vector.extract %slice3A_1302[0] : i32 from vector<1xi32>
    %add3A_1304 = vector.broadcast %squeeze3A_1303 : i32 to vector<16xi32>
    %add3A_1305 = arith.addi %add3A_1304, %iota3A : vector<16xi32>
    %gather3A_1306 = tpu.vector_load_idx %arg7[%broadcast_in_dim3A_1299, %broadcast_in_dim3A_1301, %add3A_1305] : memref<2x128x128xf32, #tpu.memory_space<vmem>>[vector<16xi32>, vector<16xi32>, vector<16xi32>], vector<16xf32>,
    %add3A_1307 = arith.constant 52880 : i32
    %add3A_1308 = vector.broadcast %add3A_1307 : i32 to vector<16xi32>
    %add3A_1309 = arith.addi %add3A_1308, %iota3A : vector<16xi32>
    tpu.vector_store_idx %arg8[%add3A_1309], %gather3A_1306 : memref<53248xf32, #tpu.memory_space<vmem>>[vector<16xi32>], vector<16xf32>,
    %broadcast_in_dim3A_1310 = vector.broadcast %rem3A_83 : i32 to vector<16xi32>
    %broadcast_in_dim3A_1311 = arith.constant 106 : i32
    %broadcast_in_dim3A_1312 = vector.broadcast %broadcast_in_dim3A_1311 : i32 to vector<16xi32>
    %slice3A_1313 = vector.extract_strided_slice %mul3A_1199 {offsets = [10], sizes = [1], strides = [1]} : vector<16xi32> to vector<1xi32>
    %squeeze3A_1314 = vector.extract %slice3A_1313[0] : i32 from vector<1xi32>
    %add3A_1315 = vector.broadcast %squeeze3A_1314 : i32 to vector<16xi32>
    %add3A_1316 = arith.addi %add3A_1315, %iota3A : vector<16xi32>
    %gather3A_1317 = tpu.vector_load_idx %arg7[%broadcast_in_dim3A_1310, %broadcast_in_dim3A_1312, %add3A_1316] : memref<2x128x128xf32, #tpu.memory_space<vmem>>[vector<16xi32>, vector<16xi32>, vector<16xi32>], vector<16xf32>,
    %add3A_1318 = arith.constant 52896 : i32
    %add3A_1319 = vector.broadcast %add3A_1318 : i32 to vector<16xi32>
    %add3A_1320 = arith.addi %add3A_1319, %iota3A : vector<16xi32>
    tpu.vector_store_idx %arg8[%add3A_1320], %gather3A_1317 : memref<53248xf32, #tpu.memory_space<vmem>>[vector<16xi32>], vector<16xf32>,
    %broadcast_in_dim3A_1321 = vector.broadcast %rem3A_83 : i32 to vector<16xi32>
    %broadcast_in_dim3A_1322 = arith.constant 107 : i32
    %broadcast_in_dim3A_1323 = vector.broadcast %broadcast_in_dim3A_1322 : i32 to vector<16xi32>
    %slice3A_1324 = vector.extract_strided_slice %mul3A_1199 {offsets = [11], sizes = [1], strides = [1]} : vector<16xi32> to vector<1xi32>
    %squeeze3A_1325 = vector.extract %slice3A_1324[0] : i32 from vector<1xi32>
    %add3A_1326 = vector.broadcast %squeeze3A_1325 : i32 to vector<16xi32>
    %add3A_1327 = arith.addi %add3A_1326, %iota3A : vector<16xi32>
    %gather3A_1328 = tpu.vector_load_idx %arg7[%broadcast_in_dim3A_1321, %broadcast_in_dim3A_1323, %add3A_1327] : memref<2x128x128xf32, #tpu.memory_space<vmem>>[vector<16xi32>, vector<16xi32>, vector<16xi32>], vector<16xf32>,
    %add3A_1329 = arith.constant 52912 : i32
    %add3A_1330 = vector.broadcast %add3A_1329 : i32 to vector<16xi32>
    %add3A_1331 = arith.addi %add3A_1330, %iota3A : vector<16xi32>
    tpu.vector_store_idx %arg8[%add3A_1331], %gather3A_1328 : memref<53248xf32, #tpu.memory_space<vmem>>[vector<16xi32>], vector<16xf32>,
    %broadcast_in_dim3A_1332 = vector.broadcast %rem3A_83 : i32 to vector<16xi32>
    %broadcast_in_dim3A_1333 = arith.constant 108 : i32
    %broadcast_in_dim3A_1334 = vector.broadcast %broadcast_in_dim3A_1333 : i32 to vector<16xi32>
    %slice3A_1335 = vector.extract_strided_slice %mul3A_1199 {offsets = [12], sizes = [1], strides = [1]} : vector<16xi32> to vector<1xi32>
    %squeeze3A_1336 = vector.extract %slice3A_1335[0] : i32 from vector<1xi32>
    %add3A_1337 = vector.broadcast %squeeze3A_1336 : i32 to vector<16xi32>
    %add3A_1338 = arith.addi %add3A_1337, %iota3A : vector<16xi32>
    %gather3A_1339 = tpu.vector_load_idx %arg7[%broadcast_in_dim3A_1332, %broadcast_in_dim3A_1334, %add3A_1338] : memref<2x128x128xf32, #tpu.memory_space<vmem>>[vector<16xi32>, vector<16xi32>, vector<16xi32>], vector<16xf32>,
    %add3A_1340 = arith.constant 52928 : i32
    %add3A_1341 = vector.broadcast %add3A_1340 : i32 to vector<16xi32>
    %add3A_1342 = arith.addi %add3A_1341, %iota3A : vector<16xi32>
    tpu.vector_store_idx %arg8[%add3A_1342], %gather3A_1339 : memref<53248xf32, #tpu.memory_space<vmem>>[vector<16xi32>], vector<16xf32>,
    %broadcast_in_dim3A_1343 = vector.broadcast %rem3A_83 : i32 to vector<16xi32>
    %broadcast_in_dim3A_1344 = arith.constant 109 : i32
    %broadcast_in_dim3A_1345 = vector.broadcast %broadcast_in_dim3A_1344 : i32 to vector<16xi32>
    %slice3A_1346 = vector.extract_strided_slice %mul3A_1199 {offsets = [13], sizes = [1], strides = [1]} : vector<16xi32> to vector<1xi32>
    %squeeze3A_1347 = vector.extract %slice3A_1346[0] : i32 from vector<1xi32>
    %add3A_1348 = vector.broadcast %squeeze3A_1347 : i32 to vector<16xi32>
    %add3A_1349 = arith.addi %add3A_1348, %iota3A : vector<16xi32>
    %gather3A_1350 = tpu.vector_load_idx %arg7[%broadcast_in_dim3A_1343, %broadcast_in_dim3A_1345, %add3A_1349] : memref<2x128x128xf32, #tpu.memory_space<vmem>>[vector<16xi32>, vector<16xi32>, vector<16xi32>], vector<16xf32>,
    %add3A_1351 = arith.constant 52944 : i32
    %add3A_1352 = vector.broadcast %add3A_1351 : i32 to vector<16xi32>
    %add3A_1353 = arith.addi %add3A_1352, %iota3A : vector<16xi32>
    tpu.vector_store_idx %arg8[%add3A_1353], %gather3A_1350 : memref<53248xf32, #tpu.memory_space<vmem>>[vector<16xi32>], vector<16xf32>,
    %broadcast_in_dim3A_1354 = vector.broadcast %rem3A_83 : i32 to vector<16xi32>
    %broadcast_in_dim3A_1355 = arith.constant 110 : i32
    %broadcast_in_dim3A_1356 = vector.broadcast %broadcast_in_dim3A_1355 : i32 to vector<16xi32>
    %slice3A_1357 = vector.extract_strided_slice %mul3A_1199 {offsets = [14], sizes = [1], strides = [1]} : vector<16xi32> to vector<1xi32>
    %squeeze3A_1358 = vector.extract %slice3A_1357[0] : i32 from vector<1xi32>
    %add3A_1359 = vector.broadcast %squeeze3A_1358 : i32 to vector<16xi32>
    %add3A_1360 = arith.addi %add3A_1359, %iota3A : vector<16xi32>
    %gather3A_1361 = tpu.vector_load_idx %arg7[%broadcast_in_dim3A_1354, %broadcast_in_dim3A_1356, %add3A_1360] : memref<2x128x128xf32, #tpu.memory_space<vmem>>[vector<16xi32>, vector<16xi32>, vector<16xi32>], vector<16xf32>,
    %add3A_1362 = arith.constant 52960 : i32
    %add3A_1363 = vector.broadcast %add3A_1362 : i32 to vector<16xi32>
    %add3A_1364 = arith.addi %add3A_1363, %iota3A : vector<16xi32>
    tpu.vector_store_idx %arg8[%add3A_1364], %gather3A_1361 : memref<53248xf32, #tpu.memory_space<vmem>>[vector<16xi32>], vector<16xf32>,
    %broadcast_in_dim3A_1365 = vector.broadcast %rem3A_83 : i32 to vector<16xi32>
    %broadcast_in_dim3A_1366 = arith.constant 111 : i32
    %broadcast_in_dim3A_1367 = vector.broadcast %broadcast_in_dim3A_1366 : i32 to vector<16xi32>
    %slice3A_1368 = vector.extract_strided_slice %mul3A_1199 {offsets = [15], sizes = [1], strides = [1]} : vector<16xi32> to vector<1xi32>
    %squeeze3A_1369 = vector.extract %slice3A_1368[0] : i32 from vector<1xi32>
    %add3A_1370 = vector.broadcast %squeeze3A_1369 : i32 to vector<16xi32>
    %add3A_1371 = arith.addi %add3A_1370, %iota3A : vector<16xi32>
    %gather3A_1372 = tpu.vector_load_idx %arg7[%broadcast_in_dim3A_1365, %broadcast_in_dim3A_1367, %add3A_1371] : memref<2x128x128xf32, #tpu.memory_space<vmem>>[vector<16xi32>, vector<16xi32>, vector<16xi32>], vector<16xf32>,
    %add3A_1373 = arith.constant 52976 : i32
    %add3A_1374 = vector.broadcast %add3A_1373 : i32 to vector<16xi32>
    %add3A_1375 = arith.addi %add3A_1374, %iota3A : vector<16xi32>
    tpu.vector_store_idx %arg8[%add3A_1375], %gather3A_1372 : memref<53248xf32, #tpu.memory_space<vmem>>[vector<16xi32>], vector<16xf32>,
    %get3A_1376 = arith.constant 3312 : index
    %get3A_1377 = tpu.vector_load %arg5[%get3A_1376] {strides = array<i32>} : memref<3328xi32, #tpu.memory_space<vmem>>, vector<16xi32>,
    %and3A_1378 = arith.constant 7 : i32
    %and3A_1379 = vector.broadcast %and3A_1378 : i32 to vector<16xi32>
    %and3A_1380 = arith.andi %get3A_1377, %and3A_1379 : vector<16xi32>
    %mul3A_1381 = arith.constant 16 : i32
    %mul3A_1382 = vector.broadcast %mul3A_1381 : i32 to vector<16xi32>
    %mul3A_1383 = arith.muli %and3A_1380, %mul3A_1382 : vector<16xi32>
    %broadcast_in_dim3A_1384 = vector.broadcast %rem3A_83 : i32 to vector<16xi32>
    %broadcast_in_dim3A_1385 = arith.constant 112 : i32
    %broadcast_in_dim3A_1386 = vector.broadcast %broadcast_in_dim3A_1385 : i32 to vector<16xi32>
    %slice3A_1387 = vector.extract_strided_slice %mul3A_1383 {offsets = [0], sizes = [1], strides = [1]} : vector<16xi32> to vector<1xi32>
    %squeeze3A_1388 = vector.extract %slice3A_1387[0] : i32 from vector<1xi32>
    %add3A_1389 = vector.broadcast %squeeze3A_1388 : i32 to vector<16xi32>
    %add3A_1390 = arith.addi %add3A_1389, %iota3A : vector<16xi32>
    %gather3A_1391 = tpu.vector_load_idx %arg7[%broadcast_in_dim3A_1384, %broadcast_in_dim3A_1386, %add3A_1390] : memref<2x128x128xf32, #tpu.memory_space<vmem>>[vector<16xi32>, vector<16xi32>, vector<16xi32>], vector<16xf32>,
    %add3A_1392 = arith.constant 52992 : i32
    %add3A_1393 = vector.broadcast %add3A_1392 : i32 to vector<16xi32>
    %add3A_1394 = arith.addi %add3A_1393, %iota3A : vector<16xi32>
    tpu.vector_store_idx %arg8[%add3A_1394], %gather3A_1391 : memref<53248xf32, #tpu.memory_space<vmem>>[vector<16xi32>], vector<16xf32>,
    %broadcast_in_dim3A_1395 = vector.broadcast %rem3A_83 : i32 to vector<16xi32>
    %broadcast_in_dim3A_1396 = arith.constant 113 : i32
    %broadcast_in_dim3A_1397 = vector.broadcast %broadcast_in_dim3A_1396 : i32 to vector<16xi32>
    %slice3A_1398 = vector.extract_strided_slice %mul3A_1383 {offsets = [1], sizes = [1], strides = [1]} : vector<16xi32> to vector<1xi32>
    %squeeze3A_1399 = vector.extract %slice3A_1398[0] : i32 from vector<1xi32>
    %add3A_1400 = vector.broadcast %squeeze3A_1399 : i32 to vector<16xi32>
    %add3A_1401 = arith.addi %add3A_1400, %iota3A : vector<16xi32>
    %gather3A_1402 = tpu.vector_load_idx %arg7[%broadcast_in_dim3A_1395, %broadcast_in_dim3A_1397, %add3A_1401] : memref<2x128x128xf32, #tpu.memory_space<vmem>>[vector<16xi32>, vector<16xi32>, vector<16xi32>], vector<16xf32>,
    %add3A_1403 = arith.constant 53008 : i32
    %add3A_1404 = vector.broadcast %add3A_1403 : i32 to vector<16xi32>
    %add3A_1405 = arith.addi %add3A_1404, %iota3A : vector<16xi32>
    tpu.vector_store_idx %arg8[%add3A_1405], %gather3A_1402 : memref<53248xf32, #tpu.memory_space<vmem>>[vector<16xi32>], vector<16xf32>,
    %broadcast_in_dim3A_1406 = vector.broadcast %rem3A_83 : i32 to vector<16xi32>
    %broadcast_in_dim3A_1407 = arith.constant 114 : i32
    %broadcast_in_dim3A_1408 = vector.broadcast %broadcast_in_dim3A_1407 : i32 to vector<16xi32>
    %slice3A_1409 = vector.extract_strided_slice %mul3A_1383 {offsets = [2], sizes = [1], strides = [1]} : vector<16xi32> to vector<1xi32>
    %squeeze3A_1410 = vector.extract %slice3A_1409[0] : i32 from vector<1xi32>
    %add3A_1411 = vector.broadcast %squeeze3A_1410 : i32 to vector<16xi32>
    %add3A_1412 = arith.addi %add3A_1411, %iota3A : vector<16xi32>
    %gather3A_1413 = tpu.vector_load_idx %arg7[%broadcast_in_dim3A_1406, %broadcast_in_dim3A_1408, %add3A_1412] : memref<2x128x128xf32, #tpu.memory_space<vmem>>[vector<16xi32>, vector<16xi32>, vector<16xi32>], vector<16xf32>,
    %add3A_1414 = arith.constant 53024 : i32
    %add3A_1415 = vector.broadcast %add3A_1414 : i32 to vector<16xi32>
    %add3A_1416 = arith.addi %add3A_1415, %iota3A : vector<16xi32>
    tpu.vector_store_idx %arg8[%add3A_1416], %gather3A_1413 : memref<53248xf32, #tpu.memory_space<vmem>>[vector<16xi32>], vector<16xf32>,
    %broadcast_in_dim3A_1417 = vector.broadcast %rem3A_83 : i32 to vector<16xi32>
    %broadcast_in_dim3A_1418 = arith.constant 115 : i32
    %broadcast_in_dim3A_1419 = vector.broadcast %broadcast_in_dim3A_1418 : i32 to vector<16xi32>
    %slice3A_1420 = vector.extract_strided_slice %mul3A_1383 {offsets = [3], sizes = [1], strides = [1]} : vector<16xi32> to vector<1xi32>
    %squeeze3A_1421 = vector.extract %slice3A_1420[0] : i32 from vector<1xi32>
    %add3A_1422 = vector.broadcast %squeeze3A_1421 : i32 to vector<16xi32>
    %add3A_1423 = arith.addi %add3A_1422, %iota3A : vector<16xi32>
    %gather3A_1424 = tpu.vector_load_idx %arg7[%broadcast_in_dim3A_1417, %broadcast_in_dim3A_1419, %add3A_1423] : memref<2x128x128xf32, #tpu.memory_space<vmem>>[vector<16xi32>, vector<16xi32>, vector<16xi32>], vector<16xf32>,
    %add3A_1425 = arith.constant 53040 : i32
    %add3A_1426 = vector.broadcast %add3A_1425 : i32 to vector<16xi32>
    %add3A_1427 = arith.addi %add3A_1426, %iota3A : vector<16xi32>
    tpu.vector_store_idx %arg8[%add3A_1427], %gather3A_1424 : memref<53248xf32, #tpu.memory_space<vmem>>[vector<16xi32>], vector<16xf32>,
    %broadcast_in_dim3A_1428 = vector.broadcast %rem3A_83 : i32 to vector<16xi32>
    %broadcast_in_dim3A_1429 = arith.constant 116 : i32
    %broadcast_in_dim3A_1430 = vector.broadcast %broadcast_in_dim3A_1429 : i32 to vector<16xi32>
    %slice3A_1431 = vector.extract_strided_slice %mul3A_1383 {offsets = [4], sizes = [1], strides = [1]} : vector<16xi32> to vector<1xi32>
    %squeeze3A_1432 = vector.extract %slice3A_1431[0] : i32 from vector<1xi32>
    %add3A_1433 = vector.broadcast %squeeze3A_1432 : i32 to vector<16xi32>
    %add3A_1434 = arith.addi %add3A_1433, %iota3A : vector<16xi32>
    %gather3A_1435 = tpu.vector_load_idx %arg7[%broadcast_in_dim3A_1428, %broadcast_in_dim3A_1430, %add3A_1434] : memref<2x128x128xf32, #tpu.memory_space<vmem>>[vector<16xi32>, vector<16xi32>, vector<16xi32>], vector<16xf32>,
    %add3A_1436 = arith.constant 53056 : i32
    %add3A_1437 = vector.broadcast %add3A_1436 : i32 to vector<16xi32>
    %add3A_1438 = arith.addi %add3A_1437, %iota3A : vector<16xi32>
    tpu.vector_store_idx %arg8[%add3A_1438], %gather3A_1435 : memref<53248xf32, #tpu.memory_space<vmem>>[vector<16xi32>], vector<16xf32>,
    %broadcast_in_dim3A_1439 = vector.broadcast %rem3A_83 : i32 to vector<16xi32>
    %broadcast_in_dim3A_1440 = arith.constant 117 : i32
    %broadcast_in_dim3A_1441 = vector.broadcast %broadcast_in_dim3A_1440 : i32 to vector<16xi32>
    %slice3A_1442 = vector.extract_strided_slice %mul3A_1383 {offsets = [5], sizes = [1], strides = [1]} : vector<16xi32> to vector<1xi32>
    %squeeze3A_1443 = vector.extract %slice3A_1442[0] : i32 from vector<1xi32>
    %add3A_1444 = vector.broadcast %squeeze3A_1443 : i32 to vector<16xi32>
    %add3A_1445 = arith.addi %add3A_1444, %iota3A : vector<16xi32>
    %gather3A_1446 = tpu.vector_load_idx %arg7[%broadcast_in_dim3A_1439, %broadcast_in_dim3A_1441, %add3A_1445] : memref<2x128x128xf32, #tpu.memory_space<vmem>>[vector<16xi32>, vector<16xi32>, vector<16xi32>], vector<16xf32>,
    %add3A_1447 = arith.constant 53072 : i32
    %add3A_1448 = vector.broadcast %add3A_1447 : i32 to vector<16xi32>
    %add3A_1449 = arith.addi %add3A_1448, %iota3A : vector<16xi32>
    tpu.vector_store_idx %arg8[%add3A_1449], %gather3A_1446 : memref<53248xf32, #tpu.memory_space<vmem>>[vector<16xi32>], vector<16xf32>,
    %broadcast_in_dim3A_1450 = vector.broadcast %rem3A_83 : i32 to vector<16xi32>
    %broadcast_in_dim3A_1451 = arith.constant 118 : i32
    %broadcast_in_dim3A_1452 = vector.broadcast %broadcast_in_dim3A_1451 : i32 to vector<16xi32>
    %slice3A_1453 = vector.extract_strided_slice %mul3A_1383 {offsets = [6], sizes = [1], strides = [1]} : vector<16xi32> to vector<1xi32>
    %squeeze3A_1454 = vector.extract %slice3A_1453[0] : i32 from vector<1xi32>
    %add3A_1455 = vector.broadcast %squeeze3A_1454 : i32 to vector<16xi32>
    %add3A_1456 = arith.addi %add3A_1455, %iota3A : vector<16xi32>
    %gather3A_1457 = tpu.vector_load_idx %arg7[%broadcast_in_dim3A_1450, %broadcast_in_dim3A_1452, %add3A_1456] : memref<2x128x128xf32, #tpu.memory_space<vmem>>[vector<16xi32>, vector<16xi32>, vector<16xi32>], vector<16xf32>,
    %add3A_1458 = arith.constant 53088 : i32
    %add3A_1459 = vector.broadcast %add3A_1458 : i32 to vector<16xi32>
    %add3A_1460 = arith.addi %add3A_1459, %iota3A : vector<16xi32>
    tpu.vector_store_idx %arg8[%add3A_1460], %gather3A_1457 : memref<53248xf32, #tpu.memory_space<vmem>>[vector<16xi32>], vector<16xf32>,
    %broadcast_in_dim3A_1461 = vector.broadcast %rem3A_83 : i32 to vector<16xi32>
    %broadcast_in_dim3A_1462 = arith.constant 119 : i32
    %broadcast_in_dim3A_1463 = vector.broadcast %broadcast_in_dim3A_1462 : i32 to vector<16xi32>
    %slice3A_1464 = vector.extract_strided_slice %mul3A_1383 {offsets = [7], sizes = [1], strides = [1]} : vector<16xi32> to vector<1xi32>
    %squeeze3A_1465 = vector.extract %slice3A_1464[0] : i32 from vector<1xi32>
    %add3A_1466 = vector.broadcast %squeeze3A_1465 : i32 to vector<16xi32>
    %add3A_1467 = arith.addi %add3A_1466, %iota3A : vector<16xi32>
    %gather3A_1468 = tpu.vector_load_idx %arg7[%broadcast_in_dim3A_1461, %broadcast_in_dim3A_1463, %add3A_1467] : memref<2x128x128xf32, #tpu.memory_space<vmem>>[vector<16xi32>, vector<16xi32>, vector<16xi32>], vector<16xf32>,
    %add3A_1469 = arith.constant 53104 : i32
    %add3A_1470 = vector.broadcast %add3A_1469 : i32 to vector<16xi32>
    %add3A_1471 = arith.addi %add3A_1470, %iota3A : vector<16xi32>
    tpu.vector_store_idx %arg8[%add3A_1471], %gather3A_1468 : memref<53248xf32, #tpu.memory_space<vmem>>[vector<16xi32>], vector<16xf32>,
    %broadcast_in_dim3A_1472 = vector.broadcast %rem3A_83 : i32 to vector<16xi32>
    %broadcast_in_dim3A_1473 = arith.constant 120 : i32
    %broadcast_in_dim3A_1474 = vector.broadcast %broadcast_in_dim3A_1473 : i32 to vector<16xi32>
    %slice3A_1475 = vector.extract_strided_slice %mul3A_1383 {offsets = [8], sizes = [1], strides = [1]} : vector<16xi32> to vector<1xi32>
    %squeeze3A_1476 = vector.extract %slice3A_1475[0] : i32 from vector<1xi32>
    %add3A_1477 = vector.broadcast %squeeze3A_1476 : i32 to vector<16xi32>
    %add3A_1478 = arith.addi %add3A_1477, %iota3A : vector<16xi32>
    %gather3A_1479 = tpu.vector_load_idx %arg7[%broadcast_in_dim3A_1472, %broadcast_in_dim3A_1474, %add3A_1478] : memref<2x128x128xf32, #tpu.memory_space<vmem>>[vector<16xi32>, vector<16xi32>, vector<16xi32>], vector<16xf32>,
    %add3A_1480 = arith.constant 53120 : i32
    %add3A_1481 = vector.broadcast %add3A_1480 : i32 to vector<16xi32>
    %add3A_1482 = arith.addi %add3A_1481, %iota3A : vector<16xi32>
    tpu.vector_store_idx %arg8[%add3A_1482], %gather3A_1479 : memref<53248xf32, #tpu.memory_space<vmem>>[vector<16xi32>], vector<16xf32>,
    %broadcast_in_dim3A_1483 = vector.broadcast %rem3A_83 : i32 to vector<16xi32>
    %broadcast_in_dim3A_1484 = arith.constant 121 : i32
    %broadcast_in_dim3A_1485 = vector.broadcast %broadcast_in_dim3A_1484 : i32 to vector<16xi32>
    %slice3A_1486 = vector.extract_strided_slice %mul3A_1383 {offsets = [9], sizes = [1], strides = [1]} : vector<16xi32> to vector<1xi32>
    %squeeze3A_1487 = vector.extract %slice3A_1486[0] : i32 from vector<1xi32>
    %add3A_1488 = vector.broadcast %squeeze3A_1487 : i32 to vector<16xi32>
    %add3A_1489 = arith.addi %add3A_1488, %iota3A : vector<16xi32>
    %gather3A_1490 = tpu.vector_load_idx %arg7[%broadcast_in_dim3A_1483, %broadcast_in_dim3A_1485, %add3A_1489] : memref<2x128x128xf32, #tpu.memory_space<vmem>>[vector<16xi32>, vector<16xi32>, vector<16xi32>], vector<16xf32>,
    %add3A_1491 = arith.constant 53136 : i32
    %add3A_1492 = vector.broadcast %add3A_1491 : i32 to vector<16xi32>
    %add3A_1493 = arith.addi %add3A_1492, %iota3A : vector<16xi32>
    tpu.vector_store_idx %arg8[%add3A_1493], %gather3A_1490 : memref<53248xf32, #tpu.memory_space<vmem>>[vector<16xi32>], vector<16xf32>,
    %broadcast_in_dim3A_1494 = vector.broadcast %rem3A_83 : i32 to vector<16xi32>
    %broadcast_in_dim3A_1495 = arith.constant 122 : i32
    %broadcast_in_dim3A_1496 = vector.broadcast %broadcast_in_dim3A_1495 : i32 to vector<16xi32>
    %slice3A_1497 = vector.extract_strided_slice %mul3A_1383 {offsets = [10], sizes = [1], strides = [1]} : vector<16xi32> to vector<1xi32>
    %squeeze3A_1498 = vector.extract %slice3A_1497[0] : i32 from vector<1xi32>
    %add3A_1499 = vector.broadcast %squeeze3A_1498 : i32 to vector<16xi32>
    %add3A_1500 = arith.addi %add3A_1499, %iota3A : vector<16xi32>
    %gather3A_1501 = tpu.vector_load_idx %arg7[%broadcast_in_dim3A_1494, %broadcast_in_dim3A_1496, %add3A_1500] : memref<2x128x128xf32, #tpu.memory_space<vmem>>[vector<16xi32>, vector<16xi32>, vector<16xi32>], vector<16xf32>,
    %add3A_1502 = arith.constant 53152 : i32
    %add3A_1503 = vector.broadcast %add3A_1502 : i32 to vector<16xi32>
    %add3A_1504 = arith.addi %add3A_1503, %iota3A : vector<16xi32>
    tpu.vector_store_idx %arg8[%add3A_1504], %gather3A_1501 : memref<53248xf32, #tpu.memory_space<vmem>>[vector<16xi32>], vector<16xf32>,
    %broadcast_in_dim3A_1505 = vector.broadcast %rem3A_83 : i32 to vector<16xi32>
    %broadcast_in_dim3A_1506 = arith.constant 123 : i32
    %broadcast_in_dim3A_1507 = vector.broadcast %broadcast_in_dim3A_1506 : i32 to vector<16xi32>
    %slice3A_1508 = vector.extract_strided_slice %mul3A_1383 {offsets = [11], sizes = [1], strides = [1]} : vector<16xi32> to vector<1xi32>
    %squeeze3A_1509 = vector.extract %slice3A_1508[0] : i32 from vector<1xi32>
    %add3A_1510 = vector.broadcast %squeeze3A_1509 : i32 to vector<16xi32>
    %add3A_1511 = arith.addi %add3A_1510, %iota3A : vector<16xi32>
    %gather3A_1512 = tpu.vector_load_idx %arg7[%broadcast_in_dim3A_1505, %broadcast_in_dim3A_1507, %add3A_1511] : memref<2x128x128xf32, #tpu.memory_space<vmem>>[vector<16xi32>, vector<16xi32>, vector<16xi32>], vector<16xf32>,
    %add3A_1513 = arith.constant 53168 : i32
    %add3A_1514 = vector.broadcast %add3A_1513 : i32 to vector<16xi32>
    %add3A_1515 = arith.addi %add3A_1514, %iota3A : vector<16xi32>
    tpu.vector_store_idx %arg8[%add3A_1515], %gather3A_1512 : memref<53248xf32, #tpu.memory_space<vmem>>[vector<16xi32>], vector<16xf32>,
    %broadcast_in_dim3A_1516 = vector.broadcast %rem3A_83 : i32 to vector<16xi32>
    %broadcast_in_dim3A_1517 = arith.constant 124 : i32
    %broadcast_in_dim3A_1518 = vector.broadcast %broadcast_in_dim3A_1517 : i32 to vector<16xi32>
    %slice3A_1519 = vector.extract_strided_slice %mul3A_1383 {offsets = [12], sizes = [1], strides = [1]} : vector<16xi32> to vector<1xi32>
    %squeeze3A_1520 = vector.extract %slice3A_1519[0] : i32 from vector<1xi32>
    %add3A_1521 = vector.broadcast %squeeze3A_1520 : i32 to vector<16xi32>
    %add3A_1522 = arith.addi %add3A_1521, %iota3A : vector<16xi32>
    %gather3A_1523 = tpu.vector_load_idx %arg7[%broadcast_in_dim3A_1516, %broadcast_in_dim3A_1518, %add3A_1522] : memref<2x128x128xf32, #tpu.memory_space<vmem>>[vector<16xi32>, vector<16xi32>, vector<16xi32>], vector<16xf32>,
    %add3A_1524 = arith.constant 53184 : i32
    %add3A_1525 = vector.broadcast %add3A_1524 : i32 to vector<16xi32>
    %add3A_1526 = arith.addi %add3A_1525, %iota3A : vector<16xi32>
    tpu.vector_store_idx %arg8[%add3A_1526], %gather3A_1523 : memref<53248xf32, #tpu.memory_space<vmem>>[vector<16xi32>], vector<16xf32>,
    %broadcast_in_dim3A_1527 = vector.broadcast %rem3A_83 : i32 to vector<16xi32>
    %broadcast_in_dim3A_1528 = arith.constant 125 : i32
    %broadcast_in_dim3A_1529 = vector.broadcast %broadcast_in_dim3A_1528 : i32 to vector<16xi32>
    %slice3A_1530 = vector.extract_strided_slice %mul3A_1383 {offsets = [13], sizes = [1], strides = [1]} : vector<16xi32> to vector<1xi32>
    %squeeze3A_1531 = vector.extract %slice3A_1530[0] : i32 from vector<1xi32>
    %add3A_1532 = vector.broadcast %squeeze3A_1531 : i32 to vector<16xi32>
    %add3A_1533 = arith.addi %add3A_1532, %iota3A : vector<16xi32>
    %gather3A_1534 = tpu.vector_load_idx %arg7[%broadcast_in_dim3A_1527, %broadcast_in_dim3A_1529, %add3A_1533] : memref<2x128x128xf32, #tpu.memory_space<vmem>>[vector<16xi32>, vector<16xi32>, vector<16xi32>], vector<16xf32>,
    %add3A_1535 = arith.constant 53200 : i32
    %add3A_1536 = vector.broadcast %add3A_1535 : i32 to vector<16xi32>
    %add3A_1537 = arith.addi %add3A_1536, %iota3A : vector<16xi32>
    tpu.vector_store_idx %arg8[%add3A_1537], %gather3A_1534 : memref<53248xf32, #tpu.memory_space<vmem>>[vector<16xi32>], vector<16xf32>,
    %broadcast_in_dim3A_1538 = vector.broadcast %rem3A_83 : i32 to vector<16xi32>
    %broadcast_in_dim3A_1539 = arith.constant 126 : i32
    %broadcast_in_dim3A_1540 = vector.broadcast %broadcast_in_dim3A_1539 : i32 to vector<16xi32>
    %slice3A_1541 = vector.extract_strided_slice %mul3A_1383 {offsets = [14], sizes = [1], strides = [1]} : vector<16xi32> to vector<1xi32>
    %squeeze3A_1542 = vector.extract %slice3A_1541[0] : i32 from vector<1xi32>
    %add3A_1543 = vector.broadcast %squeeze3A_1542 : i32 to vector<16xi32>
    %add3A_1544 = arith.addi %add3A_1543, %iota3A : vector<16xi32>
    %gather3A_1545 = tpu.vector_load_idx %arg7[%broadcast_in_dim3A_1538, %broadcast_in_dim3A_1540, %add3A_1544] : memref<2x128x128xf32, #tpu.memory_space<vmem>>[vector<16xi32>, vector<16xi32>, vector<16xi32>], vector<16xf32>,
    %add3A_1546 = arith.constant 53216 : i32
    %add3A_1547 = vector.broadcast %add3A_1546 : i32 to vector<16xi32>
    %add3A_1548 = arith.addi %add3A_1547, %iota3A : vector<16xi32>
    tpu.vector_store_idx %arg8[%add3A_1548], %gather3A_1545 : memref<53248xf32, #tpu.memory_space<vmem>>[vector<16xi32>], vector<16xf32>,
    %broadcast_in_dim3A_1549 = vector.broadcast %rem3A_83 : i32 to vector<16xi32>
    %broadcast_in_dim3A_1550 = arith.constant 127 : i32
    %broadcast_in_dim3A_1551 = vector.broadcast %broadcast_in_dim3A_1550 : i32 to vector<16xi32>
    %slice3A_1552 = vector.extract_strided_slice %mul3A_1383 {offsets = [15], sizes = [1], strides = [1]} : vector<16xi32> to vector<1xi32>
    %squeeze3A_1553 = vector.extract %slice3A_1552[0] : i32 from vector<1xi32>
    %add3A_1554 = vector.broadcast %squeeze3A_1553 : i32 to vector<16xi32>
    %add3A_1555 = arith.addi %add3A_1554, %iota3A : vector<16xi32>
    %gather3A_1556 = tpu.vector_load_idx %arg7[%broadcast_in_dim3A_1549, %broadcast_in_dim3A_1551, %add3A_1555] : memref<2x128x128xf32, #tpu.memory_space<vmem>>[vector<16xi32>, vector<16xi32>, vector<16xi32>], vector<16xf32>,
    %add3A_1557 = arith.constant 53232 : i32
    %add3A_1558 = vector.broadcast %add3A_1557 : i32 to vector<16xi32>
    %add3A_1559 = arith.addi %add3A_1558, %iota3A : vector<16xi32>
    tpu.vector_store_idx %arg8[%add3A_1559], %gather3A_1556 : memref<53248xf32, #tpu.memory_space<vmem>>[vector<16xi32>], vector<16xf32>,
    %mul3A_1560 = arith.constant 16 : i32
    %mul3A_1561 = arith.muli %mul3A_2, %mul3A_1560 : i32
    "tpu.region"() ({
      %run_scoped3A = tpu.sem_alloc : memref<!tpu.dma_semaphore, #tpu.memory_space<semaphore_mem>>
      %dma_start3A_1562 = tpu.memref_slice %arg4[%mul3A_1561] : memref<1703936xf32, #tpu.memory_space<hbm>> -> memref<53248xf32, #tpu.memory_space<hbm>>
      %dma_start3A_1563 = tpu.memref_slice %arg4[%mul3A_1561] : memref<1703936xf32, #tpu.memory_space<hbm>> -> memref<53248xf32, #tpu.memory_space<hbm>>
      tpu.enqueue_dma source(%arg8 : memref<53248xf32, #tpu.memory_space<vmem>>) target(%dma_start3A_1563 : memref<53248xf32, #tpu.memory_space<hbm>>) target_semaphore(%run_scoped3A : memref<!tpu.dma_semaphore, #tpu.memory_space<semaphore_mem>>)
      %dma_wait3A_1564 = tpu.memref_slice %arg4[%mul3A_1561] : memref<1703936xf32, #tpu.memory_space<hbm>> -> memref<53248xf32, #tpu.memory_space<hbm>>
      %dma_wait3A_1565 = tpu.memref_slice %arg4[%mul3A_1561] : memref<1703936xf32, #tpu.memory_space<hbm>> -> memref<53248xf32, #tpu.memory_space<hbm>>
      tpu.wait_dma2 semaphore(%run_scoped3A : memref<!tpu.dma_semaphore, #tpu.memory_space<semaphore_mem>>) src(%arg8 : memref<53248xf32, #tpu.memory_space<vmem>>) dst(%dma_wait3A_1565 : memref<53248xf32, #tpu.memory_space<hbm>>)
      tpu.yield
    }) : () -> ()
    return
  }
}

module attributes {stable_mosaic.version = 14 : i64} {
  func.func @_tr_body(%arg0: i32, %arg1: i32, %arg2: memref<416x1000000xf32, #tpu.memory_space<any>>, %arg3: memref<1x992x128xf32, #tpu.memory_space<vmem>>, %arg4: memref<2x16x7936xf32, #tpu.memory_space<vmem>>, %arg5: memref<!tpu.dma_semaphore, #tpu.memory_space<semaphore_mem>>) attributes {dimension_semantics = [#tpu.dimension_semantics<arbitrary>, #tpu.dimension_semantics<arbitrary>], iteration_bounds = array<i64: 26, 126>, scalar_prefetch = 0 : i64, scratch_operands = 2 : i64, tpu.core_type = #tpu.core_type<tc>, window_params = [{}, {transform_indices = @transform_1, window_bounds = array<i64: 1, 992, 128>}]} {
    %mul3A = arith.constant 126 : i32
    %mul3A_0 = arith.muli %arg0, %mul3A : i32
    %add3A = arith.addi %mul3A_0, %arg1 : i32
    %eq3A = arith.constant 0 : i32
    %eq3A_1 = arith.cmpi eq, %add3A, %eq3A : i32
    %convert_element_type3A = arith.extui %eq3A_1 : i1 to i32
    %cond3A = arith.constant 0 : i32
    %cond3A_2 = arith.cmpi ne, %convert_element_type3A, %cond3A : i32
    scf.if %cond3A_2 {
      %dma_start3A = arith.constant 0 : i32
      %dma_start3A_118 = arith.constant 0 : i32
      %dma_start3A_119 = arith.constant 0 : i32
      %dma_start3A_120 = tpu.memref_slice %arg4[%dma_start3A, %dma_start3A_118, %dma_start3A_119] : memref<2x16x7936xf32, #tpu.memory_space<vmem>> -> memref<1x16x7936xf32, #tpu.memory_space<vmem>>
      %dma_start3A_121 = tpu.memref_squeeze %dma_start3A_120 : memref<1x16x7936xf32, #tpu.memory_space<vmem>> -> memref<16x7936xf32, #tpu.memory_space<vmem>>
      %dma_start3A_122 = arith.constant 0 : i32
      %dma_start3A_123 = arith.constant 0 : i32
      %dma_start3A_124 = tpu.memref_slice %arg2[%dma_start3A_122, %dma_start3A_123] : memref<416x1000000xf32, #tpu.memory_space<any>> -> memref<16x7936xf32, #tpu.memory_space<any>>
      tpu.enqueue_dma source(%dma_start3A_124 : memref<16x7936xf32, #tpu.memory_space<any>>) target(%dma_start3A_121 : memref<16x7936xf32, #tpu.memory_space<vmem>>) target_semaphore(%arg5 : memref<!tpu.dma_semaphore, #tpu.memory_space<semaphore_mem>>)
    } else {
    }
    %add3A_3 = arith.constant 1 : i32
    %add3A_4 = arith.addi %add3A, %add3A_3 : i32
    %lt3A = arith.constant 3276 : i32
    %lt3A_5 = arith.cmpi slt, %add3A_4, %lt3A : i32
    %convert_element_type3A_6 = arith.extui %lt3A_5 : i1 to i32
    %cond3A_7 = arith.constant 0 : i32
    %cond3A_8 = arith.cmpi ne, %convert_element_type3A_6, %cond3A_7 : i32
    scf.if %cond3A_8 {
      %add3A_118 = arith.constant 1 : i32
      %add3A_119 = arith.addi %add3A, %add3A_118 : i32
      %jit3A = arith.constant 126 : i32
      %div3A = arith.divsi %add3A_119, %jit3A : i32
      %sign3A = arith.constant 0 : i32
      %sign3A_120 = arith.cmpi sgt, %add3A_119, %sign3A : i32
      %sign3A_121 = arith.extui %sign3A_120 : i1 to i32
      %sign3A_122 = arith.constant 0 : i32
      %sign3A_123 = arith.cmpi slt, %add3A_119, %sign3A_122 : i32
      %sign3A_124 = arith.extui %sign3A_123 : i1 to i32
      %sign3A_125 = arith.subi %sign3A_121, %sign3A_124 : i32
      %sign3A_126 = arith.constant 0 : i32
      %sign3A_127 = arith.cmpi sgt, %jit3A, %sign3A_126 : i32
      %sign3A_128 = arith.extui %sign3A_127 : i1 to i32
      %sign3A_129 = arith.constant 0 : i32
      %sign3A_130 = arith.cmpi slt, %jit3A, %sign3A_129 : i32
      %sign3A_131 = arith.extui %sign3A_130 : i1 to i32
      %sign3A_132 = arith.subi %sign3A_128, %sign3A_131 : i32
      %ne3A = arith.cmpi ne, %sign3A_125, %sign3A_132 : i32
      %rem3A_133 = arith.remsi %add3A_119, %jit3A : i32
      %ne3A_134 = arith.constant 0 : i32
      %ne3A_135 = arith.cmpi ne, %rem3A_133, %ne3A_134 : i32
      %and3A = arith.andi %ne3A, %ne3A_135 : i1
      %sub3A = arith.constant 1 : i32
      %sub3A_136 = arith.subi %div3A, %sub3A : i32
      %select_n3A = arith.select %and3A, %sub3A_136, %div3A : i32
      %jit3A_137 = arith.constant 126 : i32
      %eq3A_138 = arith.constant 0 : i32
      %eq3A_139 = arith.cmpi eq, %jit3A_137, %eq3A_138 : i32
      %jit3A_140 = arith.constant 1 : i32
      %select_n3A_141 = arith.select %eq3A_139, %jit3A_140, %jit3A_137 : i32
      %rem3A_142 = arith.remsi %add3A_119, %select_n3A_141 : i32
      %ne3A_143 = arith.constant 0 : i32
      %ne3A_144 = arith.cmpi ne, %rem3A_142, %ne3A_143 : i32
      %lt3A_145 = arith.constant 0 : i32
      %lt3A_146 = arith.cmpi slt, %rem3A_142, %lt3A_145 : i32
      %lt3A_147 = arith.constant 0 : i32
      %lt3A_148 = arith.cmpi slt, %select_n3A_141, %lt3A_147 : i32
      %ne3A_149 = arith.xori %lt3A_146, %lt3A_148 : i1
      %and3A_150 = arith.andi %ne3A_149, %ne3A_144 : i1
      %add3A_151 = arith.addi %rem3A_142, %select_n3A_141 : i32
      %select_n3A_152 = arith.select %and3A_150, %add3A_151, %rem3A_142 : i32
      %mul3A_153 = arith.constant 16 : i32
      %mul3A_154 = arith.muli %select_n3A, %mul3A_153 : i32
      %multiple_of3A = tpu.assume_multiple %mul3A_154, 8 : i32
      %mul3A_155 = arith.constant 7936 : i32
      %mul3A_156 = arith.muli %select_n3A_152, %mul3A_155 : i32
      %multiple_of3A_157 = tpu.assume_multiple %mul3A_156, 128 : i32
      %rem3A_158 = arith.constant 2 : i32
      %rem3A_159 = arith.remsi %add3A_119, %rem3A_158 : i32
      %dma_start3A = arith.constant 0 : i32
      %dma_start3A_160 = arith.constant 0 : i32
      %dma_start3A_161 = tpu.memref_slice %arg4[%rem3A_159, %dma_start3A, %dma_start3A_160] : memref<2x16x7936xf32, #tpu.memory_space<vmem>> -> memref<1x16x7936xf32, #tpu.memory_space<vmem>>
      %dma_start3A_162 = tpu.memref_squeeze %dma_start3A_161 : memref<1x16x7936xf32, #tpu.memory_space<vmem>> -> memref<16x7936xf32, #tpu.memory_space<vmem>>
      %dma_start3A_163 = tpu.memref_slice %arg2[%multiple_of3A, %multiple_of3A_157] : memref<416x1000000xf32, #tpu.memory_space<any>> -> memref<16x7936xf32, #tpu.memory_space<any>>
      tpu.enqueue_dma source(%dma_start3A_163 : memref<16x7936xf32, #tpu.memory_space<any>>) target(%dma_start3A_162 : memref<16x7936xf32, #tpu.memory_space<vmem>>) target_semaphore(%arg5 : memref<!tpu.dma_semaphore, #tpu.memory_space<semaphore_mem>>)
    } else {
    }
    %rem3A = arith.constant 2 : i32
    %rem3A_9 = arith.remsi %add3A, %rem3A : i32
    %dma_wait3A = arith.constant 0 : i32
    %dma_wait3A_10 = arith.constant 0 : i32
    %dma_wait3A_11 = tpu.memref_slice %arg4[%rem3A_9, %dma_wait3A, %dma_wait3A_10] : memref<2x16x7936xf32, #tpu.memory_space<vmem>> -> memref<1x16x7936xf32, #tpu.memory_space<vmem>>
    %dma_wait3A_12 = tpu.memref_squeeze %dma_wait3A_11 : memref<1x16x7936xf32, #tpu.memory_space<vmem>> -> memref<16x7936xf32, #tpu.memory_space<vmem>>
    %dma_wait3A_13 = arith.constant 0 : i32
    %dma_wait3A_14 = arith.constant 0 : i32
    %dma_wait3A_15 = tpu.memref_slice %arg2[%dma_wait3A_13, %dma_wait3A_14] : memref<416x1000000xf32, #tpu.memory_space<any>> -> memref<16x7936xf32, #tpu.memory_space<any>>
    tpu.wait_dma2 semaphore(%arg5 : memref<!tpu.dma_semaphore, #tpu.memory_space<semaphore_mem>>) src(%dma_wait3A_15 : memref<16x7936xf32, #tpu.memory_space<any>>) dst(%dma_wait3A_12 : memref<16x7936xf32, #tpu.memory_space<vmem>>)
    %rem3A_16 = arith.constant 2 : i32
    %rem3A_17 = arith.remsi %add3A, %rem3A_16 : i32
    %get3A = arith.index_cast %rem3A_17 : i32 to index
    %get3A_18 = arith.constant 0 : index
    %get3A_19 = arith.constant 0 : index
    %get3A_20 = vector.load %arg4[%get3A, %get3A_18, %get3A_19] : memref<2x16x7936xf32, #tpu.memory_space<vmem>>, vector<1x16x7936xf32>
    %get3A_21 = vector.shape_cast %get3A_20 : vector<1x16x7936xf32> to vector<16x7936xf32>
    %iota3A = tpu.iota {dimensions = array<i32: 0>} : vector<16x16xi32>
    %iota3A_22 = tpu.iota {dimensions = array<i32: 1>} : vector<16x16xi32>
    %eq3A_23 = arith.cmpi eq, %iota3A, %iota3A_22 : vector<16x16xi32>
    %convert_element_type3A_24 = arith.extui %eq3A_23 : vector<16x16xi1> to vector<16x16xi32>
    %convert_element_type3A_25 = arith.sitofp %convert_element_type3A_24 : vector<16x16xi32> to vector<16x16xf32>
    %dot_general3A = arith.constant dense<0.000000e+00> : vector<7936x16xf32>
    %dot_general3A_26 = tpu.matmul %get3A_21, %convert_element_type3A_25, %dot_general3A {dimension_numbers = #tpu.dot_dimension_numbers<[0], [0], [1], [1], [0, 1, 1, 1], [], []>, transpose_lhs_hint = false} : vector<16x7936xf32>, vector<16x16xf32>, vector<7936x16xf32> -> vector<7936x16xf32>
    %reshape3A = vector.shape_cast %dot_general3A_26 : vector<7936x16xf32> to vector<992x8x16xf32>
    %iota3A_27 = tpu.iota {dimensions = array<i32: 1>} : vector<16x128xi32>
    %iota3A_28 = tpu.iota {dimensions = array<i32: 0>} : vector<16x128xi32>
    %add3A_29 = arith.constant 0 : i32
    %add3A_30 = vector.broadcast %add3A_29 : i32 to vector<16x128xi32>
    %add3A_31 = arith.addi %iota3A_28, %add3A_30 : vector<16x128xi32>
    %eq3A_32 = arith.cmpi eq, %iota3A_27, %add3A_31 : vector<16x128xi32>
    %convert_element_type3A_33 = arith.extui %eq3A_32 : vector<16x128xi1> to vector<16x128xi32>
    %convert_element_type3A_34 = arith.sitofp %convert_element_type3A_33 : vector<16x128xi32> to vector<16x128xf32>
    %slice3A = vector.extract_strided_slice %reshape3A {offsets = [0, 0, 0], sizes = [992, 1, 16], strides = [1, 1, 1]} : vector<992x8x16xf32> to vector<992x1x16xf32>
    %squeeze3A = vector.shape_cast %slice3A : vector<992x1x16xf32> to vector<992x16xf32>
    %dot_general3A_35 = arith.constant dense<0.000000e+00> : vector<992x128xf32>
    %dot_general3A_36 = tpu.matmul %squeeze3A, %convert_element_type3A_34, %dot_general3A_35 {dimension_numbers = #tpu.dot_dimension_numbers<[1], [0], [0], [1], [0, 0, 1, 1], [], []>, transpose_lhs_hint = false} : vector<992x16xf32>, vector<16x128xf32>, vector<992x128xf32> -> vector<992x128xf32>
    %add3A_37 = arith.constant 16 : i32
    %add3A_38 = vector.broadcast %add3A_37 : i32 to vector<16x128xi32>
    %add3A_39 = arith.addi %iota3A_28, %add3A_38 : vector<16x128xi32>
    %eq3A_40 = arith.cmpi eq, %iota3A_27, %add3A_39 : vector<16x128xi32>
    %convert_element_type3A_41 = arith.extui %eq3A_40 : vector<16x128xi1> to vector<16x128xi32>
    %convert_element_type3A_42 = arith.sitofp %convert_element_type3A_41 : vector<16x128xi32> to vector<16x128xf32>
    %slice3A_43 = vector.extract_strided_slice %reshape3A {offsets = [0, 1, 0], sizes = [992, 1, 16], strides = [1, 1, 1]} : vector<992x8x16xf32> to vector<992x1x16xf32>
    %squeeze3A_44 = vector.shape_cast %slice3A_43 : vector<992x1x16xf32> to vector<992x16xf32>
    %dot_general3A_45 = arith.constant dense<0.000000e+00> : vector<992x128xf32>
    %dot_general3A_46 = tpu.matmul %squeeze3A_44, %convert_element_type3A_42, %dot_general3A_45 {dimension_numbers = #tpu.dot_dimension_numbers<[1], [0], [0], [1], [0, 0, 1, 1], [], []>, transpose_lhs_hint = false} : vector<992x16xf32>, vector<16x128xf32>, vector<992x128xf32> -> vector<992x128xf32>
    %add3A_47 = arith.addf %dot_general3A_36, %dot_general3A_46 : vector<992x128xf32>
    %add3A_48 = arith.constant 32 : i32
    %add3A_49 = vector.broadcast %add3A_48 : i32 to vector<16x128xi32>
    %add3A_50 = arith.addi %iota3A_28, %add3A_49 : vector<16x128xi32>
    %eq3A_51 = arith.cmpi eq, %iota3A_27, %add3A_50 : vector<16x128xi32>
    %convert_element_type3A_52 = arith.extui %eq3A_51 : vector<16x128xi1> to vector<16x128xi32>
    %convert_element_type3A_53 = arith.sitofp %convert_element_type3A_52 : vector<16x128xi32> to vector<16x128xf32>
    %slice3A_54 = vector.extract_strided_slice %reshape3A {offsets = [0, 2, 0], sizes = [992, 1, 16], strides = [1, 1, 1]} : vector<992x8x16xf32> to vector<992x1x16xf32>
    %squeeze3A_55 = vector.shape_cast %slice3A_54 : vector<992x1x16xf32> to vector<992x16xf32>
    %dot_general3A_56 = arith.constant dense<0.000000e+00> : vector<992x128xf32>
    %dot_general3A_57 = tpu.matmul %squeeze3A_55, %convert_element_type3A_53, %dot_general3A_56 {dimension_numbers = #tpu.dot_dimension_numbers<[1], [0], [0], [1], [0, 0, 1, 1], [], []>, transpose_lhs_hint = false} : vector<992x16xf32>, vector<16x128xf32>, vector<992x128xf32> -> vector<992x128xf32>
    %add3A_58 = arith.addf %add3A_47, %dot_general3A_57 : vector<992x128xf32>
    %add3A_59 = arith.constant 48 : i32
    %add3A_60 = vector.broadcast %add3A_59 : i32 to vector<16x128xi32>
    %add3A_61 = arith.addi %iota3A_28, %add3A_60 : vector<16x128xi32>
    %eq3A_62 = arith.cmpi eq, %iota3A_27, %add3A_61 : vector<16x128xi32>
    %convert_element_type3A_63 = arith.extui %eq3A_62 : vector<16x128xi1> to vector<16x128xi32>
    %convert_element_type3A_64 = arith.sitofp %convert_element_type3A_63 : vector<16x128xi32> to vector<16x128xf32>
    %slice3A_65 = vector.extract_strided_slice %reshape3A {offsets = [0, 3, 0], sizes = [992, 1, 16], strides = [1, 1, 1]} : vector<992x8x16xf32> to vector<992x1x16xf32>
    %squeeze3A_66 = vector.shape_cast %slice3A_65 : vector<992x1x16xf32> to vector<992x16xf32>
    %dot_general3A_67 = arith.constant dense<0.000000e+00> : vector<992x128xf32>
    %dot_general3A_68 = tpu.matmul %squeeze3A_66, %convert_element_type3A_64, %dot_general3A_67 {dimension_numbers = #tpu.dot_dimension_numbers<[1], [0], [0], [1], [0, 0, 1, 1], [], []>, transpose_lhs_hint = false} : vector<992x16xf32>, vector<16x128xf32>, vector<992x128xf32> -> vector<992x128xf32>
    %add3A_69 = arith.addf %add3A_58, %dot_general3A_68 : vector<992x128xf32>
    %add3A_70 = arith.constant 64 : i32
    %add3A_71 = vector.broadcast %add3A_70 : i32 to vector<16x128xi32>
    %add3A_72 = arith.addi %iota3A_28, %add3A_71 : vector<16x128xi32>
    %eq3A_73 = arith.cmpi eq, %iota3A_27, %add3A_72 : vector<16x128xi32>
    %convert_element_type3A_74 = arith.extui %eq3A_73 : vector<16x128xi1> to vector<16x128xi32>
    %convert_element_type3A_75 = arith.sitofp %convert_element_type3A_74 : vector<16x128xi32> to vector<16x128xf32>
    %slice3A_76 = vector.extract_strided_slice %reshape3A {offsets = [0, 4, 0], sizes = [992, 1, 16], strides = [1, 1, 1]} : vector<992x8x16xf32> to vector<992x1x16xf32>
    %squeeze3A_77 = vector.shape_cast %slice3A_76 : vector<992x1x16xf32> to vector<992x16xf32>
    %dot_general3A_78 = arith.constant dense<0.000000e+00> : vector<992x128xf32>
    %dot_general3A_79 = tpu.matmul %squeeze3A_77, %convert_element_type3A_75, %dot_general3A_78 {dimension_numbers = #tpu.dot_dimension_numbers<[1], [0], [0], [1], [0, 0, 1, 1], [], []>, transpose_lhs_hint = false} : vector<992x16xf32>, vector<16x128xf32>, vector<992x128xf32> -> vector<992x128xf32>
    %add3A_80 = arith.addf %add3A_69, %dot_general3A_79 : vector<992x128xf32>
    %add3A_81 = arith.constant 80 : i32
    %add3A_82 = vector.broadcast %add3A_81 : i32 to vector<16x128xi32>
    %add3A_83 = arith.addi %iota3A_28, %add3A_82 : vector<16x128xi32>
    %eq3A_84 = arith.cmpi eq, %iota3A_27, %add3A_83 : vector<16x128xi32>
    %convert_element_type3A_85 = arith.extui %eq3A_84 : vector<16x128xi1> to vector<16x128xi32>
    %convert_element_type3A_86 = arith.sitofp %convert_element_type3A_85 : vector<16x128xi32> to vector<16x128xf32>
    %slice3A_87 = vector.extract_strided_slice %reshape3A {offsets = [0, 5, 0], sizes = [992, 1, 16], strides = [1, 1, 1]} : vector<992x8x16xf32> to vector<992x1x16xf32>
    %squeeze3A_88 = vector.shape_cast %slice3A_87 : vector<992x1x16xf32> to vector<992x16xf32>
    %dot_general3A_89 = arith.constant dense<0.000000e+00> : vector<992x128xf32>
    %dot_general3A_90 = tpu.matmul %squeeze3A_88, %convert_element_type3A_86, %dot_general3A_89 {dimension_numbers = #tpu.dot_dimension_numbers<[1], [0], [0], [1], [0, 0, 1, 1], [], []>, transpose_lhs_hint = false} : vector<992x16xf32>, vector<16x128xf32>, vector<992x128xf32> -> vector<992x128xf32>
    %add3A_91 = arith.addf %add3A_80, %dot_general3A_90 : vector<992x128xf32>
    %add3A_92 = arith.constant 96 : i32
    %add3A_93 = vector.broadcast %add3A_92 : i32 to vector<16x128xi32>
    %add3A_94 = arith.addi %iota3A_28, %add3A_93 : vector<16x128xi32>
    %eq3A_95 = arith.cmpi eq, %iota3A_27, %add3A_94 : vector<16x128xi32>
    %convert_element_type3A_96 = arith.extui %eq3A_95 : vector<16x128xi1> to vector<16x128xi32>
    %convert_element_type3A_97 = arith.sitofp %convert_element_type3A_96 : vector<16x128xi32> to vector<16x128xf32>
    %slice3A_98 = vector.extract_strided_slice %reshape3A {offsets = [0, 6, 0], sizes = [992, 1, 16], strides = [1, 1, 1]} : vector<992x8x16xf32> to vector<992x1x16xf32>
    %squeeze3A_99 = vector.shape_cast %slice3A_98 : vector<992x1x16xf32> to vector<992x16xf32>
    %dot_general3A_100 = arith.constant dense<0.000000e+00> : vector<992x128xf32>
    %dot_general3A_101 = tpu.matmul %squeeze3A_99, %convert_element_type3A_97, %dot_general3A_100 {dimension_numbers = #tpu.dot_dimension_numbers<[1], [0], [0], [1], [0, 0, 1, 1], [], []>, transpose_lhs_hint = false} : vector<992x16xf32>, vector<16x128xf32>, vector<992x128xf32> -> vector<992x128xf32>
    %add3A_102 = arith.addf %add3A_91, %dot_general3A_101 : vector<992x128xf32>
    %add3A_103 = arith.constant 112 : i32
    %add3A_104 = vector.broadcast %add3A_103 : i32 to vector<16x128xi32>
    %add3A_105 = arith.addi %iota3A_28, %add3A_104 : vector<16x128xi32>
    %eq3A_106 = arith.cmpi eq, %iota3A_27, %add3A_105 : vector<16x128xi32>
    %convert_element_type3A_107 = arith.extui %eq3A_106 : vector<16x128xi1> to vector<16x128xi32>
    %convert_element_type3A_108 = arith.sitofp %convert_element_type3A_107 : vector<16x128xi32> to vector<16x128xf32>
    %slice3A_109 = vector.extract_strided_slice %reshape3A {offsets = [0, 7, 0], sizes = [992, 1, 16], strides = [1, 1, 1]} : vector<992x8x16xf32> to vector<992x1x16xf32>
    %squeeze3A_110 = vector.shape_cast %slice3A_109 : vector<992x1x16xf32> to vector<992x16xf32>
    %dot_general3A_111 = arith.constant dense<0.000000e+00> : vector<992x128xf32>
    %dot_general3A_112 = tpu.matmul %squeeze3A_110, %convert_element_type3A_108, %dot_general3A_111 {dimension_numbers = #tpu.dot_dimension_numbers<[1], [0], [0], [1], [0, 0, 1, 1], [], []>, transpose_lhs_hint = false} : vector<992x16xf32>, vector<16x128xf32>, vector<992x128xf32> -> vector<992x128xf32>
    %add3A_113 = arith.addf %add3A_102, %dot_general3A_112 : vector<992x128xf32>
    %reshape3A_114 = vector.shape_cast %add3A_113 : vector<992x128xf32> to vector<1x992x128xf32>
    %swap3A = arith.constant 0 : index
    %swap3A_115 = arith.constant 0 : index
    %swap3A_116 = arith.constant 0 : index
    %swap3A_117 = vector.load %arg3[%swap3A, %swap3A_115, %swap3A_116] : memref<1x992x128xf32, #tpu.memory_space<vmem>>, vector<1x992x128xf32>
    tpu.vector_store %arg3[%swap3A, %swap3A_115, %swap3A_116], %reshape3A_114 {strides = array<i32>} : memref<1x992x128xf32, #tpu.memory_space<vmem>>, vector<1x992x128xf32>,
    return
  }
  func.func @transform_1(%arg0: i32, %arg1: i32) -> (i32, i32, i32) {
    %c0_i32 = arith.constant 0 : i32
    %c0_i32_0 = arith.constant 0 : i32
    return %arg0, %arg1, %c0_i32 : i32, i32, i32
  }
}

module attributes {stable_mosaic.version = 14 : i64} {
  func.func @_mlp_body(%arg0: i32, %arg1: memref<512x416xf32, #tpu.memory_space<vmem>>, %arg2: memref<512x13xf32, #tpu.memory_space<vmem>>, %arg3: memref<1x13xf32, #tpu.memory_space<vmem>>, %arg4: memref<1x13xf32, #tpu.memory_space<vmem>>, %arg5: memref<1x13xf32, #tpu.memory_space<vmem>>, %arg6: memref<1x13xf32, #tpu.memory_space<vmem>>, %arg7: memref<416x256xf32, #tpu.memory_space<vmem>>, %arg8: memref<13x256xf32, #tpu.memory_space<vmem>>, %arg9: memref<1x256xf32, #tpu.memory_space<vmem>>, %arg10: memref<1x256xf32, #tpu.memory_space<vmem>>, %arg11: memref<1x256xf32, #tpu.memory_space<vmem>>, %arg12: memref<1x256xf32, #tpu.memory_space<vmem>>, %arg13: memref<1x256xf32, #tpu.memory_space<vmem>>, %arg14: memref<256x128xf32, #tpu.memory_space<vmem>>, %arg15: memref<1x128xf32, #tpu.memory_space<vmem>>, %arg16: memref<1x128xf32, #tpu.memory_space<vmem>>, %arg17: memref<1x128xf32, #tpu.memory_space<vmem>>, %arg18: memref<1x128xf32, #tpu.memory_space<vmem>>, %arg19: memref<1x128xf32, #tpu.memory_space<vmem>>, %arg20: memref<128x1xf32, #tpu.memory_space<vmem>>, %arg21: memref<1x1xf32, #tpu.memory_space<vmem>>, %arg22: memref<512x1xf32, #tpu.memory_space<vmem>>) attributes {dimension_semantics = [#tpu.dimension_semantics<arbitrary>], iteration_bounds = array<i64: 8>, scalar_prefetch = 0 : i64, scratch_operands = 0 : i64, tpu.core_type = #tpu.core_type<tc>, window_params = [{transform_indices = @transform_0, window_bounds = array<i64: 512, 416>}, {transform_indices = @transform_1, window_bounds = array<i64: 512, 13>}, {pipeline_mode = #tpu.pipeline_mode<synchronous>, transform_indices = @transform_2, window_bounds = array<i64: 1, 13>}, {pipeline_mode = #tpu.pipeline_mode<synchronous>, transform_indices = @transform_3, window_bounds = array<i64: 1, 13>}, {pipeline_mode = #tpu.pipeline_mode<synchronous>, transform_indices = @transform_4, window_bounds = array<i64: 1, 13>}, {pipeline_mode = #tpu.pipeline_mode<synchronous>, transform_indices = @transform_5, window_bounds = array<i64: 1, 13>}, {pipeline_mode = #tpu.pipeline_mode<synchronous>, transform_indices = @transform_6, window_bounds = array<i64: 416, 256>}, {pipeline_mode = #tpu.pipeline_mode<synchronous>, transform_indices = @transform_7, window_bounds = array<i64: 13, 256>}, {pipeline_mode = #tpu.pipeline_mode<synchronous>, transform_indices = @transform_8, window_bounds = array<i64: 1, 256>}, {pipeline_mode = #tpu.pipeline_mode<synchronous>, transform_indices = @transform_9, window_bounds = array<i64: 1, 256>}, {pipeline_mode = #tpu.pipeline_mode<synchronous>, transform_indices = @transform_10, window_bounds = array<i64: 1, 256>}, {pipeline_mode = #tpu.pipeline_mode<synchronous>, transform_indices = @transform_11, window_bounds = array<i64: 1, 256>}, {pipeline_mode = #tpu.pipeline_mode<synchronous>, transform_indices = @transform_12, window_bounds = array<i64: 1, 256>}, {pipeline_mode = #tpu.pipeline_mode<synchronous>, transform_indices = @transform_13, window_bounds = array<i64: 256, 128>}, {pipeline_mode = #tpu.pipeline_mode<synchronous>, transform_indices = @transform_14, window_bounds = array<i64: 1, 128>}, {pipeline_mode = #tpu.pipeline_mode<synchronous>, transform_indices = @transform_15, window_bounds = array<i64: 1, 128>}, {pipeline_mode = #tpu.pipeline_mode<synchronous>, transform_indices = @transform_16, window_bounds = array<i64: 1, 128>}, {pipeline_mode = #tpu.pipeline_mode<synchronous>, transform_indices = @transform_17, window_bounds = array<i64: 1, 128>}, {pipeline_mode = #tpu.pipeline_mode<synchronous>, transform_indices = @transform_18, window_bounds = array<i64: 1, 128>}, {pipeline_mode = #tpu.pipeline_mode<synchronous>, transform_indices = @transform_19, window_bounds = array<i64: 128, 1>}, {pipeline_mode = #tpu.pipeline_mode<synchronous>, transform_indices = @transform_20, window_bounds = array<i64: 1, 1>}, {transform_indices = @transform_21, window_bounds = array<i64: 512, 1>}]} {
    %get3A = arith.constant 0 : index
    %get3A_0 = arith.constant 0 : index
    %get3A_1 = vector.load %arg2[%get3A, %get3A_0] : memref<512x13xf32, #tpu.memory_space<vmem>>, vector<512x13xf32>
    %get3A_2 = arith.constant 0 : index
    %get3A_3 = arith.constant 0 : index
    %get3A_4 = vector.load %arg5[%get3A_2, %get3A_3] : memref<1x13xf32, #tpu.memory_space<vmem>>, vector<1x13xf32>
    %sub3A = vector.broadcast %get3A_4 : vector<1x13xf32> to vector<512x13xf32>
    %sub3A_5 = arith.subf %get3A_1, %sub3A : vector<512x13xf32>
    %get3A_6 = arith.constant 0 : index
    %get3A_7 = arith.constant 0 : index
    %get3A_8 = vector.load %arg6[%get3A_6, %get3A_7] : memref<1x13xf32, #tpu.memory_space<vmem>>, vector<1x13xf32>
    %add3A = arith.constant 9.99999974E-6 : f32
    %add3A_9 = vector.broadcast %add3A : f32 to vector<1x13xf32>
    %add3A_10 = arith.addf %get3A_8, %add3A_9 : vector<1x13xf32>
    %rsqrt3A = math.rsqrt %add3A_10 : vector<1x13xf32>
    %mul3A = vector.broadcast %rsqrt3A : vector<1x13xf32> to vector<512x13xf32>
    %mul3A_11 = arith.mulf %sub3A_5, %mul3A : vector<512x13xf32>
    %get3A_12 = arith.constant 0 : index
    %get3A_13 = arith.constant 0 : index
    %get3A_14 = vector.load %arg3[%get3A_12, %get3A_13] : memref<1x13xf32, #tpu.memory_space<vmem>>, vector<1x13xf32>
    %mul3A_15 = vector.broadcast %get3A_14 : vector<1x13xf32> to vector<512x13xf32>
    %mul3A_16 = arith.mulf %mul3A_11, %mul3A_15 : vector<512x13xf32>
    %get3A_17 = arith.constant 0 : index
    %get3A_18 = arith.constant 0 : index
    %get3A_19 = vector.load %arg4[%get3A_17, %get3A_18] : memref<1x13xf32, #tpu.memory_space<vmem>>, vector<1x13xf32>
    %add3A_20 = vector.broadcast %get3A_19 : vector<1x13xf32> to vector<512x13xf32>
    %add3A_21 = arith.addf %mul3A_16, %add3A_20 : vector<512x13xf32>
    %get3A_22 = arith.constant 0 : index
    %get3A_23 = arith.constant 0 : index
    %get3A_24 = vector.load %arg1[%get3A_22, %get3A_23] : memref<512x416xf32, #tpu.memory_space<vmem>>, vector<512x416xf32>
    %get3A_25 = arith.constant 0 : index
    %get3A_26 = arith.constant 0 : index
    %get3A_27 = vector.load %arg7[%get3A_25, %get3A_26] : memref<416x256xf32, #tpu.memory_space<vmem>>, vector<416x256xf32>
    %dot_general3A = arith.constant dense<0.000000e+00> : vector<512x256xf32>
    %dot_general3A_28 = tpu.matmul %get3A_24, %get3A_27, %dot_general3A {dimension_numbers = #tpu.dot_dimension_numbers<[1], [0], [0], [1], [0, 0, 1, 1], [], []>, transpose_lhs_hint = false} : vector<512x416xf32>, vector<416x256xf32>, vector<512x256xf32> -> vector<512x256xf32>
    %get3A_29 = arith.constant 0 : index
    %get3A_30 = arith.constant 0 : index
    %get3A_31 = vector.load %arg8[%get3A_29, %get3A_30] : memref<13x256xf32, #tpu.memory_space<vmem>>, vector<13x256xf32>
    %dot_general3A_32 = arith.constant dense<0.000000e+00> : vector<512x256xf32>
    %dot_general3A_33 = tpu.matmul %add3A_21, %get3A_31, %dot_general3A_32 {dimension_numbers = #tpu.dot_dimension_numbers<[1], [0], [0], [1], [0, 0, 1, 1], [], []>, transpose_lhs_hint = false} : vector<512x13xf32>, vector<13x256xf32>, vector<512x256xf32> -> vector<512x256xf32>
    %add3A_34 = arith.addf %dot_general3A_28, %dot_general3A_33 : vector<512x256xf32>
    %get3A_35 = arith.constant 0 : index
    %get3A_36 = arith.constant 0 : index
    %get3A_37 = vector.load %arg9[%get3A_35, %get3A_36] : memref<1x256xf32, #tpu.memory_space<vmem>>, vector<1x256xf32>
    %add3A_38 = vector.broadcast %get3A_37 : vector<1x256xf32> to vector<512x256xf32>
    %add3A_39 = arith.addf %add3A_34, %add3A_38 : vector<512x256xf32>
    %max3A = arith.constant 0.000000e+00 : f32
    %max3A_40 = vector.broadcast %max3A : f32 to vector<512x256xf32>
    %max3A_41 = arith.maximumf %add3A_39, %max3A_40 : vector<512x256xf32>
    %get3A_42 = arith.constant 0 : index
    %get3A_43 = arith.constant 0 : index
    %get3A_44 = vector.load %arg12[%get3A_42, %get3A_43] : memref<1x256xf32, #tpu.memory_space<vmem>>, vector<1x256xf32>
    %sub3A_45 = vector.broadcast %get3A_44 : vector<1x256xf32> to vector<512x256xf32>
    %sub3A_46 = arith.subf %max3A_41, %sub3A_45 : vector<512x256xf32>
    %get3A_47 = arith.constant 0 : index
    %get3A_48 = arith.constant 0 : index
    %get3A_49 = vector.load %arg13[%get3A_47, %get3A_48] : memref<1x256xf32, #tpu.memory_space<vmem>>, vector<1x256xf32>
    %add3A_50 = arith.constant 9.99999974E-6 : f32
    %add3A_51 = vector.broadcast %add3A_50 : f32 to vector<1x256xf32>
    %add3A_52 = arith.addf %get3A_49, %add3A_51 : vector<1x256xf32>
    %rsqrt3A_53 = math.rsqrt %add3A_52 : vector<1x256xf32>
    %mul3A_54 = vector.broadcast %rsqrt3A_53 : vector<1x256xf32> to vector<512x256xf32>
    %mul3A_55 = arith.mulf %sub3A_46, %mul3A_54 : vector<512x256xf32>
    %get3A_56 = arith.constant 0 : index
    %get3A_57 = arith.constant 0 : index
    %get3A_58 = vector.load %arg10[%get3A_56, %get3A_57] : memref<1x256xf32, #tpu.memory_space<vmem>>, vector<1x256xf32>
    %mul3A_59 = vector.broadcast %get3A_58 : vector<1x256xf32> to vector<512x256xf32>
    %mul3A_60 = arith.mulf %mul3A_55, %mul3A_59 : vector<512x256xf32>
    %get3A_61 = arith.constant 0 : index
    %get3A_62 = arith.constant 0 : index
    %get3A_63 = vector.load %arg11[%get3A_61, %get3A_62] : memref<1x256xf32, #tpu.memory_space<vmem>>, vector<1x256xf32>
    %add3A_64 = vector.broadcast %get3A_63 : vector<1x256xf32> to vector<512x256xf32>
    %add3A_65 = arith.addf %mul3A_60, %add3A_64 : vector<512x256xf32>
    %get3A_66 = arith.constant 0 : index
    %get3A_67 = arith.constant 0 : index
    %get3A_68 = vector.load %arg14[%get3A_66, %get3A_67] : memref<256x128xf32, #tpu.memory_space<vmem>>, vector<256x128xf32>
    %dot_general3A_69 = arith.constant dense<0.000000e+00> : vector<512x128xf32>
    %dot_general3A_70 = tpu.matmul %add3A_65, %get3A_68, %dot_general3A_69 {dimension_numbers = #tpu.dot_dimension_numbers<[1], [0], [0], [1], [0, 0, 1, 1], [], []>, transpose_lhs_hint = false} : vector<512x256xf32>, vector<256x128xf32>, vector<512x128xf32> -> vector<512x128xf32>
    %get3A_71 = arith.constant 0 : index
    %get3A_72 = arith.constant 0 : index
    %get3A_73 = vector.load %arg15[%get3A_71, %get3A_72] : memref<1x128xf32, #tpu.memory_space<vmem>>, vector<1x128xf32>
    %add3A_74 = vector.broadcast %get3A_73 : vector<1x128xf32> to vector<512x128xf32>
    %add3A_75 = arith.addf %dot_general3A_70, %add3A_74 : vector<512x128xf32>
    %max3A_76 = arith.constant 0.000000e+00 : f32
    %max3A_77 = vector.broadcast %max3A_76 : f32 to vector<512x128xf32>
    %max3A_78 = arith.maximumf %add3A_75, %max3A_77 : vector<512x128xf32>
    %get3A_79 = arith.constant 0 : index
    %get3A_80 = arith.constant 0 : index
    %get3A_81 = vector.load %arg18[%get3A_79, %get3A_80] : memref<1x128xf32, #tpu.memory_space<vmem>>, vector<1x128xf32>
    %sub3A_82 = vector.broadcast %get3A_81 : vector<1x128xf32> to vector<512x128xf32>
    %sub3A_83 = arith.subf %max3A_78, %sub3A_82 : vector<512x128xf32>
    %get3A_84 = arith.constant 0 : index
    %get3A_85 = arith.constant 0 : index
    %get3A_86 = vector.load %arg19[%get3A_84, %get3A_85] : memref<1x128xf32, #tpu.memory_space<vmem>>, vector<1x128xf32>
    %add3A_87 = arith.constant 9.99999974E-6 : f32
    %add3A_88 = vector.broadcast %add3A_87 : f32 to vector<1x128xf32>
    %add3A_89 = arith.addf %get3A_86, %add3A_88 : vector<1x128xf32>
    %rsqrt3A_90 = math.rsqrt %add3A_89 : vector<1x128xf32>
    %mul3A_91 = vector.broadcast %rsqrt3A_90 : vector<1x128xf32> to vector<512x128xf32>
    %mul3A_92 = arith.mulf %sub3A_83, %mul3A_91 : vector<512x128xf32>
    %get3A_93 = arith.constant 0 : index
    %get3A_94 = arith.constant 0 : index
    %get3A_95 = vector.load %arg16[%get3A_93, %get3A_94] : memref<1x128xf32, #tpu.memory_space<vmem>>, vector<1x128xf32>
    %mul3A_96 = vector.broadcast %get3A_95 : vector<1x128xf32> to vector<512x128xf32>
    %mul3A_97 = arith.mulf %mul3A_92, %mul3A_96 : vector<512x128xf32>
    %get3A_98 = arith.constant 0 : index
    %get3A_99 = arith.constant 0 : index
    %get3A_100 = vector.load %arg17[%get3A_98, %get3A_99] : memref<1x128xf32, #tpu.memory_space<vmem>>, vector<1x128xf32>
    %add3A_101 = vector.broadcast %get3A_100 : vector<1x128xf32> to vector<512x128xf32>
    %add3A_102 = arith.addf %mul3A_97, %add3A_101 : vector<512x128xf32>
    %get3A_103 = arith.constant 0 : index
    %get3A_104 = arith.constant 0 : index
    %get3A_105 = vector.load %arg20[%get3A_103, %get3A_104] : memref<128x1xf32, #tpu.memory_space<vmem>>, vector<128x1xf32>
    %dot_general3A_106 = arith.constant dense<0.000000e+00> : vector<512x1xf32>
    %dot_general3A_107 = tpu.matmul %add3A_102, %get3A_105, %dot_general3A_106 {dimension_numbers = #tpu.dot_dimension_numbers<[1], [0], [0], [1], [0, 0, 1, 1], [], []>, transpose_lhs_hint = false} : vector<512x128xf32>, vector<128x1xf32>, vector<512x1xf32> -> vector<512x1xf32>
    %get3A_108 = arith.constant 0 : index
    %get3A_109 = arith.constant 0 : index
    %get3A_110 = vector.load %arg21[%get3A_108, %get3A_109] : memref<1x1xf32, #tpu.memory_space<vmem>>, vector<1x1xf32>
    %add3A_111 = vector.broadcast %get3A_110 : vector<1x1xf32> to vector<512x1xf32>
    %add3A_112 = arith.addf %dot_general3A_107, %add3A_111 : vector<512x1xf32>
    %swap3A = arith.constant 0 : index
    %swap3A_113 = arith.constant 0 : index
    %swap3A_114 = vector.load %arg22[%swap3A, %swap3A_113] : memref<512x1xf32, #tpu.memory_space<vmem>>, vector<512x1xf32>
    tpu.vector_store %arg22[%swap3A, %swap3A_113], %add3A_112 {strides = array<i32>} : memref<512x1xf32, #tpu.memory_space<vmem>>, vector<512x1xf32>,
    return
  }
  func.func @transform_0(%arg0: i32) -> (i32, i32) {
    %c0_i32 = arith.constant 0 : i32
    %c0_i32_0 = arith.constant 0 : i32
    return %arg0, %c0_i32 : i32, i32
  }
  func.func @transform_1(%arg0: i32) -> (i32, i32) {
    %c0_i32 = arith.constant 0 : i32
    %c0_i32_0 = arith.constant 0 : i32
    return %arg0, %c0_i32 : i32, i32
  }
  func.func @transform_2(%arg0: i32) -> (i32, i32) {
    %c0_i32 = arith.constant 0 : i32
    %c0_i32_0 = arith.constant 0 : i32
    %c0_i32_1 = arith.constant 0 : i32
    return %c0_i32, %c0_i32_0 : i32, i32
  }
  func.func @transform_3(%arg0: i32) -> (i32, i32) {
    %c0_i32 = arith.constant 0 : i32
    %c0_i32_0 = arith.constant 0 : i32
    %c0_i32_1 = arith.constant 0 : i32
    return %c0_i32, %c0_i32_0 : i32, i32
  }
  func.func @transform_4(%arg0: i32) -> (i32, i32) {
    %c0_i32 = arith.constant 0 : i32
    %c0_i32_0 = arith.constant 0 : i32
    %c0_i32_1 = arith.constant 0 : i32
    return %c0_i32, %c0_i32_0 : i32, i32
  }
  func.func @transform_5(%arg0: i32) -> (i32, i32) {
    %c0_i32 = arith.constant 0 : i32
    %c0_i32_0 = arith.constant 0 : i32
    %c0_i32_1 = arith.constant 0 : i32
    return %c0_i32, %c0_i32_0 : i32, i32
  }
  func.func @transform_6(%arg0: i32) -> (i32, i32) {
    %c0_i32 = arith.constant 0 : i32
    %c0_i32_0 = arith.constant 0 : i32
    %c0_i32_1 = arith.constant 0 : i32
    return %c0_i32, %c0_i32_0 : i32, i32
  }
  func.func @transform_7(%arg0: i32) -> (i32, i32) {
    %c0_i32 = arith.constant 0 : i32
    %c0_i32_0 = arith.constant 0 : i32
    %c0_i32_1 = arith.constant 0 : i32
    return %c0_i32, %c0_i32_0 : i32, i32
  }
  func.func @transform_8(%arg0: i32) -> (i32, i32) {
    %c0_i32 = arith.constant 0 : i32
    %c0_i32_0 = arith.constant 0 : i32
    %c0_i32_1 = arith.constant 0 : i32
    return %c0_i32, %c0_i32_0 : i32, i32
  }
  func.func @transform_9(%arg0: i32) -> (i32, i32) {
    %c0_i32 = arith.constant 0 : i32
    %c0_i32_0 = arith.constant 0 : i32
    %c0_i32_1 = arith.constant 0 : i32
    return %c0_i32, %c0_i32_0 : i32, i32
  }
  func.func @transform_10(%arg0: i32) -> (i32, i32) {
    %c0_i32 = arith.constant 0 : i32
    %c0_i32_0 = arith.constant 0 : i32
    %c0_i32_1 = arith.constant 0 : i32
    return %c0_i32, %c0_i32_0 : i32, i32
  }
  func.func @transform_11(%arg0: i32) -> (i32, i32) {
    %c0_i32 = arith.constant 0 : i32
    %c0_i32_0 = arith.constant 0 : i32
    %c0_i32_1 = arith.constant 0 : i32
    return %c0_i32, %c0_i32_0 : i32, i32
  }
  func.func @transform_12(%arg0: i32) -> (i32, i32) {
    %c0_i32 = arith.constant 0 : i32
    %c0_i32_0 = arith.constant 0 : i32
    %c0_i32_1 = arith.constant 0 : i32
    return %c0_i32, %c0_i32_0 : i32, i32
  }
  func.func @transform_13(%arg0: i32) -> (i32, i32) {
    %c0_i32 = arith.constant 0 : i32
    %c0_i32_0 = arith.constant 0 : i32
    %c0_i32_1 = arith.constant 0 : i32
    return %c0_i32, %c0_i32_0 : i32, i32
  }
  func.func @transform_14(%arg0: i32) -> (i32, i32) {
    %c0_i32 = arith.constant 0 : i32
    %c0_i32_0 = arith.constant 0 : i32
    %c0_i32_1 = arith.constant 0 : i32
    return %c0_i32, %c0_i32_0 : i32, i32
  }
  func.func @transform_15(%arg0: i32) -> (i32, i32) {
    %c0_i32 = arith.constant 0 : i32
    %c0_i32_0 = arith.constant 0 : i32
    %c0_i32_1 = arith.constant 0 : i32
    return %c0_i32, %c0_i32_0 : i32, i32
  }
  func.func @transform_16(%arg0: i32) -> (i32, i32) {
    %c0_i32 = arith.constant 0 : i32
    %c0_i32_0 = arith.constant 0 : i32
    %c0_i32_1 = arith.constant 0 : i32
    return %c0_i32, %c0_i32_0 : i32, i32
  }
  func.func @transform_17(%arg0: i32) -> (i32, i32) {
    %c0_i32 = arith.constant 0 : i32
    %c0_i32_0 = arith.constant 0 : i32
    %c0_i32_1 = arith.constant 0 : i32
    return %c0_i32, %c0_i32_0 : i32, i32
  }
  func.func @transform_18(%arg0: i32) -> (i32, i32) {
    %c0_i32 = arith.constant 0 : i32
    %c0_i32_0 = arith.constant 0 : i32
    %c0_i32_1 = arith.constant 0 : i32
    return %c0_i32, %c0_i32_0 : i32, i32
  }
  func.func @transform_19(%arg0: i32) -> (i32, i32) {
    %c0_i32 = arith.constant 0 : i32
    %c0_i32_0 = arith.constant 0 : i32
    %c0_i32_1 = arith.constant 0 : i32
    return %c0_i32, %c0_i32_0 : i32, i32
  }
  func.func @transform_20(%arg0: i32) -> (i32, i32) {
    %c0_i32 = arith.constant 0 : i32
    %c0_i32_0 = arith.constant 0 : i32
    %c0_i32_1 = arith.constant 0 : i32
    return %c0_i32, %c0_i32_0 : i32, i32
  }
  func.func @transform_21(%arg0: i32) -> (i32, i32) {
    %c0_i32 = arith.constant 0 : i32
    %c0_i32_0 = arith.constant 0 : i32
    return %arg0, %c0_i32 : i32, i32
  }
}

</mosaic_0001>

<sc_bundles>
// kernel: kernel.5.cloned.1.call-start
scs
__scs_entry_jumppad:
0x0: {  	(pc) =	sbr.rel $0x88, $3  }
0x1: {  	(tag) =	ssettag $0x0;
	lr =	simm.s32 $0x1  }
0x2: {  	[smem:$0x3F8C] =	sst lr;
	_ =	strace $0xD0000000  }
0x3: {  	_ = 	snop  }
0x4: {  	_ = 	snop  }
0x5: {  	_ = 	snop  }
0x6: {  	_ = 	snop  }
0x7: {  	_ = 	snop  }
__scs_overlays_trampoline_lowered:
0x8: {  	[smem:$0x3F9B] =	sst s0  }
0x9: {  	[smem:$0x3F9C] =	sst s1  }
0xa: {  	[smem:$0x3F9D] =	sst s2  }
0xb: {  	[smem:$0x3F9E] =	sst s3  }
0xc: {  	[smem:$0x3F9F] =	sst s4  }
0xd: {  	[smem:$0x3FA0] =	sst s5  }
0xe: {  	[smem:$0x3FA1] =	sst s6  }
0xf: {  	[smem:$0x3FA2] =	sst s7  }
0x10: {  	[smem:$0x3FA3] =	sst s8  }
0x11: {  	[smem:$0x3FA4] =	sst s9;
	s0 =	simm.s32 @!p0 $0x0  }
0x12: {  	s1 =	sld [smem:$0x3F8A];
	s0 =	simm.s32 @p0 $0x1  }
0x13: {  	[smem:$0x3FA5] =	sst s0;
	s0 =	simm.s32 @!p1 $0x0  }
0x14: {  	s2 =	sld [smem:$0x3F89];
	s0 =	simm.s32 @p1 $0x1  }
0x15: {  	[smem:$0x3FA6] =	sst s0;
	s0 =	simm.s32 @!p2 $0x0  }
0x16: {  	s3 =	sld [smem:$0x3FDB];
	s0 =	simm.s32 @p2 $0x1  }
0x17: {  	s4 =	simm.s32 $0x1BF5;
	[smem:$0x3FA8] =	sst s0  }
0x18: {  	s0 =	sld [smem:$0x3F8B];
	_ =	swait.ge [sflag:s4], $0x0  }
0x19: {  	s7 =	sld [smem:$0x3F8C]  }
0x1a: {  	s8 =	sadd.s32 $0xFFFFE003, lr  }
0x1b: {  	s9 =	sadd.s32 $0xFFFFFEF7, lr;
	s5 =	simm.s32 $0xFFFFFFFF;
	p2 =	slt.u32 s8, $0xFFFFF086  }
0x1c: {  	p1 =	slt.u32 s9, $0xF7A;
	s5 =	simm.s32 @!p2 $0x0  }
0x1d: {  	s5 =	simm.s32 @p1 $0x1;
	p0 =	seq.s32 s7, s2  }
0x1e: {  	s7 =	smul.u32 @!p0 $0xF7A, s2;
	p2 =	seq.s32 @!p0 s5, $0x0  }
0x1f: {  	s9 =	smul.u32 $0xF7A, s1;
	s8 =	simm.s32 @!p0 $0x1BF5;
	p2 =	por !p2, p0  }
0x20: {  	[sflag:s8] =	ssyncset.s32 @!p0 $0xFFFFF086;
	s6 =	sadd.s32 @!p0 s3, s7;
	s7 =	simm.s32 @!p0 $0x108  }
0x21: {  	s3 =	sadd.s32 s3, s9;
	s6 =	sadd.s32 @!p0 $0x88, s6;
	s7 =	simm.s32 @p2 $0x1082  }
0x22: {  	[simem:s7], [sflag:s8] =	dma.local @!p0 [hbm:s6], $0xF7A  }
0x23: {  	s9 =	sor.u32 $0xD0000000, s2;
	s6 =	simm.s32 $0x108;
	_ =	swait.ge @!p0 [sflag:s8], $0x0  }
0x24: {  	s3 =	sadd.s32 $0x88, s3;
	s6 =	simm.s32 @!p1 $0x1082;
	[sflag:s4] =	ssyncset.s32 $0xFFFFF086  }
0x25: {  	[simem:s6], [sflag:s4] =	dma.local [hbm:s3], $0xF7A  }
0x26: {  	[smem:$0x3F8C] =	sst s1;
	(tag) =	ssettag s2;
	_ =	strace s9  }
0x27: {  	s1 =	sld [smem:$0x3F9C]  }
0x28: {  	s2 =	sld [smem:$0x3F9D]  }
0x29: {  	s4 =	sld [smem:$0x3F9F]  }
0x2a: {  	p0 =	seq.s32 s5, $0x0;
	s5 =	sld [smem:$0x3FA0]  }
0x2b: {  	s6 =	sld [smem:$0x3FA1]  }
0x2c: {  	s7 =	sld [smem:$0x3FA2]  }
0x2d: {  	s3 =	simm.s32 $0x108;
	s8 =	sld [smem:$0x3FA3]  }
0x2e: {  	s3 =	simm.s32 @!p0 $0x1082;
	s9 =	sld [smem:$0x3FA4]  }
0x2f: {  	lr =	sadd.s32 s0, s3;
	s0 =	sld [smem:$0x3F9B]  }
0x30: {  	s3 =	sld [smem:$0x3F9E]  }
0x31: {  	[smem:$0x3FA7] =	sst s10  }
0x32: {  	s10 =	sld [smem:$0x3FA5];
	_ =	sdelay $0x3  }
0x33: {  	p0 =	seq.s32 s10, $0x1;
	s10 =	sld [smem:$0x3FA7];
	_ =	sdelay $0x3  }
0x34: {  	[smem:$0x3FA7] =	sst s10  }
0x35: {  	s10 =	sld [smem:$0x3FA6];
	_ =	sdelay $0x3  }
0x36: {  	p1 =	seq.s32 s10, $0x1;
	s10 =	sld [smem:$0x3FA7];
	_ =	sdelay $0x3  }
0x37: {  	[smem:$0x3FA7] =	sst s10  }
0x38: {  	s10 =	sld [smem:$0x3FA8]  }
0x39: {  	_ = 	snop;
	(pc) =	sbr.ind lr, $3  }
0x3a: {  	_ = 	snop  }
0x3b: {  	_ = 	snop  }
0x3c: {  	p2 =	seq.s32 s10, $0x1;
	s10 =	sld [smem:$0x3FA7]  }
0x3d: {  	_ =	shalt  }
0x3e: {  	_ =	shalt  }
0x3f: {  	_ =	shalt  }
0x40: {  	_ =	shalt  }
0x41: {  	_ =	shalt  }
0x42: {  	_ =	shalt  }
0x43: {  	_ =	shalt  }
0x44: {  	_ =	shalt  }
0x45: {  	_ =	shalt  }
0x46: {  	_ =	shalt  }
0x47: {  	_ =	shalt  }
0x48: {  	_ =	shalt  }
0x49: {  	_ =	shalt  }
0x4a: {  	_ =	shalt  }
0x4b: {  	_ =	shalt  }
0x4c: {  	_ =	shalt  }
0x4d: {  	_ =	shalt  }
0x4e: {  	_ =	shalt  }
0x4f: {  	_ =	shalt  }
0x50: {  	_ =	shalt  }
0x51: {  	_ =	shalt  }
0x52: {  	_ =	shalt  }
0x53: {  	_ =	shalt  }
0x54: {  	_ =	shalt  }
0x55: {  	_ =	shalt  }
0x56: {  	_ =	shalt  }
0x57: {  	_ =	shalt  }
0x58: {  	_ =	shalt  }
0x59: {  	_ =	shalt  }
0x5a: {  	_ =	shalt  }
0x5b: {  	_ =	shalt  }
0x5c: {  	_ =	shalt  }
0x5d: {  	_ =	shalt  }
0x5e: {  	_ =	shalt  }
0x5f: {  	_ =	shalt  }
0x60: {  	_ =	shalt  }
0x61: {  	_ =	shalt  }
0x62: {  	_ =	shalt  }
0x63: {  	_ =	shalt  }
0x64: {  	_ =	shalt  }
0x65: {  	_ =	shalt  }
0x66: {  	_ =	shalt  }
0x67: {  	_ =	shalt  }
0x68: {  	_ =	shalt  }
0x69: {  	_ =	shalt  }
0x6a: {  	_ =	shalt  }
0x6b: {  	_ =	shalt  }
0x6c: {  	_ =	shalt  }
0x6d: {  	_ =	shalt  }
0x6e: {  	_ =	shalt  }
0x6f: {  	_ =	shalt  }
0x70: {  	_ =	shalt  }
0x71: {  	_ =	shalt  }
0x72: {  	_ =	shalt  }
0x73: {  	_ =	shalt  }
0x74: {  	_ =	shalt  }
0x75: {  	_ =	shalt  }
0x76: {  	_ =	shalt  }
0x77: {  	_ =	shalt  }
0x78: {  	_ =	shalt  }
0x79: {  	_ =	shalt  }
0x7a: {  	_ =	shalt  }
0x7b: {  	_ =	shalt  }
0x7c: {  	_ =	shalt  }
0x7d: {  	_ =	shalt  }
0x7e: {  	_ =	shalt  }
0x7f: {  	_ =	shalt  }
0x80: {  	_ =	shalt  }
0x81: {  	_ =	shalt  }
0x82: {  	_ =	shalt  }
0x83: {  	_ =	shalt  }
0x84: {  	_ =	shalt  }
0x85: {  	_ =	shalt  }
0x86: {  	_ =	shalt  }
0x87: {  	_ =	shalt  }
.Lfunc_end0:
.L_simem_size_0:
called_computation_lowered:
.L_overlay_start_0:
0x88: {  	s2 =	sld [smem:$0x3FD9]  }
0x89: {  	s3 =	sld [smem:$0x3FFE];
	_ =	sdelay $0x1  }
0x8a: {  	s1 =	srdreg.scid  }
0x8b: {  	s0 =	sand.u32 $0x1, s1  }
0x8c: {  	s16 =	sshll.u32 s0, $0xA;
	s2 =	sadd.s32 s3, s2  }
0x8d: {  	s2 =	sadd.s32 s2, s16  }
0x8e: {  	[smem:$0x3FB3] =	sst s2  }
0x8f: {  	_ = 	snop  }
0x90: {  	(tm) =	ssettm $0x1  }
0x91: {  	s17 =	sld [smem:$0x3FFB];
	_ =	sdelay $0x3  }
0x92: {  	_ =	strace s17  }
0x93: {  	s2 =	sld [smem:$0x3FFC];
	_ =	sdelay $0x3  }
0x94: {  	_ =	strace s2  }
0x95: {  	s2 =	sld [smem:$0x3FFD];
	_ =	sdelay $0x3  }
0x96: {  	_ =	strace s2  }
0x97: {  	_ =	strace $0x8FFFFFFF  }
0x98: {  	s18 =	sld [smem:$0x3FDB];
	_ =	sdelay $0x1  }
0x99: {  	s19 =	simm.s32 $_scs_section_size  }
0x9a: {  	s4 =	simm.s32 $_size__tile_overlayer_lowered;
	s5 =	simm.s32 $_tile_overlayer_lowered  }
0x9b: {  	s22 =	simm.s32 $0x1BFF;
	s21 =	sshll.u32 s5, $0x1;
	s2 =	sadd.s32 s19, s18  }
0x9c: {  	s6 =	simm.s32 $0x0;
	s20 =	sshll.u32 s4, $0x1;
	s4 =	sadd.s32 s21, s2  }
0x9d: {  	[timem:s6], [sflag:s22] =	dma.local [hbm:s4], s20  }
0x9e: {  	_ =	swait.ge [sflag:s22], s20  }
0x9f: {  	s3 =	ssub.s32 $0x0, s20;
	[sflag:s22] =	ssyncset.done $0x0  }
0xa0: {  	[sflag:s22] =	ssyncadd.s32 s3;
	_ =	sdelay $0x1  }
0xa1: {  	s23 =	simm.s32 $0x1B8B  }
0xa2: {  	_ =	swait.ge [sflag:s23], $0x1  }
0xa3: {  	[sflag:s23] =	ssyncset.done $0x0  }
0xa4: {  	s25 =	simm.s32 $0x1B8E;
	s24 =	sld [smem:$0x3FFE];
	[sflag:s23] =	ssyncadd.s32 $0xFFFFFFFF  }
0xa5: {  	s26 =	simm.s32 $execute0_lowered;
	[smem:$0x3FD2] =	sst s25  }
0xa6: {  	s4 =	sshll.u32 s26, $0x1;
	_ =	strace $0x80000046;
	[dreg:$0x1] =	wrdreg $0xFFFFFFFF  }
0xa7: {  	s28 =	simm.s32 $_size_execute0_lowered;
	s2 =	sadd.s32 s2, s4;
	[dreg:$0x0] =	wrdreg $0x0  }
0xa8: {  	s4 =	sshll.u32 s28, $0x1;
	[dreg:$0x2] =	wrdreg s2  }
0xa9: {  	[dreg:$0x3] =	wrdreg s4  }
0xaa: {  	[dreg:$0x4] =	wrdreg $0xC0  }
0xab: {  	_ =	task [dreg:s6], $0x5FFFF  }
0xac: {  	[dreg:$0x1] =	wrdreg $0xFFFFFFFF  }
0xad: {  	[dreg:$0x0] =	wrdreg $0x60  }
0xae: {  	[dreg:$0x2] =	wrdreg s24  }
0xaf: {  	[dreg:$0x3] =	wrdreg $0x9  }
0xb0: {  	_ =	task.clear_ibuf [dreg:s6], $0x4FFFF;
	_ =	strace $0x90000046  }
0xb1: {  	s29 =	simm.s32 $0x9;
	_ =	strace $0x80000048  }
0xb2: {  	_ =	swait.ge [sflag:s29], $0x1  }
0xb3: {  	[sflag:s29] =	ssyncadd.s32 $0xFFFFFFFF  }
0xb4: {  	_ =	strace $0x90000048  }
0xb5: {  	_ =	sfence  }
0xb6: {  	s30 =	sld [smem:$0x0];
	_ =	sdelay $0x2  }
0xb7: {  	s31 =	sshll.u32 s1, $0xD;
	s1 =	sshrl.u32 s1, $0x2  }
0xb8: {  	s3 =	sand.u32 $0x4000, s31;
	s1 =	sadd.s32 s1, s30  }
0xb9: {  	s0 =	sor.u32 s3, s0;
	s1 =	sshll.u32 s1, $0x11  }
0xba: {  	s0 =	sor.u32 s1, s0  }
0xbb: {  	s0 =	sadd.s32 $0x8F2B, s0  }
0xbc: {  	[sflag:s0] =	ssyncadd.remote.s32 $0x1  }
0xbd: {  	_ =	sfence.sel $0xFFFF  }
0xbe: {  	[dreg:$0x0] =	wrdreg $0xFFFFFFFF;
	(pc) =	sbr.abs _section_cstart, $3  }
0xbf: {  	[dreg:$0x1] =	wrdreg $0xFFFFFFFF  }
0xc0: {  	_ =	task.clear_ibuf [dreg:s6], $0x2FFFF;
	_ =	strace $0x9FFFFFFF  }
0xc1: {  	(tm) =	ssettm $0x7FFFFFFF  }
tec
execute0_lowered:
.L_overlay_start_1:
0x0: {  	(tag) =	ssettag $0x1  }
0x1: {  	v0 =	vlaneseq.u32  }
0x2: {  	v1 =	vor.u32 $0x80, v0;
	v11 =	vor.u32 $0x300, v0;
	v12 =	vor.u32 $0x380, v0  }
0x3: {  	v13 =	vor.u32 $0x400, v0;
	v14 =	vor.u32 $0x480, v0;
	v15 =	vor.u32 $0x500, v0  }
0x4: {  	v16 =	vor.u32 $0x580, v0;
	v17 =	vor.u32 $0x600, v0;
	v18 =	vor.u32 $0x680, v0  }
0x5: {  	v19 =	vor.u32 $0x700, v0;
	v20 =	vor.u32 $0x780, v0;
	v21 =	vor.u32 $0x800, v0  }
0x6: {  	v22 =	vor.u32 $0x880, v0;
	v23 =	vor.u32 $0x900, v0;
	v24 =	vor.u32 $0x980, v0  }
0x7: {  	v25 =	vor.u32 $0xA00, v0;
	v26 =	vor.u32 $0xA80, v0;
	v27 =	vor.u32 $0xB00, v0  }
0x8: {  	v28 =	vor.u32 $0xB80, v0;
	v29 =	vor.u32 $0xC00, v0;
	v30 =	vor.u32 $0xC80, v0  }
0x9: {  	v31 =	vor.u32 $0xD00, v0;
	v32 =	vor.u32 $0xD80, v0;
	v33 =	vor.u32 $0xE00, v0  }
0xa: {  	v34 =	vor.u32 $0xE80, v0;
	v35 =	vor.u32 $0xF00, v0;
	v36 =	vor.u32 $0xF80, v0  }
0xb: {  	v37 =	vor.u32 $0x1000, v0;
	v38 =	vor.u32 $0x1080, v0;
	v39 =	vor.u32 $0x1100, v0  }
0xc: {  	v40 =	vor.u32 $0x1180, v0;
	v41 =	vor.u32 $0x1200, v0;
	[tilespmem:$0x1FF50] =	vst v1;
	v1 =	vor.u32 $0x100, v0  }
0xd: {  	s1 =	srdreg.scid;
	v42 =	vor.u32 $0x1280, v0;
	v43 =	vor.u32 $0x1300, v0;
	[tilespmem:$0x1FF60] =	vst v1;
	v1 =	vor.u32 $0x180, v0  }
0xe: {  	s0 =	stileid.u32;
	s4 =	rddreg [dreg:$0x0];
	s2 =	simm.s32 $0x0;
	v44 =	vor.u32 $0x1380, v0;
	v45 =	vor.u32 $0x1400, v0;
	[tilespmem:$0x1FF70] =	vst v1;
	v1 =	vor.u32 $0x200, v0  }
0xf: {  	s9 =	simm.s32 $0xE00;
	s10 =	simm.s32 $0x80;
	s11 =	simm.s32 $0x1;
	v46 =	vor.u32 $0x1480, v0;
	v47 =	vor.u32 $0x1500, v0;
	[tilespmem:$0x1FF80] =	vst v1;
	v1 =	vor.u32 $0x280, v0  }
0x10: {  	s3 =	sand.u32 $0x1, s1;
	s5 =	sshll.u32 s0, $0x1;
	[smem:$0x7FF] =	sst s2;
	v48 =	vor.u32 $0x1580, v0;
	v49 =	vor.u32 $0x1600, v0;
	[tilespmem:$0x1FF90] =	vst v1;
	v1 =	vor.u32 $0x1D80, v0  }
0x11: {  	s1 =	rddreg [dreg:$0x1];
	v50 =	vor.u32 $0x1680, v0;
	v51 =	vor.u32 $0x1700, v0;
	v63 =	vor.u32 $0x1D00, v0;
	s5 =	sor.u32 s3, s5;
	_ =	strace $0x80000047;
	[tilespmem:$0x1FFA0] =	vst v1  }
0x12: {  	s12 =	simm.s32 $0x8E00;
	v52 =	vor.u32 $0x1780, v0;
	v53 =	vor.u32 $0x1800, v0;
	s7 =	ssub.s32 $0x2, s3;
	s6 =	smul.u32 $0x1A0, s5;
	v1 =	vor.u32 $0x1E00, v0;
	[tilespmem:$0x1FFF0] =	vst v63  }
0x13: {  	s13 =	simm.s32 $0x0;
	v54 =	vor.u32 $0x1880, v0;
	v55 =	vor.u32 $0x1900, v0;
	s5 =	smul.u32 $0x1A00, s5;
	s8 =	sshrl.u32 s7, $0x1;
	[tilespmem:$0x1FFB0] =	vst v1;
	v1 =	vor.u32 $0x1E80, v0  }
0x14: {  	v56 =	vor.u32 $0x1980, v0;
	v57 =	vor.u32 $0x1A00, v0;
	s3 =	sadd.s32 $0x2A00, s4;
	s7 =	ssub.s32 s7, s8;
	s6 =	sadd.s32 s6, s4;
	[tilespmem:$0x1FFC0] =	vst v1;
	v1 =	vor.u32 $0x1F00, v0  }
0x15: {  	v58 =	vor.u32 $0x1A80, v0;
	v59 =	vor.u32 $0x1B00, v0;
	s8 =	simm.s32 $0xD00;
	s5 =	sadd.s32 s5, s4;
	s4 =	sadd.s32 $0x319A000, s6;
	[tilespmem:$0x1FFD0] =	vst v1;
	v1 =	vor.u32 $0x1F80, v0  }
0x16: {  	v60 =	vor.u32 $0x1B80, v0;
	v61 =	vor.u32 $0x1C00, v0;
	v62 =	vor.u32 $0x1C80, v0;
	s5 =	sadd.s32 $0x319D400, s5;
	s6 =	smax.u32 s7, $0x1;
	s7 =	simm.s32 $0x2;
	[tilespmem:$0x1FFE0] =	vst v1  }
.LBB2_1:
0x17: {  	v63 =	vmovc v62;
	v62 =	vmovc v61;
	v61 =	vmov v60;
	v60 =	vmov v59;
	v59 =	vmov v58  }
0x18: {  	v58 =	vmovc v57;
	v57 =	vmovc v56;
	v56 =	vmov v55;
	v55 =	vmov v54;
	v54 =	vmov v53  }
0x19: {  	v53 =	vmovc v52;
	v52 =	vmovc v51;
	v51 =	vmov v50;
	v50 =	vmov v49;
	v49 =	vmov v48  }
0x1a: {  	v48 =	vmovc v47;
	v47 =	vmovc v46;
	v46 =	vmov v45;
	v45 =	vmov v44;
	v44 =	vmov v43  }
0x1b: {  	v43 =	vmovc v42;
	v42 =	vmovc v41;
	v41 =	vmov v40;
	v40 =	vmov v39;
	v39 =	vmov v38  }
0x1c: {  	v38 =	vmovc v37;
	v37 =	vmovc v36;
	v36 =	vmov v35;
	v35 =	vmov v34;
	v34 =	vmov v33  }
0x1d: {  	[tilespmem:s2], [sflag:$0x2] =	stream.linear.gather [hbm4b:s4+s2], $0xD00, $0x38;
	v33 =	vmovc v32;
	v32 =	vmovc v31;
	v31 =	vmov v30;
	v30 =	vmov v29;
	v29 =	vmov v28;
	[tilespmem:$0x15E00] =	vst v63  }
0x1e: {  	v28 =	vmovc v27;
	v27 =	vmovc v26;
	v26 =	vmov v25;
	v25 =	vmov v24;
	v24 =	vmov v23;
	_ =	swait.ge [sflag:s7], $0xD00  }
0x1f: {  	v23 =	vmovc v22;
	v22 =	vmovc v21;
	v21 =	vmov v20;
	v20 =	vmov v19;
	v19 =	vmov v18;
	[sflag:s7] =	ssyncset.done $0x0  }
0x20: {  	v18 =	vmovc v17;
	v17 =	vmovc v16;
	v16 =	vmov v15;
	v15 =	vmov v14;
	v14 =	vmov v13;
	[sflag:s7] =	ssyncadd.s32 $0xFFFFF300  }
0x21: {  	v1 =	vld [tilespmem:$0x0]  }
0x22: {  	v2 =	vld [tilespmem:$0x10]  }
0x23: {  	v13 =	vmov v14;
	v14 =	vmov v15;
	v15 =	vmov v16;
	v3 =	vld [tilespmem:$0x20]  }
0x24: {  	v16 =	vmovc v17;
	v17 =	vmovc v18;
	v18 =	vmov v19;
	v19 =	vmov v20;
	v20 =	vmov v21;
	v4 =	vld [tilespmem:$0x30]  }
0x25: {  	v21 =	vmovc v22;
	v22 =	vmovc v23;
	v23 =	vmov v24;
	v24 =	vmov v25;
	v25 =	vmov v26;
	v5 =	vld [tilespmem:$0x40]  }
0x26: {  	v26 =	vmovc v27;
	v27 =	vmovc v28;
	v28 =	vmov v29;
	v29 =	vmov v30;
	v6 =	vld [tilespmem:$0x50];
	v1 =	vshra.s32 v1, $0x3  }
0x27: {  	v30 =	vmovc v31;
	v31 =	vmovc v32;
	v32 =	vmov v33;
	v33 =	vmov v34;
	[tilespmem:$0xD00] =	vst v1;
	v1 =	vshra.s32 v2, $0x3;
	v2 =	vld [tilespmem:$0x60]  }
0x28: {  	v34 =	vmovc v35;
	v35 =	vmovc v36;
	v36 =	vmov v37;
	v37 =	vmov v38;
	[tilespmem:$0xD10] =	vst v1;
	v1 =	vshra.s32 v3, $0x3;
	v3 =	vld [tilespmem:$0x70]  }
0x29: {  	v38 =	vmovc v39;
	v39 =	vmovc v40;
	v40 =	vmov v41;
	v41 =	vmov v42;
	[tilespmem:$0xD20] =	vst v1;
	v1 =	vshra.s32 v4, $0x3  }
0x2a: {  	v7 =	vld [tilespmem:$0x1FFB0];
	v42 =	vmovc v43;
	v43 =	vmovc v44;
	v44 =	vmov v45;
	v45 =	vmov v46;
	[tilespmem:$0xD30] =	vst v1;
	v1 =	vshra.s32 v5, $0x3  }
0x2b: {  	v8 =	vld [tilespmem:$0x1FFC0];
	v46 =	vmovc v47;
	v47 =	vmovc v48;
	v48 =	vmov v49;
	v49 =	vmov v50;
	[tilespmem:$0xD40] =	vst v1;
	v1 =	vshra.s32 v6, $0x3  }
0x2c: {  	v9 =	vld [tilespmem:$0x1FFD0];
	v50 =	vmovc v51;
	v51 =	vmovc v52;
	v52 =	vmov v53;
	v53 =	vmov v54;
	[tilespmem:$0xD50] =	vst v1;
	v1 =	vshra.s32 v2, $0x3  }
0x2d: {  	v10 =	vld [tilespmem:$0x1FFE0];
	v54 =	vmovc v55;
	v55 =	vmovc v56;
	v56 =	vmov v57;
	v57 =	vmov v58;
	[tilespmem:$0xD60] =	vst v1;
	v1 =	vshra.s32 v3, $0x3  }
0x2e: {  	s14 =	simm.s32 $0x7F0;
	s15 =	simm.s32 $0x80;
	s17 =	simm.s32 $0x0;
	v58 =	vmovc v59;
	v59 =	vmovc v60;
	v60 =	vmov v61;
	v61 =	vmov v62;
	v62 =	vmov v63;
	v63 =	vld [tilespmem:$0x1FFF0];
	[tilespmem:$0xD70] =	vst v1  }
0x2f: {  	v6 =	vld [tilespmem:$0x1FFA0];
	[tilespmem:s9], [sflag:$0x1] =	stream.indirect.gather [hbm4b:s3+s10], $0x80, s8, s10, $0xb8  }
.LBB2_2:
0x30: {  	v1 =	vld [tilespmem:s15+$0x0];
	_ =	sdelay $0x2  }
0x31: {  	s16 =	sadd.s32 $0x1, s17  }
0x32: {  	s18 =	sand.u32 $0x1, s16  }
0x33: {  	s19 =	sshll.u32 s18, $0x7;
	v1 =	vshra.s32 v1, $0x3  }
0x34: {  	[tilespmem:s19+$0xD00] =	vst v1  }
0x35: {  	v1 =	vld [tilespmem:s15+$0x10];
	_ =	sdelay $0x4  }
0x36: {  	v1 =	vshra.s32 v1, $0x3  }
0x37: {  	[tilespmem:s19+$0xD10] =	vst v1  }
0x38: {  	v1 =	vld [tilespmem:s15+$0x20];
	_ =	sdelay $0x4  }
0x39: {  	v1 =	vshra.s32 v1, $0x3  }
0x3a: {  	[tilespmem:s19+$0xD20] =	vst v1  }
0x3b: {  	v1 =	vld [tilespmem:s15+$0x30];
	_ =	sdelay $0x4  }
0x3c: {  	v1 =	vshra.s32 v1, $0x3  }
0x3d: {  	[tilespmem:s19+$0xD30] =	vst v1  }
0x3e: {  	v1 =	vld [tilespmem:s15+$0x40];
	_ =	sdelay $0x4  }
0x3f: {  	v1 =	vshra.s32 v1, $0x3  }
0x40: {  	[tilespmem:s19+$0xD40] =	vst v1  }
0x41: {  	v1 =	vld [tilespmem:s15+$0x50];
	_ =	sdelay $0x4  }
0x42: {  	v1 =	vshra.s32 v1, $0x3  }
0x43: {  	[tilespmem:s19+$0xD50] =	vst v1  }
0x44: {  	v1 =	vld [tilespmem:s15+$0x60];
	_ =	sdelay $0x4  }
0x45: {  	v1 =	vshra.s32 v1, $0x3  }
0x46: {  	[tilespmem:s19+$0xD60] =	vst v1  }
0x47: {  	v1 =	vld [tilespmem:s15+$0x70];
	_ =	sdelay $0x4  }
0x48: {  	s18 =	sshll.u32 s18, $0xE;
	v1 =	vshra.s32 v1, $0x3  }
0x49: {  	s20 =	sor.u32 $0xD00, s19;
	s18 =	sor.u32 $0xE00, s18;
	[tilespmem:s19+$0xD70] =	vst v1  }
0x4a: {  	[tilespmem:s18], [sflag:$0x1] =	stream.indirect.gather [hbm4b:s3+s10], $0x80, s20, s10, $0xb8;
	[tilespmem:$0x15E00] =	vst v63  }
0x4b: {  	_ =	swait.ge [sflag:s11], $0x4000  }
0x4c: {  	[sflag:s11] =	ssyncset.done $0x0  }
0x4d: {  	s22 =	sand.u32 $0x80, s17;
	[sflag:s11] =	ssyncadd.s32 $0xFFFFC000  }
0x4e: {  	s18 =	sshrl.u32 s22, $0x7;
	v1 =	vld [tilespmem:s15+$0xFFFFFF80]  }
0x4f: {  	s18 =	sadd.s32 s18, s17  }
0x50: {  	s18 =	sand.u32 $0xFE, s18  }
0x51: {  	s23 =	ssub.s32 s17, s18  }
0x52: {  	s17 =	sshll.u32 s23, $0x18  }
0x53: {  	s17 =	sshra.s32 s17, $0x18;
	v1 =	vshll.u32 v1, $0x4  }
0x54: {  	s17 =	sshll.u32 s17, $0xE;
	v1 =	vand.u32 $0x70, v1  }
0x55: {  	v2 =	vor.u32 s17, v1  }
0x56: {  	v2 =	vbroadcast v2, $0x0;
	_ =	sdelay $0x1  }
0x57: {  	v2 =	vor.u32 v0, v2;
	_ =	sdelay $0x2  }
0x58: {  	v5 =	vld [tilespmem:$0x1FF50]  }
0x59: {  	s24 =	sadd.s32 $0xFFFFF810, s14  }
0x5a: {  	v4 =	vor.u32 s24, v0;
	v3 =	vbroadcast v1, $0x1;
	v2 =	vld.idx.msk [tilespmem:v2+s9+$0x0], $0xffff;
	_ =	sdelay $0x1  }
0x5b: {  	v3 =	vor.u32 s17, v3  }
0x5c: {  	v3 =	vor.u32 v5, v3;
	v5 =	vbroadcast v1, $0x2;
	_ =	sdelay $0x1  }
0x5d: {  	[tilespmem:v4+s12+$0x0] =	vst.idx.msk $0xffff, v2;
	v4 =	vor.u32 s17, v5;
	v5 =	vld [tilespmem:$0x1FF60];
	_ =	sdelay $0x2  }
0x5e: {  	s25 =	sadd.s32 $0xFFFFF820, s14  }
0x5f: {  	v2 =	vld.idx.msk [tilespmem:v3+s9+$0x0], $0xffff;
	v3 =	vor.u32 s25, v0  }
0x60: {  	v4 =	vor.u32 v5, v4;
	_ =	sdelay $0x3  }
0x61: {  	v5 =	vbroadcast v1, $0x3;
	[tilespmem:v3+s12+$0x0] =	vst.idx.msk $0xffff, v2  }
0x62: {  	v2 =	vld.idx.msk [tilespmem:v4+s9+$0x0], $0xffff  }
0x63: {  	v4 =	vor.u32 s17, v5;
	v5 =	vld [tilespmem:$0x1FF70];
	_ =	sdelay $0x2  }
0x64: {  	s26 =	sadd.s32 $0xFFFFF830, s14  }
0x65: {  	v3 =	vor.u32 s26, v0  }
0x66: {  	v4 =	vor.u32 v5, v4;
	_ =	sdelay $0x3  }
0x67: {  	v5 =	vbroadcast v1, $0x4;
	[tilespmem:v3+s12+$0x0] =	vst.idx.msk $0xffff, v2  }
0x68: {  	v2 =	vld.idx.msk [tilespmem:v4+s9+$0x0], $0xffff  }
0x69: {  	v4 =	vor.u32 s17, v5;
	v5 =	vld [tilespmem:$0x1FF80];
	_ =	sdelay $0x2  }
0x6a: {  	s28 =	sadd.s32 $0xFFFFF840, s14  }
0x6b: {  	v3 =	vor.u32 s28, v0  }
0x6c: {  	v4 =	vor.u32 v5, v4;
	_ =	sdelay $0x3  }
0x6d: {  	v5 =	vbroadcast v1, $0x5;
	[tilespmem:v3+s12+$0x0] =	vst.idx.msk $0xffff, v2  }
0x6e: {  	v2 =	vld.idx.msk [tilespmem:v4+s9+$0x0], $0xffff  }
0x6f: {  	v4 =	vor.u32 s17, v5;
	v5 =	vld [tilespmem:$0x1FF90];
	_ =	sdelay $0x2  }
0x70: {  	s29 =	sadd.s32 $0xFFFFF850, s14  }
0x71: {  	v3 =	vor.u32 s29, v0  }
0x72: {  	v4 =	vor.u32 v5, v4;
	_ =	sdelay $0x2  }
0x73: {  	v5 =	vbroadcast v1, $0x6  }
0x74: {  	s30 =	sadd.s32 $0xFFFFF860, s14;
	[tilespmem:v3+s12+$0x0] =	vst.idx.msk $0xffff, v2  }
0x75: {  	v3 =	vor.u32 s30, v0;
	v2 =	vld.idx.msk [tilespmem:v4+s9+$0x0], $0xffff;
	v4 =	vor.u32 s17, v5  }
0x76: {  	v4 =	vor.u32 v11, v4;
	_ =	sdelay $0x2  }
0x77: {  	v5 =	vbroadcast v1, $0x7  }
0x78: {  	s31 =	sadd.s32 $0xFFFFF870, s14;
	[tilespmem:v3+s12+$0x0] =	vst.idx.msk $0xffff, v2  }
0x79: {  	v3 =	vor.u32 s31, v0;
	v2 =	vld.idx.msk [tilespmem:v4+s9+$0x0], $0xffff;
	v4 =	vor.u32 s17, v5  }
0x7a: {  	v4 =	vor.u32 v12, v4;
	_ =	sdelay $0x2  }
0x7b: {  	v5 =	vbroadcast v1, $0x8  }
0x7c: {  	s19 =	sadd.s32 $0xFFFFF880, s14;
	[tilespmem:v3+s12+$0x0] =	vst.idx.msk $0xffff, v2  }
0x7d: {  	v3 =	vor.u32 s19, v0;
	v2 =	vld.idx.msk [tilespmem:v4+s9+$0x0], $0xffff;
	v4 =	vor.u32 s17, v5  }
0x7e: {  	v4 =	vor.u32 v13, v4;
	_ =	sdelay $0x2  }
0x7f: {  	v5 =	vbroadcast v1, $0x9  }
0x80: {  	s20 =	sadd.s32 $0xFFFFF890, s14;
	[tilespmem:v3+s12+$0x0] =	vst.idx.msk $0xffff, v2  }
0x81: {  	v3 =	vor.u32 s20, v0;
	v2 =	vld.idx.msk [tilespmem:v4+s9+$0x0], $0xffff;
	v4 =	vor.u32 s17, v5  }
0x82: {  	v4 =	vor.u32 v14, v4;
	_ =	sdelay $0x2  }
0x83: {  	v5 =	vbroadcast v1, $0xA  }
0x84: {  	s21 =	sadd.s32 $0xFFFFF8A0, s14;
	[tilespmem:v3+s12+$0x0] =	vst.idx.msk $0xffff, v2  }
0x85: {  	v3 =	vor.u32 s21, v0;
	v2 =	vld.idx.msk [tilespmem:v4+s9+$0x0], $0xffff;
	v4 =	vor.u32 s17, v5  }
0x86: {  	v4 =	vor.u32 v15, v4;
	_ =	sdelay $0x2  }
0x87: {  	v5 =	vbroadcast v1, $0xB  }
0x88: {  	s22 =	sadd.s32 $0xFFFFF8B0, s14;
	[tilespmem:v3+s12+$0x0] =	vst.idx.msk $0xffff, v2  }
0x89: {  	v3 =	vor.u32 s22, v0;
	v2 =	vld.idx.msk [tilespmem:v4+s9+$0x0], $0xffff;
	v4 =	vor.u32 s17, v5  }
0x8a: {  	v4 =	vor.u32 v16, v4;
	_ =	sdelay $0x2  }
0x8b: {  	v5 =	vbroadcast v1, $0xC  }
0x8c: {  	s23 =	sadd.s32 $0xFFFFF8C0, s14;
	[tilespmem:v3+s12+$0x0] =	vst.idx.msk $0xffff, v2  }
0x8d: {  	v3 =	vor.u32 s23, v0;
	v2 =	vld.idx.msk [tilespmem:v4+s9+$0x0], $0xffff;
	v4 =	vor.u32 s17, v5  }
0x8e: {  	v4 =	vor.u32 v17, v4;
	_ =	sdelay $0x2  }
0x8f: {  	v5 =	vbroadcast v1, $0xD  }
0x90: {  	s24 =	sadd.s32 $0xFFFFF8D0, s14;
	[tilespmem:v3+s12+$0x0] =	vst.idx.msk $0xffff, v2  }
0x91: {  	v3 =	vor.u32 s24, v0;
	v2 =	vld.idx.msk [tilespmem:v4+s9+$0x0], $0xffff;
	v4 =	vor.u32 s17, v5  }
0x92: {  	v4 =	vor.u32 v18, v4;
	_ =	sdelay $0x2  }
0x93: {  	v5 =	vbroadcast v1, $0xE  }
0x94: {  	s25 =	sadd.s32 $0xFFFFF8E0, s14;
	[tilespmem:v3+s12+$0x0] =	vst.idx.msk $0xffff, v2  }
0x95: {  	v3 =	vor.u32 s25, v0;
	v2 =	vld.idx.msk [tilespmem:v4+s9+$0x0], $0xffff;
	v4 =	vor.u32 s17, v5  }
0x96: {  	v4 =	vor.u32 v19, v4;
	_ =	sdelay $0x2  }
0x97: {  	v1 =	vbroadcast v1, $0xF  }
0x98: {  	s26 =	sadd.s32 $0xFFFFF8F0, s14;
	[tilespmem:v3+s12+$0x0] =	vst.idx.msk $0xffff, v2  }
0x99: {  	v1 =	vor.u32 s17, v1;
	v3 =	vor.u32 s26, v0;
	v2 =	vld.idx.msk [tilespmem:v4+s9+$0x0], $0xffff  }
0x9a: {  	v1 =	vor.u32 v20, v1;
	_ =	sdelay $0x3  }
0x9b: {  	s28 =	sadd.s32 $0xFFFFF900, s14;
	[tilespmem:v3+s12+$0x0] =	vst.idx.msk $0xffff, v2  }
0x9c: {  	v2 =	vor.u32 s28, v0;
	v1 =	vld.idx.msk [tilespmem:v1+s9+$0x0], $0xffff;
	_ =	sdelay $0x4  }
0x9d: {  	[tilespmem:v2+s12+$0x0] =	vst.idx.msk $0xffff, v1  }
0x9e: {  	v1 =	vld [tilespmem:s15+$0xFFFFFF90];
	_ =	sdelay $0x4  }
0x9f: {  	v1 =	vshll.u32 v1, $0x4  }
0xa0: {  	v1 =	vand.u32 $0x70, v1  }
0xa1: {  	v2 =	vor.u32 s17, v1  }
0xa2: {  	v2 =	vbroadcast v2, $0x0;
	_ =	sdelay $0x1  }
0xa3: {  	v2 =	vor.u32 v21, v2;
	_ =	sdelay $0x2  }
0xa4: {  	v3 =	vbroadcast v1, $0x1  }
0xa5: {  	s29 =	sadd.s32 $0xFFFFF910, s14  }
0xa6: {  	v4 =	vor.u32 s29, v0;
	v3 =	vor.u32 s17, v3;
	v2 =	vld.idx.msk [tilespmem:v2+s9+$0x0], $0xffff  }
0xa7: {  	v3 =	vor.u32 v22, v3;
	_ =	sdelay $0x2  }
0xa8: {  	v5 =	vbroadcast v1, $0x2  }
0xa9: {  	s30 =	sadd.s32 $0xFFFFF920, s14;
	[tilespmem:v4+s12+$0x0] =	vst.idx.msk $0xffff, v2  }
0xaa: {  	v4 =	vor.u32 s17, v5;
	v2 =	vld.idx.msk [tilespmem:v3+s9+$0x0], $0xffff;
	v3 =	vor.u32 s30, v0  }
0xab: {  	v4 =	vor.u32 v23, v4;
	_ =	sdelay $0x2  }
0xac: {  	v5 =	vbroadcast v1, $0x3  }
0xad: {  	s31 =	sadd.s32 $0xFFFFF930, s14;
	[tilespmem:v3+s12+$0x0] =	vst.idx.msk $0xffff, v2  }
0xae: {  	v3 =	vor.u32 s31, v0;
	v2 =	vld.idx.msk [tilespmem:v4+s9+$0x0], $0xffff;
	v4 =	vor.u32 s17, v5  }
0xaf: {  	v4 =	vor.u32 v24, v4;
	_ =	sdelay $0x2  }
0xb0: {  	v5 =	vbroadcast v1, $0x4  }
0xb1: {  	s19 =	sadd.s32 $0xFFFFF940, s14;
	[tilespmem:v3+s12+$0x0] =	vst.idx.msk $0xffff, v2  }
0xb2: {  	v3 =	vor.u32 s19, v0;
	v2 =	vld.idx.msk [tilespmem:v4+s9+$0x0], $0xffff;
	v4 =	vor.u32 s17, v5  }
0xb3: {  	v4 =	vor.u32 v25, v4;
	_ =	sdelay $0x2  }
0xb4: {  	v5 =	vbroadcast v1, $0x5  }
0xb5: {  	s20 =	sadd.s32 $0xFFFFF950, s14;
	[tilespmem:v3+s12+$0x0] =	vst.idx.msk $0xffff, v2  }
0xb6: {  	v3 =	vor.u32 s20, v0;
	v2 =	vld.idx.msk [tilespmem:v4+s9+$0x0], $0xffff;
	v4 =	vor.u32 s17, v5  }
0xb7: {  	v4 =	vor.u32 v26, v4;
	_ =	sdelay $0x2  }
0xb8: {  	v5 =	vbroadcast v1, $0x6  }
0xb9: {  	s21 =	sadd.s32 $0xFFFFF960, s14;
	[tilespmem:v3+s12+$0x0] =	vst.idx.msk $0xffff, v2  }
0xba: {  	v3 =	vor.u32 s21, v0;
	v2 =	vld.idx.msk [tilespmem:v4+s9+$0x0], $0xffff;
	v4 =	vor.u32 s17, v5  }
0xbb: {  	v4 =	vor.u32 v27, v4;
	_ =	sdelay $0x2  }
0xbc: {  	v5 =	vbroadcast v1, $0x7  }
0xbd: {  	s22 =	sadd.s32 $0xFFFFF970, s14;
	[tilespmem:v3+s12+$0x0] =	vst.idx.msk $0xffff, v2  }
0xbe: {  	v3 =	vor.u32 s22, v0;
	v2 =	vld.idx.msk [tilespmem:v4+s9+$0x0], $0xffff;
	v4 =	vor.u32 s17, v5  }
0xbf: {  	v4 =	vor.u32 v28, v4;
	_ =	sdelay $0x2  }
0xc0: {  	v5 =	vbroadcast v1, $0x8  }
0xc1: {  	s23 =	sadd.s32 $0xFFFFF980, s14;
	[tilespmem:v3+s12+$0x0] =	vst.idx.msk $0xffff, v2  }
0xc2: {  	v3 =	vor.u32 s23, v0;
	v2 =	vld.idx.msk [tilespmem:v4+s9+$0x0], $0xffff;
	v4 =	vor.u32 s17, v5  }
0xc3: {  	v4 =	vor.u32 v29, v4;
	_ =	sdelay $0x2  }
0xc4: {  	v5 =	vbroadcast v1, $0x9  }
0xc5: {  	s24 =	sadd.s32 $0xFFFFF990, s14;
	[tilespmem:v3+s12+$0x0] =	vst.idx.msk $0xffff, v2  }
0xc6: {  	v3 =	vor.u32 s24, v0;
	v2 =	vld.idx.msk [tilespmem:v4+s9+$0x0], $0xffff;
	v4 =	vor.u32 s17, v5  }
0xc7: {  	v4 =	vor.u32 v30, v4;
	_ =	sdelay $0x2  }
0xc8: {  	v5 =	vbroadcast v1, $0xA  }
0xc9: {  	s25 =	sadd.s32 $0xFFFFF9A0, s14;
	[tilespmem:v3+s12+$0x0] =	vst.idx.msk $0xffff, v2  }
0xca: {  	v3 =	vor.u32 s25, v0;
	v2 =	vld.idx.msk [tilespmem:v4+s9+$0x0], $0xffff;
	v4 =	vor.u32 s17, v5  }
0xcb: {  	v4 =	vor.u32 v31, v4;
	_ =	sdelay $0x2  }
0xcc: {  	v5 =	vbroadcast v1, $0xB  }
0xcd: {  	s26 =	sadd.s32 $0xFFFFF9B0, s14;
	[tilespmem:v3+s12+$0x0] =	vst.idx.msk $0xffff, v2  }
0xce: {  	v3 =	vor.u32 s26, v0;
	v2 =	vld.idx.msk [tilespmem:v4+s9+$0x0], $0xffff;
	v4 =	vor.u32 s17, v5  }
0xcf: {  	v4 =	vor.u32 v32, v4;
	_ =	sdelay $0x2  }
0xd0: {  	v5 =	vbroadcast v1, $0xC  }
0xd1: {  	s28 =	sadd.s32 $0xFFFFF9C0, s14;
	[tilespmem:v3+s12+$0x0] =	vst.idx.msk $0xffff, v2  }
0xd2: {  	v3 =	vor.u32 s28, v0;
	v2 =	vld.idx.msk [tilespmem:v4+s9+$0x0], $0xffff;
	v4 =	vor.u32 s17, v5  }
0xd3: {  	v4 =	vor.u32 v33, v4;
	_ =	sdelay $0x2  }
0xd4: {  	v5 =	vbroadcast v1, $0xD  }
0xd5: {  	s29 =	sadd.s32 $0xFFFFF9D0, s14;
	[tilespmem:v3+s12+$0x0] =	vst.idx.msk $0xffff, v2  }
0xd6: {  	v3 =	vor.u32 s29, v0;
	v2 =	vld.idx.msk [tilespmem:v4+s9+$0x0], $0xffff;
	v4 =	vor.u32 s17, v5  }
0xd7: {  	v4 =	vor.u32 v34, v4;
	_ =	sdelay $0x2  }
0xd8: {  	v5 =	vbroadcast v1, $0xE  }
0xd9: {  	s30 =	sadd.s32 $0xFFFFF9E0, s14;
	[tilespmem:v3+s12+$0x0] =	vst.idx.msk $0xffff, v2  }
0xda: {  	v3 =	vor.u32 s30, v0;
	v2 =	vld.idx.msk [tilespmem:v4+s9+$0x0], $0xffff;
	v4 =	vor.u32 s17, v5  }
0xdb: {  	v4 =	vor.u32 v35, v4;
	_ =	sdelay $0x2  }
0xdc: {  	v1 =	vbroadcast v1, $0xF  }
0xdd: {  	s31 =	sadd.s32 $0xFFFFF9F0, s14;
	[tilespmem:v3+s12+$0x0] =	vst.idx.msk $0xffff, v2  }
0xde: {  	v1 =	vor.u32 s17, v1;
	v3 =	vor.u32 s31, v0;
	v2 =	vld.idx.msk [tilespmem:v4+s9+$0x0], $0xffff  }
0xdf: {  	v1 =	vor.u32 v36, v1;
	_ =	sdelay $0x3  }
0xe0: {  	s19 =	sadd.s32 $0xFFFFFA00, s14;
	[tilespmem:v3+s12+$0x0] =	vst.idx.msk $0xffff, v2  }
0xe1: {  	v2 =	vor.u32 s19, v0;
	v1 =	vld.idx.msk [tilespmem:v1+s9+$0x0], $0xffff;
	_ =	sdelay $0x4  }
0xe2: {  	[tilespmem:v2+s12+$0x0] =	vst.idx.msk $0xffff, v1  }
0xe3: {  	v1 =	vld [tilespmem:s15+$0xFFFFFFA0];
	_ =	sdelay $0x4  }
0xe4: {  	v1 =	vshll.u32 v1, $0x4  }
0xe5: {  	v1 =	vand.u32 $0x70, v1  }
0xe6: {  	v2 =	vor.u32 s17, v1  }
0xe7: {  	v2 =	vbroadcast v2, $0x0;
	_ =	sdelay $0x1  }
0xe8: {  	v2 =	vor.u32 v37, v2;
	_ =	sdelay $0x2  }
0xe9: {  	v3 =	vbroadcast v1, $0x1  }
0xea: {  	s20 =	sadd.s32 $0xFFFFFA10, s14  }
0xeb: {  	v4 =	vor.u32 s20, v0;
	v3 =	vor.u32 s17, v3;
	v2 =	vld.idx.msk [tilespmem:v2+s9+$0x0], $0xffff  }
0xec: {  	v3 =	vor.u32 v38, v3;
	_ =	sdelay $0x2  }
0xed: {  	v5 =	vbroadcast v1, $0x2  }
0xee: {  	s21 =	sadd.s32 $0xFFFFFA20, s14;
	[tilespmem:v4+s12+$0x0] =	vst.idx.msk $0xffff, v2  }
0xef: {  	v4 =	vor.u32 s17, v5;
	v2 =	vld.idx.msk [tilespmem:v3+s9+$0x0], $0xffff;
	v3 =	vor.u32 s21, v0  }
0xf0: {  	v4 =	vor.u32 v39, v4;
	_ =	sdelay $0x2  }
0xf1: {  	v5 =	vbroadcast v1, $0x3  }
0xf2: {  	s22 =	sadd.s32 $0xFFFFFA30, s14;
	[tilespmem:v3+s12+$0x0] =	vst.idx.msk $0xffff, v2  }
0xf3: {  	v3 =	vor.u32 s22, v0;
	v2 =	vld.idx.msk [tilespmem:v4+s9+$0x0], $0xffff;
	v4 =	vor.u32 s17, v5  }
0xf4: {  	v4 =	vor.u32 v40, v4;
	_ =	sdelay $0x2  }
0xf5: {  	v5 =	vbroadcast v1, $0x4  }
0xf6: {  	s23 =	sadd.s32 $0xFFFFFA40, s14;
	[tilespmem:v3+s12+$0x0] =	vst.idx.msk $0xffff, v2  }
0xf7: {  	v3 =	vor.u32 s23, v0;
	v2 =	vld.idx.msk [tilespmem:v4+s9+$0x0], $0xffff;
	v4 =	vor.u32 s17, v5  }
0xf8: {  	v4 =	vor.u32 v41, v4;
	_ =	sdelay $0x2  }
0xf9: {  	v5 =	vbroadcast v1, $0x5  }
0xfa: {  	s24 =	sadd.s32 $0xFFFFFA50, s14;
	[tilespmem:v3+s12+$0x0] =	vst.idx.msk $0xffff, v2  }
0xfb: {  	v3 =	vor.u32 s24, v0;
	v2 =	vld.idx.msk [tilespmem:v4+s9+$0x0], $0xffff;
	v4 =	vor.u32 s17, v5  }
0xfc: {  	v4 =	vor.u32 v42, v4;
	_ =	sdelay $0x2  }
0xfd: {  	v5 =	vbroadcast v1, $0x6  }
0xfe: {  	s25 =	sadd.s32 $0xFFFFFA60, s14;
	[tilespmem:v3+s12+$0x0] =	vst.idx.msk $0xffff, v2  }
0xff: {  	v3 =	vor.u32 s25, v0;
	v2 =	vld.idx.msk [tilespmem:v4+s9+$0x0], $0xffff;
	v4 =	vor.u32 s17, v5  }
0x100: {  	v4 =	vor.u32 v43, v4;
	_ =	sdelay $0x2  }
0x101: {  	v5 =	vbroadcast v1, $0x7  }
0x102: {  	s26 =	sadd.s32 $0xFFFFFA70, s14;
	[tilespmem:v3+s12+$0x0] =	vst.idx.msk $0xffff, v2  }
0x103: {  	v3 =	vor.u32 s26, v0;
	v2 =	vld.idx.msk [tilespmem:v4+s9+$0x0], $0xffff;
	v4 =	vor.u32 s17, v5  }
0x104: {  	v4 =	vor.u32 v44, v4;
	_ =	sdelay $0x2  }
0x105: {  	v5 =	vbroadcast v1, $0x8  }
0x106: {  	s28 =	sadd.s32 $0xFFFFFA80, s14;
	[tilespmem:v3+s12+$0x0] =	vst.idx.msk $0xffff, v2  }
0x107: {  	v3 =	vor.u32 s28, v0;
	v2 =	vld.idx.msk [tilespmem:v4+s9+$0x0], $0xffff;
	v4 =	vor.u32 s17, v5  }
0x108: {  	v4 =	vor.u32 v45, v4;
	_ =	sdelay $0x2  }
0x109: {  	v5 =	vbroadcast v1, $0x9  }
0x10a: {  	s29 =	sadd.s32 $0xFFFFFA90, s14;
	[tilespmem:v3+s12+$0x0] =	vst.idx.msk $0xffff, v2  }
0x10b: {  	v3 =	vor.u32 s29, v0;
	v2 =	vld.idx.msk [tilespmem:v4+s9+$0x0], $0xffff;
	v4 =	vor.u32 s17, v5  }
0x10c: {  	v4 =	vor.u32 v46, v4;
	_ =	sdelay $0x2  }
0x10d: {  	v5 =	vbroadcast v1, $0xA  }
0x10e: {  	s30 =	sadd.s32 $0xFFFFFAA0, s14;
	[tilespmem:v3+s12+$0x0] =	vst.idx.msk $0xffff, v2  }
0x10f: {  	v3 =	vor.u32 s30, v0;
	v2 =	vld.idx.msk [tilespmem:v4+s9+$0x0], $0xffff;
	v4 =	vor.u32 s17, v5  }
0x110: {  	v4 =	vor.u32 v47, v4;
	_ =	sdelay $0x2  }
0x111: {  	v5 =	vbroadcast v1, $0xB  }
0x112: {  	s31 =	sadd.s32 $0xFFFFFAB0, s14;
	[tilespmem:v3+s12+$0x0] =	vst.idx.msk $0xffff, v2  }
0x113: {  	v3 =	vor.u32 s31, v0;
	v2 =	vld.idx.msk [tilespmem:v4+s9+$0x0], $0xffff;
	v4 =	vor.u32 s17, v5  }
0x114: {  	v4 =	vor.u32 v48, v4;
	_ =	sdelay $0x2  }
0x115: {  	v5 =	vbroadcast v1, $0xC  }
0x116: {  	s19 =	sadd.s32 $0xFFFFFAC0, s14;
	[tilespmem:v3+s12+$0x0] =	vst.idx.msk $0xffff, v2  }
0x117: {  	v3 =	vor.u32 s19, v0;
	v2 =	vld.idx.msk [tilespmem:v4+s9+$0x0], $0xffff;
	v4 =	vor.u32 s17, v5  }
0x118: {  	v4 =	vor.u32 v49, v4;
	_ =	sdelay $0x2  }
0x119: {  	v5 =	vbroadcast v1, $0xD  }
0x11a: {  	s20 =	sadd.s32 $0xFFFFFAD0, s14;
	[tilespmem:v3+s12+$0x0] =	vst.idx.msk $0xffff, v2  }
0x11b: {  	v3 =	vor.u32 s20, v0;
	v2 =	vld.idx.msk [tilespmem:v4+s9+$0x0], $0xffff;
	v4 =	vor.u32 s17, v5  }
0x11c: {  	v4 =	vor.u32 v50, v4;
	_ =	sdelay $0x2  }
0x11d: {  	v5 =	vbroadcast v1, $0xE  }
0x11e: {  	s21 =	sadd.s32 $0xFFFFFAE0, s14;
	[tilespmem:v3+s12+$0x0] =	vst.idx.msk $0xffff, v2  }
0x11f: {  	v3 =	vor.u32 s21, v0;
	v2 =	vld.idx.msk [tilespmem:v4+s9+$0x0], $0xffff;
	v4 =	vor.u32 s17, v5  }
0x120: {  	v4 =	vor.u32 v51, v4;
	_ =	sdelay $0x2  }
0x121: {  	v1 =	vbroadcast v1, $0xF  }
0x122: {  	s22 =	sadd.s32 $0xFFFFFAF0, s14;
	[tilespmem:v3+s12+$0x0] =	vst.idx.msk $0xffff, v2  }
0x123: {  	v1 =	vor.u32 s17, v1;
	v3 =	vor.u32 s22, v0;
	v2 =	vld.idx.msk [tilespmem:v4+s9+$0x0], $0xffff  }
0x124: {  	v1 =	vor.u32 v52, v1;
	_ =	sdelay $0x3  }
0x125: {  	s23 =	sadd.s32 $0xFFFFFB00, s14;
	[tilespmem:v3+s12+$0x0] =	vst.idx.msk $0xffff, v2  }
0x126: {  	v2 =	vor.u32 s23, v0;
	v1 =	vld.idx.msk [tilespmem:v1+s9+$0x0], $0xffff;
	_ =	sdelay $0x4  }
0x127: {  	[tilespmem:v2+s12+$0x0] =	vst.idx.msk $0xffff, v1  }
0x128: {  	v1 =	vld [tilespmem:s15+$0xFFFFFFB0];
	_ =	sdelay $0x4  }
0x129: {  	v1 =	vshll.u32 v1, $0x4  }
0x12a: {  	v1 =	vand.u32 $0x70, v1  }
0x12b: {  	v2 =	vor.u32 s17, v1  }
0x12c: {  	v2 =	vbroadcast v2, $0x0;
	_ =	sdelay $0x1  }
0x12d: {  	v2 =	vor.u32 v53, v2;
	_ =	sdelay $0x2  }
0x12e: {  	v3 =	vbroadcast v1, $0x1  }
0x12f: {  	s24 =	sadd.s32 $0xFFFFFB10, s14  }
0x130: {  	v4 =	vor.u32 s24, v0;
	v3 =	vor.u32 s17, v3;
	v2 =	vld.idx.msk [tilespmem:v2+s9+$0x0], $0xffff  }
0x131: {  	v3 =	vor.u32 v54, v3;
	_ =	sdelay $0x2  }
0x132: {  	v5 =	vbroadcast v1, $0x2  }
0x133: {  	s25 =	sadd.s32 $0xFFFFFB20, s14;
	[tilespmem:v4+s12+$0x0] =	vst.idx.msk $0xffff, v2  }
0x134: {  	v4 =	vor.u32 s17, v5;
	v2 =	vld.idx.msk [tilespmem:v3+s9+$0x0], $0xffff;
	v3 =	vor.u32 s25, v0  }
0x135: {  	v4 =	vor.u32 v55, v4;
	_ =	sdelay $0x2  }
0x136: {  	v5 =	vbroadcast v1, $0x3  }
0x137: {  	s26 =	sadd.s32 $0xFFFFFB30, s14;
	[tilespmem:v3+s12+$0x0] =	vst.idx.msk $0xffff, v2  }
0x138: {  	v3 =	vor.u32 s26, v0;
	v2 =	vld.idx.msk [tilespmem:v4+s9+$0x0], $0xffff;
	v4 =	vor.u32 s17, v5  }
0x139: {  	v4 =	vor.u32 v56, v4;
	_ =	sdelay $0x2  }
0x13a: {  	v5 =	vbroadcast v1, $0x4  }
0x13b: {  	s28 =	sadd.s32 $0xFFFFFB40, s14;
	[tilespmem:v3+s12+$0x0] =	vst.idx.msk $0xffff, v2  }
0x13c: {  	v3 =	vor.u32 s28, v0;
	v2 =	vld.idx.msk [tilespmem:v4+s9+$0x0], $0xffff;
	v4 =	vor.u32 s17, v5  }
0x13d: {  	v4 =	vor.u32 v57, v4;
	_ =	sdelay $0x2  }
0x13e: {  	v5 =	vbroadcast v1, $0x5  }
0x13f: {  	s29 =	sadd.s32 $0xFFFFFB50, s14;
	[tilespmem:v3+s12+$0x0] =	vst.idx.msk $0xffff, v2  }
0x140: {  	v3 =	vor.u32 s29, v0;
	v2 =	vld.idx.msk [tilespmem:v4+s9+$0x0], $0xffff;
	v4 =	vor.u32 s17, v5  }
0x141: {  	v4 =	vor.u32 v58, v4;
	_ =	sdelay $0x2  }
0x142: {  	v5 =	vbroadcast v1, $0x6  }
0x143: {  	s30 =	sadd.s32 $0xFFFFFB60, s14;
	[tilespmem:v3+s12+$0x0] =	vst.idx.msk $0xffff, v2  }
0x144: {  	v3 =	vor.u32 s30, v0;
	v2 =	vld.idx.msk [tilespmem:v4+s9+$0x0], $0xffff;
	v4 =	vor.u32 s17, v5  }
0x145: {  	v4 =	vor.u32 v59, v4;
	_ =	sdelay $0x2  }
0x146: {  	v5 =	vbroadcast v1, $0x7  }
0x147: {  	s31 =	sadd.s32 $0xFFFFFB70, s14;
	[tilespmem:v3+s12+$0x0] =	vst.idx.msk $0xffff, v2  }
0x148: {  	v3 =	vor.u32 s31, v0;
	v2 =	vld.idx.msk [tilespmem:v4+s9+$0x0], $0xffff;
	v4 =	vor.u32 s17, v5  }
0x149: {  	v4 =	vor.u32 v60, v4;
	_ =	sdelay $0x2  }
0x14a: {  	v5 =	vbroadcast v1, $0x8  }
0x14b: {  	s19 =	sadd.s32 $0xFFFFFB80, s14;
	[tilespmem:v3+s12+$0x0] =	vst.idx.msk $0xffff, v2  }
0x14c: {  	v3 =	vor.u32 s19, v0;
	v2 =	vld.idx.msk [tilespmem:v4+s9+$0x0], $0xffff;
	v4 =	vor.u32 s17, v5  }
0x14d: {  	v4 =	vor.u32 v61, v4;
	_ =	sdelay $0x2  }
0x14e: {  	v5 =	vbroadcast v1, $0x9  }
0x14f: {  	s20 =	sadd.s32 $0xFFFFFB90, s14;
	[tilespmem:v3+s12+$0x0] =	vst.idx.msk $0xffff, v2  }
0x150: {  	v3 =	vor.u32 s20, v0;
	v2 =	vld.idx.msk [tilespmem:v4+s9+$0x0], $0xffff;
	v4 =	vor.u32 s17, v5  }
0x151: {  	v4 =	vor.u32 v62, v4;
	_ =	sdelay $0x2  }
0x152: {  	v5 =	vbroadcast v1, $0xA  }
0x153: {  	s21 =	sadd.s32 $0xFFFFFBA0, s14;
	[tilespmem:v3+s12+$0x0] =	vst.idx.msk $0xffff, v2  }
0x154: {  	v3 =	vor.u32 s21, v0;
	v2 =	vld.idx.msk [tilespmem:v4+s9+$0x0], $0xffff;
	v4 =	vor.u32 s17, v5  }
0x155: {  	v4 =	vor.u32 v63, v4;
	_ =	sdelay $0x2  }
0x156: {  	v5 =	vbroadcast v1, $0xB  }
0x157: {  	s22 =	sadd.s32 $0xFFFFFBB0, s14;
	[tilespmem:v3+s12+$0x0] =	vst.idx.msk $0xffff, v2  }
0x158: {  	v3 =	vor.u32 s22, v0;
	v2 =	vld.idx.msk [tilespmem:v4+s9+$0x0], $0xffff;
	v4 =	vor.u32 s17, v5  }
0x159: {  	v4 =	vor.u32 v6, v4;
	_ =	sdelay $0x2  }
0x15a: {  	v5 =	vbroadcast v1, $0xC  }
0x15b: {  	s23 =	sadd.s32 $0xFFFFFBC0, s14;
	[tilespmem:v3+s12+$0x0] =	vst.idx.msk $0xffff, v2  }
0x15c: {  	v3 =	vor.u32 s23, v0;
	v2 =	vld.idx.msk [tilespmem:v4+s9+$0x0], $0xffff;
	v4 =	vor.u32 s17, v5  }
0x15d: {  	v4 =	vor.u32 v7, v4;
	_ =	sdelay $0x2  }
0x15e: {  	v5 =	vbroadcast v1, $0xD  }
0x15f: {  	s24 =	sadd.s32 $0xFFFFFBD0, s14;
	[tilespmem:v3+s12+$0x0] =	vst.idx.msk $0xffff, v2  }
0x160: {  	v3 =	vor.u32 s24, v0;
	v2 =	vld.idx.msk [tilespmem:v4+s9+$0x0], $0xffff;
	v4 =	vor.u32 s17, v5  }
0x161: {  	v4 =	vor.u32 v8, v4;
	_ =	sdelay $0x2  }
0x162: {  	v5 =	vbroadcast v1, $0xE  }
0x163: {  	s25 =	sadd.s32 $0xFFFFFBE0, s14;
	[tilespmem:v3+s12+$0x0] =	vst.idx.msk $0xffff, v2  }
0x164: {  	v3 =	vor.u32 s25, v0;
	v2 =	vld.idx.msk [tilespmem:v4+s9+$0x0], $0xffff;
	v4 =	vor.u32 s17, v5  }
0x165: {  	v4 =	vor.u32 v9, v4;
	_ =	sdelay $0x2  }
0x166: {  	v1 =	vbroadcast v1, $0xF  }
0x167: {  	s26 =	sadd.s32 $0xFFFFFBF0, s14;
	[tilespmem:v3+s12+$0x0] =	vst.idx.msk $0xffff, v2  }
0x168: {  	v1 =	vor.u32 s17, v1;
	v3 =	vor.u32 s26, v0;
	v2 =	vld.idx.msk [tilespmem:v4+s9+$0x0], $0xffff  }
0x169: {  	v1 =	vor.u32 v10, v1;
	_ =	sdelay $0x3  }
0x16a: {  	s28 =	sadd.s32 $0xFFFFFC00, s14;
	[tilespmem:v3+s12+$0x0] =	vst.idx.msk $0xffff, v2  }
0x16b: {  	v2 =	vor.u32 s28, v0;
	v1 =	vld.idx.msk [tilespmem:v1+s9+$0x0], $0xffff;
	_ =	sdelay $0x4  }
0x16c: {  	[tilespmem:v2+s12+$0x0] =	vst.idx.msk $0xffff, v1  }
0x16d: {  	v1 =	vld [tilespmem:s15+$0xFFFFFFC0];
	_ =	sdelay $0x4  }
0x16e: {  	v1 =	vshll.u32 v1, $0x4  }
0x16f: {  	v1 =	vand.u32 $0x70, v1  }
0x170: {  	v2 =	vor.u32 s17, v1  }
0x171: {  	v2 =	vbroadcast v2, $0x0  }
0x172: {  	v3 =	vor.u32 $0x2000, v0  }
0x173: {  	v2 =	vor.u32 v3, v2;
	_ =	sdelay $0x2  }
0x174: {  	v3 =	vbroadcast v1, $0x1  }
0x175: {  	s29 =	sadd.s32 $0xFFFFFC10, s14  }
0x176: {  	v5 =	vor.u32 $0x2080, v0;
	v4 =	vor.u32 s29, v0;
	v3 =	vor.u32 s17, v3;
	v2 =	vld.idx.msk [tilespmem:v2+s9+$0x0], $0xffff  }
0x177: {  	v3 =	vor.u32 v5, v3;
	_ =	sdelay $0x2  }
0x178: {  	v5 =	vbroadcast v1, $0x2  }
0x179: {  	s30 =	sadd.s32 $0xFFFFFC20, s14;
	[tilespmem:v4+s12+$0x0] =	vst.idx.msk $0xffff, v2  }
0x17a: {  	v4 =	vor.u32 s17, v5;
	v5 =	vor.u32 $0x2100, v0;
	v2 =	vld.idx.msk [tilespmem:v3+s9+$0x0], $0xffff;
	v3 =	vor.u32 s30, v0  }
0x17b: {  	v4 =	vor.u32 v5, v4;
	_ =	sdelay $0x2  }
0x17c: {  	v5 =	vbroadcast v1, $0x3  }
0x17d: {  	s31 =	sadd.s32 $0xFFFFFC30, s14;
	[tilespmem:v3+s12+$0x0] =	vst.idx.msk $0xffff, v2  }
0x17e: {  	v3 =	vor.u32 s31, v0;
	v2 =	vld.idx.msk [tilespmem:v4+s9+$0x0], $0xffff;
	v4 =	vor.u32 s17, v5;
	v5 =	vor.u32 $0x2180, v0  }
0x17f: {  	v4 =	vor.u32 v5, v4;
	_ =	sdelay $0x2  }
0x180: {  	v5 =	vbroadcast v1, $0x4  }
0x181: {  	s19 =	sadd.s32 $0xFFFFFC40, s14;
	[tilespmem:v3+s12+$0x0] =	vst.idx.msk $0xffff, v2  }
0x182: {  	v3 =	vor.u32 s19, v0;
	v2 =	vld.idx.msk [tilespmem:v4+s9+$0x0], $0xffff;
	v4 =	vor.u32 s17, v5;
	v5 =	vor.u32 $0x2200, v0  }
0x183: {  	v4 =	vor.u32 v5, v4;
	_ =	sdelay $0x2  }
0x184: {  	v5 =	vbroadcast v1, $0x5  }
0x185: {  	s20 =	sadd.s32 $0xFFFFFC50, s14;
	[tilespmem:v3+s12+$0x0] =	vst.idx.msk $0xffff, v2  }
0x186: {  	v3 =	vor.u32 s20, v0;
	v2 =	vld.idx.msk [tilespmem:v4+s9+$0x0], $0xffff;
	v4 =	vor.u32 s17, v5;
	v5 =	vor.u32 $0x2280, v0  }
0x187: {  	v4 =	vor.u32 v5, v4;
	_ =	sdelay $0x2  }
0x188: {  	v5 =	vbroadcast v1, $0x6  }
0x189: {  	s21 =	sadd.s32 $0xFFFFFC60, s14;
	[tilespmem:v3+s12+$0x0] =	vst.idx.msk $0xffff, v2  }
0x18a: {  	v3 =	vor.u32 s21, v0;
	v2 =	vld.idx.msk [tilespmem:v4+s9+$0x0], $0xffff;
	v4 =	vor.u32 s17, v5;
	v5 =	vor.u32 $0x2300, v0  }
0x18b: {  	v4 =	vor.u32 v5, v4;
	_ =	sdelay $0x2  }
0x18c: {  	v5 =	vbroadcast v1, $0x7  }
0x18d: {  	s22 =	sadd.s32 $0xFFFFFC70, s14;
	[tilespmem:v3+s12+$0x0] =	vst.idx.msk $0xffff, v2  }
0x18e: {  	v3 =	vor.u32 s22, v0;
	v2 =	vld.idx.msk [tilespmem:v4+s9+$0x0], $0xffff;
	v4 =	vor.u32 s17, v5;
	v5 =	vor.u32 $0x2380, v0  }
0x18f: {  	v4 =	vor.u32 v5, v4;
	_ =	sdelay $0x2  }
0x190: {  	v5 =	vbroadcast v1, $0x8  }
0x191: {  	s23 =	sadd.s32 $0xFFFFFC80, s14;
	[tilespmem:v3+s12+$0x0] =	vst.idx.msk $0xffff, v2  }
0x192: {  	v3 =	vor.u32 s23, v0;
	v2 =	vld.idx.msk [tilespmem:v4+s9+$0x0], $0xffff;
	v4 =	vor.u32 s17, v5;
	v5 =	vor.u32 $0x2400, v0  }
0x193: {  	v4 =	vor.u32 v5, v4;
	_ =	sdelay $0x2  }
0x194: {  	v5 =	vbroadcast v1, $0x9  }
0x195: {  	s24 =	sadd.s32 $0xFFFFFC90, s14;
	[tilespmem:v3+s12+$0x0] =	vst.idx.msk $0xffff, v2  }
0x196: {  	v3 =	vor.u32 s24, v0;
	v2 =	vld.idx.msk [tilespmem:v4+s9+$0x0], $0xffff;
	v4 =	vor.u32 s17, v5;
	v5 =	vor.u32 $0x2480, v0  }
0x197: {  	v4 =	vor.u32 v5, v4;
	_ =	sdelay $0x2  }
0x198: {  	v5 =	vbroadcast v1, $0xA  }
0x199: {  	s25 =	sadd.s32 $0xFFFFFCA0, s14;
	[tilespmem:v3+s12+$0x0] =	vst.idx.msk $0xffff, v2  }
0x19a: {  	v3 =	vor.u32 s25, v0;
	v2 =	vld.idx.msk [tilespmem:v4+s9+$0x0], $0xffff;
	v4 =	vor.u32 s17, v5;
	v5 =	vor.u32 $0x2500, v0  }
0x19b: {  	v4 =	vor.u32 v5, v4;
	_ =	sdelay $0x2  }
0x19c: {  	v5 =	vbroadcast v1, $0xB  }
0x19d: {  	s26 =	sadd.s32 $0xFFFFFCB0, s14;
	[tilespmem:v3+s12+$0x0] =	vst.idx.msk $0xffff, v2  }
0x19e: {  	v3 =	vor.u32 s26, v0;
	v2 =	vld.idx.msk [tilespmem:v4+s9+$0x0], $0xffff;
	v4 =	vor.u32 s17, v5;
	v5 =	vor.u32 $0x2580, v0  }
0x19f: {  	v4 =	vor.u32 v5, v4;
	_ =	sdelay $0x2  }
0x1a0: {  	v5 =	vbroadcast v1, $0xC  }
0x1a1: {  	s28 =	sadd.s32 $0xFFFFFCC0, s14;
	[tilespmem:v3+s12+$0x0] =	vst.idx.msk $0xffff, v2  }
0x1a2: {  	v3 =	vor.u32 s28, v0;
	v2 =	vld.idx.msk [tilespmem:v4+s9+$0x0], $0xffff;
	v4 =	vor.u32 s17, v5;
	v5 =	vor.u32 $0x2600, v0  }
0x1a3: {  	v4 =	vor.u32 v5, v4;
	_ =	sdelay $0x2  }
0x1a4: {  	v5 =	vbroadcast v1, $0xD  }
0x1a5: {  	s29 =	sadd.s32 $0xFFFFFCD0, s14;
	[tilespmem:v3+s12+$0x0] =	vst.idx.msk $0xffff, v2  }
0x1a6: {  	v3 =	vor.u32 s29, v0;
	v2 =	vld.idx.msk [tilespmem:v4+s9+$0x0], $0xffff;
	v4 =	vor.u32 s17, v5;
	v5 =	vor.u32 $0x2680, v0  }
0x1a7: {  	v4 =	vor.u32 v5, v4;
	_ =	sdelay $0x2  }
0x1a8: {  	v5 =	vbroadcast v1, $0xE  }
0x1a9: {  	s30 =	sadd.s32 $0xFFFFFCE0, s14;
	[tilespmem:v3+s12+$0x0] =	vst.idx.msk $0xffff, v2  }
0x1aa: {  	v3 =	vor.u32 s30, v0;
	v2 =	vld.idx.msk [tilespmem:v4+s9+$0x0], $0xffff;
	v4 =	vor.u32 s17, v5;
	v5 =	vor.u32 $0x2700, v0  }
0x1ab: {  	v4 =	vor.u32 v5, v4;
	_ =	sdelay $0x2  }
0x1ac: {  	v1 =	vbroadcast v1, $0xF  }
0x1ad: {  	s31 =	sadd.s32 $0xFFFFFCF0, s14;
	[tilespmem:v3+s12+$0x0] =	vst.idx.msk $0xffff, v2  }
0x1ae: {  	v1 =	vor.u32 s17, v1;
	v3 =	vor.u32 s31, v0;
	v2 =	vld.idx.msk [tilespmem:v4+s9+$0x0], $0xffff;
	v4 =	vor.u32 $0x2780, v0  }
0x1af: {  	v1 =	vor.u32 v4, v1;
	_ =	sdelay $0x3  }
0x1b0: {  	s19 =	sadd.s32 $0xFFFFFD00, s14;
	[tilespmem:v3+s12+$0x0] =	vst.idx.msk $0xffff, v2  }
0x1b1: {  	v2 =	vor.u32 s19, v0;
	v1 =	vld.idx.msk [tilespmem:v1+s9+$0x0], $0xffff;
	_ =	sdelay $0x4  }
0x1b2: {  	[tilespmem:v2+s12+$0x0] =	vst.idx.msk $0xffff, v1  }
0x1b3: {  	v1 =	vld [tilespmem:s15+$0xFFFFFFD0];
	_ =	sdelay $0x4  }
0x1b4: {  	v1 =	vshll.u32 v1, $0x4  }
0x1b5: {  	v1 =	vand.u32 $0x70, v1  }
0x1b6: {  	v2 =	vor.u32 s17, v1  }
0x1b7: {  	v2 =	vbroadcast v2, $0x0  }
0x1b8: {  	v3 =	vor.u32 $0x2800, v0  }
0x1b9: {  	v2 =	vor.u32 v3, v2;
	_ =	sdelay $0x2  }
0x1ba: {  	v3 =	vbroadcast v1, $0x1  }
0x1bb: {  	s20 =	sadd.s32 $0xFFFFFD10, s14  }
0x1bc: {  	v5 =	vor.u32 $0x2880, v0;
	v4 =	vor.u32 s20, v0;
	v3 =	vor.u32 s17, v3;
	v2 =	vld.idx.msk [tilespmem:v2+s9+$0x0], $0xffff  }
0x1bd: {  	v3 =	vor.u32 v5, v3;
	_ =	sdelay $0x2  }
0x1be: {  	v5 =	vbroadcast v1, $0x2  }
0x1bf: {  	s21 =	sadd.s32 $0xFFFFFD20, s14;
	[tilespmem:v4+s12+$0x0] =	vst.idx.msk $0xffff, v2  }
0x1c0: {  	v4 =	vor.u32 s17, v5;
	v5 =	vor.u32 $0x2900, v0;
	v2 =	vld.idx.msk [tilespmem:v3+s9+$0x0], $0xffff;
	v3 =	vor.u32 s21, v0  }
0x1c1: {  	v4 =	vor.u32 v5, v4;
	_ =	sdelay $0x2  }
0x1c2: {  	v5 =	vbroadcast v1, $0x3  }
0x1c3: {  	s22 =	sadd.s32 $0xFFFFFD30, s14;
	[tilespmem:v3+s12+$0x0] =	vst.idx.msk $0xffff, v2  }
0x1c4: {  	v3 =	vor.u32 s22, v0;
	v2 =	vld.idx.msk [tilespmem:v4+s9+$0x0], $0xffff;
	v4 =	vor.u32 s17, v5;
	v5 =	vor.u32 $0x2980, v0  }
0x1c5: {  	v4 =	vor.u32 v5, v4;
	_ =	sdelay $0x2  }
0x1c6: {  	v5 =	vbroadcast v1, $0x4  }
0x1c7: {  	s23 =	sadd.s32 $0xFFFFFD40, s14;
	[tilespmem:v3+s12+$0x0] =	vst.idx.msk $0xffff, v2  }
0x1c8: {  	v3 =	vor.u32 s23, v0;
	v2 =	vld.idx.msk [tilespmem:v4+s9+$0x0], $0xffff;
	v4 =	vor.u32 s17, v5;
	v5 =	vor.u32 $0x2A00, v0  }
0x1c9: {  	v4 =	vor.u32 v5, v4;
	_ =	sdelay $0x2  }
0x1ca: {  	v5 =	vbroadcast v1, $0x5  }
0x1cb: {  	s24 =	sadd.s32 $0xFFFFFD50, s14;
	[tilespmem:v3+s12+$0x0] =	vst.idx.msk $0xffff, v2  }
0x1cc: {  	v3 =	vor.u32 s24, v0;
	v2 =	vld.idx.msk [tilespmem:v4+s9+$0x0], $0xffff;
	v4 =	vor.u32 s17, v5;
	v5 =	vor.u32 $0x2A80, v0  }
0x1cd: {  	v4 =	vor.u32 v5, v4;
	_ =	sdelay $0x2  }
0x1ce: {  	v5 =	vbroadcast v1, $0x6  }
0x1cf: {  	s25 =	sadd.s32 $0xFFFFFD60, s14;
	[tilespmem:v3+s12+$0x0] =	vst.idx.msk $0xffff, v2  }
0x1d0: {  	v3 =	vor.u32 s25, v0;
	v2 =	vld.idx.msk [tilespmem:v4+s9+$0x0], $0xffff;
	v4 =	vor.u32 s17, v5;
	v5 =	vor.u32 $0x2B00, v0  }
0x1d1: {  	v4 =	vor.u32 v5, v4;
	_ =	sdelay $0x2  }
0x1d2: {  	v5 =	vbroadcast v1, $0x7  }
0x1d3: {  	s26 =	sadd.s32 $0xFFFFFD70, s14;
	[tilespmem:v3+s12+$0x0] =	vst.idx.msk $0xffff, v2  }
0x1d4: {  	v3 =	vor.u32 s26, v0;
	v2 =	vld.idx.msk [tilespmem:v4+s9+$0x0], $0xffff;
	v4 =	vor.u32 s17, v5;
	v5 =	vor.u32 $0x2B80, v0  }
0x1d5: {  	v4 =	vor.u32 v5, v4;
	_ =	sdelay $0x2  }
0x1d6: {  	v5 =	vbroadcast v1, $0x8  }
0x1d7: {  	s28 =	sadd.s32 $0xFFFFFD80, s14;
	[tilespmem:v3+s12+$0x0] =	vst.idx.msk $0xffff, v2  }
0x1d8: {  	v3 =	vor.u32 s28, v0;
	v2 =	vld.idx.msk [tilespmem:v4+s9+$0x0], $0xffff;
	v4 =	vor.u32 s17, v5;
	v5 =	vor.u32 $0x2C00, v0  }
0x1d9: {  	v4 =	vor.u32 v5, v4;
	_ =	sdelay $0x2  }
0x1da: {  	v5 =	vbroadcast v1, $0x9  }
0x1db: {  	s29 =	sadd.s32 $0xFFFFFD90, s14;
	[tilespmem:v3+s12+$0x0] =	vst.idx.msk $0xffff, v2  }
0x1dc: {  	v3 =	vor.u32 s29, v0;
	v2 =	vld.idx.msk [tilespmem:v4+s9+$0x0], $0xffff;
	v4 =	vor.u32 s17, v5;
	v5 =	vor.u32 $0x2C80, v0  }
0x1dd: {  	v4 =	vor.u32 v5, v4;
	_ =	sdelay $0x2  }
0x1de: {  	v5 =	vbroadcast v1, $0xA  }
0x1df: {  	s30 =	sadd.s32 $0xFFFFFDA0, s14;
	[tilespmem:v3+s12+$0x0] =	vst.idx.msk $0xffff, v2  }
0x1e0: {  	v3 =	vor.u32 s30, v0;
	v2 =	vld.idx.msk [tilespmem:v4+s9+$0x0], $0xffff;
	v4 =	vor.u32 s17, v5;
	v5 =	vor.u32 $0x2D00, v0  }
0x1e1: {  	v4 =	vor.u32 v5, v4;
	_ =	sdelay $0x2  }
0x1e2: {  	v5 =	vbroadcast v1, $0xB  }
0x1e3: {  	s31 =	sadd.s32 $0xFFFFFDB0, s14;
	[tilespmem:v3+s12+$0x0] =	vst.idx.msk $0xffff, v2  }
0x1e4: {  	v3 =	vor.u32 s31, v0;
	v2 =	vld.idx.msk [tilespmem:v4+s9+$0x0], $0xffff;
	v4 =	vor.u32 s17, v5;
	v5 =	vor.u32 $0x2D80, v0  }
0x1e5: {  	v4 =	vor.u32 v5, v4;
	_ =	sdelay $0x2  }
0x1e6: {  	v5 =	vbroadcast v1, $0xC  }
0x1e7: {  	s19 =	sadd.s32 $0xFFFFFDC0, s14;
	[tilespmem:v3+s12+$0x0] =	vst.idx.msk $0xffff, v2  }
0x1e8: {  	v3 =	vor.u32 s19, v0;
	v2 =	vld.idx.msk [tilespmem:v4+s9+$0x0], $0xffff;
	v4 =	vor.u32 s17, v5;
	v5 =	vor.u32 $0x2E00, v0  }
0x1e9: {  	v4 =	vor.u32 v5, v4;
	_ =	sdelay $0x2  }
0x1ea: {  	v5 =	vbroadcast v1, $0xD  }
0x1eb: {  	s20 =	sadd.s32 $0xFFFFFDD0, s14;
	[tilespmem:v3+s12+$0x0] =	vst.idx.msk $0xffff, v2  }
0x1ec: {  	v3 =	vor.u32 s20, v0;
	v2 =	vld.idx.msk [tilespmem:v4+s9+$0x0], $0xffff;
	v4 =	vor.u32 s17, v5;
	v5 =	vor.u32 $0x2E80, v0  }
0x1ed: {  	v4 =	vor.u32 v5, v4;
	_ =	sdelay $0x2  }
0x1ee: {  	v5 =	vbroadcast v1, $0xE  }
0x1ef: {  	s21 =	sadd.s32 $0xFFFFFDE0, s14;
	[tilespmem:v3+s12+$0x0] =	vst.idx.msk $0xffff, v2  }
0x1f0: {  	v3 =	vor.u32 s21, v0;
	v2 =	vld.idx.msk [tilespmem:v4+s9+$0x0], $0xffff;
	v4 =	vor.u32 s17, v5;
	v5 =	vor.u32 $0x2F00, v0  }
0x1f1: {  	v4 =	vor.u32 v5, v4;
	_ =	sdelay $0x2  }
0x1f2: {  	v1 =	vbroadcast v1, $0xF  }
0x1f3: {  	s22 =	sadd.s32 $0xFFFFFDF0, s14;
	[tilespmem:v3+s12+$0x0] =	vst.idx.msk $0xffff, v2  }
0x1f4: {  	v1 =	vor.u32 s17, v1;
	v3 =	vor.u32 s22, v0;
	v2 =	vld.idx.msk [tilespmem:v4+s9+$0x0], $0xffff;
	v4 =	vor.u32 $0x2F80, v0  }
0x1f5: {  	v1 =	vor.u32 v4, v1;
	_ =	sdelay $0x3  }
0x1f6: {  	s23 =	sadd.s32 $0xFFFFFE00, s14;
	[tilespmem:v3+s12+$0x0] =	vst.idx.msk $0xffff, v2  }
0x1f7: {  	v2 =	vor.u32 s23, v0;
	v1 =	vld.idx.msk [tilespmem:v1+s9+$0x0], $0xffff;
	_ =	sdelay $0x4  }
0x1f8: {  	[tilespmem:v2+s12+$0x0] =	vst.idx.msk $0xffff, v1  }
0x1f9: {  	v1 =	vld [tilespmem:s15+$0xFFFFFFE0];
	_ =	sdelay $0x4  }
0x1fa: {  	v1 =	vshll.u32 v1, $0x4  }
0x1fb: {  	v1 =	vand.u32 $0x70, v1  }
0x1fc: {  	v2 =	vor.u32 s17, v1  }
0x1fd: {  	v2 =	vbroadcast v2, $0x0  }
0x1fe: {  	v3 =	vor.u32 $0x3000, v0  }
0x1ff: {  	v2 =	vor.u32 v3, v2;
	_ =	sdelay $0x2  }
0x200: {  	v3 =	vbroadcast v1, $0x1  }
0x201: {  	s24 =	sadd.s32 $0xFFFFFE10, s14  }
0x202: {  	v5 =	vor.u32 $0x3080, v0;
	v4 =	vor.u32 s24, v0;
	v3 =	vor.u32 s17, v3;
	v2 =	vld.idx.msk [tilespmem:v2+s9+$0x0], $0xffff  }
0x203: {  	v3 =	vor.u32 v5, v3;
	_ =	sdelay $0x2  }
0x204: {  	v5 =	vbroadcast v1, $0x2  }
0x205: {  	s25 =	sadd.s32 $0xFFFFFE20, s14;
	[tilespmem:v4+s12+$0x0] =	vst.idx.msk $0xffff, v2  }
0x206: {  	v4 =	vor.u32 s17, v5;
	v5 =	vor.u32 $0x3100, v0;
	v2 =	vld.idx.msk [tilespmem:v3+s9+$0x0], $0xffff;
	v3 =	vor.u32 s25, v0  }
0x207: {  	v4 =	vor.u32 v5, v4;
	_ =	sdelay $0x2  }
0x208: {  	v5 =	vbroadcast v1, $0x3  }
0x209: {  	s26 =	sadd.s32 $0xFFFFFE30, s14;
	[tilespmem:v3+s12+$0x0] =	vst.idx.msk $0xffff, v2  }
0x20a: {  	v3 =	vor.u32 s26, v0;
	v2 =	vld.idx.msk [tilespmem:v4+s9+$0x0], $0xffff;
	v4 =	vor.u32 s17, v5;
	v5 =	vor.u32 $0x3180, v0  }
0x20b: {  	v4 =	vor.u32 v5, v4;
	_ =	sdelay $0x2  }
0x20c: {  	v5 =	vbroadcast v1, $0x4  }
0x20d: {  	s28 =	sadd.s32 $0xFFFFFE40, s14;
	[tilespmem:v3+s12+$0x0] =	vst.idx.msk $0xffff, v2  }
0x20e: {  	v3 =	vor.u32 s28, v0;
	v2 =	vld.idx.msk [tilespmem:v4+s9+$0x0], $0xffff;
	v4 =	vor.u32 s17, v5;
	v5 =	vor.u32 $0x3200, v0  }
0x20f: {  	v4 =	vor.u32 v5, v4;
	_ =	sdelay $0x2  }
0x210: {  	v5 =	vbroadcast v1, $0x5  }
0x211: {  	s29 =	sadd.s32 $0xFFFFFE50, s14;
	[tilespmem:v3+s12+$0x0] =	vst.idx.msk $0xffff, v2  }
0x212: {  	v3 =	vor.u32 s29, v0;
	v2 =	vld.idx.msk [tilespmem:v4+s9+$0x0], $0xffff;
	v4 =	vor.u32 s17, v5;
	v5 =	vor.u32 $0x3280, v0  }
0x213: {  	v4 =	vor.u32 v5, v4;
	_ =	sdelay $0x2  }
0x214: {  	v5 =	vbroadcast v1, $0x6  }
0x215: {  	s30 =	sadd.s32 $0xFFFFFE60, s14;
	[tilespmem:v3+s12+$0x0] =	vst.idx.msk $0xffff, v2  }
0x216: {  	v3 =	vor.u32 s30, v0;
	v2 =	vld.idx.msk [tilespmem:v4+s9+$0x0], $0xffff;
	v4 =	vor.u32 s17, v5;
	v5 =	vor.u32 $0x3300, v0  }
0x217: {  	v4 =	vor.u32 v5, v4;
	_ =	sdelay $0x2  }
0x218: {  	v5 =	vbroadcast v1, $0x7  }
0x219: {  	s31 =	sadd.s32 $0xFFFFFE70, s14;
	[tilespmem:v3+s12+$0x0] =	vst.idx.msk $0xffff, v2  }
0x21a: {  	v3 =	vor.u32 s31, v0;
	v2 =	vld.idx.msk [tilespmem:v4+s9+$0x0], $0xffff;
	v4 =	vor.u32 s17, v5;
	v5 =	vor.u32 $0x3380, v0  }
0x21b: {  	v4 =	vor.u32 v5, v4;
	_ =	sdelay $0x2  }
0x21c: {  	v5 =	vbroadcast v1, $0x8  }
0x21d: {  	s19 =	sadd.s32 $0xFFFFFE80, s14;
	[tilespmem:v3+s12+$0x0] =	vst.idx.msk $0xffff, v2  }
0x21e: {  	v3 =	vor.u32 s19, v0;
	v2 =	vld.idx.msk [tilespmem:v4+s9+$0x0], $0xffff;
	v4 =	vor.u32 s17, v5;
	v5 =	vor.u32 $0x3400, v0  }
0x21f: {  	v4 =	vor.u32 v5, v4;
	_ =	sdelay $0x2  }
0x220: {  	v5 =	vbroadcast v1, $0x9  }
0x221: {  	s20 =	sadd.s32 $0xFFFFFE90, s14;
	[tilespmem:v3+s12+$0x0] =	vst.idx.msk $0xffff, v2  }
0x222: {  	v3 =	vor.u32 s20, v0;
	v2 =	vld.idx.msk [tilespmem:v4+s9+$0x0], $0xffff;
	v4 =	vor.u32 s17, v5;
	v5 =	vor.u32 $0x3480, v0  }
0x223: {  	v4 =	vor.u32 v5, v4;
	_ =	sdelay $0x2  }
0x224: {  	v5 =	vbroadcast v1, $0xA  }
0x225: {  	s21 =	sadd.s32 $0xFFFFFEA0, s14;
	[tilespmem:v3+s12+$0x0] =	vst.idx.msk $0xffff, v2  }
0x226: {  	v3 =	vor.u32 s21, v0;
	v2 =	vld.idx.msk [tilespmem:v4+s9+$0x0], $0xffff;
	v4 =	vor.u32 s17, v5;
	v5 =	vor.u32 $0x3500, v0  }
0x227: {  	v4 =	vor.u32 v5, v4;
	_ =	sdelay $0x2  }
0x228: {  	v5 =	vbroadcast v1, $0xB  }
0x229: {  	s22 =	sadd.s32 $0xFFFFFEB0, s14;
	[tilespmem:v3+s12+$0x0] =	vst.idx.msk $0xffff, v2  }
0x22a: {  	v3 =	vor.u32 s22, v0;
	v2 =	vld.idx.msk [tilespmem:v4+s9+$0x0], $0xffff;
	v4 =	vor.u32 s17, v5;
	v5 =	vor.u32 $0x3580, v0  }
0x22b: {  	v4 =	vor.u32 v5, v4;
	_ =	sdelay $0x2  }
0x22c: {  	v5 =	vbroadcast v1, $0xC  }
0x22d: {  	s23 =	sadd.s32 $0xFFFFFEC0, s14;
	[tilespmem:v3+s12+$0x0] =	vst.idx.msk $0xffff, v2  }
0x22e: {  	v3 =	vor.u32 s23, v0;
	v2 =	vld.idx.msk [tilespmem:v4+s9+$0x0], $0xffff;
	v4 =	vor.u32 s17, v5;
	v5 =	vor.u32 $0x3600, v0  }
0x22f: {  	v4 =	vor.u32 v5, v4;
	_ =	sdelay $0x2  }
0x230: {  	v5 =	vbroadcast v1, $0xD  }
0x231: {  	s24 =	sadd.s32 $0xFFFFFED0, s14;
	[tilespmem:v3+s12+$0x0] =	vst.idx.msk $0xffff, v2  }
0x232: {  	v3 =	vor.u32 s24, v0;
	v2 =	vld.idx.msk [tilespmem:v4+s9+$0x0], $0xffff;
	v4 =	vor.u32 s17, v5;
	v5 =	vor.u32 $0x3680, v0  }
0x233: {  	v4 =	vor.u32 v5, v4;
	_ =	sdelay $0x2  }
0x234: {  	v5 =	vbroadcast v1, $0xE  }
0x235: {  	s25 =	sadd.s32 $0xFFFFFEE0, s14;
	[tilespmem:v3+s12+$0x0] =	vst.idx.msk $0xffff, v2  }
0x236: {  	v3 =	vor.u32 s25, v0;
	v2 =	vld.idx.msk [tilespmem:v4+s9+$0x0], $0xffff;
	v4 =	vor.u32 s17, v5;
	v5 =	vor.u32 $0x3700, v0  }
0x237: {  	v4 =	vor.u32 v5, v4;
	_ =	sdelay $0x2  }
0x238: {  	v1 =	vbroadcast v1, $0xF  }
0x239: {  	s26 =	sadd.s32 $0xFFFFFEF0, s14;
	[tilespmem:v3+s12+$0x0] =	vst.idx.msk $0xffff, v2  }
0x23a: {  	v1 =	vor.u32 s17, v1;
	v3 =	vor.u32 s26, v0;
	v2 =	vld.idx.msk [tilespmem:v4+s9+$0x0], $0xffff;
	v4 =	vor.u32 $0x3780, v0  }
0x23b: {  	v1 =	vor.u32 v4, v1;
	_ =	sdelay $0x3  }
0x23c: {  	s28 =	sadd.s32 $0xFFFFFF00, s14;
	[tilespmem:v3+s12+$0x0] =	vst.idx.msk $0xffff, v2  }
0x23d: {  	v2 =	vor.u32 s28, v0;
	v1 =	vld.idx.msk [tilespmem:v1+s9+$0x0], $0xffff;
	_ =	sdelay $0x4  }
0x23e: {  	[tilespmem:v2+s12+$0x0] =	vst.idx.msk $0xffff, v1  }
0x23f: {  	v1 =	vld [tilespmem:s15+$0xFFFFFFF0];
	_ =	sdelay $0x4  }
0x240: {  	v1 =	vshll.u32 v1, $0x4  }
0x241: {  	v1 =	vand.u32 $0x70, v1  }
0x242: {  	v2 =	vor.u32 s17, v1  }
0x243: {  	v2 =	vbroadcast v2, $0x0  }
0x244: {  	v3 =	vor.u32 $0x3800, v0  }
0x245: {  	v2 =	vor.u32 v3, v2;
	_ =	sdelay $0x2  }
0x246: {  	v3 =	vbroadcast v1, $0x1  }
0x247: {  	s29 =	sadd.s32 $0xFFFFFF10, s14  }
0x248: {  	v5 =	vor.u32 $0x3880, v0;
	v4 =	vor.u32 s29, v0;
	v3 =	vor.u32 s17, v3;
	v2 =	vld.idx.msk [tilespmem:v2+s9+$0x0], $0xffff  }
0x249: {  	v3 =	vor.u32 v5, v3;
	_ =	sdelay $0x2  }
0x24a: {  	v5 =	vbroadcast v1, $0x2  }
0x24b: {  	s30 =	sadd.s32 $0xFFFFFF20, s14;
	[tilespmem:v4+s12+$0x0] =	vst.idx.msk $0xffff, v2  }
0x24c: {  	v4 =	vor.u32 s17, v5;
	v5 =	vor.u32 $0x3900, v0;
	v2 =	vld.idx.msk [tilespmem:v3+s9+$0x0], $0xffff;
	v3 =	vor.u32 s30, v0  }
0x24d: {  	v4 =	vor.u32 v5, v4;
	_ =	sdelay $0x2  }
0x24e: {  	v5 =	vbroadcast v1, $0x3  }
0x24f: {  	s31 =	sadd.s32 $0xFFFFFF30, s14;
	[tilespmem:v3+s12+$0x0] =	vst.idx.msk $0xffff, v2  }
0x250: {  	v3 =	vor.u32 s31, v0;
	v2 =	vld.idx.msk [tilespmem:v4+s9+$0x0], $0xffff;
	v4 =	vor.u32 s17, v5;
	v5 =	vor.u32 $0x3980, v0  }
0x251: {  	v4 =	vor.u32 v5, v4;
	_ =	sdelay $0x2  }
0x252: {  	v5 =	vbroadcast v1, $0x4  }
0x253: {  	s19 =	sadd.s32 $0xFFFFFF40, s14;
	[tilespmem:v3+s12+$0x0] =	vst.idx.msk $0xffff, v2  }
0x254: {  	v3 =	vor.u32 s19, v0;
	v2 =	vld.idx.msk [tilespmem:v4+s9+$0x0], $0xffff;
	v4 =	vor.u32 s17, v5;
	v5 =	vor.u32 $0x3A00, v0  }
0x255: {  	v4 =	vor.u32 v5, v4;
	_ =	sdelay $0x2  }
0x256: {  	v5 =	vbroadcast v1, $0x5  }
0x257: {  	s20 =	sadd.s32 $0xFFFFFF50, s14;
	[tilespmem:v3+s12+$0x0] =	vst.idx.msk $0xffff, v2  }
0x258: {  	v3 =	vor.u32 s20, v0;
	v2 =	vld.idx.msk [tilespmem:v4+s9+$0x0], $0xffff;
	v4 =	vor.u32 s17, v5;
	v5 =	vor.u32 $0x3A80, v0  }
0x259: {  	v4 =	vor.u32 v5, v4;
	_ =	sdelay $0x2  }
0x25a: {  	v5 =	vbroadcast v1, $0x6  }
0x25b: {  	s21 =	sadd.s32 $0xFFFFFF60, s14;
	[tilespmem:v3+s12+$0x0] =	vst.idx.msk $0xffff, v2  }
0x25c: {  	v3 =	vor.u32 s21, v0;
	v2 =	vld.idx.msk [tilespmem:v4+s9+$0x0], $0xffff;
	v4 =	vor.u32 s17, v5;
	v5 =	vor.u32 $0x3B00, v0  }
0x25d: {  	v4 =	vor.u32 v5, v4;
	_ =	sdelay $0x2  }
0x25e: {  	v5 =	vbroadcast v1, $0x7  }
0x25f: {  	s22 =	sadd.s32 $0xFFFFFF70, s14;
	[tilespmem:v3+s12+$0x0] =	vst.idx.msk $0xffff, v2  }
0x260: {  	v3 =	vor.u32 s22, v0;
	v2 =	vld.idx.msk [tilespmem:v4+s9+$0x0], $0xffff;
	v4 =	vor.u32 s17, v5;
	v5 =	vor.u32 $0x3B80, v0  }
0x261: {  	v4 =	vor.u32 v5, v4;
	_ =	sdelay $0x2  }
0x262: {  	v5 =	vbroadcast v1, $0x8  }
0x263: {  	s23 =	sadd.s32 $0xFFFFFF80, s14;
	[tilespmem:v3+s12+$0x0] =	vst.idx.msk $0xffff, v2  }
0x264: {  	v3 =	vor.u32 s23, v0;
	v2 =	vld.idx.msk [tilespmem:v4+s9+$0x0], $0xffff;
	v4 =	vor.u32 s17, v5;
	v5 =	vor.u32 $0x3C00, v0  }
0x265: {  	v4 =	vor.u32 v5, v4;
	_ =	sdelay $0x2  }
0x266: {  	v5 =	vbroadcast v1, $0x9  }
0x267: {  	s24 =	sadd.s32 $0xFFFFFF90, s14;
	[tilespmem:v3+s12+$0x0] =	vst.idx.msk $0xffff, v2  }
0x268: {  	v3 =	vor.u32 s24, v0;
	v2 =	vld.idx.msk [tilespmem:v4+s9+$0x0], $0xffff;
	v4 =	vor.u32 s17, v5;
	v5 =	vor.u32 $0x3C80, v0  }
0x269: {  	v4 =	vor.u32 v5, v4;
	_ =	sdelay $0x2  }
0x26a: {  	v5 =	vbroadcast v1, $0xA  }
0x26b: {  	s25 =	sadd.s32 $0xFFFFFFA0, s14;
	[tilespmem:v3+s12+$0x0] =	vst.idx.msk $0xffff, v2  }
0x26c: {  	v3 =	vor.u32 s25, v0;
	v2 =	vld.idx.msk [tilespmem:v4+s9+$0x0], $0xffff;
	v4 =	vor.u32 s17, v5;
	v5 =	vor.u32 $0x3D00, v0  }
0x26d: {  	v4 =	vor.u32 v5, v4;
	_ =	sdelay $0x2  }
0x26e: {  	v5 =	vbroadcast v1, $0xB  }
0x26f: {  	s26 =	sadd.s32 $0xFFFFFFB0, s14;
	[tilespmem:v3+s12+$0x0] =	vst.idx.msk $0xffff, v2  }
0x270: {  	v3 =	vor.u32 s26, v0;
	v2 =	vld.idx.msk [tilespmem:v4+s9+$0x0], $0xffff;
	v4 =	vor.u32 s17, v5;
	v5 =	vor.u32 $0x3D80, v0  }
0x271: {  	v4 =	vor.u32 v5, v4;
	_ =	sdelay $0x2  }
0x272: {  	v5 =	vbroadcast v1, $0xC  }
0x273: {  	s28 =	sadd.s32 $0xFFFFFFC0, s14;
	[tilespmem:v3+s12+$0x0] =	vst.idx.msk $0xffff, v2  }
0x274: {  	v3 =	vor.u32 s28, v0;
	v2 =	vld.idx.msk [tilespmem:v4+s9+$0x0], $0xffff;
	v4 =	vor.u32 s17, v5;
	v5 =	vor.u32 $0x3E00, v0  }
0x275: {  	v4 =	vor.u32 v5, v4;
	_ =	sdelay $0x2  }
0x276: {  	v5 =	vbroadcast v1, $0xD  }
0x277: {  	s29 =	sadd.s32 $0xFFFFFFD0, s14;
	[tilespmem:v3+s12+$0x0] =	vst.idx.msk $0xffff, v2  }
0x278: {  	v3 =	vor.u32 s29, v0;
	v2 =	vld.idx.msk [tilespmem:v4+s9+$0x0], $0xffff;
	v4 =	vor.u32 s17, v5;
	v5 =	vor.u32 $0x3E80, v0  }
0x279: {  	v4 =	vor.u32 v5, v4;
	_ =	sdelay $0x2  }
0x27a: {  	v5 =	vbroadcast v1, $0xE  }
0x27b: {  	s30 =	sadd.s32 $0xFFFFFFE0, s14;
	[tilespmem:v3+s12+$0x0] =	vst.idx.msk $0xffff, v2  }
0x27c: {  	v3 =	vor.u32 s30, v0;
	v2 =	vld.idx.msk [tilespmem:v4+s9+$0x0], $0xffff;
	v4 =	vor.u32 s17, v5;
	v5 =	vor.u32 $0x3F00, v0  }
0x27d: {  	v4 =	vor.u32 v5, v4;
	_ =	sdelay $0x2  }
0x27e: {  	v1 =	vbroadcast v1, $0xF  }
0x27f: {  	s31 =	sadd.s32 $0xFFFFFFF0, s14;
	[tilespmem:v3+s12+$0x0] =	vst.idx.msk $0xffff, v2  }
0x280: {  	v1 =	vor.u32 s17, v1;
	v3 =	vor.u32 s31, v0;
	v2 =	vld.idx.msk [tilespmem:v4+s9+$0x0], $0xffff;
	v4 =	vor.u32 $0x3F80, v0  }
0x281: {  	v1 =	vor.u32 v4, v1;
	_ =	sdelay $0x3  }
0x282: {  	[tilespmem:v3+s12+$0x0] =	vst.idx.msk $0xffff, v2  }
0x283: {  	p0 =	sne.s32 s14, $0xC7F0;
	v2 =	vor.u32 s14, v0;
	v1 =	vld.idx.msk [tilespmem:v1+s9+$0x0], $0xffff  }
.Ltmp0:
0x284: {  	_ = 	snop;
	(pc) =	sbr.rel @p0 .LBB2_2-.Ltmp0, $2  }
0x285: {  	_ =	sdelay $0x2  }
0x286: {  	s15 =	sadd.s32 $0x80, s15;
	s17 =	smov.u32 s16;
	s14 =	sadd.s32 $0x800, s14;
	[tilespmem:v2+s12+$0x0] =	vst.idx.msk $0xffff, v1  }
0x287: {  	_ =	swait.ge [sflag:s11], $0x4000  }
0x288: {  	[sflag:s11] =	ssyncset.done $0x0  }
0x289: {  	[sflag:s11] =	ssyncadd.s32 $0xFFFFC000  }
0x28a: {  	v1 =	vld [tilespmem:$0xC80];
	_ =	sdelay $0x4  }
0x28b: {  	v1 =	vshll.u32 v1, $0x4  }
0x28c: {  	v1 =	vand.u32 $0x70, v1  }
0x28d: {  	v2 =	vbroadcast v1, $0x0  }
0x28e: {  	v3 =	vor.u32 $0x4000, v0  }
0x28f: {  	v2 =	vor.u32 v3, v2;
	_ =	sdelay $0x3  }
0x290: {  	v3 =	vbroadcast v1, $0x1  }
0x291: {  	v4 =	vor.u32 $0xC800, v0;
	v5 =	vor.u32 $0x4080, v0;
	v2 =	vld.idx.msk [tilespmem:v2+s9+$0x0], $0xffff  }
0x292: {  	v3 =	vor.u32 v5, v3;
	_ =	sdelay $0x3  }
0x293: {  	[tilespmem:v4+s12+$0x0] =	vst.idx.msk $0xffff, v2;
	v2 =	vbroadcast v1, $0x2  }
0x294: {  	v63 =	vor.u32 $0x4100, v0;
	v4 =	vor.u32 $0xC810, v0;
	v3 =	vld.idx.msk [tilespmem:v3+s9+$0x0], $0xffff  }
0x295: {  	v2 =	vor.u32 v63, v2;
	_ =	sdelay $0x3  }
0x296: {  	[tilespmem:v4+s12+$0x0] =	vst.idx.msk $0xffff, v3;
	v3 =	vbroadcast v1, $0x3  }
0x297: {  	v63 =	vor.u32 $0x4180, v0;
	v4 =	vor.u32 $0xC820, v0;
	v2 =	vld.idx.msk [tilespmem:v2+s9+$0x0], $0xffff  }
0x298: {  	v3 =	vor.u32 v63, v3;
	_ =	sdelay $0x3  }
0x299: {  	[tilespmem:v4+s12+$0x0] =	vst.idx.msk $0xffff, v2;
	v2 =	vbroadcast v1, $0x4  }
0x29a: {  	v63 =	vor.u32 $0x4200, v0;
	v4 =	vor.u32 $0xC830, v0;
	v3 =	vld.idx.msk [tilespmem:v3+s9+$0x0], $0xffff  }
0x29b: {  	v2 =	vor.u32 v63, v2;
	_ =	sdelay $0x3  }
0x29c: {  	[tilespmem:v4+s12+$0x0] =	vst.idx.msk $0xffff, v3;
	v3 =	vbroadcast v1, $0x5  }
0x29d: {  	v63 =	vor.u32 $0x4280, v0;
	v4 =	vor.u32 $0xC840, v0;
	v2 =	vld.idx.msk [tilespmem:v2+s9+$0x0], $0xffff  }
0x29e: {  	v3 =	vor.u32 v63, v3;
	_ =	sdelay $0x3  }
0x29f: {  	[tilespmem:v4+s12+$0x0] =	vst.idx.msk $0xffff, v2;
	v2 =	vbroadcast v1, $0x6  }
0x2a0: {  	v63 =	vor.u32 $0x4300, v0;
	v4 =	vor.u32 $0xC850, v0;
	v3 =	vld.idx.msk [tilespmem:v3+s9+$0x0], $0xffff  }
0x2a1: {  	v2 =	vor.u32 v63, v2;
	_ =	sdelay $0x3  }
0x2a2: {  	[tilespmem:v4+s12+$0x0] =	vst.idx.msk $0xffff, v3;
	v3 =	vbroadcast v1, $0x7  }
0x2a3: {  	v63 =	vor.u32 $0x4380, v0;
	v4 =	vor.u32 $0xC860, v0;
	v2 =	vld.idx.msk [tilespmem:v2+s9+$0x0], $0xffff  }
0x2a4: {  	v3 =	vor.u32 v63, v3;
	_ =	sdelay $0x3  }
0x2a5: {  	[tilespmem:v4+s12+$0x0] =	vst.idx.msk $0xffff, v2;
	v2 =	vbroadcast v1, $0x8  }
0x2a6: {  	v63 =	vor.u32 $0x4400, v0;
	v4 =	vor.u32 $0xC870, v0;
	v3 =	vld.idx.msk [tilespmem:v3+s9+$0x0], $0xffff  }
0x2a7: {  	v2 =	vor.u32 v63, v2;
	_ =	sdelay $0x3  }
0x2a8: {  	[tilespmem:v4+s12+$0x0] =	vst.idx.msk $0xffff, v3;
	v3 =	vbroadcast v1, $0x9  }
0x2a9: {  	v63 =	vor.u32 $0x4480, v0;
	v4 =	vor.u32 $0xC880, v0;
	v2 =	vld.idx.msk [tilespmem:v2+s9+$0x0], $0xffff  }
0x2aa: {  	v3 =	vor.u32 v63, v3;
	_ =	sdelay $0x3  }
0x2ab: {  	[tilespmem:v4+s12+$0x0] =	vst.idx.msk $0xffff, v2;
	v2 =	vbroadcast v1, $0xA  }
0x2ac: {  	v63 =	vor.u32 $0x4500, v0;
	v4 =	vor.u32 $0xC890, v0;
	v3 =	vld.idx.msk [tilespmem:v3+s9+$0x0], $0xffff  }
0x2ad: {  	v2 =	vor.u32 v63, v2;
	_ =	sdelay $0x3  }
0x2ae: {  	[tilespmem:v4+s12+$0x0] =	vst.idx.msk $0xffff, v3;
	v3 =	vbroadcast v1, $0xB  }
0x2af: {  	v63 =	vor.u32 $0x4580, v0;
	v4 =	vor.u32 $0xC8A0, v0;
	v2 =	vld.idx.msk [tilespmem:v2+s9+$0x0], $0xffff  }
0x2b0: {  	v3 =	vor.u32 v63, v3;
	_ =	sdelay $0x3  }
0x2b1: {  	[tilespmem:v4+s12+$0x0] =	vst.idx.msk $0xffff, v2;
	v2 =	vbroadcast v1, $0xC  }
0x2b2: {  	v63 =	vor.u32 $0x4600, v0;
	v4 =	vor.u32 $0xC8B0, v0;
	v3 =	vld.idx.msk [tilespmem:v3+s9+$0x0], $0xffff  }
0x2b3: {  	v2 =	vor.u32 v63, v2;
	_ =	sdelay $0x3  }
0x2b4: {  	[tilespmem:v4+s12+$0x0] =	vst.idx.msk $0xffff, v3;
	v3 =	vbroadcast v1, $0xD  }
0x2b5: {  	v63 =	vor.u32 $0x4680, v0;
	v4 =	vor.u32 $0xC8C0, v0;
	v2 =	vld.idx.msk [tilespmem:v2+s9+$0x0], $0xffff  }
0x2b6: {  	v3 =	vor.u32 v63, v3;
	_ =	sdelay $0x3  }
0x2b7: {  	[tilespmem:v4+s12+$0x0] =	vst.idx.msk $0xffff, v2;
	v2 =	vbroadcast v1, $0xE  }
0x2b8: {  	v63 =	vor.u32 $0x4700, v0;
	v4 =	vor.u32 $0xC8D0, v0;
	v3 =	vld.idx.msk [tilespmem:v3+s9+$0x0], $0xffff  }
0x2b9: {  	v2 =	vor.u32 v63, v2;
	_ =	sdelay $0x3  }
0x2ba: {  	v1 =	vbroadcast v1, $0xF;
	[tilespmem:v4+s12+$0x0] =	vst.idx.msk $0xffff, v3  }
0x2bb: {  	v63 =	vor.u32 $0x4780, v0;
	v3 =	vor.u32 $0xC8E0, v0;
	v2 =	vld.idx.msk [tilespmem:v2+s9+$0x0], $0xffff  }
0x2bc: {  	v1 =	vor.u32 v63, v1;
	_ =	sdelay $0x3  }
0x2bd: {  	[tilespmem:v3+s12+$0x0] =	vst.idx.msk $0xffff, v2  }
0x2be: {  	v2 =	vor.u32 $0xC8F0, v0;
	v1 =	vld.idx.msk [tilespmem:v1+s9+$0x0], $0xffff;
	_ =	sdelay $0x4  }
0x2bf: {  	[tilespmem:v2+s12+$0x0] =	vst.idx.msk $0xffff, v1  }
0x2c0: {  	v1 =	vld [tilespmem:$0xC90];
	_ =	sdelay $0x4  }
0x2c1: {  	v1 =	vshll.u32 v1, $0x4  }
0x2c2: {  	v1 =	vand.u32 $0x70, v1  }
0x2c3: {  	v2 =	vbroadcast v1, $0x0  }
0x2c4: {  	v3 =	vor.u32 $0x4800, v0  }
0x2c5: {  	v2 =	vor.u32 v3, v2;
	_ =	sdelay $0x3  }
0x2c6: {  	v3 =	vbroadcast v1, $0x1  }
0x2c7: {  	v63 =	vor.u32 $0x4880, v0;
	v4 =	vor.u32 $0xC900, v0;
	v2 =	vld.idx.msk [tilespmem:v2+s9+$0x0], $0xffff  }
0x2c8: {  	v3 =	vor.u32 v63, v3;
	_ =	sdelay $0x3  }
0x2c9: {  	[tilespmem:v4+s12+$0x0] =	vst.idx.msk $0xffff, v2;
	v2 =	vbroadcast v1, $0x2  }
0x2ca: {  	v63 =	vor.u32 $0x4900, v0;
	v4 =	vor.u32 $0xC910, v0;
	v3 =	vld.idx.msk [tilespmem:v3+s9+$0x0], $0xffff  }
0x2cb: {  	v2 =	vor.u32 v63, v2;
	_ =	sdelay $0x3  }
0x2cc: {  	[tilespmem:v4+s12+$0x0] =	vst.idx.msk $0xffff, v3;
	v3 =	vbroadcast v1, $0x3  }
0x2cd: {  	v63 =	vor.u32 $0x4980, v0;
	v4 =	vor.u32 $0xC920, v0;
	v2 =	vld.idx.msk [tilespmem:v2+s9+$0x0], $0xffff  }
0x2ce: {  	v3 =	vor.u32 v63, v3;
	_ =	sdelay $0x3  }
0x2cf: {  	[tilespmem:v4+s12+$0x0] =	vst.idx.msk $0xffff, v2;
	v2 =	vbroadcast v1, $0x4  }
0x2d0: {  	v63 =	vor.u32 $0x4A00, v0;
	v4 =	vor.u32 $0xC930, v0;
	v3 =	vld.idx.msk [tilespmem:v3+s9+$0x0], $0xffff  }
0x2d1: {  	v2 =	vor.u32 v63, v2;
	_ =	sdelay $0x3  }
0x2d2: {  	[tilespmem:v4+s12+$0x0] =	vst.idx.msk $0xffff, v3;
	v3 =	vbroadcast v1, $0x5  }
0x2d3: {  	v63 =	vor.u32 $0x4A80, v0;
	v4 =	vor.u32 $0xC940, v0;
	v2 =	vld.idx.msk [tilespmem:v2+s9+$0x0], $0xffff  }
0x2d4: {  	v3 =	vor.u32 v63, v3;
	_ =	sdelay $0x3  }
0x2d5: {  	[tilespmem:v4+s12+$0x0] =	vst.idx.msk $0xffff, v2;
	v2 =	vbroadcast v1, $0x6  }
0x2d6: {  	v63 =	vor.u32 $0x4B00, v0;
	v4 =	vor.u32 $0xC950, v0;
	v3 =	vld.idx.msk [tilespmem:v3+s9+$0x0], $0xffff  }
0x2d7: {  	v2 =	vor.u32 v63, v2;
	_ =	sdelay $0x3  }
0x2d8: {  	[tilespmem:v4+s12+$0x0] =	vst.idx.msk $0xffff, v3;
	v3 =	vbroadcast v1, $0x7  }
0x2d9: {  	v63 =	vor.u32 $0x4B80, v0;
	v4 =	vor.u32 $0xC960, v0;
	v2 =	vld.idx.msk [tilespmem:v2+s9+$0x0], $0xffff  }
0x2da: {  	v3 =	vor.u32 v63, v3;
	_ =	sdelay $0x3  }
0x2db: {  	[tilespmem:v4+s12+$0x0] =	vst.idx.msk $0xffff, v2;
	v2 =	vbroadcast v1, $0x8  }
0x2dc: {  	v63 =	vor.u32 $0x4C00, v0;
	v4 =	vor.u32 $0xC970, v0;
	v3 =	vld.idx.msk [tilespmem:v3+s9+$0x0], $0xffff  }
0x2dd: {  	v2 =	vor.u32 v63, v2;
	_ =	sdelay $0x3  }
0x2de: {  	[tilespmem:v4+s12+$0x0] =	vst.idx.msk $0xffff, v3;
	v3 =	vbroadcast v1, $0x9  }
0x2df: {  	v63 =	vor.u32 $0x4C80, v0;
	v4 =	vor.u32 $0xC980, v0;
	v2 =	vld.idx.msk [tilespmem:v2+s9+$0x0], $0xffff  }
0x2e0: {  	v3 =	vor.u32 v63, v3;
	_ =	sdelay $0x3  }
0x2e1: {  	[tilespmem:v4+s12+$0x0] =	vst.idx.msk $0xffff, v2;
	v2 =	vbroadcast v1, $0xA  }
0x2e2: {  	v63 =	vor.u32 $0x4D00, v0;
	v4 =	vor.u32 $0xC990, v0;
	v3 =	vld.idx.msk [tilespmem:v3+s9+$0x0], $0xffff  }
0x2e3: {  	v2 =	vor.u32 v63, v2;
	_ =	sdelay $0x3  }
0x2e4: {  	[tilespmem:v4+s12+$0x0] =	vst.idx.msk $0xffff, v3;
	v3 =	vbroadcast v1, $0xB  }
0x2e5: {  	v63 =	vor.u32 $0x4D80, v0;
	v4 =	vor.u32 $0xC9A0, v0;
	v2 =	vld.idx.msk [tilespmem:v2+s9+$0x0], $0xffff  }
0x2e6: {  	v3 =	vor.u32 v63, v3;
	_ =	sdelay $0x3  }
0x2e7: {  	[tilespmem:v4+s12+$0x0] =	vst.idx.msk $0xffff, v2;
	v2 =	vbroadcast v1, $0xC  }
0x2e8: {  	v63 =	vor.u32 $0x4E00, v0;
	v4 =	vor.u32 $0xC9B0, v0;
	v3 =	vld.idx.msk [tilespmem:v3+s9+$0x0], $0xffff  }
0x2e9: {  	v2 =	vor.u32 v63, v2;
	_ =	sdelay $0x3  }
0x2ea: {  	[tilespmem:v4+s12+$0x0] =	vst.idx.msk $0xffff, v3;
	v3 =	vbroadcast v1, $0xD  }
0x2eb: {  	v63 =	vor.u32 $0x4E80, v0;
	v4 =	vor.u32 $0xC9C0, v0;
	v2 =	vld.idx.msk [tilespmem:v2+s9+$0x0], $0xffff  }
0x2ec: {  	v3 =	vor.u32 v63, v3;
	_ =	sdelay $0x3  }
0x2ed: {  	[tilespmem:v4+s12+$0x0] =	vst.idx.msk $0xffff, v2;
	v2 =	vbroadcast v1, $0xE  }
0x2ee: {  	v63 =	vor.u32 $0x4F00, v0;
	v4 =	vor.u32 $0xC9D0, v0;
	v3 =	vld.idx.msk [tilespmem:v3+s9+$0x0], $0xffff  }
0x2ef: {  	v2 =	vor.u32 v63, v2;
	_ =	sdelay $0x3  }
0x2f0: {  	v1 =	vbroadcast v1, $0xF;
	[tilespmem:v4+s12+$0x0] =	vst.idx.msk $0xffff, v3  }
0x2f1: {  	v63 =	vor.u32 $0x4F80, v0;
	v3 =	vor.u32 $0xC9E0, v0;
	v2 =	vld.idx.msk [tilespmem:v2+s9+$0x0], $0xffff  }
0x2f2: {  	v1 =	vor.u32 v63, v1;
	_ =	sdelay $0x3  }
0x2f3: {  	[tilespmem:v3+s12+$0x0] =	vst.idx.msk $0xffff, v2  }
0x2f4: {  	v2 =	vor.u32 $0xC9F0, v0;
	v1 =	vld.idx.msk [tilespmem:v1+s9+$0x0], $0xffff;
	_ =	sdelay $0x4  }
0x2f5: {  	[tilespmem:v2+s12+$0x0] =	vst.idx.msk $0xffff, v1  }
0x2f6: {  	v1 =	vld [tilespmem:$0xCA0];
	_ =	sdelay $0x4  }
0x2f7: {  	v1 =	vshll.u32 v1, $0x4  }
0x2f8: {  	v1 =	vand.u32 $0x70, v1  }
0x2f9: {  	v2 =	vbroadcast v1, $0x0  }
0x2fa: {  	v3 =	vor.u32 $0x5000, v0  }
0x2fb: {  	v2 =	vor.u32 v3, v2;
	_ =	sdelay $0x3  }
0x2fc: {  	v3 =	vbroadcast v1, $0x1  }
0x2fd: {  	v63 =	vor.u32 $0x5080, v0;
	v4 =	vor.u32 $0xCA00, v0;
	v2 =	vld.idx.msk [tilespmem:v2+s9+$0x0], $0xffff  }
0x2fe: {  	v3 =	vor.u32 v63, v3;
	_ =	sdelay $0x3  }
0x2ff: {  	[tilespmem:v4+s12+$0x0] =	vst.idx.msk $0xffff, v2;
	v2 =	vbroadcast v1, $0x2  }
0x300: {  	v63 =	vor.u32 $0x5100, v0;
	v4 =	vor.u32 $0xCA10, v0;
	v3 =	vld.idx.msk [tilespmem:v3+s9+$0x0], $0xffff  }
0x301: {  	v2 =	vor.u32 v63, v2;
	_ =	sdelay $0x3  }
0x302: {  	[tilespmem:v4+s12+$0x0] =	vst.idx.msk $0xffff, v3;
	v3 =	vbroadcast v1, $0x3  }
0x303: {  	v63 =	vor.u32 $0x5180, v0;
	v4 =	vor.u32 $0xCA20, v0;
	v2 =	vld.idx.msk [tilespmem:v2+s9+$0x0], $0xffff  }
0x304: {  	v3 =	vor.u32 v63, v3;
	_ =	sdelay $0x3  }
0x305: {  	[tilespmem:v4+s12+$0x0] =	vst.idx.msk $0xffff, v2;
	v2 =	vbroadcast v1, $0x4  }
0x306: {  	v63 =	vor.u32 $0x5200, v0;
	v4 =	vor.u32 $0xCA30, v0;
	v3 =	vld.idx.msk [tilespmem:v3+s9+$0x0], $0xffff  }
0x307: {  	v2 =	vor.u32 v63, v2;
	_ =	sdelay $0x3  }
0x308: {  	[tilespmem:v4+s12+$0x0] =	vst.idx.msk $0xffff, v3;
	v3 =	vbroadcast v1, $0x5  }
0x309: {  	v63 =	vor.u32 $0x5280, v0;
	v4 =	vor.u32 $0xCA40, v0;
	v2 =	vld.idx.msk [tilespmem:v2+s9+$0x0], $0xffff  }
0x30a: {  	v3 =	vor.u32 v63, v3;
	_ =	sdelay $0x3  }
0x30b: {  	[tilespmem:v4+s12+$0x0] =	vst.idx.msk $0xffff, v2;
	v2 =	vbroadcast v1, $0x6  }
0x30c: {  	v63 =	vor.u32 $0x5300, v0;
	v4 =	vor.u32 $0xCA50, v0;
	v3 =	vld.idx.msk [tilespmem:v3+s9+$0x0], $0xffff  }
0x30d: {  	v2 =	vor.u32 v63, v2;
	_ =	sdelay $0x3  }
0x30e: {  	[tilespmem:v4+s12+$0x0] =	vst.idx.msk $0xffff, v3;
	v3 =	vbroadcast v1, $0x7  }
0x30f: {  	v63 =	vor.u32 $0x5380, v0;
	v4 =	vor.u32 $0xCA60, v0;
	v2 =	vld.idx.msk [tilespmem:v2+s9+$0x0], $0xffff  }
0x310: {  	v3 =	vor.u32 v63, v3;
	_ =	sdelay $0x3  }
0x311: {  	[tilespmem:v4+s12+$0x0] =	vst.idx.msk $0xffff, v2;
	v2 =	vbroadcast v1, $0x8  }
0x312: {  	v63 =	vor.u32 $0x5400, v0;
	v4 =	vor.u32 $0xCA70, v0;
	v3 =	vld.idx.msk [tilespmem:v3+s9+$0x0], $0xffff  }
0x313: {  	v2 =	vor.u32 v63, v2;
	_ =	sdelay $0x3  }
0x314: {  	[tilespmem:v4+s12+$0x0] =	vst.idx.msk $0xffff, v3;
	v3 =	vbroadcast v1, $0x9  }
0x315: {  	v63 =	vor.u32 $0x5480, v0;
	v4 =	vor.u32 $0xCA80, v0;
	v2 =	vld.idx.msk [tilespmem:v2+s9+$0x0], $0xffff  }
0x316: {  	v3 =	vor.u32 v63, v3;
	_ =	sdelay $0x3  }
0x317: {  	[tilespmem:v4+s12+$0x0] =	vst.idx.msk $0xffff, v2;
	v2 =	vbroadcast v1, $0xA  }
0x318: {  	v63 =	vor.u32 $0x5500, v0;
	v4 =	vor.u32 $0xCA90, v0;
	v3 =	vld.idx.msk [tilespmem:v3+s9+$0x0], $0xffff  }
0x319: {  	v2 =	vor.u32 v63, v2;
	_ =	sdelay $0x3  }
0x31a: {  	[tilespmem:v4+s12+$0x0] =	vst.idx.msk $0xffff, v3;
	v3 =	vbroadcast v1, $0xB  }
0x31b: {  	v63 =	vor.u32 $0x5580, v0;
	v4 =	vor.u32 $0xCAA0, v0;
	v2 =	vld.idx.msk [tilespmem:v2+s9+$0x0], $0xffff  }
0x31c: {  	v3 =	vor.u32 v63, v3;
	_ =	sdelay $0x3  }
0x31d: {  	[tilespmem:v4+s12+$0x0] =	vst.idx.msk $0xffff, v2;
	v2 =	vbroadcast v1, $0xC  }
0x31e: {  	v63 =	vor.u32 $0x5600, v0;
	v4 =	vor.u32 $0xCAB0, v0;
	v3 =	vld.idx.msk [tilespmem:v3+s9+$0x0], $0xffff  }
0x31f: {  	v2 =	vor.u32 v63, v2;
	_ =	sdelay $0x3  }
0x320: {  	[tilespmem:v4+s12+$0x0] =	vst.idx.msk $0xffff, v3;
	v3 =	vbroadcast v1, $0xD  }
0x321: {  	v63 =	vor.u32 $0x5680, v0;
	v4 =	vor.u32 $0xCAC0, v0;
	v2 =	vld.idx.msk [tilespmem:v2+s9+$0x0], $0xffff  }
0x322: {  	v3 =	vor.u32 v63, v3;
	_ =	sdelay $0x3  }
0x323: {  	[tilespmem:v4+s12+$0x0] =	vst.idx.msk $0xffff, v2;
	v2 =	vbroadcast v1, $0xE  }
0x324: {  	v63 =	vor.u32 $0x5700, v0;
	v4 =	vor.u32 $0xCAD0, v0;
	v3 =	vld.idx.msk [tilespmem:v3+s9+$0x0], $0xffff  }
0x325: {  	v2 =	vor.u32 v63, v2;
	_ =	sdelay $0x3  }
0x326: {  	v1 =	vbroadcast v1, $0xF;
	[tilespmem:v4+s12+$0x0] =	vst.idx.msk $0xffff, v3  }
0x327: {  	v63 =	vor.u32 $0x5780, v0;
	v3 =	vor.u32 $0xCAE0, v0;
	v2 =	vld.idx.msk [tilespmem:v2+s9+$0x0], $0xffff  }
0x328: {  	v1 =	vor.u32 v63, v1;
	_ =	sdelay $0x3  }
0x329: {  	[tilespmem:v3+s12+$0x0] =	vst.idx.msk $0xffff, v2  }
0x32a: {  	v2 =	vor.u32 $0xCAF0, v0;
	v1 =	vld.idx.msk [tilespmem:v1+s9+$0x0], $0xffff;
	_ =	sdelay $0x4  }
0x32b: {  	[tilespmem:v2+s12+$0x0] =	vst.idx.msk $0xffff, v1  }
0x32c: {  	v1 =	vld [tilespmem:$0xCB0];
	_ =	sdelay $0x4  }
0x32d: {  	v1 =	vshll.u32 v1, $0x4  }
0x32e: {  	v1 =	vand.u32 $0x70, v1  }
0x32f: {  	v2 =	vbroadcast v1, $0x0  }
0x330: {  	v3 =	vor.u32 $0x5800, v0  }
0x331: {  	v2 =	vor.u32 v3, v2;
	_ =	sdelay $0x3  }
0x332: {  	v3 =	vbroadcast v1, $0x1  }
0x333: {  	v63 =	vor.u32 $0x5880, v0;
	v4 =	vor.u32 $0xCB00, v0;
	v2 =	vld.idx.msk [tilespmem:v2+s9+$0x0], $0xffff  }
0x334: {  	v3 =	vor.u32 v63, v3;
	_ =	sdelay $0x3  }
0x335: {  	[tilespmem:v4+s12+$0x0] =	vst.idx.msk $0xffff, v2;
	v2 =	vbroadcast v1, $0x2  }
0x336: {  	v63 =	vor.u32 $0x5900, v0;
	v4 =	vor.u32 $0xCB10, v0;
	v3 =	vld.idx.msk [tilespmem:v3+s9+$0x0], $0xffff  }
0x337: {  	v2 =	vor.u32 v63, v2;
	_ =	sdelay $0x3  }
0x338: {  	[tilespmem:v4+s12+$0x0] =	vst.idx.msk $0xffff, v3;
	v3 =	vbroadcast v1, $0x3  }
0x339: {  	v63 =	vor.u32 $0x5980, v0;
	v4 =	vor.u32 $0xCB20, v0;
	v2 =	vld.idx.msk [tilespmem:v2+s9+$0x0], $0xffff  }
0x33a: {  	v3 =	vor.u32 v63, v3;
	_ =	sdelay $0x3  }
0x33b: {  	[tilespmem:v4+s12+$0x0] =	vst.idx.msk $0xffff, v2;
	v2 =	vbroadcast v1, $0x4  }
0x33c: {  	v63 =	vor.u32 $0x5A00, v0;
	v4 =	vor.u32 $0xCB30, v0;
	v3 =	vld.idx.msk [tilespmem:v3+s9+$0x0], $0xffff  }
0x33d: {  	v2 =	vor.u32 v63, v2;
	_ =	sdelay $0x3  }
0x33e: {  	[tilespmem:v4+s12+$0x0] =	vst.idx.msk $0xffff, v3;
	v3 =	vbroadcast v1, $0x5  }
0x33f: {  	v63 =	vor.u32 $0x5A80, v0;
	v4 =	vor.u32 $0xCB40, v0;
	v2 =	vld.idx.msk [tilespmem:v2+s9+$0x0], $0xffff  }
0x340: {  	v3 =	vor.u32 v63, v3;
	_ =	sdelay $0x3  }
0x341: {  	[tilespmem:v4+s12+$0x0] =	vst.idx.msk $0xffff, v2;
	v2 =	vbroadcast v1, $0x6  }
0x342: {  	v63 =	vor.u32 $0x5B00, v0;
	v4 =	vor.u32 $0xCB50, v0;
	v3 =	vld.idx.msk [tilespmem:v3+s9+$0x0], $0xffff  }
0x343: {  	v2 =	vor.u32 v63, v2;
	_ =	sdelay $0x3  }
0x344: {  	[tilespmem:v4+s12+$0x0] =	vst.idx.msk $0xffff, v3;
	v3 =	vbroadcast v1, $0x7  }
0x345: {  	v63 =	vor.u32 $0x5B80, v0;
	v4 =	vor.u32 $0xCB60, v0;
	v2 =	vld.idx.msk [tilespmem:v2+s9+$0x0], $0xffff  }
0x346: {  	v3 =	vor.u32 v63, v3;
	_ =	sdelay $0x3  }
0x347: {  	[tilespmem:v4+s12+$0x0] =	vst.idx.msk $0xffff, v2;
	v2 =	vbroadcast v1, $0x8  }
0x348: {  	v63 =	vor.u32 $0x5C00, v0;
	v4 =	vor.u32 $0xCB70, v0;
	v3 =	vld.idx.msk [tilespmem:v3+s9+$0x0], $0xffff  }
0x349: {  	v2 =	vor.u32 v63, v2;
	_ =	sdelay $0x3  }
0x34a: {  	[tilespmem:v4+s12+$0x0] =	vst.idx.msk $0xffff, v3;
	v3 =	vbroadcast v1, $0x9  }
0x34b: {  	v63 =	vor.u32 $0x5C80, v0;
	v4 =	vor.u32 $0xCB80, v0;
	v2 =	vld.idx.msk [tilespmem:v2+s9+$0x0], $0xffff  }
0x34c: {  	v3 =	vor.u32 v63, v3;
	_ =	sdelay $0x3  }
0x34d: {  	[tilespmem:v4+s12+$0x0] =	vst.idx.msk $0xffff, v2;
	v2 =	vbroadcast v1, $0xA  }
0x34e: {  	v63 =	vor.u32 $0x5D00, v0;
	v4 =	vor.u32 $0xCB90, v0;
	v3 =	vld.idx.msk [tilespmem:v3+s9+$0x0], $0xffff  }
0x34f: {  	v2 =	vor.u32 v63, v2;
	_ =	sdelay $0x3  }
0x350: {  	[tilespmem:v4+s12+$0x0] =	vst.idx.msk $0xffff, v3;
	v3 =	vbroadcast v1, $0xB  }
0x351: {  	v63 =	vor.u32 $0x5D80, v0;
	v4 =	vor.u32 $0xCBA0, v0;
	v2 =	vld.idx.msk [tilespmem:v2+s9+$0x0], $0xffff  }
0x352: {  	v3 =	vor.u32 v63, v3;
	_ =	sdelay $0x3  }
0x353: {  	[tilespmem:v4+s12+$0x0] =	vst.idx.msk $0xffff, v2;
	v2 =	vbroadcast v1, $0xC  }
0x354: {  	v63 =	vor.u32 $0x5E00, v0;
	v4 =	vor.u32 $0xCBB0, v0;
	v3 =	vld.idx.msk [tilespmem:v3+s9+$0x0], $0xffff  }
0x355: {  	v2 =	vor.u32 v63, v2;
	_ =	sdelay $0x3  }
0x356: {  	[tilespmem:v4+s12+$0x0] =	vst.idx.msk $0xffff, v3;
	v3 =	vbroadcast v1, $0xD  }
0x357: {  	v63 =	vor.u32 $0x5E80, v0;
	v4 =	vor.u32 $0xCBC0, v0;
	v2 =	vld.idx.msk [tilespmem:v2+s9+$0x0], $0xffff  }
0x358: {  	v3 =	vor.u32 v63, v3;
	_ =	sdelay $0x3  }
0x359: {  	[tilespmem:v4+s12+$0x0] =	vst.idx.msk $0xffff, v2;
	v2 =	vbroadcast v1, $0xE  }
0x35a: {  	v63 =	vor.u32 $0x5F00, v0;
	v4 =	vor.u32 $0xCBD0, v0;
	v3 =	vld.idx.msk [tilespmem:v3+s9+$0x0], $0xffff  }
0x35b: {  	v2 =	vor.u32 v63, v2;
	_ =	sdelay $0x3  }
0x35c: {  	v1 =	vbroadcast v1, $0xF;
	[tilespmem:v4+s12+$0x0] =	vst.idx.msk $0xffff, v3  }
0x35d: {  	v63 =	vor.u32 $0x5F80, v0;
	v3 =	vor.u32 $0xCBE0, v0;
	v2 =	vld.idx.msk [tilespmem:v2+s9+$0x0], $0xffff  }
0x35e: {  	v1 =	vor.u32 v63, v1;
	_ =	sdelay $0x3  }
0x35f: {  	[tilespmem:v3+s12+$0x0] =	vst.idx.msk $0xffff, v2  }
0x360: {  	v2 =	vor.u32 $0xCBF0, v0;
	v1 =	vld.idx.msk [tilespmem:v1+s9+$0x0], $0xffff;
	_ =	sdelay $0x4  }
0x361: {  	[tilespmem:v2+s12+$0x0] =	vst.idx.msk $0xffff, v1  }
0x362: {  	v1 =	vld [tilespmem:$0xCC0];
	_ =	sdelay $0x4  }
0x363: {  	v1 =	vshll.u32 v1, $0x4  }
0x364: {  	v1 =	vand.u32 $0x70, v1  }
0x365: {  	v2 =	vbroadcast v1, $0x0  }
0x366: {  	v3 =	vor.u32 $0x6000, v0  }
0x367: {  	v2 =	vor.u32 v3, v2;
	_ =	sdelay $0x3  }
0x368: {  	v3 =	vbroadcast v1, $0x1  }
0x369: {  	v63 =	vor.u32 $0x6080, v0;
	v4 =	vor.u32 $0xCC00, v0;
	v2 =	vld.idx.msk [tilespmem:v2+s9+$0x0], $0xffff  }
0x36a: {  	v3 =	vor.u32 v63, v3;
	_ =	sdelay $0x3  }
0x36b: {  	[tilespmem:v4+s12+$0x0] =	vst.idx.msk $0xffff, v2;
	v2 =	vbroadcast v1, $0x2  }
0x36c: {  	v63 =	vor.u32 $0x6100, v0;
	v4 =	vor.u32 $0xCC10, v0;
	v3 =	vld.idx.msk [tilespmem:v3+s9+$0x0], $0xffff  }
0x36d: {  	v2 =	vor.u32 v63, v2;
	_ =	sdelay $0x3  }
0x36e: {  	[tilespmem:v4+s12+$0x0] =	vst.idx.msk $0xffff, v3;
	v3 =	vbroadcast v1, $0x3  }
0x36f: {  	v63 =	vor.u32 $0x6180, v0;
	v4 =	vor.u32 $0xCC20, v0;
	v2 =	vld.idx.msk [tilespmem:v2+s9+$0x0], $0xffff  }
0x370: {  	v3 =	vor.u32 v63, v3;
	_ =	sdelay $0x3  }
0x371: {  	[tilespmem:v4+s12+$0x0] =	vst.idx.msk $0xffff, v2;
	v2 =	vbroadcast v1, $0x4  }
0x372: {  	v63 =	vor.u32 $0x6200, v0;
	v4 =	vor.u32 $0xCC30, v0;
	v3 =	vld.idx.msk [tilespmem:v3+s9+$0x0], $0xffff  }
0x373: {  	v2 =	vor.u32 v63, v2;
	_ =	sdelay $0x3  }
0x374: {  	[tilespmem:v4+s12+$0x0] =	vst.idx.msk $0xffff, v3;
	v3 =	vbroadcast v1, $0x5  }
0x375: {  	v63 =	vor.u32 $0x6280, v0;
	v4 =	vor.u32 $0xCC40, v0;
	v2 =	vld.idx.msk [tilespmem:v2+s9+$0x0], $0xffff  }
0x376: {  	v3 =	vor.u32 v63, v3;
	_ =	sdelay $0x3  }
0x377: {  	[tilespmem:v4+s12+$0x0] =	vst.idx.msk $0xffff, v2;
	v2 =	vbroadcast v1, $0x6  }
0x378: {  	v63 =	vor.u32 $0x6300, v0;
	v4 =	vor.u32 $0xCC50, v0;
	v3 =	vld.idx.msk [tilespmem:v3+s9+$0x0], $0xffff  }
0x379: {  	v2 =	vor.u32 v63, v2;
	_ =	sdelay $0x3  }
0x37a: {  	[tilespmem:v4+s12+$0x0] =	vst.idx.msk $0xffff, v3;
	v3 =	vbroadcast v1, $0x7  }
0x37b: {  	v63 =	vor.u32 $0x6380, v0;
	v4 =	vor.u32 $0xCC60, v0;
	v2 =	vld.idx.msk [tilespmem:v2+s9+$0x0], $0xffff  }
0x37c: {  	v3 =	vor.u32 v63, v3;
	_ =	sdelay $0x3  }
0x37d: {  	[tilespmem:v4+s12+$0x0] =	vst.idx.msk $0xffff, v2;
	v2 =	vbroadcast v1, $0x8  }
0x37e: {  	v63 =	vor.u32 $0x6400, v0;
	v4 =	vor.u32 $0xCC70, v0;
	v3 =	vld.idx.msk [tilespmem:v3+s9+$0x0], $0xffff  }
0x37f: {  	v2 =	vor.u32 v63, v2;
	_ =	sdelay $0x3  }
0x380: {  	[tilespmem:v4+s12+$0x0] =	vst.idx.msk $0xffff, v3;
	v3 =	vbroadcast v1, $0x9  }
0x381: {  	v63 =	vor.u32 $0x6480, v0;
	v4 =	vor.u32 $0xCC80, v0;
	v2 =	vld.idx.msk [tilespmem:v2+s9+$0x0], $0xffff  }
0x382: {  	v3 =	vor.u32 v63, v3;
	_ =	sdelay $0x3  }
0x383: {  	[tilespmem:v4+s12+$0x0] =	vst.idx.msk $0xffff, v2;
	v2 =	vbroadcast v1, $0xA  }
0x384: {  	v63 =	vor.u32 $0x6500, v0;
	v4 =	vor.u32 $0xCC90, v0;
	v3 =	vld.idx.msk [tilespmem:v3+s9+$0x0], $0xffff  }
0x385: {  	v2 =	vor.u32 v63, v2;
	_ =	sdelay $0x3  }
0x386: {  	[tilespmem:v4+s12+$0x0] =	vst.idx.msk $0xffff, v3;
	v3 =	vbroadcast v1, $0xB  }
0x387: {  	v63 =	vor.u32 $0x6580, v0;
	v4 =	vor.u32 $0xCCA0, v0;
	v2 =	vld.idx.msk [tilespmem:v2+s9+$0x0], $0xffff  }
0x388: {  	v3 =	vor.u32 v63, v3;
	_ =	sdelay $0x3  }
0x389: {  	[tilespmem:v4+s12+$0x0] =	vst.idx.msk $0xffff, v2;
	v2 =	vbroadcast v1, $0xC  }
0x38a: {  	v63 =	vor.u32 $0x6600, v0;
	v4 =	vor.u32 $0xCCB0, v0;
	v3 =	vld.idx.msk [tilespmem:v3+s9+$0x0], $0xffff  }
0x38b: {  	v2 =	vor.u32 v63, v2;
	_ =	sdelay $0x3  }
0x38c: {  	[tilespmem:v4+s12+$0x0] =	vst.idx.msk $0xffff, v3;
	v3 =	vbroadcast v1, $0xD  }
0x38d: {  	v63 =	vor.u32 $0x6680, v0;
	v4 =	vor.u32 $0xCCC0, v0;
	v2 =	vld.idx.msk [tilespmem:v2+s9+$0x0], $0xffff  }
0x38e: {  	v3 =	vor.u32 v63, v3;
	_ =	sdelay $0x3  }
0x38f: {  	[tilespmem:v4+s12+$0x0] =	vst.idx.msk $0xffff, v2;
	v2 =	vbroadcast v1, $0xE  }
0x390: {  	v63 =	vor.u32 $0x6700, v0;
	v4 =	vor.u32 $0xCCD0, v0;
	v3 =	vld.idx.msk [tilespmem:v3+s9+$0x0], $0xffff  }
0x391: {  	v2 =	vor.u32 v63, v2;
	_ =	sdelay $0x3  }
0x392: {  	v1 =	vbroadcast v1, $0xF;
	[tilespmem:v4+s12+$0x0] =	vst.idx.msk $0xffff, v3  }
0x393: {  	v63 =	vor.u32 $0x6780, v0;
	v3 =	vor.u32 $0xCCE0, v0;
	v2 =	vld.idx.msk [tilespmem:v2+s9+$0x0], $0xffff  }
0x394: {  	v1 =	vor.u32 v63, v1;
	_ =	sdelay $0x3  }
0x395: {  	[tilespmem:v3+s12+$0x0] =	vst.idx.msk $0xffff, v2  }
0x396: {  	v2 =	vor.u32 $0xCCF0, v0;
	v1 =	vld.idx.msk [tilespmem:v1+s9+$0x0], $0xffff;
	_ =	sdelay $0x4  }
0x397: {  	[tilespmem:v2+s12+$0x0] =	vst.idx.msk $0xffff, v1  }
0x398: {  	v1 =	vld [tilespmem:$0xCD0];
	_ =	sdelay $0x4  }
0x399: {  	v1 =	vshll.u32 v1, $0x4  }
0x39a: {  	v1 =	vand.u32 $0x70, v1  }
0x39b: {  	v2 =	vbroadcast v1, $0x0  }
0x39c: {  	v3 =	vor.u32 $0x6800, v0  }
0x39d: {  	v2 =	vor.u32 v3, v2;
	_ =	sdelay $0x3  }
0x39e: {  	v3 =	vbroadcast v1, $0x1  }
0x39f: {  	v63 =	vor.u32 $0x6880, v0;
	v4 =	vor.u32 $0xCD00, v0;
	v2 =	vld.idx.msk [tilespmem:v2+s9+$0x0], $0xffff  }
0x3a0: {  	v3 =	vor.u32 v63, v3;
	_ =	sdelay $0x3  }
0x3a1: {  	[tilespmem:v4+s12+$0x0] =	vst.idx.msk $0xffff, v2;
	v2 =	vbroadcast v1, $0x2  }
0x3a2: {  	v63 =	vor.u32 $0x6900, v0;
	v4 =	vor.u32 $0xCD10, v0;
	v3 =	vld.idx.msk [tilespmem:v3+s9+$0x0], $0xffff  }
0x3a3: {  	v2 =	vor.u32 v63, v2;
	_ =	sdelay $0x3  }
0x3a4: {  	[tilespmem:v4+s12+$0x0] =	vst.idx.msk $0xffff, v3;
	v3 =	vbroadcast v1, $0x3  }
0x3a5: {  	v63 =	vor.u32 $0x6980, v0;
	v4 =	vor.u32 $0xCD20, v0;
	v2 =	vld.idx.msk [tilespmem:v2+s9+$0x0], $0xffff  }
0x3a6: {  	v3 =	vor.u32 v63, v3;
	_ =	sdelay $0x3  }
0x3a7: {  	[tilespmem:v4+s12+$0x0] =	vst.idx.msk $0xffff, v2;
	v2 =	vbroadcast v1, $0x4  }
0x3a8: {  	v63 =	vor.u32 $0x6A00, v0;
	v4 =	vor.u32 $0xCD30, v0;
	v3 =	vld.idx.msk [tilespmem:v3+s9+$0x0], $0xffff  }
0x3a9: {  	v2 =	vor.u32 v63, v2;
	_ =	sdelay $0x3  }
0x3aa: {  	[tilespmem:v4+s12+$0x0] =	vst.idx.msk $0xffff, v3;
	v3 =	vbroadcast v1, $0x5  }
0x3ab: {  	v63 =	vor.u32 $0x6A80, v0;
	v4 =	vor.u32 $0xCD40, v0;
	v2 =	vld.idx.msk [tilespmem:v2+s9+$0x0], $0xffff  }
0x3ac: {  	v3 =	vor.u32 v63, v3;
	_ =	sdelay $0x3  }
0x3ad: {  	[tilespmem:v4+s12+$0x0] =	vst.idx.msk $0xffff, v2;
	v2 =	vbroadcast v1, $0x6  }
0x3ae: {  	v63 =	vor.u32 $0x6B00, v0;
	v4 =	vor.u32 $0xCD50, v0;
	v3 =	vld.idx.msk [tilespmem:v3+s9+$0x0], $0xffff  }
0x3af: {  	v2 =	vor.u32 v63, v2;
	_ =	sdelay $0x3  }
0x3b0: {  	[tilespmem:v4+s12+$0x0] =	vst.idx.msk $0xffff, v3;
	v3 =	vbroadcast v1, $0x7  }
0x3b1: {  	v63 =	vor.u32 $0x6B80, v0;
	v4 =	vor.u32 $0xCD60, v0;
	v2 =	vld.idx.msk [tilespmem:v2+s9+$0x0], $0xffff  }
0x3b2: {  	v3 =	vor.u32 v63, v3;
	_ =	sdelay $0x3  }
0x3b3: {  	[tilespmem:v4+s12+$0x0] =	vst.idx.msk $0xffff, v2;
	v2 =	vbroadcast v1, $0x8  }
0x3b4: {  	v63 =	vor.u32 $0x6C00, v0;
	v4 =	vor.u32 $0xCD70, v0;
	v3 =	vld.idx.msk [tilespmem:v3+s9+$0x0], $0xffff  }
0x3b5: {  	v2 =	vor.u32 v63, v2;
	_ =	sdelay $0x3  }
0x3b6: {  	[tilespmem:v4+s12+$0x0] =	vst.idx.msk $0xffff, v3;
	v3 =	vbroadcast v1, $0x9  }
0x3b7: {  	v63 =	vor.u32 $0x6C80, v0;
	v4 =	vor.u32 $0xCD80, v0;
	v2 =	vld.idx.msk [tilespmem:v2+s9+$0x0], $0xffff  }
0x3b8: {  	v3 =	vor.u32 v63, v3;
	_ =	sdelay $0x3  }
0x3b9: {  	[tilespmem:v4+s12+$0x0] =	vst.idx.msk $0xffff, v2;
	v2 =	vbroadcast v1, $0xA  }
0x3ba: {  	v63 =	vor.u32 $0x6D00, v0;
	v4 =	vor.u32 $0xCD90, v0;
	v3 =	vld.idx.msk [tilespmem:v3+s9+$0x0], $0xffff  }
0x3bb: {  	v2 =	vor.u32 v63, v2;
	_ =	sdelay $0x3  }
0x3bc: {  	[tilespmem:v4+s12+$0x0] =	vst.idx.msk $0xffff, v3;
	v3 =	vbroadcast v1, $0xB  }
0x3bd: {  	v63 =	vor.u32 $0x6D80, v0;
	v4 =	vor.u32 $0xCDA0, v0;
	v2 =	vld.idx.msk [tilespmem:v2+s9+$0x0], $0xffff  }
0x3be: {  	v3 =	vor.u32 v63, v3;
	_ =	sdelay $0x3  }
0x3bf: {  	[tilespmem:v4+s12+$0x0] =	vst.idx.msk $0xffff, v2;
	v2 =	vbroadcast v1, $0xC  }
0x3c0: {  	v63 =	vor.u32 $0x6E00, v0;
	v4 =	vor.u32 $0xCDB0, v0;
	v3 =	vld.idx.msk [tilespmem:v3+s9+$0x0], $0xffff  }
0x3c1: {  	v2 =	vor.u32 v63, v2;
	_ =	sdelay $0x3  }
0x3c2: {  	[tilespmem:v4+s12+$0x0] =	vst.idx.msk $0xffff, v3;
	v3 =	vbroadcast v1, $0xD  }
0x3c3: {  	v63 =	vor.u32 $0x6E80, v0;
	v4 =	vor.u32 $0xCDC0, v0;
	v2 =	vld.idx.msk [tilespmem:v2+s9+$0x0], $0xffff  }
0x3c4: {  	v3 =	vor.u32 v63, v3;
	_ =	sdelay $0x3  }
0x3c5: {  	[tilespmem:v4+s12+$0x0] =	vst.idx.msk $0xffff, v2;
	v2 =	vbroadcast v1, $0xE  }
0x3c6: {  	v63 =	vor.u32 $0x6F00, v0;
	v4 =	vor.u32 $0xCDD0, v0;
	v3 =	vld.idx.msk [tilespmem:v3+s9+$0x0], $0xffff  }
0x3c7: {  	v2 =	vor.u32 v63, v2;
	_ =	sdelay $0x3  }
0x3c8: {  	v1 =	vbroadcast v1, $0xF;
	[tilespmem:v4+s12+$0x0] =	vst.idx.msk $0xffff, v3  }
0x3c9: {  	v63 =	vor.u32 $0x6F80, v0;
	v3 =	vor.u32 $0xCDE0, v0;
	v2 =	vld.idx.msk [tilespmem:v2+s9+$0x0], $0xffff  }
0x3ca: {  	v1 =	vor.u32 v63, v1;
	_ =	sdelay $0x3  }
0x3cb: {  	[tilespmem:v3+s12+$0x0] =	vst.idx.msk $0xffff, v2  }
0x3cc: {  	v2 =	vor.u32 $0xCDF0, v0;
	v1 =	vld.idx.msk [tilespmem:v1+s9+$0x0], $0xffff;
	_ =	sdelay $0x4  }
0x3cd: {  	[tilespmem:v2+s12+$0x0] =	vst.idx.msk $0xffff, v1  }
0x3ce: {  	v1 =	vld [tilespmem:$0xCE0];
	_ =	sdelay $0x4  }
0x3cf: {  	v1 =	vshll.u32 v1, $0x4  }
0x3d0: {  	v1 =	vand.u32 $0x70, v1  }
0x3d1: {  	v2 =	vbroadcast v1, $0x0  }
0x3d2: {  	v3 =	vor.u32 $0x7000, v0  }
0x3d3: {  	v2 =	vor.u32 v3, v2;
	_ =	sdelay $0x3  }
0x3d4: {  	v3 =	vbroadcast v1, $0x1  }
0x3d5: {  	v63 =	vor.u32 $0x7080, v0;
	v4 =	vor.u32 $0xCE00, v0;
	v2 =	vld.idx.msk [tilespmem:v2+s9+$0x0], $0xffff  }
0x3d6: {  	v3 =	vor.u32 v63, v3;
	_ =	sdelay $0x3  }
0x3d7: {  	[tilespmem:v4+s12+$0x0] =	vst.idx.msk $0xffff, v2;
	v2 =	vbroadcast v1, $0x2  }
0x3d8: {  	v63 =	vor.u32 $0x7100, v0;
	v4 =	vor.u32 $0xCE10, v0;
	v3 =	vld.idx.msk [tilespmem:v3+s9+$0x0], $0xffff  }
0x3d9: {  	v2 =	vor.u32 v63, v2;
	_ =	sdelay $0x3  }
0x3da: {  	[tilespmem:v4+s12+$0x0] =	vst.idx.msk $0xffff, v3;
	v3 =	vbroadcast v1, $0x3  }
0x3db: {  	v63 =	vor.u32 $0x7180, v0;
	v4 =	vor.u32 $0xCE20, v0;
	v2 =	vld.idx.msk [tilespmem:v2+s9+$0x0], $0xffff  }
0x3dc: {  	v3 =	vor.u32 v63, v3;
	_ =	sdelay $0x3  }
0x3dd: {  	[tilespmem:v4+s12+$0x0] =	vst.idx.msk $0xffff, v2;
	v2 =	vbroadcast v1, $0x4  }
0x3de: {  	v63 =	vor.u32 $0x7200, v0;
	v4 =	vor.u32 $0xCE30, v0;
	v3 =	vld.idx.msk [tilespmem:v3+s9+$0x0], $0xffff  }
0x3df: {  	v2 =	vor.u32 v63, v2;
	_ =	sdelay $0x3  }
0x3e0: {  	[tilespmem:v4+s12+$0x0] =	vst.idx.msk $0xffff, v3;
	v3 =	vbroadcast v1, $0x5  }
0x3e1: {  	v63 =	vor.u32 $0x7280, v0;
	v4 =	vor.u32 $0xCE40, v0;
	v2 =	vld.idx.msk [tilespmem:v2+s9+$0x0], $0xffff  }
0x3e2: {  	v3 =	vor.u32 v63, v3;
	_ =	sdelay $0x3  }
0x3e3: {  	[tilespmem:v4+s12+$0x0] =	vst.idx.msk $0xffff, v2;
	v2 =	vbroadcast v1, $0x6  }
0x3e4: {  	v63 =	vor.u32 $0x7300, v0;
	v4 =	vor.u32 $0xCE50, v0;
	v3 =	vld.idx.msk [tilespmem:v3+s9+$0x0], $0xffff  }
0x3e5: {  	v2 =	vor.u32 v63, v2;
	_ =	sdelay $0x3  }
0x3e6: {  	[tilespmem:v4+s12+$0x0] =	vst.idx.msk $0xffff, v3;
	v3 =	vbroadcast v1, $0x7  }
0x3e7: {  	v63 =	vor.u32 $0x7380, v0;
	v4 =	vor.u32 $0xCE60, v0;
	v2 =	vld.idx.msk [tilespmem:v2+s9+$0x0], $0xffff  }
0x3e8: {  	v3 =	vor.u32 v63, v3;
	_ =	sdelay $0x3  }
0x3e9: {  	[tilespmem:v4+s12+$0x0] =	vst.idx.msk $0xffff, v2;
	v2 =	vbroadcast v1, $0x8  }
0x3ea: {  	v63 =	vor.u32 $0x7400, v0;
	v4 =	vor.u32 $0xCE70, v0;
	v3 =	vld.idx.msk [tilespmem:v3+s9+$0x0], $0xffff  }
0x3eb: {  	v2 =	vor.u32 v63, v2;
	_ =	sdelay $0x3  }
0x3ec: {  	[tilespmem:v4+s12+$0x0] =	vst.idx.msk $0xffff, v3;
	v3 =	vbroadcast v1, $0x9  }
0x3ed: {  	v63 =	vor.u32 $0x7480, v0;
	v4 =	vor.u32 $0xCE80, v0;
	v2 =	vld.idx.msk [tilespmem:v2+s9+$0x0], $0xffff  }
0x3ee: {  	v3 =	vor.u32 v63, v3;
	_ =	sdelay $0x3  }
0x3ef: {  	[tilespmem:v4+s12+$0x0] =	vst.idx.msk $0xffff, v2;
	v2 =	vbroadcast v1, $0xA  }
0x3f0: {  	v63 =	vor.u32 $0x7500, v0;
	v4 =	vor.u32 $0xCE90, v0;
	v3 =	vld.idx.msk [tilespmem:v3+s9+$0x0], $0xffff  }
0x3f1: {  	v2 =	vor.u32 v63, v2;
	_ =	sdelay $0x3  }
0x3f2: {  	[tilespmem:v4+s12+$0x0] =	vst.idx.msk $0xffff, v3;
	v3 =	vbroadcast v1, $0xB  }
0x3f3: {  	v63 =	vor.u32 $0x7580, v0;
	v4 =	vor.u32 $0xCEA0, v0;
	v2 =	vld.idx.msk [tilespmem:v2+s9+$0x0], $0xffff  }
0x3f4: {  	v3 =	vor.u32 v63, v3;
	_ =	sdelay $0x3  }
0x3f5: {  	[tilespmem:v4+s12+$0x0] =	vst.idx.msk $0xffff, v2;
	v2 =	vbroadcast v1, $0xC  }
0x3f6: {  	v63 =	vor.u32 $0x7600, v0;
	v4 =	vor.u32 $0xCEB0, v0;
	v3 =	vld.idx.msk [tilespmem:v3+s9+$0x0], $0xffff  }
0x3f7: {  	v2 =	vor.u32 v63, v2;
	_ =	sdelay $0x3  }
0x3f8: {  	[tilespmem:v4+s12+$0x0] =	vst.idx.msk $0xffff, v3;
	v3 =	vbroadcast v1, $0xD  }
0x3f9: {  	v63 =	vor.u32 $0x7680, v0;
	v4 =	vor.u32 $0xCEC0, v0;
	v2 =	vld.idx.msk [tilespmem:v2+s9+$0x0], $0xffff  }
0x3fa: {  	v3 =	vor.u32 v63, v3;
	_ =	sdelay $0x3  }
0x3fb: {  	[tilespmem:v4+s12+$0x0] =	vst.idx.msk $0xffff, v2;
	v2 =	vbroadcast v1, $0xE  }
0x3fc: {  	v63 =	vor.u32 $0x7700, v0;
	v4 =	vor.u32 $0xCED0, v0;
	v3 =	vld.idx.msk [tilespmem:v3+s9+$0x0], $0xffff  }
0x3fd: {  	v2 =	vor.u32 v63, v2;
	_ =	sdelay $0x3  }
0x3fe: {  	v1 =	vbroadcast v1, $0xF;
	[tilespmem:v4+s12+$0x0] =	vst.idx.msk $0xffff, v3  }
0x3ff: {  	v63 =	vor.u32 $0x7780, v0;
	v3 =	vor.u32 $0xCEE0, v0;
	v2 =	vld.idx.msk [tilespmem:v2+s9+$0x0], $0xffff  }
0x400: {  	v1 =	vor.u32 v63, v1;
	_ =	sdelay $0x3  }
0x401: {  	[tilespmem:v3+s12+$0x0] =	vst.idx.msk $0xffff, v2  }
0x402: {  	v2 =	vor.u32 $0xCEF0, v0;
	v1 =	vld.idx.msk [tilespmem:v1+s9+$0x0], $0xffff;
	_ =	sdelay $0x4  }
0x403: {  	[tilespmem:v2+s12+$0x0] =	vst.idx.msk $0xffff, v1  }
0x404: {  	v1 =	vld [tilespmem:$0xCF0];
	_ =	sdelay $0x4  }
0x405: {  	v1 =	vshll.u32 v1, $0x4  }
0x406: {  	v1 =	vand.u32 $0x70, v1  }
0x407: {  	v2 =	vbroadcast v1, $0x0  }
0x408: {  	v3 =	vor.u32 $0x7800, v0  }
0x409: {  	v2 =	vor.u32 v3, v2;
	_ =	sdelay $0x3  }
0x40a: {  	v3 =	vbroadcast v1, $0x1  }
0x40b: {  	v63 =	vor.u32 $0x7880, v0;
	v4 =	vor.u32 $0xCF00, v0;
	v2 =	vld.idx.msk [tilespmem:v2+s9+$0x0], $0xffff  }
0x40c: {  	v3 =	vor.u32 v63, v3;
	_ =	sdelay $0x3  }
0x40d: {  	[tilespmem:v4+s12+$0x0] =	vst.idx.msk $0xffff, v2;
	v2 =	vbroadcast v1, $0x2  }
0x40e: {  	v63 =	vor.u32 $0x7900, v0;
	v4 =	vor.u32 $0xCF10, v0;
	v3 =	vld.idx.msk [tilespmem:v3+s9+$0x0], $0xffff  }
0x40f: {  	v2 =	vor.u32 v63, v2;
	_ =	sdelay $0x3  }
0x410: {  	[tilespmem:v4+s12+$0x0] =	vst.idx.msk $0xffff, v3;
	v3 =	vbroadcast v1, $0x3  }
0x411: {  	v63 =	vor.u32 $0x7980, v0;
	v4 =	vor.u32 $0xCF20, v0;
	v2 =	vld.idx.msk [tilespmem:v2+s9+$0x0], $0xffff  }
0x412: {  	v3 =	vor.u32 v63, v3;
	_ =	sdelay $0x3  }
0x413: {  	[tilespmem:v4+s12+$0x0] =	vst.idx.msk $0xffff, v2;
	v2 =	vbroadcast v1, $0x4  }
0x414: {  	v63 =	vor.u32 $0x7A00, v0;
	v4 =	vor.u32 $0xCF30, v0;
	v3 =	vld.idx.msk [tilespmem:v3+s9+$0x0], $0xffff  }
0x415: {  	v2 =	vor.u32 v63, v2;
	_ =	sdelay $0x3  }
0x416: {  	[tilespmem:v4+s12+$0x0] =	vst.idx.msk $0xffff, v3;
	v3 =	vbroadcast v1, $0x5  }
0x417: {  	v63 =	vor.u32 $0x7A80, v0;
	v4 =	vor.u32 $0xCF40, v0;
	v2 =	vld.idx.msk [tilespmem:v2+s9+$0x0], $0xffff  }
0x418: {  	v3 =	vor.u32 v63, v3;
	_ =	sdelay $0x3  }
0x419: {  	[tilespmem:v4+s12+$0x0] =	vst.idx.msk $0xffff, v2;
	v2 =	vbroadcast v1, $0x6  }
0x41a: {  	v63 =	vor.u32 $0x7B00, v0;
	v4 =	vor.u32 $0xCF50, v0;
	v3 =	vld.idx.msk [tilespmem:v3+s9+$0x0], $0xffff  }
0x41b: {  	v2 =	vor.u32 v63, v2;
	_ =	sdelay $0x3  }
0x41c: {  	[tilespmem:v4+s12+$0x0] =	vst.idx.msk $0xffff, v3;
	v3 =	vbroadcast v1, $0x7  }
0x41d: {  	v63 =	vor.u32 $0x7B80, v0;
	v4 =	vor.u32 $0xCF60, v0;
	v2 =	vld.idx.msk [tilespmem:v2+s9+$0x0], $0xffff  }
0x41e: {  	v3 =	vor.u32 v63, v3;
	_ =	sdelay $0x3  }
0x41f: {  	[tilespmem:v4+s12+$0x0] =	vst.idx.msk $0xffff, v2;
	v2 =	vbroadcast v1, $0x8  }
0x420: {  	v63 =	vor.u32 $0x7C00, v0;
	v4 =	vor.u32 $0xCF70, v0;
	v3 =	vld.idx.msk [tilespmem:v3+s9+$0x0], $0xffff  }
0x421: {  	v2 =	vor.u32 v63, v2;
	_ =	sdelay $0x3  }
0x422: {  	[tilespmem:v4+s12+$0x0] =	vst.idx.msk $0xffff, v3;
	v3 =	vbroadcast v1, $0x9  }
0x423: {  	v63 =	vor.u32 $0x7C80, v0;
	v4 =	vor.u32 $0xCF80, v0;
	v2 =	vld.idx.msk [tilespmem:v2+s9+$0x0], $0xffff  }
0x424: {  	v3 =	vor.u32 v63, v3;
	_ =	sdelay $0x3  }
0x425: {  	[tilespmem:v4+s12+$0x0] =	vst.idx.msk $0xffff, v2;
	v2 =	vbroadcast v1, $0xA  }
0x426: {  	v63 =	vor.u32 $0x7D00, v0;
	v4 =	vor.u32 $0xCF90, v0;
	v3 =	vld.idx.msk [tilespmem:v3+s9+$0x0], $0xffff  }
0x427: {  	v2 =	vor.u32 v63, v2;
	_ =	sdelay $0x3  }
0x428: {  	[tilespmem:v4+s12+$0x0] =	vst.idx.msk $0xffff, v3;
	v3 =	vbroadcast v1, $0xB  }
0x429: {  	v63 =	vor.u32 $0x7D80, v0;
	v4 =	vor.u32 $0xCFA0, v0;
	v2 =	vld.idx.msk [tilespmem:v2+s9+$0x0], $0xffff  }
0x42a: {  	v3 =	vor.u32 v63, v3;
	_ =	sdelay $0x3  }
0x42b: {  	[tilespmem:v4+s12+$0x0] =	vst.idx.msk $0xffff, v2;
	v2 =	vbroadcast v1, $0xC  }
0x42c: {  	v63 =	vor.u32 $0x7E00, v0;
	v4 =	vor.u32 $0xCFB0, v0;
	v3 =	vld.idx.msk [tilespmem:v3+s9+$0x0], $0xffff  }
0x42d: {  	v2 =	vor.u32 v63, v2;
	_ =	sdelay $0x3  }
0x42e: {  	[tilespmem:v4+s12+$0x0] =	vst.idx.msk $0xffff, v3;
	v3 =	vbroadcast v1, $0xD  }
0x42f: {  	v63 =	vor.u32 $0x7E80, v0;
	v4 =	vor.u32 $0xCFC0, v0;
	v2 =	vld.idx.msk [tilespmem:v2+s9+$0x0], $0xffff  }
0x430: {  	v3 =	vor.u32 v63, v3;
	_ =	sdelay $0x3  }
0x431: {  	[tilespmem:v4+s12+$0x0] =	vst.idx.msk $0xffff, v2;
	v2 =	vbroadcast v1, $0xE  }
0x432: {  	v63 =	vor.u32 $0x7F00, v0;
	v4 =	vor.u32 $0xCFD0, v0;
	v3 =	vld.idx.msk [tilespmem:v3+s9+$0x0], $0xffff  }
0x433: {  	v2 =	vor.u32 v63, v2;
	_ =	sdelay $0x3  }
0x434: {  	v1 =	vbroadcast v1, $0xF;
	[tilespmem:v4+s12+$0x0] =	vst.idx.msk $0xffff, v3  }
0x435: {  	v63 =	vor.u32 $0x7F80, v0;
	v3 =	vor.u32 $0xCFE0, v0;
	v2 =	vld.idx.msk [tilespmem:v2+s9+$0x0], $0xffff  }
0x436: {  	v1 =	vor.u32 v63, v1;
	_ =	sdelay $0x3  }
0x437: {  	[tilespmem:v3+s12+$0x0] =	vst.idx.msk $0xffff, v2  }
0x438: {  	v2 =	vor.u32 $0xCFF0, v0;
	v1 =	vld.idx.msk [tilespmem:v1+s9+$0x0], $0xffff;
	_ =	sdelay $0x2  }
0x439: {  	s13 =	sadd.s32 $0x1, s13  }
0x43a: {  	p0 =	sne.s32 s13, s6  }
.Ltmp1:
0x43b: {  	[tilespmem:v2+s12+$0x0] =	vst.idx.msk $0xffff, v1;
	(pc) =	sbr.rel @p0 .LBB2_1-.Ltmp1, $4  }
0x43c: {  	[hbm4b:s5+s2] =	stream.linear.scatter [tilespmem:s12], [sflag:$0x2], $0xD000, $0x38;
	[tilespmem:$0x15E00] =	vst v63  }
0x43d: {  	_ =	swait.ge [sflag:s7], $0xD000  }
0x43e: {  	[sflag:s7] =	ssyncset.done $0x0  }
0x43f: {  	[sflag:s7] =	ssyncadd.s32 $0xFFFF3000  }
0x440: {  	_ =	sfence.sel $0x180000  }
0x441: {  	[bflag:$0x0] =	sbarrier.arrive $0xFFFF  }
0x442: {  	p0 =	sne.s32 s0, $0x0;
	_ =	strace $0x90000047  }
0x443: {  	s0 =	sadd.s32 @!p0 $0x100000, s1;
	[bflag:$0x2] =	sbarrier.arrive $0xFFFF  }
0x444: {  	[sflag:s0] =	ssyncadd.tile.s32 @!p0 $0x1;
	_ =	shalt  }
.Lfunc_end2:
_tile_overlayer_lowered:
.L_overlay_start_2:
0x445: {  	(tag) =	ssettag $0x2  }
0x446: {  	s0 =	rddreg [dreg:$0x0];
	s2 =	stileid.u32  }
0x447: {  	s1 =	rddreg [dreg:$0x1];
	p0 =	sne.s32 s2, $0x0  }
0x448: {  	s3 =	rddreg [dreg:$0x2];
	[bflag:$0x3] =	sbarrier.arrive $0xFFFF;
	s2 =	simm.s32 @!p0 $0x1C02  }
0x449: {  	[timem:s3], [sflag:s2] =	dma.local @!p0 [hbm:s0], s1  }
0x44a: {  	s0 =	simm.s32 @!p0 $0x2  }
0x44b: {  	_ =	swait.ge @!p0 [sflag:s0], s1  }
0x44c: {  	s1 =	ssub.s32 @!p0 $0x0, s1;
	[sflag:s0] =	ssyncset.done @!p0 $0x0  }
0x44d: {  	[sflag:s0] =	ssyncadd.s32 @!p0 s1  }
0x44e: {  	[bflag:$0x3] =	sbarrier.arrive $0xFFFF  }
0x44f: {  	_ =	shalt  }

</sc_bundles>
